<compile_context>
chip_gen: v7x
topology: tpu7x:2x2x1
jax: 0.10.2.dev20260603
libtpu: 0.0.44.dev20260713+nightly
codegen_flags: <defaults>
</compile_context>

<pallas_src>
import jax
import jax.numpy as jnp
from jax import lax
from jax.experimental import pallas as pl
from jax.experimental.pallas import tpu as pltpu
from jax.experimental.pallas import tpu_sc as plsc

_S = 14
_C = 80
_NB = 3
_CELLS = _S * _S
_B = 256
_N = 32
_LC = 5.0
_LN = 0.5

_TPS = 6
_PPT = 40
_PLANE = 224
_HB = _B // 2
_NG = _HB // 16
_SYB = 2


def _encode_body(bx_hbm, lt_hbm, tgt_hbm, boxes_v, labels_v, slab_v,
                 sem1, sem2):
    c = lax.axis_index("c")
    s = lax.axis_index("s")

    @pl.when(s < _TPS)
    def _():
        cp1 = pltpu.async_copy(bx_hbm.at[:, pl.ds(_HB * c, _HB)], boxes_v,
                               sem1)
        cp2 = pltpu.async_copy(lt_hbm.at[:, pl.ds(_HB * c, _HB)], labels_v,
                               sem2)

        zero16 = jnp.zeros((16,), jnp.float32)

        def _zero(p, carry):
            for j in range(_HB // 16):
                slab_v[4 * _PPT + p, pl.ds(16 * j, 16)] = zero16
            return carry
        lax.fori_loop(0, 36, _zero, 0)
        cp1.wait()
        cp2.wait()

        lid = lax.broadcasted_iota(jnp.int32, (16,), 0)
        ones = jnp.ones((16,), jnp.float32)
        posq = s * 32
        psize = jnp.where(s == _TPS - 1, 36, 32)

        def row(r):
            return jnp.full((16,), r, jnp.int32)

        def _group(g, carry):
            blane = 16 * g + lid
            for n in range(_N):
                x1 = boxes_v[4 * n + 0, pl.ds(16 * g, 16)]
                y1 = boxes_v[4 * n + 1, pl.ds(16 * g, 16)]
                x2 = boxes_v[4 * n + 2, pl.ds(16 * g, 16)]
                y2 = boxes_v[4 * n + 3, pl.ds(16 * g, 16)]
                lab = labels_v[n, pl.ds(16 * g, 16)]
                x = (x1 + x2) * 0.5
                y = (y1 + y2) * 0.5
                w = x2 - x1
                h = y2 - y1
                jj = jnp.minimum((x * float(_S)).astype(jnp.int32), _S - 1)
                ii = jnp.minimum((y * float(_S)).astype(jnp.int32), _S - 1)
                jj = jnp.maximum(jj, 0)
                ii = jnp.maximum(ii, 0)
                xc = x * float(_S) - jj.astype(jnp.float32)
                yc = y * float(_S) - ii.astype(jnp.float32)
                ploc = ii * _S + jj - posq
                inr = (ploc >= 0) & (ploc < psize)
                ploc = jnp.clip(ploc, 0, 35)
                conf = plsc.load_gather(slab_v, [row(4 * _PPT) + ploc, blane])
                won = inr & (conf == 0.0)
                plsc.store_scatter(slab_v, [row(0) + ploc, blane], xc,
                                   mask=won)
                plsc.store_scatter(slab_v, [row(_PPT) + ploc, blane], yc,
                                   mask=won)
                plsc.store_scatter(slab_v, [row(2 * _PPT) + ploc, blane], w,
                                   mask=won)
                plsc.store_scatter(slab_v, [row(3 * _PPT) + ploc, blane], h,
                                   mask=won)
                plsc.store_scatter(slab_v, [row(4 * _PPT) + ploc, blane],
                                   lab.astype(jnp.float32) + ones, mask=won)
            return carry
        lax.fori_loop(0, _NG, _group, 0)

        @pl.when(s < _TPS - 1)
        def _():
            for r in range(5):
                pltpu.sync_copy(
                    slab_v.at[pl.ds(r * _PPT, 32)],
                    tgt_hbm.at[pl.ds(r * _PLANE + posq, 32),
                               pl.ds(_HB * c, _HB)])

        @pl.when(s == _TPS - 1)
        def _():
            for r in range(5):
                pltpu.sync_copy(
                    slab_v.at[pl.ds(r * _PPT, 40)],
                    tgt_hbm.at[pl.ds(r * _PLANE + 160, 40),
                               pl.ds(_HB * c, _HB)])


_ENCODE_CACHE = []


def _encode(bx, lt):
    if not _ENCODE_CACHE:
        _ENCODE_CACHE.append(pl.kernel(
            _encode_body,
            mesh=plsc.VectorSubcoreMesh(core_axis_name="c",
                                        subcore_axis_name="s"),
            out_type=jax.ShapeDtypeStruct((5 * _PLANE, _B), jnp.float32),
            scratch_types=[
                pltpu.VMEM((4 * _N, _HB), jnp.float32),
                pltpu.VMEM((_N, _HB), jnp.int32),
                pltpu.VMEM((5 * _PPT, _HB), jnp.float32),
                pltpu.SemaphoreType.DMA,
                pltpu.SemaphoreType.DMA,
            ],
            compiler_params=pltpu.CompilerParams(needs_layout_passes=False),
        ))
    return _ENCODE_CACHE[0](bx, lt)


def _loss_body(x_ref, t_ref, o_ref, acc_ref):
    i = pl.program_id(0)

    @pl.when(i == 0)
    def _():
        acc_ref[...] = jnp.zeros_like(acc_ref)

    for q in range(_SYB):
        _loss_row(x_ref, t_ref, acc_ref, q)

    @pl.when(i == pl.num_programs(0) - 1)
    def _():
        s_xy = jnp.sum(acc_ref[0]) * (_LC / _B)
        s_wh = jnp.sum(acc_ref[1]) * (_LC / _B)
        s_co = jnp.sum(acc_ref[2]) * (1.0 / _B)
        s_no = jnp.sum(acc_ref[3]) * (_LN / _B)
        s_cl = jnp.sum(acc_ref[4]) * (1.0 / _B)
        tot = s_xy + s_wh + s_co + s_no + s_cl
        rows = lax.broadcasted_iota(jnp.int32, (8, 128), 0)
        o = jnp.where(rows == 0, s_xy,
            jnp.where(rows == 1, s_wh,
            jnp.where(rows == 2, s_co,
            jnp.where(rows == 3, s_no,
            jnp.where(rows == 4, s_cl, tot)))))
        o_ref[...] = o


def _loss_row(x_ref, t_ref, acc_ref, q):
    t = t_ref[:, q]
    objm = t[4] > 0.0
    obj = jnp.where(objm, 1.0, 0.0)
    tx = jnp.where(objm, t[0], 0.0)
    ty = jnp.where(objm, t[1], 0.0)
    tw = jnp.where(objm, t[2], 0.0)
    th = jnp.where(objm, t[3], 0.0)
    lab = t[4] - 1.0

    co = lax.broadcasted_iota(jnp.int32, (_S, _C, _B), 1).astype(jnp.float32)
    oh = (co == lab[:, None, :]).astype(jnp.float32)

    px, py, pw, ph, cf, clsl = [], [], [], [], [], []
    for k in range(_NB):
        px.append(x_ref[q, :, k, 0, :])
        py.append(x_ref[q, :, k, 1, :])
        pw.append(x_ref[q, :, k, 2, :])
        ph.append(x_ref[q, :, k, 3, :])
        cf.append(x_ref[q, :, k, 4, :])
        d = x_ref[q, :, k, 5:5 + _C, :] - oh
        clsl.append(jnp.sum(d * d, axis=1))

    bx1 = tx - tw * 0.5
    bx2 = tx + tw * 0.5
    by1 = ty - th * 0.5
    by2 = ty + th * 0.5
    area_b = jnp.maximum(bx2 - bx1, 0.0) * jnp.maximum(by2 - by1, 0.0)
    ious = []
    for k in range(_NB):
        ax1 = px[k] - pw[k] * 0.5
        ax2 = px[k] + pw[k] * 0.5
        ay1 = py[k] - ph[k] * 0.5
        ay2 = py[k] + ph[k] * 0.5
        iw = jnp.maximum(jnp.minimum(ax2, bx2) - jnp.maximum(ax1, bx1), 0.0)
        ih = jnp.maximum(jnp.minimum(ay2, by2) - jnp.maximum(ay1, by1), 0.0)
        inter = iw * ih
        area_a = jnp.maximum(ax2 - ax1, 0.0) * jnp.maximum(ay2 - ay1, 0.0)
        ious.append(inter / (area_a + area_b - inter + 1e-6))
    i0, i1, i2 = ious
    r0 = (i0 >= i1) & (i0 >= i2)
    r1 = jnp.logical_not(r0) & (i1 >= i2)

    def sel(v):
        return jnp.where(r0, v[0], jnp.where(r1, v[1], v[2]))

    xb, yb, wb, hb, cb = sel(px), sel(py), sel(pw), sel(ph), sel(cf)
    lcls = sel(clsl)
    confsq = cf[0] * cf[0] + cf[1] * cf[1] + cf[2] * cf[2]

    lxy = (xb - tx) ** 2 + (yb - ty) ** 2
    lwh = ((jnp.sqrt(jnp.maximum(wb, 1e-6)) -
            jnp.sqrt(jnp.maximum(tw, 1e-6))) ** 2 +
           (jnp.sqrt(jnp.maximum(hb, 1e-6)) -
            jnp.sqrt(jnp.maximum(th, 1e-6))) ** 2)
    lco = (cb - 1.0) ** 2

    acc_ref[0, 0:_S] += obj * lxy
    acc_ref[1, 0:_S] += obj * lwh
    acc_ref[2, 0:_S] += obj * lco
    acc_ref[3, 0:_S] += (1.0 - obj) * confsq
    acc_ref[4, 0:_S] += obj * lcls


def _loss_call(pt, t4):
    return pl.pallas_call(
        _loss_body,
        grid=(_S // _SYB,),
        in_specs=[
            pl.BlockSpec((_SYB, _S, _NB, 5 + _C, _B),
                         lambda i: (i, 0, 0, 0, 0)),
            pl.BlockSpec((5, _SYB, _S, _B), lambda i: (0, i, 0, 0)),
        ],
        out_specs=pl.BlockSpec((8, 128), lambda i: (0, 0)),
        out_shape=jax.ShapeDtypeStruct((8, 128), jnp.float32),
        scratch_shapes=[pltpu.VMEM((8, 16, _B), jnp.float32)],
        compiler_params=pltpu.CompilerParams(
            dimension_semantics=("arbitrary",)),
    )(pt, t4)


def kernel(predictions, targets_boxes, targets_labels):
    pt = jnp.transpose(predictions, (1, 2, 3, 4, 0))
    bx = jnp.transpose(targets_boxes, (1, 2, 0)).reshape(4 * _N, _B)
    lt = jnp.transpose(targets_labels, (1, 0))
    tgt = _encode(bx, lt)
    t4 = tgt.reshape(5, 16, _S, _B)
    out = _loss_call(pt, t4)
    return out[5, 0], out[0:5, 0]

# --- scband reference (transcript-rebuilt; emitter-appended) ---
"""Pipeline reference for scband-yololoss-64905545777209 (READ-ONLY COPY).

The authoritative reference and input builder live on the scoring server;
editing this copy changes nothing except your own understanding.
"""

import jax, jax.numpy as jnp
import numpy as np

S = 14
C = 80
NB = 3
LC = 5.0
LN = 0.5


def _iou_xywh(a, b):
    ax1 = a[..., 0] - a[..., 2] / 2.0
    ay1 = a[..., 1] - a[..., 3] / 2.0
    ax2 = a[..., 0] + a[..., 2] / 2.0
    ay2 = a[..., 1] + a[..., 3] / 2.0
    bx1 = b[..., 0] - b[..., 2] / 2.0
    by1 = b[..., 1] - b[..., 3] / 2.0
    bx2 = b[..., 0] + b[..., 2] / 2.0
    by2 = b[..., 1] + b[..., 3] / 2.0
    iw = jnp.clip(jnp.minimum(ax2, bx2) - jnp.maximum(ax1, bx1), 0.0, None)
    ih = jnp.clip(jnp.minimum(ay2, by2) - jnp.maximum(ay1, by1), 0.0, None)
    inter = iw * ih
    area_a = jnp.clip(ax2 - ax1, 0.0, None) * jnp.clip(ay2 - ay1, 0.0, None)
    area_b = jnp.clip(bx2 - bx1, 0.0, None) * jnp.clip(by2 - by1, 0.0, None)
    union = area_a + area_b - inter
    return inter / (union + 1e-6)


def _encode_targets(boxes, labels):
    # boxes: [B, N, 4] normalized xyxy; labels: [B, N] int
    B, N = labels.shape
    x = (boxes[..., 0] + boxes[..., 2]) / 2.0
    y = (boxes[..., 1] + boxes[..., 3]) / 2.0
    w = boxes[..., 2] - boxes[..., 0]
    h = boxes[..., 3] - boxes[..., 1]
    j = jnp.minimum((x * S).astype(jnp.int32), S - 1)
    i = jnp.minimum((y * S).astype(jnp.int32), S - 1)
    j = jnp.clip(j, 0, S - 1)
    i = jnp.clip(i, 0, S - 1)
    x_cell = x * S - j.astype(jnp.float32)
    y_cell = y * S - i.astype(jnp.float32)
    oh = jax.nn.one_hot(labels, C, dtype=jnp.float32)
    vec = jnp.concatenate([
        x_cell[..., None], y_cell[..., None], w[..., None], h[..., None],
        jnp.ones_like(x)[..., None], oh
    ], axis=-1)  # [B, N, 5+C]
    b_idx = jnp.arange(B, dtype=jnp.int32)[:, None]
    cell = (b_idx * (S * S) + i * S + j).reshape(-1)
    box_ids = jnp.arange(B * N, dtype=jnp.int32)
    # first box assigned to a cell wins (matches the torch 'if conf==0' loop):
    # min over box index per cell is deterministic and order-faithful
    winner = jnp.full((B * S * S,), B * N, dtype=jnp.int32).at[cell].min(box_ids)
    vec_pad = jnp.concatenate([vec.reshape(B * N, 5 + C), jnp.zeros((1, 5 + C), jnp.float32)], axis=0)
    return vec_pad[winner].reshape(B, S, S, 5 + C)


def _yolo_loss(predictions, targets_boxes, targets_labels):
    B = predictions.shape[0]
    tg = _encode_targets(targets_boxes, targets_labels)
    target_xy = tg[..., :2]
    target_wh = tg[..., 2:4]
    target_conf = tg[..., 4:5]
    target_cls = tg[..., 5:]
    obj = (target_conf[..., 0] > 0).astype(jnp.float32)  # [B,S,S]
    noobj = 1.0 - obj
    pred_xy = predictions[..., 0:2]
    pred_wh = predictions[..., 2:4]
    pred_conf = predictions[..., 4:5]
    pred_cls = predictions[..., 5:]
    target_boxes = jnp.concatenate([target_xy, target_wh], axis=-1)[:, :, :, None, :]
    pred_boxes = jnp.concatenate([pred_xy, pred_wh], axis=-1)  # [B,S,S,NB,4]
    ious = _iou_xywh(pred_boxes, jnp.broadcast_to(target_boxes, pred_boxes.shape))
    best = jnp.argmax(ious, axis=-1)
    resp = jax.nn.one_hot(best, NB, dtype=jnp.float32) * obj[..., None]  # [B,S,S,NB]
    om = obj[..., None, None]
    rm = resp[..., None]
    loss_xy = LC * jnp.sum(om * rm * (pred_xy - target_xy[:, :, :, None, :]) ** 2) / B
    loss_wh = LC * jnp.sum(om * rm * (jnp.sqrt(jnp.clip(pred_wh, 1e-6, None)) - jnp.sqrt(jnp.clip(target_wh[:, :, :, None, :], 1e-6, None))) ** 2) / B
    loss_conf_obj = jnp.sum(om * rm * (pred_conf - target_conf[:, :, :, None, :]) ** 2) / B
    loss_conf_noobj = LN * jnp.sum(noobj[..., None, None] * pred_conf ** 2) / B
    pred_cls_resp = jnp.sum(pred_cls * resp[..., None], axis=3)
    loss_cls = jnp.sum(obj[..., None] * (pred_cls_resp - target_cls) ** 2) / B
    total = loss_xy + loss_wh + loss_conf_obj + loss_conf_noobj + loss_cls
    return total, jnp.stack([loss_xy, loss_wh, loss_conf_obj, loss_conf_noobj, loss_cls])


def setup_inputs(seed: int = 0) -> dict:
    key = jax.random.key(seed)
    k1, k2, k3 = jax.random.split(key, 3)
    predictions = jax.random.normal(k1, (256, S, S, NB, 5 + C), dtype=jnp.float32)
    targets_boxes = jax.random.uniform(k2, (256, 32, 4), dtype=jnp.float32)
    targets_labels = jax.random.randint(k3, (256, 32), 0, C, dtype=jnp.int32)
    return {"predictions": predictions, "targets_boxes": targets_boxes, "targets_labels": targets_labels}


def reference(predictions, targets_boxes, targets_labels):
    return _yolo_loss(predictions, targets_boxes, targets_labels)

if __name__ == "__main__":
    import jax
    _d = setup_inputs()
    print(jax.jit(kernel)(*tuple(_d.values())))

</pallas_src>

<mosaic_0001>
#map = affine_map<(d0, d1) -> (0, 0)>
module attributes {stable_mosaic.version = 14 : i64} {
  func.func @_encode_body(%arg0: i32, %arg1: i32, %arg2: memref<128x256xf32, #tpu.memory_space<hbm>>, %arg3: memref<32x256xi32, #tpu.memory_space<hbm>>, %arg4: memref<1120x256xf32, #tpu.memory_space<hbm>>, %arg5: memref<128x128xf32, #tpu.memory_space<vmem>>, %arg6: memref<32x128xi32, #tpu.memory_space<vmem>>, %arg7: memref<200x128xf32, #tpu.memory_space<vmem>>, %arg8: memref<!tpu.dma_semaphore, #tpu.memory_space<semaphore_mem>>, %arg9: memref<!tpu.dma_semaphore, #tpu.memory_space<semaphore_mem>>) attributes {dimension_semantics = [#tpu.dimension_semantics<core_parallel>, #tpu.dimension_semantics<subcore_parallel>], iteration_bounds = array<i64: 2, 16>, scalar_prefetch = 0 : i64, scratch_operands = 5 : i64, tpu.core_type = #tpu.core_type<sc_vector_subcore>, window_params = [{transform_indices = #map}, {transform_indices = #map}, {transform_indices = #map}]} {
    %lt3A = arith.constant 6 : i32
    %lt3A_0 = arith.cmpi slt, %arg1, %lt3A : i32
    %convert_element_type3A = arith.extui %lt3A_0 : i1 to i32
    %cond3A = arith.constant 0 : i32
    %cond3A_1 = arith.cmpi ne, %convert_element_type3A, %cond3A : i32
    scf.if %cond3A_1 {
      %mul3A = arith.constant 128 : i32
      %mul3A_2 = arith.muli %mul3A, %arg0 : i32
      %dma_start3A = arith.constant 0 : i32
      %dma_start3A_3 = tpu.memref_slice %arg2[%dma_start3A, %mul3A_2] : memref<128x256xf32, #tpu.memory_space<hbm>> -> memref<128x128xf32, #tpu.memory_space<hbm>>
      %dma_start3A_4 = arith.constant 0 : i32
      %dma_start3A_5 = tpu.memref_slice %arg2[%dma_start3A_4, %mul3A_2] : memref<128x256xf32, #tpu.memory_space<hbm>> -> memref<128x128xf32, #tpu.memory_space<hbm>>
      tpu.enqueue_dma source(%dma_start3A_5 : memref<128x128xf32, #tpu.memory_space<hbm>>) target(%arg5 : memref<128x128xf32, #tpu.memory_space<vmem>>) target_semaphore(%arg8 : memref<!tpu.dma_semaphore, #tpu.memory_space<semaphore_mem>>)
      %mul3A_6 = arith.constant 128 : i32
      %mul3A_7 = arith.muli %mul3A_6, %arg0 : i32
      %dma_start3A_8 = arith.constant 0 : i32
      %dma_start3A_9 = tpu.memref_slice %arg3[%dma_start3A_8, %mul3A_7] : memref<32x256xi32, #tpu.memory_space<hbm>> -> memref<32x128xi32, #tpu.memory_space<hbm>>
      %dma_start3A_10 = arith.constant 0 : i32
      %dma_start3A_11 = tpu.memref_slice %arg3[%dma_start3A_10, %mul3A_7] : memref<32x256xi32, #tpu.memory_space<hbm>> -> memref<32x128xi32, #tpu.memory_space<hbm>>
      tpu.enqueue_dma source(%dma_start3A_11 : memref<32x128xi32, #tpu.memory_space<hbm>>) target(%arg6 : memref<32x128xi32, #tpu.memory_space<vmem>>) target_semaphore(%arg9 : memref<!tpu.dma_semaphore, #tpu.memory_space<semaphore_mem>>)
      %broadcast_in_dim3A = arith.constant 0.000000e+00 : f32
      %broadcast_in_dim3A_12 = vector.broadcast %broadcast_in_dim3A : f32 to vector<16xf32>
      %scan3A = arith.constant 0 : i32
      %scan3A_13 = arith.constant 0 : i32
      %scan3A_14 = arith.constant 36 : i32
      %scan3A_15 = arith.addi %scan3A_13, %scan3A_14 : i32
      %scan3A_16 = arith.constant 1 : i32
      scf.for %scan3A_47 = %scan3A_13 to %scan3A_15 step %scan3A_16  : i32 {
        %add3A = arith.constant 160 : i32
        %add3A_48 = arith.addi %add3A, %scan3A_47 : i32
        %swap3A = arith.index_cast %add3A_48 : i32 to index
        %swap3A_49 = arith.constant 0 : index
        %swap3A_50 = tpu.vector_load %arg7[%swap3A, %swap3A_49] {strides = array<i32>} : memref<200x128xf32, #tpu.memory_space<vmem>>, vector<16xf32>,
        tpu.vector_store %arg7[%swap3A, %swap3A_49], %broadcast_in_dim3A_12 {strides = array<i32>} : memref<200x128xf32, #tpu.memory_space<vmem>>, vector<16xf32>,
        %add3A_51 = arith.constant 160 : i32
        %add3A_52 = arith.addi %add3A_51, %scan3A_47 : i32
        %swap3A_53 = arith.index_cast %add3A_52 : i32 to index
        %swap3A_54 = arith.constant 16 : index
        %swap3A_55 = tpu.vector_load %arg7[%swap3A_53, %swap3A_54] {strides = array<i32>} : memref<200x128xf32, #tpu.memory_space<vmem>>, vector<16xf32>,
        tpu.vector_store %arg7[%swap3A_53, %swap3A_54], %broadcast_in_dim3A_12 {strides = array<i32>} : memref<200x128xf32, #tpu.memory_space<vmem>>, vector<16xf32>,
        %add3A_56 = arith.constant 160 : i32
        %add3A_57 = arith.addi %add3A_56, %scan3A_47 : i32
        %swap3A_58 = arith.index_cast %add3A_57 : i32 to index
        %swap3A_59 = arith.constant 32 : index
        %swap3A_60 = tpu.vector_load %arg7[%swap3A_58, %swap3A_59] {strides = array<i32>} : memref<200x128xf32, #tpu.memory_space<vmem>>, vector<16xf32>,
        tpu.vector_store %arg7[%swap3A_58, %swap3A_59], %broadcast_in_dim3A_12 {strides = array<i32>} : memref<200x128xf32, #tpu.memory_space<vmem>>, vector<16xf32>,
        %add3A_61 = arith.constant 160 : i32
        %add3A_62 = arith.addi %add3A_61, %scan3A_47 : i32
        %swap3A_63 = arith.index_cast %add3A_62 : i32 to index
        %swap3A_64 = arith.constant 48 : index
        %swap3A_65 = tpu.vector_load %arg7[%swap3A_63, %swap3A_64] {strides = array<i32>} : memref<200x128xf32, #tpu.memory_space<vmem>>, vector<16xf32>,
        tpu.vector_store %arg7[%swap3A_63, %swap3A_64], %broadcast_in_dim3A_12 {strides = array<i32>} : memref<200x128xf32, #tpu.memory_space<vmem>>, vector<16xf32>,
        %add3A_66 = arith.constant 160 : i32
        %add3A_67 = arith.addi %add3A_66, %scan3A_47 : i32
        %swap3A_68 = arith.index_cast %add3A_67 : i32 to index
        %swap3A_69 = arith.constant 64 : index
        %swap3A_70 = tpu.vector_load %arg7[%swap3A_68, %swap3A_69] {strides = array<i32>} : memref<200x128xf32, #tpu.memory_space<vmem>>, vector<16xf32>,
        tpu.vector_store %arg7[%swap3A_68, %swap3A_69], %broadcast_in_dim3A_12 {strides = array<i32>} : memref<200x128xf32, #tpu.memory_space<vmem>>, vector<16xf32>,
        %add3A_71 = arith.constant 160 : i32
        %add3A_72 = arith.addi %add3A_71, %scan3A_47 : i32
        %swap3A_73 = arith.index_cast %add3A_72 : i32 to index
        %swap3A_74 = arith.constant 80 : index
        %swap3A_75 = tpu.vector_load %arg7[%swap3A_73, %swap3A_74] {strides = array<i32>} : memref<200x128xf32, #tpu.memory_space<vmem>>, vector<16xf32>,
        tpu.vector_store %arg7[%swap3A_73, %swap3A_74], %broadcast_in_dim3A_12 {strides = array<i32>} : memref<200x128xf32, #tpu.memory_space<vmem>>, vector<16xf32>,
        %add3A_76 = arith.constant 160 : i32
        %add3A_77 = arith.addi %add3A_76, %scan3A_47 : i32
        %swap3A_78 = arith.index_cast %add3A_77 : i32 to index
        %swap3A_79 = arith.constant 96 : index
        %swap3A_80 = tpu.vector_load %arg7[%swap3A_78, %swap3A_79] {strides = array<i32>} : memref<200x128xf32, #tpu.memory_space<vmem>>, vector<16xf32>,
        tpu.vector_store %arg7[%swap3A_78, %swap3A_79], %broadcast_in_dim3A_12 {strides = array<i32>} : memref<200x128xf32, #tpu.memory_space<vmem>>, vector<16xf32>,
        %add3A_81 = arith.constant 160 : i32
        %add3A_82 = arith.addi %add3A_81, %scan3A_47 : i32
        %swap3A_83 = arith.index_cast %add3A_82 : i32 to index
        %swap3A_84 = arith.constant 112 : index
        %swap3A_85 = tpu.vector_load %arg7[%swap3A_83, %swap3A_84] {strides = array<i32>} : memref<200x128xf32, #tpu.memory_space<vmem>>, vector<16xf32>,
        tpu.vector_store %arg7[%swap3A_83, %swap3A_84], %broadcast_in_dim3A_12 {strides = array<i32>} : memref<200x128xf32, #tpu.memory_space<vmem>>, vector<16xf32>,
      }
      %scan3A_17 = arith.constant 36 : i32
      %dma_wait3A = arith.constant 0 : i32
      %dma_wait3A_18 = tpu.memref_slice %arg2[%dma_wait3A, %mul3A_2] : memref<128x256xf32, #tpu.memory_space<hbm>> -> memref<128x128xf32, #tpu.memory_space<hbm>>
      %dma_wait3A_19 = arith.constant 0 : i32
      %dma_wait3A_20 = tpu.memref_slice %arg2[%dma_wait3A_19, %mul3A_2] : memref<128x256xf32, #tpu.memory_space<hbm>> -> memref<128x128xf32, #tpu.memory_space<hbm>>
      tpu.wait_dma2 semaphore(%arg8 : memref<!tpu.dma_semaphore, #tpu.memory_space<semaphore_mem>>) src(%dma_wait3A_20 : memref<128x128xf32, #tpu.memory_space<hbm>>) dst(%arg5 : memref<128x128xf32, #tpu.memory_space<vmem>>)
      %dma_wait3A_21 = arith.constant 0 : i32
      %dma_wait3A_22 = tpu.memref_slice %arg3[%dma_wait3A_21, %mul3A_7] : memref<32x256xi32, #tpu.memory_space<hbm>> -> memref<32x128xi32, #tpu.memory_space<hbm>>
      %dma_wait3A_23 = arith.constant 0 : i32
      %dma_wait3A_24 = tpu.memref_slice %arg3[%dma_wait3A_23, %mul3A_7] : memref<32x256xi32, #tpu.memory_space<hbm>> -> memref<32x128xi32, #tpu.memory_space<hbm>>
      tpu.wait_dma2 semaphore(%arg9 : memref<!tpu.dma_semaphore, #tpu.memory_space<semaphore_mem>>) src(%dma_wait3A_24 : memref<32x128xi32, #tpu.memory_space<hbm>>) dst(%arg6 : memref<32x128xi32, #tpu.memory_space<vmem>>)
      %iota3A = tpu.iota {dimensions = array<i32: 0>} : vector<16xi32>
      %broadcast_in_dim3A_25 = arith.constant 1.000000e+00 : f32
      %broadcast_in_dim3A_26 = vector.broadcast %broadcast_in_dim3A_25 : f32 to vector<16xf32>
      %mul3A_27 = arith.constant 32 : i32
      %mul3A_28 = arith.muli %arg1, %mul3A_27 : i32
      %eq3A = arith.constant 5 : i32
      %eq3A_29 = arith.cmpi eq, %arg1, %eq3A : i32
      %jit3A = arith.constant 36 : i32
      %jit3A_30 = arith.constant 32 : i32
      %select_n3A = arith.select %eq3A_29, %jit3A, %jit3A_30 : i32
      %scan3A_31 = arith.constant 0 : i32
      %scan3A_32 = arith.constant 0 : i32
      %scan3A_33 = arith.constant 8 : i32
      %scan3A_34 = arith.addi %scan3A_32, %scan3A_33 : i32
      %scan3A_35 = arith.constant 1 : i32
      scf.for %scan3A_47 = %scan3A_32 to %scan3A_34 step %scan3A_35  : i32 {
        %mul3A_48 = arith.constant 16 : i32
        %mul3A_49 = arith.muli %mul3A_48, %scan3A_47 : i32
        %add3A = vector.broadcast %mul3A_49 : i32 to vector<16xi32>
        %add3A_50 = arith.addi %add3A, %iota3A : vector<16xi32>
        %mul3A_51 = arith.constant 16 : i32
        %mul3A_52 = arith.muli %mul3A_51, %scan3A_47 : i32
        %get3A = arith.constant 0 : i32
        %get3A_53 = arith.index_cast %get3A : i32 to index
        %get3A_54 = arith.index_cast %mul3A_52 : i32 to index
        %get3A_55 = tpu.vector_load %arg5[%get3A_53, %get3A_54] {strides = array<i32>} : memref<128x128xf32, #tpu.memory_space<vmem>>, vector<16xf32>,
        %mul3A_56 = arith.constant 16 : i32
        %mul3A_57 = arith.muli %mul3A_56, %scan3A_47 : i32
        %get3A_58 = arith.constant 1 : i32
        %get3A_59 = arith.index_cast %get3A_58 : i32 to index
        %get3A_60 = arith.index_cast %mul3A_57 : i32 to index
        %get3A_61 = tpu.vector_load %arg5[%get3A_59, %get3A_60] {strides = array<i32>} : memref<128x128xf32, #tpu.memory_space<vmem>>, vector<16xf32>,
        %mul3A_62 = arith.constant 16 : i32
        %mul3A_63 = arith.muli %mul3A_62, %scan3A_47 : i32
        %get3A_64 = arith.constant 2 : i32
        %get3A_65 = arith.index_cast %get3A_64 : i32 to index
        %get3A_66 = arith.index_cast %mul3A_63 : i32 to index
        %get3A_67 = tpu.vector_load %arg5[%get3A_65, %get3A_66] {strides = array<i32>} : memref<128x128xf32, #tpu.memory_space<vmem>>, vector<16xf32>,
        %mul3A_68 = arith.constant 16 : i32
        %mul3A_69 = arith.muli %mul3A_68, %scan3A_47 : i32
        %get3A_70 = arith.constant 3 : i32
        %get3A_71 = arith.index_cast %get3A_70 : i32 to index
        %get3A_72 = arith.index_cast %mul3A_69 : i32 to index
        %get3A_73 = tpu.vector_load %arg5[%get3A_71, %get3A_72] {strides = array<i32>} : memref<128x128xf32, #tpu.memory_space<vmem>>, vector<16xf32>,
        %mul3A_74 = arith.constant 16 : i32
        %mul3A_75 = arith.muli %mul3A_74, %scan3A_47 : i32
        %get3A_76 = arith.constant 0 : i32
        %get3A_77 = arith.index_cast %get3A_76 : i32 to index
        %get3A_78 = arith.index_cast %mul3A_75 : i32 to index
        %get3A_79 = tpu.vector_load %arg6[%get3A_77, %get3A_78] {strides = array<i32>} : memref<32x128xi32, #tpu.memory_space<vmem>>, vector<16xi32>,
        %add3A_80 = arith.addf %get3A_55, %get3A_67 : vector<16xf32>
        %mul3A_81 = arith.constant 5.000000e-01 : f32
        %mul3A_82 = vector.broadcast %mul3A_81 : f32 to vector<16xf32>
        %mul3A_83 = arith.mulf %add3A_80, %mul3A_82 : vector<16xf32>
        %add3A_84 = arith.addf %get3A_61, %get3A_73 : vector<16xf32>
        %mul3A_85 = arith.constant 5.000000e-01 : f32
        %mul3A_86 = vector.broadcast %mul3A_85 : f32 to vector<16xf32>
        %mul3A_87 = arith.mulf %add3A_84, %mul3A_86 : vector<16xf32>
        %sub3A = arith.subf %get3A_67, %get3A_55 : vector<16xf32>
        %sub3A_88 = arith.subf %get3A_73, %get3A_61 : vector<16xf32>
        %mul3A_89 = arith.constant 1.400000e+01 : f32
        %mul3A_90 = vector.broadcast %mul3A_89 : f32 to vector<16xf32>
        %mul3A_91 = arith.mulf %mul3A_83, %mul3A_90 : vector<16xf32>
        %convert_element_type3A_92 = arith.fptosi %mul3A_91 : vector<16xf32> to vector<16xi32>
        %min3A = arith.constant 13 : i32
        %min3A_93 = vector.broadcast %min3A : i32 to vector<16xi32>
        %min3A_94 = arith.minsi %convert_element_type3A_92, %min3A_93 : vector<16xi32>
        %mul3A_95 = arith.constant 1.400000e+01 : f32
        %mul3A_96 = vector.broadcast %mul3A_95 : f32 to vector<16xf32>
        %mul3A_97 = arith.mulf %mul3A_87, %mul3A_96 : vector<16xf32>
        %convert_element_type3A_98 = arith.fptosi %mul3A_97 : vector<16xf32> to vector<16xi32>
        %min3A_99 = arith.constant 13 : i32
        %min3A_100 = vector.broadcast %min3A_99 : i32 to vector<16xi32>
        %min3A_101 = arith.minsi %convert_element_type3A_98, %min3A_100 : vector<16xi32>
        %max3A = arith.constant 0 : i32
        %max3A_102 = vector.broadcast %max3A : i32 to vector<16xi32>
        %max3A_103 = arith.maxsi %min3A_94, %max3A_102 : vector<16xi32>
        %max3A_104 = arith.constant 0 : i32
        %max3A_105 = vector.broadcast %max3A_104 : i32 to vector<16xi32>
        %max3A_106 = arith.maxsi %min3A_101, %max3A_105 : vector<16xi32>
        %mul3A_107 = arith.constant 1.400000e+01 : f32
        %mul3A_108 = vector.broadcast %mul3A_107 : f32 to vector<16xf32>
        %mul3A_109 = arith.mulf %mul3A_83, %mul3A_108 : vector<16xf32>
        %convert_element_type3A_110 = arith.sitofp %max3A_103 : vector<16xi32> to vector<16xf32>
        %sub3A_111 = arith.subf %mul3A_109, %convert_element_type3A_110 : vector<16xf32>
        %mul3A_112 = arith.constant 1.400000e+01 : f32
        %mul3A_113 = vector.broadcast %mul3A_112 : f32 to vector<16xf32>
        %mul3A_114 = arith.mulf %mul3A_87, %mul3A_113 : vector<16xf32>
        %convert_element_type3A_115 = arith.sitofp %max3A_106 : vector<16xi32> to vector<16xf32>
        %sub3A_116 = arith.subf %mul3A_114, %convert_element_type3A_115 : vector<16xf32>
        %mul3A_117 = arith.constant 14 : i32
        %mul3A_118 = vector.broadcast %mul3A_117 : i32 to vector<16xi32>
        %mul3A_119 = arith.muli %max3A_106, %mul3A_118 : vector<16xi32>
        %add3A_120 = arith.addi %mul3A_119, %max3A_103 : vector<16xi32>
        %sub3A_121 = vector.broadcast %mul3A_28 : i32 to vector<16xi32>
        %sub3A_122 = arith.subi %add3A_120, %sub3A_121 : vector<16xi32>
        %ge3A = arith.constant 0 : i32
        %ge3A_123 = vector.broadcast %ge3A : i32 to vector<16xi32>
        %ge3A_124 = arith.cmpi sge, %sub3A_122, %ge3A_123 : vector<16xi32>
        %lt3A_125 = vector.broadcast %select_n3A : i32 to vector<16xi32>
        %lt3A_126 = arith.cmpi slt, %sub3A_122, %lt3A_125 : vector<16xi32>
        %and3A = arith.andi %ge3A_124, %lt3A_126 : vector<16xi1>
        %jit3A_127 = arith.constant 0 : i32
        %jit3A_128 = arith.constant 35 : i32
        %max3A_129 = vector.broadcast %jit3A_127 : i32 to vector<16xi32>
        %max3A_130 = arith.maxsi %max3A_129, %sub3A_122 : vector<16xi32>
        %min3A_131 = vector.broadcast %jit3A_128 : i32 to vector<16xi32>
        %min3A_132 = arith.minsi %min3A_131, %max3A_130 : vector<16xi32>
        %broadcast_in_dim3A_133 = arith.constant 160 : i32
        %broadcast_in_dim3A_134 = vector.broadcast %broadcast_in_dim3A_133 : i32 to vector<16xi32>
        %add3A_135 = arith.addi %broadcast_in_dim3A_134, %min3A_132 : vector<16xi32>
        %gather3A = tpu.vector_load_idx %arg7[%add3A_135, %add3A_50] : memref<200x128xf32, #tpu.memory_space<vmem>>[vector<16xi32>, vector<16xi32>], vector<16xf32>,
        %eq3A_136 = arith.constant 0.000000e+00 : f32
        %eq3A_137 = vector.broadcast %eq3A_136 : f32 to vector<16xf32>
        %eq3A_138 = arith.cmpf oeq, %gather3A, %eq3A_137 : vector<16xf32>
        %and3A_139 = arith.andi %and3A, %eq3A_138 : vector<16xi1>
        %broadcast_in_dim3A_140 = arith.constant 0 : i32
        %broadcast_in_dim3A_141 = vector.broadcast %broadcast_in_dim3A_140 : i32 to vector<16xi32>
        %add3A_142 = arith.addi %broadcast_in_dim3A_141, %min3A_132 : vector<16xi32>
        tpu.vector_store_idx %arg7[%add3A_142, %add3A_50], %sub3A_111 masked %and3A_139 : memref<200x128xf32, #tpu.memory_space<vmem>>[vector<16xi32>, vector<16xi32>], vector<16xf32>, vector<16xi1>
        %broadcast_in_dim3A_143 = arith.constant 40 : i32
        %broadcast_in_dim3A_144 = vector.broadcast %broadcast_in_dim3A_143 : i32 to vector<16xi32>
        %add3A_145 = arith.addi %broadcast_in_dim3A_144, %min3A_132 : vector<16xi32>
        tpu.vector_store_idx %arg7[%add3A_145, %add3A_50], %sub3A_116 masked %and3A_139 : memref<200x128xf32, #tpu.memory_space<vmem>>[vector<16xi32>, vector<16xi32>], vector<16xf32>, vector<16xi1>
        %broadcast_in_dim3A_146 = arith.constant 80 : i32
        %broadcast_in_dim3A_147 = vector.broadcast %broadcast_in_dim3A_146 : i32 to vector<16xi32>
        %add3A_148 = arith.addi %broadcast_in_dim3A_147, %min3A_132 : vector<16xi32>
        tpu.vector_store_idx %arg7[%add3A_148, %add3A_50], %sub3A masked %and3A_139 : memref<200x128xf32, #tpu.memory_space<vmem>>[vector<16xi32>, vector<16xi32>], vector<16xf32>, vector<16xi1>
        %broadcast_in_dim3A_149 = arith.constant 120 : i32
        %broadcast_in_dim3A_150 = vector.broadcast %broadcast_in_dim3A_149 : i32 to vector<16xi32>
        %add3A_151 = arith.addi %broadcast_in_dim3A_150, %min3A_132 : vector<16xi32>
        tpu.vector_store_idx %arg7[%add3A_151, %add3A_50], %sub3A_88 masked %and3A_139 : memref<200x128xf32, #tpu.memory_space<vmem>>[vector<16xi32>, vector<16xi32>], vector<16xf32>, vector<16xi1>
        %broadcast_in_dim3A_152 = arith.constant 160 : i32
        %broadcast_in_dim3A_153 = vector.broadcast %broadcast_in_dim3A_152 : i32 to vector<16xi32>
        %add3A_154 = arith.addi %broadcast_in_dim3A_153, %min3A_132 : vector<16xi32>
        %convert_element_type3A_155 = arith.sitofp %get3A_79 : vector<16xi32> to vector<16xf32>
        %add3A_156 = arith.addf %convert_element_type3A_155, %broadcast_in_dim3A_26 : vector<16xf32>
        tpu.vector_store_idx %arg7[%add3A_154, %add3A_50], %add3A_156 masked %and3A_139 : memref<200x128xf32, #tpu.memory_space<vmem>>[vector<16xi32>, vector<16xi32>], vector<16xf32>, vector<16xi1>
        %mul3A_157 = arith.constant 16 : i32
        %mul3A_158 = arith.muli %mul3A_157, %scan3A_47 : i32
        %get3A_159 = arith.constant 4 : i32
        %get3A_160 = arith.index_cast %get3A_159 : i32 to index
        %get3A_161 = arith.index_cast %mul3A_158 : i32 to index
        %get3A_162 = tpu.vector_load %arg5[%get3A_160, %get3A_161] {strides = array<i32>} : memref<128x128xf32, #tpu.memory_space<vmem>>, vector<16xf32>,
        %mul3A_163 = arith.constant 16 : i32
        %mul3A_164 = arith.muli %mul3A_163, %scan3A_47 : i32
        %get3A_165 = arith.constant 5 : i32
        %get3A_166 = arith.index_cast %get3A_165 : i32 to index
        %get3A_167 = arith.index_cast %mul3A_164 : i32 to index
        %get3A_168 = tpu.vector_load %arg5[%get3A_166, %get3A_167] {strides = array<i32>} : memref<128x128xf32, #tpu.memory_space<vmem>>, vector<16xf32>,
        %mul3A_169 = arith.constant 16 : i32
        %mul3A_170 = arith.muli %mul3A_169, %scan3A_47 : i32
        %get3A_171 = arith.constant 6 : i32
        %get3A_172 = arith.index_cast %get3A_171 : i32 to index
        %get3A_173 = arith.index_cast %mul3A_170 : i32 to index
        %get3A_174 = tpu.vector_load %arg5[%get3A_172, %get3A_173] {strides = array<i32>} : memref<128x128xf32, #tpu.memory_space<vmem>>, vector<16xf32>,
        %mul3A_175 = arith.constant 16 : i32
        %mul3A_176 = arith.muli %mul3A_175, %scan3A_47 : i32
        %get3A_177 = arith.constant 7 : i32
        %get3A_178 = arith.index_cast %get3A_177 : i32 to index
        %get3A_179 = arith.index_cast %mul3A_176 : i32 to index
        %get3A_180 = tpu.vector_load %arg5[%get3A_178, %get3A_179] {strides = array<i32>} : memref<128x128xf32, #tpu.memory_space<vmem>>, vector<16xf32>,
        %mul3A_181 = arith.constant 16 : i32
        %mul3A_182 = arith.muli %mul3A_181, %scan3A_47 : i32
        %get3A_183 = arith.constant 1 : i32
        %get3A_184 = arith.index_cast %get3A_183 : i32 to index
        %get3A_185 = arith.index_cast %mul3A_182 : i32 to index
        %get3A_186 = tpu.vector_load %arg6[%get3A_184, %get3A_185] {strides = array<i32>} : memref<32x128xi32, #tpu.memory_space<vmem>>, vector<16xi32>,
        %add3A_187 = arith.addf %get3A_162, %get3A_174 : vector<16xf32>
        %mul3A_188 = arith.constant 5.000000e-01 : f32
        %mul3A_189 = vector.broadcast %mul3A_188 : f32 to vector<16xf32>
        %mul3A_190 = arith.mulf %add3A_187, %mul3A_189 : vector<16xf32>
        %add3A_191 = arith.addf %get3A_168, %get3A_180 : vector<16xf32>
        %mul3A_192 = arith.constant 5.000000e-01 : f32
        %mul3A_193 = vector.broadcast %mul3A_192 : f32 to vector<16xf32>
        %mul3A_194 = arith.mulf %add3A_191, %mul3A_193 : vector<16xf32>
        %sub3A_195 = arith.subf %get3A_174, %get3A_162 : vector<16xf32>
        %sub3A_196 = arith.subf %get3A_180, %get3A_168 : vector<16xf32>
        %mul3A_197 = arith.constant 1.400000e+01 : f32
        %mul3A_198 = vector.broadcast %mul3A_197 : f32 to vector<16xf32>
        %mul3A_199 = arith.mulf %mul3A_190, %mul3A_198 : vector<16xf32>
        %convert_element_type3A_200 = arith.fptosi %mul3A_199 : vector<16xf32> to vector<16xi32>
        %min3A_201 = arith.constant 13 : i32
        %min3A_202 = vector.broadcast %min3A_201 : i32 to vector<16xi32>
        %min3A_203 = arith.minsi %convert_element_type3A_200, %min3A_202 : vector<16xi32>
        %mul3A_204 = arith.constant 1.400000e+01 : f32
        %mul3A_205 = vector.broadcast %mul3A_204 : f32 to vector<16xf32>
        %mul3A_206 = arith.mulf %mul3A_194, %mul3A_205 : vector<16xf32>
        %convert_element_type3A_207 = arith.fptosi %mul3A_206 : vector<16xf32> to vector<16xi32>
        %min3A_208 = arith.constant 13 : i32
        %min3A_209 = vector.broadcast %min3A_208 : i32 to vector<16xi32>
        %min3A_210 = arith.minsi %convert_element_type3A_207, %min3A_209 : vector<16xi32>
        %max3A_211 = arith.constant 0 : i32
        %max3A_212 = vector.broadcast %max3A_211 : i32 to vector<16xi32>
        %max3A_213 = arith.maxsi %min3A_203, %max3A_212 : vector<16xi32>
        %max3A_214 = arith.constant 0 : i32
        %max3A_215 = vector.broadcast %max3A_214 : i32 to vector<16xi32>
        %max3A_216 = arith.maxsi %min3A_210, %max3A_215 : vector<16xi32>
        %mul3A_217 = arith.constant 1.400000e+01 : f32
        %mul3A_218 = vector.broadcast %mul3A_217 : f32 to vector<16xf32>
        %mul3A_219 = arith.mulf %mul3A_190, %mul3A_218 : vector<16xf32>
        %convert_element_type3A_220 = arith.sitofp %max3A_213 : vector<16xi32> to vector<16xf32>
        %sub3A_221 = arith.subf %mul3A_219, %convert_element_type3A_220 : vector<16xf32>
        %mul3A_222 = arith.constant 1.400000e+01 : f32
        %mul3A_223 = vector.broadcast %mul3A_222 : f32 to vector<16xf32>
        %mul3A_224 = arith.mulf %mul3A_194, %mul3A_223 : vector<16xf32>
        %convert_element_type3A_225 = arith.sitofp %max3A_216 : vector<16xi32> to vector<16xf32>
        %sub3A_226 = arith.subf %mul3A_224, %convert_element_type3A_225 : vector<16xf32>
        %mul3A_227 = arith.constant 14 : i32
        %mul3A_228 = vector.broadcast %mul3A_227 : i32 to vector<16xi32>
        %mul3A_229 = arith.muli %max3A_216, %mul3A_228 : vector<16xi32>
        %add3A_230 = arith.addi %mul3A_229, %max3A_213 : vector<16xi32>
        %sub3A_231 = vector.broadcast %mul3A_28 : i32 to vector<16xi32>
        %sub3A_232 = arith.subi %add3A_230, %sub3A_231 : vector<16xi32>
        %ge3A_233 = arith.constant 0 : i32
        %ge3A_234 = vector.broadcast %ge3A_233 : i32 to vector<16xi32>
        %ge3A_235 = arith.cmpi sge, %sub3A_232, %ge3A_234 : vector<16xi32>
        %lt3A_236 = vector.broadcast %select_n3A : i32 to vector<16xi32>
        %lt3A_237 = arith.cmpi slt, %sub3A_232, %lt3A_236 : vector<16xi32>
        %and3A_238 = arith.andi %ge3A_235, %lt3A_237 : vector<16xi1>
        %jit3A_239 = arith.constant 0 : i32
        %jit3A_240 = arith.constant 35 : i32
        %max3A_241 = vector.broadcast %jit3A_239 : i32 to vector<16xi32>
        %max3A_242 = arith.maxsi %max3A_241, %sub3A_232 : vector<16xi32>
        %min3A_243 = vector.broadcast %jit3A_240 : i32 to vector<16xi32>
        %min3A_244 = arith.minsi %min3A_243, %max3A_242 : vector<16xi32>
        %broadcast_in_dim3A_245 = arith.constant 160 : i32
        %broadcast_in_dim3A_246 = vector.broadcast %broadcast_in_dim3A_245 : i32 to vector<16xi32>
        %add3A_247 = arith.addi %broadcast_in_dim3A_246, %min3A_244 : vector<16xi32>
        %gather3A_248 = tpu.vector_load_idx %arg7[%add3A_247, %add3A_50] : memref<200x128xf32, #tpu.memory_space<vmem>>[vector<16xi32>, vector<16xi32>], vector<16xf32>,
        %eq3A_249 = arith.constant 0.000000e+00 : f32
        %eq3A_250 = vector.broadcast %eq3A_249 : f32 to vector<16xf32>
        %eq3A_251 = arith.cmpf oeq, %gather3A_248, %eq3A_250 : vector<16xf32>
        %and3A_252 = arith.andi %and3A_238, %eq3A_251 : vector<16xi1>
        %broadcast_in_dim3A_253 = arith.constant 0 : i32
        %broadcast_in_dim3A_254 = vector.broadcast %broadcast_in_dim3A_253 : i32 to vector<16xi32>
        %add3A_255 = arith.addi %broadcast_in_dim3A_254, %min3A_244 : vector<16xi32>
        tpu.vector_store_idx %arg7[%add3A_255, %add3A_50], %sub3A_221 masked %and3A_252 : memref<200x128xf32, #tpu.memory_space<vmem>>[vector<16xi32>, vector<16xi32>], vector<16xf32>, vector<16xi1>
        %broadcast_in_dim3A_256 = arith.constant 40 : i32
        %broadcast_in_dim3A_257 = vector.broadcast %broadcast_in_dim3A_256 : i32 to vector<16xi32>
        %add3A_258 = arith.addi %broadcast_in_dim3A_257, %min3A_244 : vector<16xi32>
        tpu.vector_store_idx %arg7[%add3A_258, %add3A_50], %sub3A_226 masked %and3A_252 : memref<200x128xf32, #tpu.memory_space<vmem>>[vector<16xi32>, vector<16xi32>], vector<16xf32>, vector<16xi1>
        %broadcast_in_dim3A_259 = arith.constant 80 : i32
        %broadcast_in_dim3A_260 = vector.broadcast %broadcast_in_dim3A_259 : i32 to vector<16xi32>
        %add3A_261 = arith.addi %broadcast_in_dim3A_260, %min3A_244 : vector<16xi32>
        tpu.vector_store_idx %arg7[%add3A_261, %add3A_50], %sub3A_195 masked %and3A_252 : memref<200x128xf32, #tpu.memory_space<vmem>>[vector<16xi32>, vector<16xi32>], vector<16xf32>, vector<16xi1>
        %broadcast_in_dim3A_262 = arith.constant 120 : i32
        %broadcast_in_dim3A_263 = vector.broadcast %broadcast_in_dim3A_262 : i32 to vector<16xi32>
        %add3A_264 = arith.addi %broadcast_in_dim3A_263, %min3A_244 : vector<16xi32>
        tpu.vector_store_idx %arg7[%add3A_264, %add3A_50], %sub3A_196 masked %and3A_252 : memref<200x128xf32, #tpu.memory_space<vmem>>[vector<16xi32>, vector<16xi32>], vector<16xf32>, vector<16xi1>
        %broadcast_in_dim3A_265 = arith.constant 160 : i32
        %broadcast_in_dim3A_266 = vector.broadcast %broadcast_in_dim3A_265 : i32 to vector<16xi32>
        %add3A_267 = arith.addi %broadcast_in_dim3A_266, %min3A_244 : vector<16xi32>
        %convert_element_type3A_268 = arith.sitofp %get3A_186 : vector<16xi32> to vector<16xf32>
        %add3A_269 = arith.addf %convert_element_type3A_268, %broadcast_in_dim3A_26 : vector<16xf32>
        tpu.vector_store_idx %arg7[%add3A_267, %add3A_50], %add3A_269 masked %and3A_252 : memref<200x128xf32, #tpu.memory_space<vmem>>[vector<16xi32>, vector<16xi32>], vector<16xf32>, vector<16xi1>
        %mul3A_270 = arith.constant 16 : i32
        %mul3A_271 = arith.muli %mul3A_270, %scan3A_47 : i32
        %get3A_272 = arith.constant 8 : i32
        %get3A_273 = arith.index_cast %get3A_272 : i32 to index
        %get3A_274 = arith.index_cast %mul3A_271 : i32 to index
        %get3A_275 = tpu.vector_load %arg5[%get3A_273, %get3A_274] {strides = array<i32>} : memref<128x128xf32, #tpu.memory_space<vmem>>, vector<16xf32>,
        %mul3A_276 = arith.constant 16 : i32
        %mul3A_277 = arith.muli %mul3A_276, %scan3A_47 : i32
        %get3A_278 = arith.constant 9 : i32
        %get3A_279 = arith.index_cast %get3A_278 : i32 to index
        %get3A_280 = arith.index_cast %mul3A_277 : i32 to index
        %get3A_281 = tpu.vector_load %arg5[%get3A_279, %get3A_280] {strides = array<i32>} : memref<128x128xf32, #tpu.memory_space<vmem>>, vector<16xf32>,
        %mul3A_282 = arith.constant 16 : i32
        %mul3A_283 = arith.muli %mul3A_282, %scan3A_47 : i32
        %get3A_284 = arith.constant 10 : i32
        %get3A_285 = arith.index_cast %get3A_284 : i32 to index
        %get3A_286 = arith.index_cast %mul3A_283 : i32 to index
        %get3A_287 = tpu.vector_load %arg5[%get3A_285, %get3A_286] {strides = array<i32>} : memref<128x128xf32, #tpu.memory_space<vmem>>, vector<16xf32>,
        %mul3A_288 = arith.constant 16 : i32
        %mul3A_289 = arith.muli %mul3A_288, %scan3A_47 : i32
        %get3A_290 = arith.constant 11 : i32
        %get3A_291 = arith.index_cast %get3A_290 : i32 to index
        %get3A_292 = arith.index_cast %mul3A_289 : i32 to index
        %get3A_293 = tpu.vector_load %arg5[%get3A_291, %get3A_292] {strides = array<i32>} : memref<128x128xf32, #tpu.memory_space<vmem>>, vector<16xf32>,
        %mul3A_294 = arith.constant 16 : i32
        %mul3A_295 = arith.muli %mul3A_294, %scan3A_47 : i32
        %get3A_296 = arith.constant 2 : i32
        %get3A_297 = arith.index_cast %get3A_296 : i32 to index
        %get3A_298 = arith.index_cast %mul3A_295 : i32 to index
        %get3A_299 = tpu.vector_load %arg6[%get3A_297, %get3A_298] {strides = array<i32>} : memref<32x128xi32, #tpu.memory_space<vmem>>, vector<16xi32>,
        %add3A_300 = arith.addf %get3A_275, %get3A_287 : vector<16xf32>
        %mul3A_301 = arith.constant 5.000000e-01 : f32
        %mul3A_302 = vector.broadcast %mul3A_301 : f32 to vector<16xf32>
        %mul3A_303 = arith.mulf %add3A_300, %mul3A_302 : vector<16xf32>
        %add3A_304 = arith.addf %get3A_281, %get3A_293 : vector<16xf32>
        %mul3A_305 = arith.constant 5.000000e-01 : f32
        %mul3A_306 = vector.broadcast %mul3A_305 : f32 to vector<16xf32>
        %mul3A_307 = arith.mulf %add3A_304, %mul3A_306 : vector<16xf32>
        %sub3A_308 = arith.subf %get3A_287, %get3A_275 : vector<16xf32>
        %sub3A_309 = arith.subf %get3A_293, %get3A_281 : vector<16xf32>
        %mul3A_310 = arith.constant 1.400000e+01 : f32
        %mul3A_311 = vector.broadcast %mul3A_310 : f32 to vector<16xf32>
        %mul3A_312 = arith.mulf %mul3A_303, %mul3A_311 : vector<16xf32>
        %convert_element_type3A_313 = arith.fptosi %mul3A_312 : vector<16xf32> to vector<16xi32>
        %min3A_314 = arith.constant 13 : i32
        %min3A_315 = vector.broadcast %min3A_314 : i32 to vector<16xi32>
        %min3A_316 = arith.minsi %convert_element_type3A_313, %min3A_315 : vector<16xi32>
        %mul3A_317 = arith.constant 1.400000e+01 : f32
        %mul3A_318 = vector.broadcast %mul3A_317 : f32 to vector<16xf32>
        %mul3A_319 = arith.mulf %mul3A_307, %mul3A_318 : vector<16xf32>
        %convert_element_type3A_320 = arith.fptosi %mul3A_319 : vector<16xf32> to vector<16xi32>
        %min3A_321 = arith.constant 13 : i32
        %min3A_322 = vector.broadcast %min3A_321 : i32 to vector<16xi32>
        %min3A_323 = arith.minsi %convert_element_type3A_320, %min3A_322 : vector<16xi32>
        %max3A_324 = arith.constant 0 : i32
        %max3A_325 = vector.broadcast %max3A_324 : i32 to vector<16xi32>
        %max3A_326 = arith.maxsi %min3A_316, %max3A_325 : vector<16xi32>
        %max3A_327 = arith.constant 0 : i32
        %max3A_328 = vector.broadcast %max3A_327 : i32 to vector<16xi32>
        %max3A_329 = arith.maxsi %min3A_323, %max3A_328 : vector<16xi32>
        %mul3A_330 = arith.constant 1.400000e+01 : f32
        %mul3A_331 = vector.broadcast %mul3A_330 : f32 to vector<16xf32>
        %mul3A_332 = arith.mulf %mul3A_303, %mul3A_331 : vector<16xf32>
        %convert_element_type3A_333 = arith.sitofp %max3A_326 : vector<16xi32> to vector<16xf32>
        %sub3A_334 = arith.subf %mul3A_332, %convert_element_type3A_333 : vector<16xf32>
        %mul3A_335 = arith.constant 1.400000e+01 : f32
        %mul3A_336 = vector.broadcast %mul3A_335 : f32 to vector<16xf32>
        %mul3A_337 = arith.mulf %mul3A_307, %mul3A_336 : vector<16xf32>
        %convert_element_type3A_338 = arith.sitofp %max3A_329 : vector<16xi32> to vector<16xf32>
        %sub3A_339 = arith.subf %mul3A_337, %convert_element_type3A_338 : vector<16xf32>
        %mul3A_340 = arith.constant 14 : i32
        %mul3A_341 = vector.broadcast %mul3A_340 : i32 to vector<16xi32>
        %mul3A_342 = arith.muli %max3A_329, %mul3A_341 : vector<16xi32>
        %add3A_343 = arith.addi %mul3A_342, %max3A_326 : vector<16xi32>
        %sub3A_344 = vector.broadcast %mul3A_28 : i32 to vector<16xi32>
        %sub3A_345 = arith.subi %add3A_343, %sub3A_344 : vector<16xi32>
        %ge3A_346 = arith.constant 0 : i32
        %ge3A_347 = vector.broadcast %ge3A_346 : i32 to vector<16xi32>
        %ge3A_348 = arith.cmpi sge, %sub3A_345, %ge3A_347 : vector<16xi32>
        %lt3A_349 = vector.broadcast %select_n3A : i32 to vector<16xi32>
        %lt3A_350 = arith.cmpi slt, %sub3A_345, %lt3A_349 : vector<16xi32>
        %and3A_351 = arith.andi %ge3A_348, %lt3A_350 : vector<16xi1>
        %jit3A_352 = arith.constant 0 : i32
        %jit3A_353 = arith.constant 35 : i32
        %max3A_354 = vector.broadcast %jit3A_352 : i32 to vector<16xi32>
        %max3A_355 = arith.maxsi %max3A_354, %sub3A_345 : vector<16xi32>
        %min3A_356 = vector.broadcast %jit3A_353 : i32 to vector<16xi32>
        %min3A_357 = arith.minsi %min3A_356, %max3A_355 : vector<16xi32>
        %broadcast_in_dim3A_358 = arith.constant 160 : i32
        %broadcast_in_dim3A_359 = vector.broadcast %broadcast_in_dim3A_358 : i32 to vector<16xi32>
        %add3A_360 = arith.addi %broadcast_in_dim3A_359, %min3A_357 : vector<16xi32>
        %gather3A_361 = tpu.vector_load_idx %arg7[%add3A_360, %add3A_50] : memref<200x128xf32, #tpu.memory_space<vmem>>[vector<16xi32>, vector<16xi32>], vector<16xf32>,
        %eq3A_362 = arith.constant 0.000000e+00 : f32
        %eq3A_363 = vector.broadcast %eq3A_362 : f32 to vector<16xf32>
        %eq3A_364 = arith.cmpf oeq, %gather3A_361, %eq3A_363 : vector<16xf32>
        %and3A_365 = arith.andi %and3A_351, %eq3A_364 : vector<16xi1>
        %broadcast_in_dim3A_366 = arith.constant 0 : i32
        %broadcast_in_dim3A_367 = vector.broadcast %broadcast_in_dim3A_366 : i32 to vector<16xi32>
        %add3A_368 = arith.addi %broadcast_in_dim3A_367, %min3A_357 : vector<16xi32>
        tpu.vector_store_idx %arg7[%add3A_368, %add3A_50], %sub3A_334 masked %and3A_365 : memref<200x128xf32, #tpu.memory_space<vmem>>[vector<16xi32>, vector<16xi32>], vector<16xf32>, vector<16xi1>
        %broadcast_in_dim3A_369 = arith.constant 40 : i32
        %broadcast_in_dim3A_370 = vector.broadcast %broadcast_in_dim3A_369 : i32 to vector<16xi32>
        %add3A_371 = arith.addi %broadcast_in_dim3A_370, %min3A_357 : vector<16xi32>
        tpu.vector_store_idx %arg7[%add3A_371, %add3A_50], %sub3A_339 masked %and3A_365 : memref<200x128xf32, #tpu.memory_space<vmem>>[vector<16xi32>, vector<16xi32>], vector<16xf32>, vector<16xi1>
        %broadcast_in_dim3A_372 = arith.constant 80 : i32
        %broadcast_in_dim3A_373 = vector.broadcast %broadcast_in_dim3A_372 : i32 to vector<16xi32>
        %add3A_374 = arith.addi %broadcast_in_dim3A_373, %min3A_357 : vector<16xi32>
        tpu.vector_store_idx %arg7[%add3A_374, %add3A_50], %sub3A_308 masked %and3A_365 : memref<200x128xf32, #tpu.memory_space<vmem>>[vector<16xi32>, vector<16xi32>], vector<16xf32>, vector<16xi1>
        %broadcast_in_dim3A_375 = arith.constant 120 : i32
        %broadcast_in_dim3A_376 = vector.broadcast %broadcast_in_dim3A_375 : i32 to vector<16xi32>
        %add3A_377 = arith.addi %broadcast_in_dim3A_376, %min3A_357 : vector<16xi32>
        tpu.vector_store_idx %arg7[%add3A_377, %add3A_50], %sub3A_309 masked %and3A_365 : memref<200x128xf32, #tpu.memory_space<vmem>>[vector<16xi32>, vector<16xi32>], vector<16xf32>, vector<16xi1>
        %broadcast_in_dim3A_378 = arith.constant 160 : i32
        %broadcast_in_dim3A_379 = vector.broadcast %broadcast_in_dim3A_378 : i32 to vector<16xi32>
        %add3A_380 = arith.addi %broadcast_in_dim3A_379, %min3A_357 : vector<16xi32>
        %convert_element_type3A_381 = arith.sitofp %get3A_299 : vector<16xi32> to vector<16xf32>
        %add3A_382 = arith.addf %convert_element_type3A_381, %broadcast_in_dim3A_26 : vector<16xf32>
        tpu.vector_store_idx %arg7[%add3A_380, %add3A_50], %add3A_382 masked %and3A_365 : memref<200x128xf32, #tpu.memory_space<vmem>>[vector<16xi32>, vector<16xi32>], vector<16xf32>, vector<16xi1>
        %mul3A_383 = arith.constant 16 : i32
        %mul3A_384 = arith.muli %mul3A_383, %scan3A_47 : i32
        %get3A_385 = arith.constant 12 : i32
        %get3A_386 = arith.index_cast %get3A_385 : i32 to index
        %get3A_387 = arith.index_cast %mul3A_384 : i32 to index
        %get3A_388 = tpu.vector_load %arg5[%get3A_386, %get3A_387] {strides = array<i32>} : memref<128x128xf32, #tpu.memory_space<vmem>>, vector<16xf32>,
        %mul3A_389 = arith.constant 16 : i32
        %mul3A_390 = arith.muli %mul3A_389, %scan3A_47 : i32
        %get3A_391 = arith.constant 13 : i32
        %get3A_392 = arith.index_cast %get3A_391 : i32 to index
        %get3A_393 = arith.index_cast %mul3A_390 : i32 to index
        %get3A_394 = tpu.vector_load %arg5[%get3A_392, %get3A_393] {strides = array<i32>} : memref<128x128xf32, #tpu.memory_space<vmem>>, vector<16xf32>,
        %mul3A_395 = arith.constant 16 : i32
        %mul3A_396 = arith.muli %mul3A_395, %scan3A_47 : i32
        %get3A_397 = arith.constant 14 : i32
        %get3A_398 = arith.index_cast %get3A_397 : i32 to index
        %get3A_399 = arith.index_cast %mul3A_396 : i32 to index
        %get3A_400 = tpu.vector_load %arg5[%get3A_398, %get3A_399] {strides = array<i32>} : memref<128x128xf32, #tpu.memory_space<vmem>>, vector<16xf32>,
        %mul3A_401 = arith.constant 16 : i32
        %mul3A_402 = arith.muli %mul3A_401, %scan3A_47 : i32
        %get3A_403 = arith.constant 15 : i32
        %get3A_404 = arith.index_cast %get3A_403 : i32 to index
        %get3A_405 = arith.index_cast %mul3A_402 : i32 to index
        %get3A_406 = tpu.vector_load %arg5[%get3A_404, %get3A_405] {strides = array<i32>} : memref<128x128xf32, #tpu.memory_space<vmem>>, vector<16xf32>,
        %mul3A_407 = arith.constant 16 : i32
        %mul3A_408 = arith.muli %mul3A_407, %scan3A_47 : i32
        %get3A_409 = arith.constant 3 : i32
        %get3A_410 = arith.index_cast %get3A_409 : i32 to index
        %get3A_411 = arith.index_cast %mul3A_408 : i32 to index
        %get3A_412 = tpu.vector_load %arg6[%get3A_410, %get3A_411] {strides = array<i32>} : memref<32x128xi32, #tpu.memory_space<vmem>>, vector<16xi32>,
        %add3A_413 = arith.addf %get3A_388, %get3A_400 : vector<16xf32>
        %mul3A_414 = arith.constant 5.000000e-01 : f32
        %mul3A_415 = vector.broadcast %mul3A_414 : f32 to vector<16xf32>
        %mul3A_416 = arith.mulf %add3A_413, %mul3A_415 : vector<16xf32>
        %add3A_417 = arith.addf %get3A_394, %get3A_406 : vector<16xf32>
        %mul3A_418 = arith.constant 5.000000e-01 : f32
        %mul3A_419 = vector.broadcast %mul3A_418 : f32 to vector<16xf32>
        %mul3A_420 = arith.mulf %add3A_417, %mul3A_419 : vector<16xf32>
        %sub3A_421 = arith.subf %get3A_400, %get3A_388 : vector<16xf32>
        %sub3A_422 = arith.subf %get3A_406, %get3A_394 : vector<16xf32>
        %mul3A_423 = arith.constant 1.400000e+01 : f32
        %mul3A_424 = vector.broadcast %mul3A_423 : f32 to vector<16xf32>
        %mul3A_425 = arith.mulf %mul3A_416, %mul3A_424 : vector<16xf32>
        %convert_element_type3A_426 = arith.fptosi %mul3A_425 : vector<16xf32> to vector<16xi32>
        %min3A_427 = arith.constant 13 : i32
        %min3A_428 = vector.broadcast %min3A_427 : i32 to vector<16xi32>
        %min3A_429 = arith.minsi %convert_element_type3A_426, %min3A_428 : vector<16xi32>
        %mul3A_430 = arith.constant 1.400000e+01 : f32
        %mul3A_431 = vector.broadcast %mul3A_430 : f32 to vector<16xf32>
        %mul3A_432 = arith.mulf %mul3A_420, %mul3A_431 : vector<16xf32>
        %convert_element_type3A_433 = arith.fptosi %mul3A_432 : vector<16xf32> to vector<16xi32>
        %min3A_434 = arith.constant 13 : i32
        %min3A_435 = vector.broadcast %min3A_434 : i32 to vector<16xi32>
        %min3A_436 = arith.minsi %convert_element_type3A_433, %min3A_435 : vector<16xi32>
        %max3A_437 = arith.constant 0 : i32
        %max3A_438 = vector.broadcast %max3A_437 : i32 to vector<16xi32>
        %max3A_439 = arith.maxsi %min3A_429, %max3A_438 : vector<16xi32>
        %max3A_440 = arith.constant 0 : i32
        %max3A_441 = vector.broadcast %max3A_440 : i32 to vector<16xi32>
        %max3A_442 = arith.maxsi %min3A_436, %max3A_441 : vector<16xi32>
        %mul3A_443 = arith.constant 1.400000e+01 : f32
        %mul3A_444 = vector.broadcast %mul3A_443 : f32 to vector<16xf32>
        %mul3A_445 = arith.mulf %mul3A_416, %mul3A_444 : vector<16xf32>
        %convert_element_type3A_446 = arith.sitofp %max3A_439 : vector<16xi32> to vector<16xf32>
        %sub3A_447 = arith.subf %mul3A_445, %convert_element_type3A_446 : vector<16xf32>
        %mul3A_448 = arith.constant 1.400000e+01 : f32
        %mul3A_449 = vector.broadcast %mul3A_448 : f32 to vector<16xf32>
        %mul3A_450 = arith.mulf %mul3A_420, %mul3A_449 : vector<16xf32>
        %convert_element_type3A_451 = arith.sitofp %max3A_442 : vector<16xi32> to vector<16xf32>
        %sub3A_452 = arith.subf %mul3A_450, %convert_element_type3A_451 : vector<16xf32>
        %mul3A_453 = arith.constant 14 : i32
        %mul3A_454 = vector.broadcast %mul3A_453 : i32 to vector<16xi32>
        %mul3A_455 = arith.muli %max3A_442, %mul3A_454 : vector<16xi32>
        %add3A_456 = arith.addi %mul3A_455, %max3A_439 : vector<16xi32>
        %sub3A_457 = vector.broadcast %mul3A_28 : i32 to vector<16xi32>
        %sub3A_458 = arith.subi %add3A_456, %sub3A_457 : vector<16xi32>
        %ge3A_459 = arith.constant 0 : i32
        %ge3A_460 = vector.broadcast %ge3A_459 : i32 to vector<16xi32>
        %ge3A_461 = arith.cmpi sge, %sub3A_458, %ge3A_460 : vector<16xi32>
        %lt3A_462 = vector.broadcast %select_n3A : i32 to vector<16xi32>
        %lt3A_463 = arith.cmpi slt, %sub3A_458, %lt3A_462 : vector<16xi32>
        %and3A_464 = arith.andi %ge3A_461, %lt3A_463 : vector<16xi1>
        %jit3A_465 = arith.constant 0 : i32
        %jit3A_466 = arith.constant 35 : i32
        %max3A_467 = vector.broadcast %jit3A_465 : i32 to vector<16xi32>
        %max3A_468 = arith.maxsi %max3A_467, %sub3A_458 : vector<16xi32>
        %min3A_469 = vector.broadcast %jit3A_466 : i32 to vector<16xi32>
        %min3A_470 = arith.minsi %min3A_469, %max3A_468 : vector<16xi32>
        %broadcast_in_dim3A_471 = arith.constant 160 : i32
        %broadcast_in_dim3A_472 = vector.broadcast %broadcast_in_dim3A_471 : i32 to vector<16xi32>
        %add3A_473 = arith.addi %broadcast_in_dim3A_472, %min3A_470 : vector<16xi32>
        %gather3A_474 = tpu.vector_load_idx %arg7[%add3A_473, %add3A_50] : memref<200x128xf32, #tpu.memory_space<vmem>>[vector<16xi32>, vector<16xi32>], vector<16xf32>,
        %eq3A_475 = arith.constant 0.000000e+00 : f32
        %eq3A_476 = vector.broadcast %eq3A_475 : f32 to vector<16xf32>
        %eq3A_477 = arith.cmpf oeq, %gather3A_474, %eq3A_476 : vector<16xf32>
        %and3A_478 = arith.andi %and3A_464, %eq3A_477 : vector<16xi1>
        %broadcast_in_dim3A_479 = arith.constant 0 : i32
        %broadcast_in_dim3A_480 = vector.broadcast %broadcast_in_dim3A_479 : i32 to vector<16xi32>
        %add3A_481 = arith.addi %broadcast_in_dim3A_480, %min3A_470 : vector<16xi32>
        tpu.vector_store_idx %arg7[%add3A_481, %add3A_50], %sub3A_447 masked %and3A_478 : memref<200x128xf32, #tpu.memory_space<vmem>>[vector<16xi32>, vector<16xi32>], vector<16xf32>, vector<16xi1>
        %broadcast_in_dim3A_482 = arith.constant 40 : i32
        %broadcast_in_dim3A_483 = vector.broadcast %broadcast_in_dim3A_482 : i32 to vector<16xi32>
        %add3A_484 = arith.addi %broadcast_in_dim3A_483, %min3A_470 : vector<16xi32>
        tpu.vector_store_idx %arg7[%add3A_484, %add3A_50], %sub3A_452 masked %and3A_478 : memref<200x128xf32, #tpu.memory_space<vmem>>[vector<16xi32>, vector<16xi32>], vector<16xf32>, vector<16xi1>
        %broadcast_in_dim3A_485 = arith.constant 80 : i32
        %broadcast_in_dim3A_486 = vector.broadcast %broadcast_in_dim3A_485 : i32 to vector<16xi32>
        %add3A_487 = arith.addi %broadcast_in_dim3A_486, %min3A_470 : vector<16xi32>
        tpu.vector_store_idx %arg7[%add3A_487, %add3A_50], %sub3A_421 masked %and3A_478 : memref<200x128xf32, #tpu.memory_space<vmem>>[vector<16xi32>, vector<16xi32>], vector<16xf32>, vector<16xi1>
        %broadcast_in_dim3A_488 = arith.constant 120 : i32
        %broadcast_in_dim3A_489 = vector.broadcast %broadcast_in_dim3A_488 : i32 to vector<16xi32>
        %add3A_490 = arith.addi %broadcast_in_dim3A_489, %min3A_470 : vector<16xi32>
        tpu.vector_store_idx %arg7[%add3A_490, %add3A_50], %sub3A_422 masked %and3A_478 : memref<200x128xf32, #tpu.memory_space<vmem>>[vector<16xi32>, vector<16xi32>], vector<16xf32>, vector<16xi1>
        %broadcast_in_dim3A_491 = arith.constant 160 : i32
        %broadcast_in_dim3A_492 = vector.broadcast %broadcast_in_dim3A_491 : i32 to vector<16xi32>
        %add3A_493 = arith.addi %broadcast_in_dim3A_492, %min3A_470 : vector<16xi32>
        %convert_element_type3A_494 = arith.sitofp %get3A_412 : vector<16xi32> to vector<16xf32>
        %add3A_495 = arith.addf %convert_element_type3A_494, %broadcast_in_dim3A_26 : vector<16xf32>
        tpu.vector_store_idx %arg7[%add3A_493, %add3A_50], %add3A_495 masked %and3A_478 : memref<200x128xf32, #tpu.memory_space<vmem>>[vector<16xi32>, vector<16xi32>], vector<16xf32>, vector<16xi1>
        %mul3A_496 = arith.constant 16 : i32
        %mul3A_497 = arith.muli %mul3A_496, %scan3A_47 : i32
        %get3A_498 = arith.constant 16 : i32
        %get3A_499 = arith.index_cast %get3A_498 : i32 to index
        %get3A_500 = arith.index_cast %mul3A_497 : i32 to index
        %get3A_501 = tpu.vector_load %arg5[%get3A_499, %get3A_500] {strides = array<i32>} : memref<128x128xf32, #tpu.memory_space<vmem>>, vector<16xf32>,
        %mul3A_502 = arith.constant 16 : i32
        %mul3A_503 = arith.muli %mul3A_502, %scan3A_47 : i32
        %get3A_504 = arith.constant 17 : i32
        %get3A_505 = arith.index_cast %get3A_504 : i32 to index
        %get3A_506 = arith.index_cast %mul3A_503 : i32 to index
        %get3A_507 = tpu.vector_load %arg5[%get3A_505, %get3A_506] {strides = array<i32>} : memref<128x128xf32, #tpu.memory_space<vmem>>, vector<16xf32>,
        %mul3A_508 = arith.constant 16 : i32
        %mul3A_509 = arith.muli %mul3A_508, %scan3A_47 : i32
        %get3A_510 = arith.constant 18 : i32
        %get3A_511 = arith.index_cast %get3A_510 : i32 to index
        %get3A_512 = arith.index_cast %mul3A_509 : i32 to index
        %get3A_513 = tpu.vector_load %arg5[%get3A_511, %get3A_512] {strides = array<i32>} : memref<128x128xf32, #tpu.memory_space<vmem>>, vector<16xf32>,
        %mul3A_514 = arith.constant 16 : i32
        %mul3A_515 = arith.muli %mul3A_514, %scan3A_47 : i32
        %get3A_516 = arith.constant 19 : i32
        %get3A_517 = arith.index_cast %get3A_516 : i32 to index
        %get3A_518 = arith.index_cast %mul3A_515 : i32 to index
        %get3A_519 = tpu.vector_load %arg5[%get3A_517, %get3A_518] {strides = array<i32>} : memref<128x128xf32, #tpu.memory_space<vmem>>, vector<16xf32>,
        %mul3A_520 = arith.constant 16 : i32
        %mul3A_521 = arith.muli %mul3A_520, %scan3A_47 : i32
        %get3A_522 = arith.constant 4 : i32
        %get3A_523 = arith.index_cast %get3A_522 : i32 to index
        %get3A_524 = arith.index_cast %mul3A_521 : i32 to index
        %get3A_525 = tpu.vector_load %arg6[%get3A_523, %get3A_524] {strides = array<i32>} : memref<32x128xi32, #tpu.memory_space<vmem>>, vector<16xi32>,
        %add3A_526 = arith.addf %get3A_501, %get3A_513 : vector<16xf32>
        %mul3A_527 = arith.constant 5.000000e-01 : f32
        %mul3A_528 = vector.broadcast %mul3A_527 : f32 to vector<16xf32>
        %mul3A_529 = arith.mulf %add3A_526, %mul3A_528 : vector<16xf32>
        %add3A_530 = arith.addf %get3A_507, %get3A_519 : vector<16xf32>
        %mul3A_531 = arith.constant 5.000000e-01 : f32
        %mul3A_532 = vector.broadcast %mul3A_531 : f32 to vector<16xf32>
        %mul3A_533 = arith.mulf %add3A_530, %mul3A_532 : vector<16xf32>
        %sub3A_534 = arith.subf %get3A_513, %get3A_501 : vector<16xf32>
        %sub3A_535 = arith.subf %get3A_519, %get3A_507 : vector<16xf32>
        %mul3A_536 = arith.constant 1.400000e+01 : f32
        %mul3A_537 = vector.broadcast %mul3A_536 : f32 to vector<16xf32>
        %mul3A_538 = arith.mulf %mul3A_529, %mul3A_537 : vector<16xf32>
        %convert_element_type3A_539 = arith.fptosi %mul3A_538 : vector<16xf32> to vector<16xi32>
        %min3A_540 = arith.constant 13 : i32
        %min3A_541 = vector.broadcast %min3A_540 : i32 to vector<16xi32>
        %min3A_542 = arith.minsi %convert_element_type3A_539, %min3A_541 : vector<16xi32>
        %mul3A_543 = arith.constant 1.400000e+01 : f32
        %mul3A_544 = vector.broadcast %mul3A_543 : f32 to vector<16xf32>
        %mul3A_545 = arith.mulf %mul3A_533, %mul3A_544 : vector<16xf32>
        %convert_element_type3A_546 = arith.fptosi %mul3A_545 : vector<16xf32> to vector<16xi32>
        %min3A_547 = arith.constant 13 : i32
        %min3A_548 = vector.broadcast %min3A_547 : i32 to vector<16xi32>
        %min3A_549 = arith.minsi %convert_element_type3A_546, %min3A_548 : vector<16xi32>
        %max3A_550 = arith.constant 0 : i32
        %max3A_551 = vector.broadcast %max3A_550 : i32 to vector<16xi32>
        %max3A_552 = arith.maxsi %min3A_542, %max3A_551 : vector<16xi32>
        %max3A_553 = arith.constant 0 : i32
        %max3A_554 = vector.broadcast %max3A_553 : i32 to vector<16xi32>
        %max3A_555 = arith.maxsi %min3A_549, %max3A_554 : vector<16xi32>
        %mul3A_556 = arith.constant 1.400000e+01 : f32
        %mul3A_557 = vector.broadcast %mul3A_556 : f32 to vector<16xf32>
        %mul3A_558 = arith.mulf %mul3A_529, %mul3A_557 : vector<16xf32>
        %convert_element_type3A_559 = arith.sitofp %max3A_552 : vector<16xi32> to vector<16xf32>
        %sub3A_560 = arith.subf %mul3A_558, %convert_element_type3A_559 : vector<16xf32>
        %mul3A_561 = arith.constant 1.400000e+01 : f32
        %mul3A_562 = vector.broadcast %mul3A_561 : f32 to vector<16xf32>
        %mul3A_563 = arith.mulf %mul3A_533, %mul3A_562 : vector<16xf32>
        %convert_element_type3A_564 = arith.sitofp %max3A_555 : vector<16xi32> to vector<16xf32>
        %sub3A_565 = arith.subf %mul3A_563, %convert_element_type3A_564 : vector<16xf32>
        %mul3A_566 = arith.constant 14 : i32
        %mul3A_567 = vector.broadcast %mul3A_566 : i32 to vector<16xi32>
        %mul3A_568 = arith.muli %max3A_555, %mul3A_567 : vector<16xi32>
        %add3A_569 = arith.addi %mul3A_568, %max3A_552 : vector<16xi32>
        %sub3A_570 = vector.broadcast %mul3A_28 : i32 to vector<16xi32>
        %sub3A_571 = arith.subi %add3A_569, %sub3A_570 : vector<16xi32>
        %ge3A_572 = arith.constant 0 : i32
        %ge3A_573 = vector.broadcast %ge3A_572 : i32 to vector<16xi32>
        %ge3A_574 = arith.cmpi sge, %sub3A_571, %ge3A_573 : vector<16xi32>
        %lt3A_575 = vector.broadcast %select_n3A : i32 to vector<16xi32>
        %lt3A_576 = arith.cmpi slt, %sub3A_571, %lt3A_575 : vector<16xi32>
        %and3A_577 = arith.andi %ge3A_574, %lt3A_576 : vector<16xi1>
        %jit3A_578 = arith.constant 0 : i32
        %jit3A_579 = arith.constant 35 : i32
        %max3A_580 = vector.broadcast %jit3A_578 : i32 to vector<16xi32>
        %max3A_581 = arith.maxsi %max3A_580, %sub3A_571 : vector<16xi32>
        %min3A_582 = vector.broadcast %jit3A_579 : i32 to vector<16xi32>
        %min3A_583 = arith.minsi %min3A_582, %max3A_581 : vector<16xi32>
        %broadcast_in_dim3A_584 = arith.constant 160 : i32
        %broadcast_in_dim3A_585 = vector.broadcast %broadcast_in_dim3A_584 : i32 to vector<16xi32>
        %add3A_586 = arith.addi %broadcast_in_dim3A_585, %min3A_583 : vector<16xi32>
        %gather3A_587 = tpu.vector_load_idx %arg7[%add3A_586, %add3A_50] : memref<200x128xf32, #tpu.memory_space<vmem>>[vector<16xi32>, vector<16xi32>], vector<16xf32>,
        %eq3A_588 = arith.constant 0.000000e+00 : f32
        %eq3A_589 = vector.broadcast %eq3A_588 : f32 to vector<16xf32>
        %eq3A_590 = arith.cmpf oeq, %gather3A_587, %eq3A_589 : vector<16xf32>
        %and3A_591 = arith.andi %and3A_577, %eq3A_590 : vector<16xi1>
        %broadcast_in_dim3A_592 = arith.constant 0 : i32
        %broadcast_in_dim3A_593 = vector.broadcast %broadcast_in_dim3A_592 : i32 to vector<16xi32>
        %add3A_594 = arith.addi %broadcast_in_dim3A_593, %min3A_583 : vector<16xi32>
        tpu.vector_store_idx %arg7[%add3A_594, %add3A_50], %sub3A_560 masked %and3A_591 : memref<200x128xf32, #tpu.memory_space<vmem>>[vector<16xi32>, vector<16xi32>], vector<16xf32>, vector<16xi1>
        %broadcast_in_dim3A_595 = arith.constant 40 : i32
        %broadcast_in_dim3A_596 = vector.broadcast %broadcast_in_dim3A_595 : i32 to vector<16xi32>
        %add3A_597 = arith.addi %broadcast_in_dim3A_596, %min3A_583 : vector<16xi32>
        tpu.vector_store_idx %arg7[%add3A_597, %add3A_50], %sub3A_565 masked %and3A_591 : memref<200x128xf32, #tpu.memory_space<vmem>>[vector<16xi32>, vector<16xi32>], vector<16xf32>, vector<16xi1>
        %broadcast_in_dim3A_598 = arith.constant 80 : i32
        %broadcast_in_dim3A_599 = vector.broadcast %broadcast_in_dim3A_598 : i32 to vector<16xi32>
        %add3A_600 = arith.addi %broadcast_in_dim3A_599, %min3A_583 : vector<16xi32>
        tpu.vector_store_idx %arg7[%add3A_600, %add3A_50], %sub3A_534 masked %and3A_591 : memref<200x128xf32, #tpu.memory_space<vmem>>[vector<16xi32>, vector<16xi32>], vector<16xf32>, vector<16xi1>
        %broadcast_in_dim3A_601 = arith.constant 120 : i32
        %broadcast_in_dim3A_602 = vector.broadcast %broadcast_in_dim3A_601 : i32 to vector<16xi32>
        %add3A_603 = arith.addi %broadcast_in_dim3A_602, %min3A_583 : vector<16xi32>
        tpu.vector_store_idx %arg7[%add3A_603, %add3A_50], %sub3A_535 masked %and3A_591 : memref<200x128xf32, #tpu.memory_space<vmem>>[vector<16xi32>, vector<16xi32>], vector<16xf32>, vector<16xi1>
        %broadcast_in_dim3A_604 = arith.constant 160 : i32
        %broadcast_in_dim3A_605 = vector.broadcast %broadcast_in_dim3A_604 : i32 to vector<16xi32>
        %add3A_606 = arith.addi %broadcast_in_dim3A_605, %min3A_583 : vector<16xi32>
        %convert_element_type3A_607 = arith.sitofp %get3A_525 : vector<16xi32> to vector<16xf32>
        %add3A_608 = arith.addf %convert_element_type3A_607, %broadcast_in_dim3A_26 : vector<16xf32>
        tpu.vector_store_idx %arg7[%add3A_606, %add3A_50], %add3A_608 masked %and3A_591 : memref<200x128xf32, #tpu.memory_space<vmem>>[vector<16xi32>, vector<16xi32>], vector<16xf32>, vector<16xi1>
        %mul3A_609 = arith.constant 16 : i32
        %mul3A_610 = arith.muli %mul3A_609, %scan3A_47 : i32
        %get3A_611 = arith.constant 20 : i32
        %get3A_612 = arith.index_cast %get3A_611 : i32 to index
        %get3A_613 = arith.index_cast %mul3A_610 : i32 to index
        %get3A_614 = tpu.vector_load %arg5[%get3A_612, %get3A_613] {strides = array<i32>} : memref<128x128xf32, #tpu.memory_space<vmem>>, vector<16xf32>,
        %mul3A_615 = arith.constant 16 : i32
        %mul3A_616 = arith.muli %mul3A_615, %scan3A_47 : i32
        %get3A_617 = arith.constant 21 : i32
        %get3A_618 = arith.index_cast %get3A_617 : i32 to index
        %get3A_619 = arith.index_cast %mul3A_616 : i32 to index
        %get3A_620 = tpu.vector_load %arg5[%get3A_618, %get3A_619] {strides = array<i32>} : memref<128x128xf32, #tpu.memory_space<vmem>>, vector<16xf32>,
        %mul3A_621 = arith.constant 16 : i32
        %mul3A_622 = arith.muli %mul3A_621, %scan3A_47 : i32
        %get3A_623 = arith.constant 22 : i32
        %get3A_624 = arith.index_cast %get3A_623 : i32 to index
        %get3A_625 = arith.index_cast %mul3A_622 : i32 to index
        %get3A_626 = tpu.vector_load %arg5[%get3A_624, %get3A_625] {strides = array<i32>} : memref<128x128xf32, #tpu.memory_space<vmem>>, vector<16xf32>,
        %mul3A_627 = arith.constant 16 : i32
        %mul3A_628 = arith.muli %mul3A_627, %scan3A_47 : i32
        %get3A_629 = arith.constant 23 : i32
        %get3A_630 = arith.index_cast %get3A_629 : i32 to index
        %get3A_631 = arith.index_cast %mul3A_628 : i32 to index
        %get3A_632 = tpu.vector_load %arg5[%get3A_630, %get3A_631] {strides = array<i32>} : memref<128x128xf32, #tpu.memory_space<vmem>>, vector<16xf32>,
        %mul3A_633 = arith.constant 16 : i32
        %mul3A_634 = arith.muli %mul3A_633, %scan3A_47 : i32
        %get3A_635 = arith.constant 5 : i32
        %get3A_636 = arith.index_cast %get3A_635 : i32 to index
        %get3A_637 = arith.index_cast %mul3A_634 : i32 to index
        %get3A_638 = tpu.vector_load %arg6[%get3A_636, %get3A_637] {strides = array<i32>} : memref<32x128xi32, #tpu.memory_space<vmem>>, vector<16xi32>,
        %add3A_639 = arith.addf %get3A_614, %get3A_626 : vector<16xf32>
        %mul3A_640 = arith.constant 5.000000e-01 : f32
        %mul3A_641 = vector.broadcast %mul3A_640 : f32 to vector<16xf32>
        %mul3A_642 = arith.mulf %add3A_639, %mul3A_641 : vector<16xf32>
        %add3A_643 = arith.addf %get3A_620, %get3A_632 : vector<16xf32>
        %mul3A_644 = arith.constant 5.000000e-01 : f32
        %mul3A_645 = vector.broadcast %mul3A_644 : f32 to vector<16xf32>
        %mul3A_646 = arith.mulf %add3A_643, %mul3A_645 : vector<16xf32>
        %sub3A_647 = arith.subf %get3A_626, %get3A_614 : vector<16xf32>
        %sub3A_648 = arith.subf %get3A_632, %get3A_620 : vector<16xf32>
        %mul3A_649 = arith.constant 1.400000e+01 : f32
        %mul3A_650 = vector.broadcast %mul3A_649 : f32 to vector<16xf32>
        %mul3A_651 = arith.mulf %mul3A_642, %mul3A_650 : vector<16xf32>
        %convert_element_type3A_652 = arith.fptosi %mul3A_651 : vector<16xf32> to vector<16xi32>
        %min3A_653 = arith.constant 13 : i32
        %min3A_654 = vector.broadcast %min3A_653 : i32 to vector<16xi32>
        %min3A_655 = arith.minsi %convert_element_type3A_652, %min3A_654 : vector<16xi32>
        %mul3A_656 = arith.constant 1.400000e+01 : f32
        %mul3A_657 = vector.broadcast %mul3A_656 : f32 to vector<16xf32>
        %mul3A_658 = arith.mulf %mul3A_646, %mul3A_657 : vector<16xf32>
        %convert_element_type3A_659 = arith.fptosi %mul3A_658 : vector<16xf32> to vector<16xi32>
        %min3A_660 = arith.constant 13 : i32
        %min3A_661 = vector.broadcast %min3A_660 : i32 to vector<16xi32>
        %min3A_662 = arith.minsi %convert_element_type3A_659, %min3A_661 : vector<16xi32>
        %max3A_663 = arith.constant 0 : i32
        %max3A_664 = vector.broadcast %max3A_663 : i32 to vector<16xi32>
        %max3A_665 = arith.maxsi %min3A_655, %max3A_664 : vector<16xi32>
        %max3A_666 = arith.constant 0 : i32
        %max3A_667 = vector.broadcast %max3A_666 : i32 to vector<16xi32>
        %max3A_668 = arith.maxsi %min3A_662, %max3A_667 : vector<16xi32>
        %mul3A_669 = arith.constant 1.400000e+01 : f32
        %mul3A_670 = vector.broadcast %mul3A_669 : f32 to vector<16xf32>
        %mul3A_671 = arith.mulf %mul3A_642, %mul3A_670 : vector<16xf32>
        %convert_element_type3A_672 = arith.sitofp %max3A_665 : vector<16xi32> to vector<16xf32>
        %sub3A_673 = arith.subf %mul3A_671, %convert_element_type3A_672 : vector<16xf32>
        %mul3A_674 = arith.constant 1.400000e+01 : f32
        %mul3A_675 = vector.broadcast %mul3A_674 : f32 to vector<16xf32>
        %mul3A_676 = arith.mulf %mul3A_646, %mul3A_675 : vector<16xf32>
        %convert_element_type3A_677 = arith.sitofp %max3A_668 : vector<16xi32> to vector<16xf32>
        %sub3A_678 = arith.subf %mul3A_676, %convert_element_type3A_677 : vector<16xf32>
        %mul3A_679 = arith.constant 14 : i32
        %mul3A_680 = vector.broadcast %mul3A_679 : i32 to vector<16xi32>
        %mul3A_681 = arith.muli %max3A_668, %mul3A_680 : vector<16xi32>
        %add3A_682 = arith.addi %mul3A_681, %max3A_665 : vector<16xi32>
        %sub3A_683 = vector.broadcast %mul3A_28 : i32 to vector<16xi32>
        %sub3A_684 = arith.subi %add3A_682, %sub3A_683 : vector<16xi32>
        %ge3A_685 = arith.constant 0 : i32
        %ge3A_686 = vector.broadcast %ge3A_685 : i32 to vector<16xi32>
        %ge3A_687 = arith.cmpi sge, %sub3A_684, %ge3A_686 : vector<16xi32>
        %lt3A_688 = vector.broadcast %select_n3A : i32 to vector<16xi32>
        %lt3A_689 = arith.cmpi slt, %sub3A_684, %lt3A_688 : vector<16xi32>
        %and3A_690 = arith.andi %ge3A_687, %lt3A_689 : vector<16xi1>
        %jit3A_691 = arith.constant 0 : i32
        %jit3A_692 = arith.constant 35 : i32
        %max3A_693 = vector.broadcast %jit3A_691 : i32 to vector<16xi32>
        %max3A_694 = arith.maxsi %max3A_693, %sub3A_684 : vector<16xi32>
        %min3A_695 = vector.broadcast %jit3A_692 : i32 to vector<16xi32>
        %min3A_696 = arith.minsi %min3A_695, %max3A_694 : vector<16xi32>
        %broadcast_in_dim3A_697 = arith.constant 160 : i32
        %broadcast_in_dim3A_698 = vector.broadcast %broadcast_in_dim3A_697 : i32 to vector<16xi32>
        %add3A_699 = arith.addi %broadcast_in_dim3A_698, %min3A_696 : vector<16xi32>
        %gather3A_700 = tpu.vector_load_idx %arg7[%add3A_699, %add3A_50] : memref<200x128xf32, #tpu.memory_space<vmem>>[vector<16xi32>, vector<16xi32>], vector<16xf32>,
        %eq3A_701 = arith.constant 0.000000e+00 : f32
        %eq3A_702 = vector.broadcast %eq3A_701 : f32 to vector<16xf32>
        %eq3A_703 = arith.cmpf oeq, %gather3A_700, %eq3A_702 : vector<16xf32>
        %and3A_704 = arith.andi %and3A_690, %eq3A_703 : vector<16xi1>
        %broadcast_in_dim3A_705 = arith.constant 0 : i32
        %broadcast_in_dim3A_706 = vector.broadcast %broadcast_in_dim3A_705 : i32 to vector<16xi32>
        %add3A_707 = arith.addi %broadcast_in_dim3A_706, %min3A_696 : vector<16xi32>
        tpu.vector_store_idx %arg7[%add3A_707, %add3A_50], %sub3A_673 masked %and3A_704 : memref<200x128xf32, #tpu.memory_space<vmem>>[vector<16xi32>, vector<16xi32>], vector<16xf32>, vector<16xi1>
        %broadcast_in_dim3A_708 = arith.constant 40 : i32
        %broadcast_in_dim3A_709 = vector.broadcast %broadcast_in_dim3A_708 : i32 to vector<16xi32>
        %add3A_710 = arith.addi %broadcast_in_dim3A_709, %min3A_696 : vector<16xi32>
        tpu.vector_store_idx %arg7[%add3A_710, %add3A_50], %sub3A_678 masked %and3A_704 : memref<200x128xf32, #tpu.memory_space<vmem>>[vector<16xi32>, vector<16xi32>], vector<16xf32>, vector<16xi1>
        %broadcast_in_dim3A_711 = arith.constant 80 : i32
        %broadcast_in_dim3A_712 = vector.broadcast %broadcast_in_dim3A_711 : i32 to vector<16xi32>
        %add3A_713 = arith.addi %broadcast_in_dim3A_712, %min3A_696 : vector<16xi32>
        tpu.vector_store_idx %arg7[%add3A_713, %add3A_50], %sub3A_647 masked %and3A_704 : memref<200x128xf32, #tpu.memory_space<vmem>>[vector<16xi32>, vector<16xi32>], vector<16xf32>, vector<16xi1>
        %broadcast_in_dim3A_714 = arith.constant 120 : i32
        %broadcast_in_dim3A_715 = vector.broadcast %broadcast_in_dim3A_714 : i32 to vector<16xi32>
        %add3A_716 = arith.addi %broadcast_in_dim3A_715, %min3A_696 : vector<16xi32>
        tpu.vector_store_idx %arg7[%add3A_716, %add3A_50], %sub3A_648 masked %and3A_704 : memref<200x128xf32, #tpu.memory_space<vmem>>[vector<16xi32>, vector<16xi32>], vector<16xf32>, vector<16xi1>
        %broadcast_in_dim3A_717 = arith.constant 160 : i32
        %broadcast_in_dim3A_718 = vector.broadcast %broadcast_in_dim3A_717 : i32 to vector<16xi32>
        %add3A_719 = arith.addi %broadcast_in_dim3A_718, %min3A_696 : vector<16xi32>
        %convert_element_type3A_720 = arith.sitofp %get3A_638 : vector<16xi32> to vector<16xf32>
        %add3A_721 = arith.addf %convert_element_type3A_720, %broadcast_in_dim3A_26 : vector<16xf32>
        tpu.vector_store_idx %arg7[%add3A_719, %add3A_50], %add3A_721 masked %and3A_704 : memref<200x128xf32, #tpu.memory_space<vmem>>[vector<16xi32>, vector<16xi32>], vector<16xf32>, vector<16xi1>
        %mul3A_722 = arith.constant 16 : i32
        %mul3A_723 = arith.muli %mul3A_722, %scan3A_47 : i32
        %get3A_724 = arith.constant 24 : i32
        %get3A_725 = arith.index_cast %get3A_724 : i32 to index
        %get3A_726 = arith.index_cast %mul3A_723 : i32 to index
        %get3A_727 = tpu.vector_load %arg5[%get3A_725, %get3A_726] {strides = array<i32>} : memref<128x128xf32, #tpu.memory_space<vmem>>, vector<16xf32>,
        %mul3A_728 = arith.constant 16 : i32
        %mul3A_729 = arith.muli %mul3A_728, %scan3A_47 : i32
        %get3A_730 = arith.constant 25 : i32
        %get3A_731 = arith.index_cast %get3A_730 : i32 to index
        %get3A_732 = arith.index_cast %mul3A_729 : i32 to index
        %get3A_733 = tpu.vector_load %arg5[%get3A_731, %get3A_732] {strides = array<i32>} : memref<128x128xf32, #tpu.memory_space<vmem>>, vector<16xf32>,
        %mul3A_734 = arith.constant 16 : i32
        %mul3A_735 = arith.muli %mul3A_734, %scan3A_47 : i32
        %get3A_736 = arith.constant 26 : i32
        %get3A_737 = arith.index_cast %get3A_736 : i32 to index
        %get3A_738 = arith.index_cast %mul3A_735 : i32 to index
        %get3A_739 = tpu.vector_load %arg5[%get3A_737, %get3A_738] {strides = array<i32>} : memref<128x128xf32, #tpu.memory_space<vmem>>, vector<16xf32>,
        %mul3A_740 = arith.constant 16 : i32
        %mul3A_741 = arith.muli %mul3A_740, %scan3A_47 : i32
        %get3A_742 = arith.constant 27 : i32
        %get3A_743 = arith.index_cast %get3A_742 : i32 to index
        %get3A_744 = arith.index_cast %mul3A_741 : i32 to index
        %get3A_745 = tpu.vector_load %arg5[%get3A_743, %get3A_744] {strides = array<i32>} : memref<128x128xf32, #tpu.memory_space<vmem>>, vector<16xf32>,
        %mul3A_746 = arith.constant 16 : i32
        %mul3A_747 = arith.muli %mul3A_746, %scan3A_47 : i32
        %get3A_748 = arith.constant 6 : i32
        %get3A_749 = arith.index_cast %get3A_748 : i32 to index
        %get3A_750 = arith.index_cast %mul3A_747 : i32 to index
        %get3A_751 = tpu.vector_load %arg6[%get3A_749, %get3A_750] {strides = array<i32>} : memref<32x128xi32, #tpu.memory_space<vmem>>, vector<16xi32>,
        %add3A_752 = arith.addf %get3A_727, %get3A_739 : vector<16xf32>
        %mul3A_753 = arith.constant 5.000000e-01 : f32
        %mul3A_754 = vector.broadcast %mul3A_753 : f32 to vector<16xf32>
        %mul3A_755 = arith.mulf %add3A_752, %mul3A_754 : vector<16xf32>
        %add3A_756 = arith.addf %get3A_733, %get3A_745 : vector<16xf32>
        %mul3A_757 = arith.constant 5.000000e-01 : f32
        %mul3A_758 = vector.broadcast %mul3A_757 : f32 to vector<16xf32>
        %mul3A_759 = arith.mulf %add3A_756, %mul3A_758 : vector<16xf32>
        %sub3A_760 = arith.subf %get3A_739, %get3A_727 : vector<16xf32>
        %sub3A_761 = arith.subf %get3A_745, %get3A_733 : vector<16xf32>
        %mul3A_762 = arith.constant 1.400000e+01 : f32
        %mul3A_763 = vector.broadcast %mul3A_762 : f32 to vector<16xf32>
        %mul3A_764 = arith.mulf %mul3A_755, %mul3A_763 : vector<16xf32>
        %convert_element_type3A_765 = arith.fptosi %mul3A_764 : vector<16xf32> to vector<16xi32>
        %min3A_766 = arith.constant 13 : i32
        %min3A_767 = vector.broadcast %min3A_766 : i32 to vector<16xi32>
        %min3A_768 = arith.minsi %convert_element_type3A_765, %min3A_767 : vector<16xi32>
        %mul3A_769 = arith.constant 1.400000e+01 : f32
        %mul3A_770 = vector.broadcast %mul3A_769 : f32 to vector<16xf32>
        %mul3A_771 = arith.mulf %mul3A_759, %mul3A_770 : vector<16xf32>
        %convert_element_type3A_772 = arith.fptosi %mul3A_771 : vector<16xf32> to vector<16xi32>
        %min3A_773 = arith.constant 13 : i32
        %min3A_774 = vector.broadcast %min3A_773 : i32 to vector<16xi32>
        %min3A_775 = arith.minsi %convert_element_type3A_772, %min3A_774 : vector<16xi32>
        %max3A_776 = arith.constant 0 : i32
        %max3A_777 = vector.broadcast %max3A_776 : i32 to vector<16xi32>
        %max3A_778 = arith.maxsi %min3A_768, %max3A_777 : vector<16xi32>
        %max3A_779 = arith.constant 0 : i32
        %max3A_780 = vector.broadcast %max3A_779 : i32 to vector<16xi32>
        %max3A_781 = arith.maxsi %min3A_775, %max3A_780 : vector<16xi32>
        %mul3A_782 = arith.constant 1.400000e+01 : f32
        %mul3A_783 = vector.broadcast %mul3A_782 : f32 to vector<16xf32>
        %mul3A_784 = arith.mulf %mul3A_755, %mul3A_783 : vector<16xf32>
        %convert_element_type3A_785 = arith.sitofp %max3A_778 : vector<16xi32> to vector<16xf32>
        %sub3A_786 = arith.subf %mul3A_784, %convert_element_type3A_785 : vector<16xf32>
        %mul3A_787 = arith.constant 1.400000e+01 : f32
        %mul3A_788 = vector.broadcast %mul3A_787 : f32 to vector<16xf32>
        %mul3A_789 = arith.mulf %mul3A_759, %mul3A_788 : vector<16xf32>
        %convert_element_type3A_790 = arith.sitofp %max3A_781 : vector<16xi32> to vector<16xf32>
        %sub3A_791 = arith.subf %mul3A_789, %convert_element_type3A_790 : vector<16xf32>
        %mul3A_792 = arith.constant 14 : i32
        %mul3A_793 = vector.broadcast %mul3A_792 : i32 to vector<16xi32>
        %mul3A_794 = arith.muli %max3A_781, %mul3A_793 : vector<16xi32>
        %add3A_795 = arith.addi %mul3A_794, %max3A_778 : vector<16xi32>
        %sub3A_796 = vector.broadcast %mul3A_28 : i32 to vector<16xi32>
        %sub3A_797 = arith.subi %add3A_795, %sub3A_796 : vector<16xi32>
        %ge3A_798 = arith.constant 0 : i32
        %ge3A_799 = vector.broadcast %ge3A_798 : i32 to vector<16xi32>
        %ge3A_800 = arith.cmpi sge, %sub3A_797, %ge3A_799 : vector<16xi32>
        %lt3A_801 = vector.broadcast %select_n3A : i32 to vector<16xi32>
        %lt3A_802 = arith.cmpi slt, %sub3A_797, %lt3A_801 : vector<16xi32>
        %and3A_803 = arith.andi %ge3A_800, %lt3A_802 : vector<16xi1>
        %jit3A_804 = arith.constant 0 : i32
        %jit3A_805 = arith.constant 35 : i32
        %max3A_806 = vector.broadcast %jit3A_804 : i32 to vector<16xi32>
        %max3A_807 = arith.maxsi %max3A_806, %sub3A_797 : vector<16xi32>
        %min3A_808 = vector.broadcast %jit3A_805 : i32 to vector<16xi32>
        %min3A_809 = arith.minsi %min3A_808, %max3A_807 : vector<16xi32>
        %broadcast_in_dim3A_810 = arith.constant 160 : i32
        %broadcast_in_dim3A_811 = vector.broadcast %broadcast_in_dim3A_810 : i32 to vector<16xi32>
        %add3A_812 = arith.addi %broadcast_in_dim3A_811, %min3A_809 : vector<16xi32>
        %gather3A_813 = tpu.vector_load_idx %arg7[%add3A_812, %add3A_50] : memref<200x128xf32, #tpu.memory_space<vmem>>[vector<16xi32>, vector<16xi32>], vector<16xf32>,
        %eq3A_814 = arith.constant 0.000000e+00 : f32
        %eq3A_815 = vector.broadcast %eq3A_814 : f32 to vector<16xf32>
        %eq3A_816 = arith.cmpf oeq, %gather3A_813, %eq3A_815 : vector<16xf32>
        %and3A_817 = arith.andi %and3A_803, %eq3A_816 : vector<16xi1>
        %broadcast_in_dim3A_818 = arith.constant 0 : i32
        %broadcast_in_dim3A_819 = vector.broadcast %broadcast_in_dim3A_818 : i32 to vector<16xi32>
        %add3A_820 = arith.addi %broadcast_in_dim3A_819, %min3A_809 : vector<16xi32>
        tpu.vector_store_idx %arg7[%add3A_820, %add3A_50], %sub3A_786 masked %and3A_817 : memref<200x128xf32, #tpu.memory_space<vmem>>[vector<16xi32>, vector<16xi32>], vector<16xf32>, vector<16xi1>
        %broadcast_in_dim3A_821 = arith.constant 40 : i32
        %broadcast_in_dim3A_822 = vector.broadcast %broadcast_in_dim3A_821 : i32 to vector<16xi32>
        %add3A_823 = arith.addi %broadcast_in_dim3A_822, %min3A_809 : vector<16xi32>
        tpu.vector_store_idx %arg7[%add3A_823, %add3A_50], %sub3A_791 masked %and3A_817 : memref<200x128xf32, #tpu.memory_space<vmem>>[vector<16xi32>, vector<16xi32>], vector<16xf32>, vector<16xi1>
        %broadcast_in_dim3A_824 = arith.constant 80 : i32
        %broadcast_in_dim3A_825 = vector.broadcast %broadcast_in_dim3A_824 : i32 to vector<16xi32>
        %add3A_826 = arith.addi %broadcast_in_dim3A_825, %min3A_809 : vector<16xi32>
        tpu.vector_store_idx %arg7[%add3A_826, %add3A_50], %sub3A_760 masked %and3A_817 : memref<200x128xf32, #tpu.memory_space<vmem>>[vector<16xi32>, vector<16xi32>], vector<16xf32>, vector<16xi1>
        %broadcast_in_dim3A_827 = arith.constant 120 : i32
        %broadcast_in_dim3A_828 = vector.broadcast %broadcast_in_dim3A_827 : i32 to vector<16xi32>
        %add3A_829 = arith.addi %broadcast_in_dim3A_828, %min3A_809 : vector<16xi32>
        tpu.vector_store_idx %arg7[%add3A_829, %add3A_50], %sub3A_761 masked %and3A_817 : memref<200x128xf32, #tpu.memory_space<vmem>>[vector<16xi32>, vector<16xi32>], vector<16xf32>, vector<16xi1>
        %broadcast_in_dim3A_830 = arith.constant 160 : i32
        %broadcast_in_dim3A_831 = vector.broadcast %broadcast_in_dim3A_830 : i32 to vector<16xi32>
        %add3A_832 = arith.addi %broadcast_in_dim3A_831, %min3A_809 : vector<16xi32>
        %convert_element_type3A_833 = arith.sitofp %get3A_751 : vector<16xi32> to vector<16xf32>
        %add3A_834 = arith.addf %convert_element_type3A_833, %broadcast_in_dim3A_26 : vector<16xf32>
        tpu.vector_store_idx %arg7[%add3A_832, %add3A_50], %add3A_834 masked %and3A_817 : memref<200x128xf32, #tpu.memory_space<vmem>>[vector<16xi32>, vector<16xi32>], vector<16xf32>, vector<16xi1>
        %mul3A_835 = arith.constant 16 : i32
        %mul3A_836 = arith.muli %mul3A_835, %scan3A_47 : i32
        %get3A_837 = arith.constant 28 : i32
        %get3A_838 = arith.index_cast %get3A_837 : i32 to index
        %get3A_839 = arith.index_cast %mul3A_836 : i32 to index
        %get3A_840 = tpu.vector_load %arg5[%get3A_838, %get3A_839] {strides = array<i32>} : memref<128x128xf32, #tpu.memory_space<vmem>>, vector<16xf32>,
        %mul3A_841 = arith.constant 16 : i32
        %mul3A_842 = arith.muli %mul3A_841, %scan3A_47 : i32
        %get3A_843 = arith.constant 29 : i32
        %get3A_844 = arith.index_cast %get3A_843 : i32 to index
        %get3A_845 = arith.index_cast %mul3A_842 : i32 to index
        %get3A_846 = tpu.vector_load %arg5[%get3A_844, %get3A_845] {strides = array<i32>} : memref<128x128xf32, #tpu.memory_space<vmem>>, vector<16xf32>,
        %mul3A_847 = arith.constant 16 : i32
        %mul3A_848 = arith.muli %mul3A_847, %scan3A_47 : i32
        %get3A_849 = arith.constant 30 : i32
        %get3A_850 = arith.index_cast %get3A_849 : i32 to index
        %get3A_851 = arith.index_cast %mul3A_848 : i32 to index
        %get3A_852 = tpu.vector_load %arg5[%get3A_850, %get3A_851] {strides = array<i32>} : memref<128x128xf32, #tpu.memory_space<vmem>>, vector<16xf32>,
        %mul3A_853 = arith.constant 16 : i32
        %mul3A_854 = arith.muli %mul3A_853, %scan3A_47 : i32
        %get3A_855 = arith.constant 31 : i32
        %get3A_856 = arith.index_cast %get3A_855 : i32 to index
        %get3A_857 = arith.index_cast %mul3A_854 : i32 to index
        %get3A_858 = tpu.vector_load %arg5[%get3A_856, %get3A_857] {strides = array<i32>} : memref<128x128xf32, #tpu.memory_space<vmem>>, vector<16xf32>,
        %mul3A_859 = arith.constant 16 : i32
        %mul3A_860 = arith.muli %mul3A_859, %scan3A_47 : i32
        %get3A_861 = arith.constant 7 : i32
        %get3A_862 = arith.index_cast %get3A_861 : i32 to index
        %get3A_863 = arith.index_cast %mul3A_860 : i32 to index
        %get3A_864 = tpu.vector_load %arg6[%get3A_862, %get3A_863] {strides = array<i32>} : memref<32x128xi32, #tpu.memory_space<vmem>>, vector<16xi32>,
        %add3A_865 = arith.addf %get3A_840, %get3A_852 : vector<16xf32>
        %mul3A_866 = arith.constant 5.000000e-01 : f32
        %mul3A_867 = vector.broadcast %mul3A_866 : f32 to vector<16xf32>
        %mul3A_868 = arith.mulf %add3A_865, %mul3A_867 : vector<16xf32>
        %add3A_869 = arith.addf %get3A_846, %get3A_858 : vector<16xf32>
        %mul3A_870 = arith.constant 5.000000e-01 : f32
        %mul3A_871 = vector.broadcast %mul3A_870 : f32 to vector<16xf32>
        %mul3A_872 = arith.mulf %add3A_869, %mul3A_871 : vector<16xf32>
        %sub3A_873 = arith.subf %get3A_852, %get3A_840 : vector<16xf32>
        %sub3A_874 = arith.subf %get3A_858, %get3A_846 : vector<16xf32>
        %mul3A_875 = arith.constant 1.400000e+01 : f32
        %mul3A_876 = vector.broadcast %mul3A_875 : f32 to vector<16xf32>
        %mul3A_877 = arith.mulf %mul3A_868, %mul3A_876 : vector<16xf32>
        %convert_element_type3A_878 = arith.fptosi %mul3A_877 : vector<16xf32> to vector<16xi32>
        %min3A_879 = arith.constant 13 : i32
        %min3A_880 = vector.broadcast %min3A_879 : i32 to vector<16xi32>
        %min3A_881 = arith.minsi %convert_element_type3A_878, %min3A_880 : vector<16xi32>
        %mul3A_882 = arith.constant 1.400000e+01 : f32
        %mul3A_883 = vector.broadcast %mul3A_882 : f32 to vector<16xf32>
        %mul3A_884 = arith.mulf %mul3A_872, %mul3A_883 : vector<16xf32>
        %convert_element_type3A_885 = arith.fptosi %mul3A_884 : vector<16xf32> to vector<16xi32>
        %min3A_886 = arith.constant 13 : i32
        %min3A_887 = vector.broadcast %min3A_886 : i32 to vector<16xi32>
        %min3A_888 = arith.minsi %convert_element_type3A_885, %min3A_887 : vector<16xi32>
        %max3A_889 = arith.constant 0 : i32
        %max3A_890 = vector.broadcast %max3A_889 : i32 to vector<16xi32>
        %max3A_891 = arith.maxsi %min3A_881, %max3A_890 : vector<16xi32>
        %max3A_892 = arith.constant 0 : i32
        %max3A_893 = vector.broadcast %max3A_892 : i32 to vector<16xi32>
        %max3A_894 = arith.maxsi %min3A_888, %max3A_893 : vector<16xi32>
        %mul3A_895 = arith.constant 1.400000e+01 : f32
        %mul3A_896 = vector.broadcast %mul3A_895 : f32 to vector<16xf32>
        %mul3A_897 = arith.mulf %mul3A_868, %mul3A_896 : vector<16xf32>
        %convert_element_type3A_898 = arith.sitofp %max3A_891 : vector<16xi32> to vector<16xf32>
        %sub3A_899 = arith.subf %mul3A_897, %convert_element_type3A_898 : vector<16xf32>
        %mul3A_900 = arith.constant 1.400000e+01 : f32
        %mul3A_901 = vector.broadcast %mul3A_900 : f32 to vector<16xf32>
        %mul3A_902 = arith.mulf %mul3A_872, %mul3A_901 : vector<16xf32>
        %convert_element_type3A_903 = arith.sitofp %max3A_894 : vector<16xi32> to vector<16xf32>
        %sub3A_904 = arith.subf %mul3A_902, %convert_element_type3A_903 : vector<16xf32>
        %mul3A_905 = arith.constant 14 : i32
        %mul3A_906 = vector.broadcast %mul3A_905 : i32 to vector<16xi32>
        %mul3A_907 = arith.muli %max3A_894, %mul3A_906 : vector<16xi32>
        %add3A_908 = arith.addi %mul3A_907, %max3A_891 : vector<16xi32>
        %sub3A_909 = vector.broadcast %mul3A_28 : i32 to vector<16xi32>
        %sub3A_910 = arith.subi %add3A_908, %sub3A_909 : vector<16xi32>
        %ge3A_911 = arith.constant 0 : i32
        %ge3A_912 = vector.broadcast %ge3A_911 : i32 to vector<16xi32>
        %ge3A_913 = arith.cmpi sge, %sub3A_910, %ge3A_912 : vector<16xi32>
        %lt3A_914 = vector.broadcast %select_n3A : i32 to vector<16xi32>
        %lt3A_915 = arith.cmpi slt, %sub3A_910, %lt3A_914 : vector<16xi32>
        %and3A_916 = arith.andi %ge3A_913, %lt3A_915 : vector<16xi1>
        %jit3A_917 = arith.constant 0 : i32
        %jit3A_918 = arith.constant 35 : i32
        %max3A_919 = vector.broadcast %jit3A_917 : i32 to vector<16xi32>
        %max3A_920 = arith.maxsi %max3A_919, %sub3A_910 : vector<16xi32>
        %min3A_921 = vector.broadcast %jit3A_918 : i32 to vector<16xi32>
        %min3A_922 = arith.minsi %min3A_921, %max3A_920 : vector<16xi32>
        %broadcast_in_dim3A_923 = arith.constant 160 : i32
        %broadcast_in_dim3A_924 = vector.broadcast %broadcast_in_dim3A_923 : i32 to vector<16xi32>
        %add3A_925 = arith.addi %broadcast_in_dim3A_924, %min3A_922 : vector<16xi32>
        %gather3A_926 = tpu.vector_load_idx %arg7[%add3A_925, %add3A_50] : memref<200x128xf32, #tpu.memory_space<vmem>>[vector<16xi32>, vector<16xi32>], vector<16xf32>,
        %eq3A_927 = arith.constant 0.000000e+00 : f32
        %eq3A_928 = vector.broadcast %eq3A_927 : f32 to vector<16xf32>
        %eq3A_929 = arith.cmpf oeq, %gather3A_926, %eq3A_928 : vector<16xf32>
        %and3A_930 = arith.andi %and3A_916, %eq3A_929 : vector<16xi1>
        %broadcast_in_dim3A_931 = arith.constant 0 : i32
        %broadcast_in_dim3A_932 = vector.broadcast %broadcast_in_dim3A_931 : i32 to vector<16xi32>
        %add3A_933 = arith.addi %broadcast_in_dim3A_932, %min3A_922 : vector<16xi32>
        tpu.vector_store_idx %arg7[%add3A_933, %add3A_50], %sub3A_899 masked %and3A_930 : memref<200x128xf32, #tpu.memory_space<vmem>>[vector<16xi32>, vector<16xi32>], vector<16xf32>, vector<16xi1>
        %broadcast_in_dim3A_934 = arith.constant 40 : i32
        %broadcast_in_dim3A_935 = vector.broadcast %broadcast_in_dim3A_934 : i32 to vector<16xi32>
        %add3A_936 = arith.addi %broadcast_in_dim3A_935, %min3A_922 : vector<16xi32>
        tpu.vector_store_idx %arg7[%add3A_936, %add3A_50], %sub3A_904 masked %and3A_930 : memref<200x128xf32, #tpu.memory_space<vmem>>[vector<16xi32>, vector<16xi32>], vector<16xf32>, vector<16xi1>
        %broadcast_in_dim3A_937 = arith.constant 80 : i32
        %broadcast_in_dim3A_938 = vector.broadcast %broadcast_in_dim3A_937 : i32 to vector<16xi32>
        %add3A_939 = arith.addi %broadcast_in_dim3A_938, %min3A_922 : vector<16xi32>
        tpu.vector_store_idx %arg7[%add3A_939, %add3A_50], %sub3A_873 masked %and3A_930 : memref<200x128xf32, #tpu.memory_space<vmem>>[vector<16xi32>, vector<16xi32>], vector<16xf32>, vector<16xi1>
        %broadcast_in_dim3A_940 = arith.constant 120 : i32
        %broadcast_in_dim3A_941 = vector.broadcast %broadcast_in_dim3A_940 : i32 to vector<16xi32>
        %add3A_942 = arith.addi %broadcast_in_dim3A_941, %min3A_922 : vector<16xi32>
        tpu.vector_store_idx %arg7[%add3A_942, %add3A_50], %sub3A_874 masked %and3A_930 : memref<200x128xf32, #tpu.memory_space<vmem>>[vector<16xi32>, vector<16xi32>], vector<16xf32>, vector<16xi1>
        %broadcast_in_dim3A_943 = arith.constant 160 : i32
        %broadcast_in_dim3A_944 = vector.broadcast %broadcast_in_dim3A_943 : i32 to vector<16xi32>
        %add3A_945 = arith.addi %broadcast_in_dim3A_944, %min3A_922 : vector<16xi32>
        %convert_element_type3A_946 = arith.sitofp %get3A_864 : vector<16xi32> to vector<16xf32>
        %add3A_947 = arith.addf %convert_element_type3A_946, %broadcast_in_dim3A_26 : vector<16xf32>
        tpu.vector_store_idx %arg7[%add3A_945, %add3A_50], %add3A_947 masked %and3A_930 : memref<200x128xf32, #tpu.memory_space<vmem>>[vector<16xi32>, vector<16xi32>], vector<16xf32>, vector<16xi1>
        %mul3A_948 = arith.constant 16 : i32
        %mul3A_949 = arith.muli %mul3A_948, %scan3A_47 : i32
        %get3A_950 = arith.constant 32 : i32
        %get3A_951 = arith.index_cast %get3A_950 : i32 to index
        %get3A_952 = arith.index_cast %mul3A_949 : i32 to index
        %get3A_953 = tpu.vector_load %arg5[%get3A_951, %get3A_952] {strides = array<i32>} : memref<128x128xf32, #tpu.memory_space<vmem>>, vector<16xf32>,
        %mul3A_954 = arith.constant 16 : i32
        %mul3A_955 = arith.muli %mul3A_954, %scan3A_47 : i32
        %get3A_956 = arith.constant 33 : i32
        %get3A_957 = arith.index_cast %get3A_956 : i32 to index
        %get3A_958 = arith.index_cast %mul3A_955 : i32 to index
        %get3A_959 = tpu.vector_load %arg5[%get3A_957, %get3A_958] {strides = array<i32>} : memref<128x128xf32, #tpu.memory_space<vmem>>, vector<16xf32>,
        %mul3A_960 = arith.constant 16 : i32
        %mul3A_961 = arith.muli %mul3A_960, %scan3A_47 : i32
        %get3A_962 = arith.constant 34 : i32
        %get3A_963 = arith.index_cast %get3A_962 : i32 to index
        %get3A_964 = arith.index_cast %mul3A_961 : i32 to index
        %get3A_965 = tpu.vector_load %arg5[%get3A_963, %get3A_964] {strides = array<i32>} : memref<128x128xf32, #tpu.memory_space<vmem>>, vector<16xf32>,
        %mul3A_966 = arith.constant 16 : i32
        %mul3A_967 = arith.muli %mul3A_966, %scan3A_47 : i32
        %get3A_968 = arith.constant 35 : i32
        %get3A_969 = arith.index_cast %get3A_968 : i32 to index
        %get3A_970 = arith.index_cast %mul3A_967 : i32 to index
        %get3A_971 = tpu.vector_load %arg5[%get3A_969, %get3A_970] {strides = array<i32>} : memref<128x128xf32, #tpu.memory_space<vmem>>, vector<16xf32>,
        %mul3A_972 = arith.constant 16 : i32
        %mul3A_973 = arith.muli %mul3A_972, %scan3A_47 : i32
        %get3A_974 = arith.constant 8 : i32
        %get3A_975 = arith.index_cast %get3A_974 : i32 to index
        %get3A_976 = arith.index_cast %mul3A_973 : i32 to index
        %get3A_977 = tpu.vector_load %arg6[%get3A_975, %get3A_976] {strides = array<i32>} : memref<32x128xi32, #tpu.memory_space<vmem>>, vector<16xi32>,
        %add3A_978 = arith.addf %get3A_953, %get3A_965 : vector<16xf32>
        %mul3A_979 = arith.constant 5.000000e-01 : f32
        %mul3A_980 = vector.broadcast %mul3A_979 : f32 to vector<16xf32>
        %mul3A_981 = arith.mulf %add3A_978, %mul3A_980 : vector<16xf32>
        %add3A_982 = arith.addf %get3A_959, %get3A_971 : vector<16xf32>
        %mul3A_983 = arith.constant 5.000000e-01 : f32
        %mul3A_984 = vector.broadcast %mul3A_983 : f32 to vector<16xf32>
        %mul3A_985 = arith.mulf %add3A_982, %mul3A_984 : vector<16xf32>
        %sub3A_986 = arith.subf %get3A_965, %get3A_953 : vector<16xf32>
        %sub3A_987 = arith.subf %get3A_971, %get3A_959 : vector<16xf32>
        %mul3A_988 = arith.constant 1.400000e+01 : f32
        %mul3A_989 = vector.broadcast %mul3A_988 : f32 to vector<16xf32>
        %mul3A_990 = arith.mulf %mul3A_981, %mul3A_989 : vector<16xf32>
        %convert_element_type3A_991 = arith.fptosi %mul3A_990 : vector<16xf32> to vector<16xi32>
        %min3A_992 = arith.constant 13 : i32
        %min3A_993 = vector.broadcast %min3A_992 : i32 to vector<16xi32>
        %min3A_994 = arith.minsi %convert_element_type3A_991, %min3A_993 : vector<16xi32>
        %mul3A_995 = arith.constant 1.400000e+01 : f32
        %mul3A_996 = vector.broadcast %mul3A_995 : f32 to vector<16xf32>
        %mul3A_997 = arith.mulf %mul3A_985, %mul3A_996 : vector<16xf32>
        %convert_element_type3A_998 = arith.fptosi %mul3A_997 : vector<16xf32> to vector<16xi32>
        %min3A_999 = arith.constant 13 : i32
        %min3A_1000 = vector.broadcast %min3A_999 : i32 to vector<16xi32>
        %min3A_1001 = arith.minsi %convert_element_type3A_998, %min3A_1000 : vector<16xi32>
        %max3A_1002 = arith.constant 0 : i32
        %max3A_1003 = vector.broadcast %max3A_1002 : i32 to vector<16xi32>
        %max3A_1004 = arith.maxsi %min3A_994, %max3A_1003 : vector<16xi32>
        %max3A_1005 = arith.constant 0 : i32
        %max3A_1006 = vector.broadcast %max3A_1005 : i32 to vector<16xi32>
        %max3A_1007 = arith.maxsi %min3A_1001, %max3A_1006 : vector<16xi32>
        %mul3A_1008 = arith.constant 1.400000e+01 : f32
        %mul3A_1009 = vector.broadcast %mul3A_1008 : f32 to vector<16xf32>
        %mul3A_1010 = arith.mulf %mul3A_981, %mul3A_1009 : vector<16xf32>
        %convert_element_type3A_1011 = arith.sitofp %max3A_1004 : vector<16xi32> to vector<16xf32>
        %sub3A_1012 = arith.subf %mul3A_1010, %convert_element_type3A_1011 : vector<16xf32>
        %mul3A_1013 = arith.constant 1.400000e+01 : f32
        %mul3A_1014 = vector.broadcast %mul3A_1013 : f32 to vector<16xf32>
        %mul3A_1015 = arith.mulf %mul3A_985, %mul3A_1014 : vector<16xf32>
        %convert_element_type3A_1016 = arith.sitofp %max3A_1007 : vector<16xi32> to vector<16xf32>
        %sub3A_1017 = arith.subf %mul3A_1015, %convert_element_type3A_1016 : vector<16xf32>
        %mul3A_1018 = arith.constant 14 : i32
        %mul3A_1019 = vector.broadcast %mul3A_1018 : i32 to vector<16xi32>
        %mul3A_1020 = arith.muli %max3A_1007, %mul3A_1019 : vector<16xi32>
        %add3A_1021 = arith.addi %mul3A_1020, %max3A_1004 : vector<16xi32>
        %sub3A_1022 = vector.broadcast %mul3A_28 : i32 to vector<16xi32>
        %sub3A_1023 = arith.subi %add3A_1021, %sub3A_1022 : vector<16xi32>
        %ge3A_1024 = arith.constant 0 : i32
        %ge3A_1025 = vector.broadcast %ge3A_1024 : i32 to vector<16xi32>
        %ge3A_1026 = arith.cmpi sge, %sub3A_1023, %ge3A_1025 : vector<16xi32>
        %lt3A_1027 = vector.broadcast %select_n3A : i32 to vector<16xi32>
        %lt3A_1028 = arith.cmpi slt, %sub3A_1023, %lt3A_1027 : vector<16xi32>
        %and3A_1029 = arith.andi %ge3A_1026, %lt3A_1028 : vector<16xi1>
        %jit3A_1030 = arith.constant 0 : i32
        %jit3A_1031 = arith.constant 35 : i32
        %max3A_1032 = vector.broadcast %jit3A_1030 : i32 to vector<16xi32>
        %max3A_1033 = arith.maxsi %max3A_1032, %sub3A_1023 : vector<16xi32>
        %min3A_1034 = vector.broadcast %jit3A_1031 : i32 to vector<16xi32>
        %min3A_1035 = arith.minsi %min3A_1034, %max3A_1033 : vector<16xi32>
        %broadcast_in_dim3A_1036 = arith.constant 160 : i32
        %broadcast_in_dim3A_1037 = vector.broadcast %broadcast_in_dim3A_1036 : i32 to vector<16xi32>
        %add3A_1038 = arith.addi %broadcast_in_dim3A_1037, %min3A_1035 : vector<16xi32>
        %gather3A_1039 = tpu.vector_load_idx %arg7[%add3A_1038, %add3A_50] : memref<200x128xf32, #tpu.memory_space<vmem>>[vector<16xi32>, vector<16xi32>], vector<16xf32>,
        %eq3A_1040 = arith.constant 0.000000e+00 : f32
        %eq3A_1041 = vector.broadcast %eq3A_1040 : f32 to vector<16xf32>
        %eq3A_1042 = arith.cmpf oeq, %gather3A_1039, %eq3A_1041 : vector<16xf32>
        %and3A_1043 = arith.andi %and3A_1029, %eq3A_1042 : vector<16xi1>
        %broadcast_in_dim3A_1044 = arith.constant 0 : i32
        %broadcast_in_dim3A_1045 = vector.broadcast %broadcast_in_dim3A_1044 : i32 to vector<16xi32>
        %add3A_1046 = arith.addi %broadcast_in_dim3A_1045, %min3A_1035 : vector<16xi32>
        tpu.vector_store_idx %arg7[%add3A_1046, %add3A_50], %sub3A_1012 masked %and3A_1043 : memref<200x128xf32, #tpu.memory_space<vmem>>[vector<16xi32>, vector<16xi32>], vector<16xf32>, vector<16xi1>
        %broadcast_in_dim3A_1047 = arith.constant 40 : i32
        %broadcast_in_dim3A_1048 = vector.broadcast %broadcast_in_dim3A_1047 : i32 to vector<16xi32>
        %add3A_1049 = arith.addi %broadcast_in_dim3A_1048, %min3A_1035 : vector<16xi32>
        tpu.vector_store_idx %arg7[%add3A_1049, %add3A_50], %sub3A_1017 masked %and3A_1043 : memref<200x128xf32, #tpu.memory_space<vmem>>[vector<16xi32>, vector<16xi32>], vector<16xf32>, vector<16xi1>
        %broadcast_in_dim3A_1050 = arith.constant 80 : i32
        %broadcast_in_dim3A_1051 = vector.broadcast %broadcast_in_dim3A_1050 : i32 to vector<16xi32>
        %add3A_1052 = arith.addi %broadcast_in_dim3A_1051, %min3A_1035 : vector<16xi32>
        tpu.vector_store_idx %arg7[%add3A_1052, %add3A_50], %sub3A_986 masked %and3A_1043 : memref<200x128xf32, #tpu.memory_space<vmem>>[vector<16xi32>, vector<16xi32>], vector<16xf32>, vector<16xi1>
        %broadcast_in_dim3A_1053 = arith.constant 120 : i32
        %broadcast_in_dim3A_1054 = vector.broadcast %broadcast_in_dim3A_1053 : i32 to vector<16xi32>
        %add3A_1055 = arith.addi %broadcast_in_dim3A_1054, %min3A_1035 : vector<16xi32>
        tpu.vector_store_idx %arg7[%add3A_1055, %add3A_50], %sub3A_987 masked %and3A_1043 : memref<200x128xf32, #tpu.memory_space<vmem>>[vector<16xi32>, vector<16xi32>], vector<16xf32>, vector<16xi1>
        %broadcast_in_dim3A_1056 = arith.constant 160 : i32
        %broadcast_in_dim3A_1057 = vector.broadcast %broadcast_in_dim3A_1056 : i32 to vector<16xi32>
        %add3A_1058 = arith.addi %broadcast_in_dim3A_1057, %min3A_1035 : vector<16xi32>
        %convert_element_type3A_1059 = arith.sitofp %get3A_977 : vector<16xi32> to vector<16xf32>
        %add3A_1060 = arith.addf %convert_element_type3A_1059, %broadcast_in_dim3A_26 : vector<16xf32>
        tpu.vector_store_idx %arg7[%add3A_1058, %add3A_50], %add3A_1060 masked %and3A_1043 : memref<200x128xf32, #tpu.memory_space<vmem>>[vector<16xi32>, vector<16xi32>], vector<16xf32>, vector<16xi1>
        %mul3A_1061 = arith.constant 16 : i32
        %mul3A_1062 = arith.muli %mul3A_1061, %scan3A_47 : i32
        %get3A_1063 = arith.constant 36 : i32
        %get3A_1064 = arith.index_cast %get3A_1063 : i32 to index
        %get3A_1065 = arith.index_cast %mul3A_1062 : i32 to index
        %get3A_1066 = tpu.vector_load %arg5[%get3A_1064, %get3A_1065] {strides = array<i32>} : memref<128x128xf32, #tpu.memory_space<vmem>>, vector<16xf32>,
        %mul3A_1067 = arith.constant 16 : i32
        %mul3A_1068 = arith.muli %mul3A_1067, %scan3A_47 : i32
        %get3A_1069 = arith.constant 37 : i32
        %get3A_1070 = arith.index_cast %get3A_1069 : i32 to index
        %get3A_1071 = arith.index_cast %mul3A_1068 : i32 to index
        %get3A_1072 = tpu.vector_load %arg5[%get3A_1070, %get3A_1071] {strides = array<i32>} : memref<128x128xf32, #tpu.memory_space<vmem>>, vector<16xf32>,
        %mul3A_1073 = arith.constant 16 : i32
        %mul3A_1074 = arith.muli %mul3A_1073, %scan3A_47 : i32
        %get3A_1075 = arith.constant 38 : i32
        %get3A_1076 = arith.index_cast %get3A_1075 : i32 to index
        %get3A_1077 = arith.index_cast %mul3A_1074 : i32 to index
        %get3A_1078 = tpu.vector_load %arg5[%get3A_1076, %get3A_1077] {strides = array<i32>} : memref<128x128xf32, #tpu.memory_space<vmem>>, vector<16xf32>,
        %mul3A_1079 = arith.constant 16 : i32
        %mul3A_1080 = arith.muli %mul3A_1079, %scan3A_47 : i32
        %get3A_1081 = arith.constant 39 : i32
        %get3A_1082 = arith.index_cast %get3A_1081 : i32 to index
        %get3A_1083 = arith.index_cast %mul3A_1080 : i32 to index
        %get3A_1084 = tpu.vector_load %arg5[%get3A_1082, %get3A_1083] {strides = array<i32>} : memref<128x128xf32, #tpu.memory_space<vmem>>, vector<16xf32>,
        %mul3A_1085 = arith.constant 16 : i32
        %mul3A_1086 = arith.muli %mul3A_1085, %scan3A_47 : i32
        %get3A_1087 = arith.constant 9 : i32
        %get3A_1088 = arith.index_cast %get3A_1087 : i32 to index
        %get3A_1089 = arith.index_cast %mul3A_1086 : i32 to index
        %get3A_1090 = tpu.vector_load %arg6[%get3A_1088, %get3A_1089] {strides = array<i32>} : memref<32x128xi32, #tpu.memory_space<vmem>>, vector<16xi32>,
        %add3A_1091 = arith.addf %get3A_1066, %get3A_1078 : vector<16xf32>
        %mul3A_1092 = arith.constant 5.000000e-01 : f32
        %mul3A_1093 = vector.broadcast %mul3A_1092 : f32 to vector<16xf32>
        %mul3A_1094 = arith.mulf %add3A_1091, %mul3A_1093 : vector<16xf32>
        %add3A_1095 = arith.addf %get3A_1072, %get3A_1084 : vector<16xf32>
        %mul3A_1096 = arith.constant 5.000000e-01 : f32
        %mul3A_1097 = vector.broadcast %mul3A_1096 : f32 to vector<16xf32>
        %mul3A_1098 = arith.mulf %add3A_1095, %mul3A_1097 : vector<16xf32>
        %sub3A_1099 = arith.subf %get3A_1078, %get3A_1066 : vector<16xf32>
        %sub3A_1100 = arith.subf %get3A_1084, %get3A_1072 : vector<16xf32>
        %mul3A_1101 = arith.constant 1.400000e+01 : f32
        %mul3A_1102 = vector.broadcast %mul3A_1101 : f32 to vector<16xf32>
        %mul3A_1103 = arith.mulf %mul3A_1094, %mul3A_1102 : vector<16xf32>
        %convert_element_type3A_1104 = arith.fptosi %mul3A_1103 : vector<16xf32> to vector<16xi32>
        %min3A_1105 = arith.constant 13 : i32
        %min3A_1106 = vector.broadcast %min3A_1105 : i32 to vector<16xi32>
        %min3A_1107 = arith.minsi %convert_element_type3A_1104, %min3A_1106 : vector<16xi32>
        %mul3A_1108 = arith.constant 1.400000e+01 : f32
        %mul3A_1109 = vector.broadcast %mul3A_1108 : f32 to vector<16xf32>
        %mul3A_1110 = arith.mulf %mul3A_1098, %mul3A_1109 : vector<16xf32>
        %convert_element_type3A_1111 = arith.fptosi %mul3A_1110 : vector<16xf32> to vector<16xi32>
        %min3A_1112 = arith.constant 13 : i32
        %min3A_1113 = vector.broadcast %min3A_1112 : i32 to vector<16xi32>
        %min3A_1114 = arith.minsi %convert_element_type3A_1111, %min3A_1113 : vector<16xi32>
        %max3A_1115 = arith.constant 0 : i32
        %max3A_1116 = vector.broadcast %max3A_1115 : i32 to vector<16xi32>
        %max3A_1117 = arith.maxsi %min3A_1107, %max3A_1116 : vector<16xi32>
        %max3A_1118 = arith.constant 0 : i32
        %max3A_1119 = vector.broadcast %max3A_1118 : i32 to vector<16xi32>
        %max3A_1120 = arith.maxsi %min3A_1114, %max3A_1119 : vector<16xi32>
        %mul3A_1121 = arith.constant 1.400000e+01 : f32
        %mul3A_1122 = vector.broadcast %mul3A_1121 : f32 to vector<16xf32>
        %mul3A_1123 = arith.mulf %mul3A_1094, %mul3A_1122 : vector<16xf32>
        %convert_element_type3A_1124 = arith.sitofp %max3A_1117 : vector<16xi32> to vector<16xf32>
        %sub3A_1125 = arith.subf %mul3A_1123, %convert_element_type3A_1124 : vector<16xf32>
        %mul3A_1126 = arith.constant 1.400000e+01 : f32
        %mul3A_1127 = vector.broadcast %mul3A_1126 : f32 to vector<16xf32>
        %mul3A_1128 = arith.mulf %mul3A_1098, %mul3A_1127 : vector<16xf32>
        %convert_element_type3A_1129 = arith.sitofp %max3A_1120 : vector<16xi32> to vector<16xf32>
        %sub3A_1130 = arith.subf %mul3A_1128, %convert_element_type3A_1129 : vector<16xf32>
        %mul3A_1131 = arith.constant 14 : i32
        %mul3A_1132 = vector.broadcast %mul3A_1131 : i32 to vector<16xi32>
        %mul3A_1133 = arith.muli %max3A_1120, %mul3A_1132 : vector<16xi32>
        %add3A_1134 = arith.addi %mul3A_1133, %max3A_1117 : vector<16xi32>
        %sub3A_1135 = vector.broadcast %mul3A_28 : i32 to vector<16xi32>
        %sub3A_1136 = arith.subi %add3A_1134, %sub3A_1135 : vector<16xi32>
        %ge3A_1137 = arith.constant 0 : i32
        %ge3A_1138 = vector.broadcast %ge3A_1137 : i32 to vector<16xi32>
        %ge3A_1139 = arith.cmpi sge, %sub3A_1136, %ge3A_1138 : vector<16xi32>
        %lt3A_1140 = vector.broadcast %select_n3A : i32 to vector<16xi32>
        %lt3A_1141 = arith.cmpi slt, %sub3A_1136, %lt3A_1140 : vector<16xi32>
        %and3A_1142 = arith.andi %ge3A_1139, %lt3A_1141 : vector<16xi1>
        %jit3A_1143 = arith.constant 0 : i32
        %jit3A_1144 = arith.constant 35 : i32
        %max3A_1145 = vector.broadcast %jit3A_1143 : i32 to vector<16xi32>
        %max3A_1146 = arith.maxsi %max3A_1145, %sub3A_1136 : vector<16xi32>
        %min3A_1147 = vector.broadcast %jit3A_1144 : i32 to vector<16xi32>
        %min3A_1148 = arith.minsi %min3A_1147, %max3A_1146 : vector<16xi32>
        %broadcast_in_dim3A_1149 = arith.constant 160 : i32
        %broadcast_in_dim3A_1150 = vector.broadcast %broadcast_in_dim3A_1149 : i32 to vector<16xi32>
        %add3A_1151 = arith.addi %broadcast_in_dim3A_1150, %min3A_1148 : vector<16xi32>
        %gather3A_1152 = tpu.vector_load_idx %arg7[%add3A_1151, %add3A_50] : memref<200x128xf32, #tpu.memory_space<vmem>>[vector<16xi32>, vector<16xi32>], vector<16xf32>,
        %eq3A_1153 = arith.constant 0.000000e+00 : f32
        %eq3A_1154 = vector.broadcast %eq3A_1153 : f32 to vector<16xf32>
        %eq3A_1155 = arith.cmpf oeq, %gather3A_1152, %eq3A_1154 : vector<16xf32>
        %and3A_1156 = arith.andi %and3A_1142, %eq3A_1155 : vector<16xi1>
        %broadcast_in_dim3A_1157 = arith.constant 0 : i32
        %broadcast_in_dim3A_1158 = vector.broadcast %broadcast_in_dim3A_1157 : i32 to vector<16xi32>
        %add3A_1159 = arith.addi %broadcast_in_dim3A_1158, %min3A_1148 : vector<16xi32>
        tpu.vector_store_idx %arg7[%add3A_1159, %add3A_50], %sub3A_1125 masked %and3A_1156 : memref<200x128xf32, #tpu.memory_space<vmem>>[vector<16xi32>, vector<16xi32>], vector<16xf32>, vector<16xi1>
        %broadcast_in_dim3A_1160 = arith.constant 40 : i32
        %broadcast_in_dim3A_1161 = vector.broadcast %broadcast_in_dim3A_1160 : i32 to vector<16xi32>
        %add3A_1162 = arith.addi %broadcast_in_dim3A_1161, %min3A_1148 : vector<16xi32>
        tpu.vector_store_idx %arg7[%add3A_1162, %add3A_50], %sub3A_1130 masked %and3A_1156 : memref<200x128xf32, #tpu.memory_space<vmem>>[vector<16xi32>, vector<16xi32>], vector<16xf32>, vector<16xi1>
        %broadcast_in_dim3A_1163 = arith.constant 80 : i32
        %broadcast_in_dim3A_1164 = vector.broadcast %broadcast_in_dim3A_1163 : i32 to vector<16xi32>
        %add3A_1165 = arith.addi %broadcast_in_dim3A_1164, %min3A_1148 : vector<16xi32>
        tpu.vector_store_idx %arg7[%add3A_1165, %add3A_50], %sub3A_1099 masked %and3A_1156 : memref<200x128xf32, #tpu.memory_space<vmem>>[vector<16xi32>, vector<16xi32>], vector<16xf32>, vector<16xi1>
        %broadcast_in_dim3A_1166 = arith.constant 120 : i32
        %broadcast_in_dim3A_1167 = vector.broadcast %broadcast_in_dim3A_1166 : i32 to vector<16xi32>
        %add3A_1168 = arith.addi %broadcast_in_dim3A_1167, %min3A_1148 : vector<16xi32>
        tpu.vector_store_idx %arg7[%add3A_1168, %add3A_50], %sub3A_1100 masked %and3A_1156 : memref<200x128xf32, #tpu.memory_space<vmem>>[vector<16xi32>, vector<16xi32>], vector<16xf32>, vector<16xi1>
        %broadcast_in_dim3A_1169 = arith.constant 160 : i32
        %broadcast_in_dim3A_1170 = vector.broadcast %broadcast_in_dim3A_1169 : i32 to vector<16xi32>
        %add3A_1171 = arith.addi %broadcast_in_dim3A_1170, %min3A_1148 : vector<16xi32>
        %convert_element_type3A_1172 = arith.sitofp %get3A_1090 : vector<16xi32> to vector<16xf32>
        %add3A_1173 = arith.addf %convert_element_type3A_1172, %broadcast_in_dim3A_26 : vector<16xf32>
        tpu.vector_store_idx %arg7[%add3A_1171, %add3A_50], %add3A_1173 masked %and3A_1156 : memref<200x128xf32, #tpu.memory_space<vmem>>[vector<16xi32>, vector<16xi32>], vector<16xf32>, vector<16xi1>
        %mul3A_1174 = arith.constant 16 : i32
        %mul3A_1175 = arith.muli %mul3A_1174, %scan3A_47 : i32
        %get3A_1176 = arith.constant 40 : i32
        %get3A_1177 = arith.index_cast %get3A_1176 : i32 to index
        %get3A_1178 = arith.index_cast %mul3A_1175 : i32 to index
        %get3A_1179 = tpu.vector_load %arg5[%get3A_1177, %get3A_1178] {strides = array<i32>} : memref<128x128xf32, #tpu.memory_space<vmem>>, vector<16xf32>,
        %mul3A_1180 = arith.constant 16 : i32
        %mul3A_1181 = arith.muli %mul3A_1180, %scan3A_47 : i32
        %get3A_1182 = arith.constant 41 : i32
        %get3A_1183 = arith.index_cast %get3A_1182 : i32 to index
        %get3A_1184 = arith.index_cast %mul3A_1181 : i32 to index
        %get3A_1185 = tpu.vector_load %arg5[%get3A_1183, %get3A_1184] {strides = array<i32>} : memref<128x128xf32, #tpu.memory_space<vmem>>, vector<16xf32>,
        %mul3A_1186 = arith.constant 16 : i32
        %mul3A_1187 = arith.muli %mul3A_1186, %scan3A_47 : i32
        %get3A_1188 = arith.constant 42 : i32
        %get3A_1189 = arith.index_cast %get3A_1188 : i32 to index
        %get3A_1190 = arith.index_cast %mul3A_1187 : i32 to index
        %get3A_1191 = tpu.vector_load %arg5[%get3A_1189, %get3A_1190] {strides = array<i32>} : memref<128x128xf32, #tpu.memory_space<vmem>>, vector<16xf32>,
        %mul3A_1192 = arith.constant 16 : i32
        %mul3A_1193 = arith.muli %mul3A_1192, %scan3A_47 : i32
        %get3A_1194 = arith.constant 43 : i32
        %get3A_1195 = arith.index_cast %get3A_1194 : i32 to index
        %get3A_1196 = arith.index_cast %mul3A_1193 : i32 to index
        %get3A_1197 = tpu.vector_load %arg5[%get3A_1195, %get3A_1196] {strides = array<i32>} : memref<128x128xf32, #tpu.memory_space<vmem>>, vector<16xf32>,
        %mul3A_1198 = arith.constant 16 : i32
        %mul3A_1199 = arith.muli %mul3A_1198, %scan3A_47 : i32
        %get3A_1200 = arith.constant 10 : i32
        %get3A_1201 = arith.index_cast %get3A_1200 : i32 to index
        %get3A_1202 = arith.index_cast %mul3A_1199 : i32 to index
        %get3A_1203 = tpu.vector_load %arg6[%get3A_1201, %get3A_1202] {strides = array<i32>} : memref<32x128xi32, #tpu.memory_space<vmem>>, vector<16xi32>,
        %add3A_1204 = arith.addf %get3A_1179, %get3A_1191 : vector<16xf32>
        %mul3A_1205 = arith.constant 5.000000e-01 : f32
        %mul3A_1206 = vector.broadcast %mul3A_1205 : f32 to vector<16xf32>
        %mul3A_1207 = arith.mulf %add3A_1204, %mul3A_1206 : vector<16xf32>
        %add3A_1208 = arith.addf %get3A_1185, %get3A_1197 : vector<16xf32>
        %mul3A_1209 = arith.constant 5.000000e-01 : f32
        %mul3A_1210 = vector.broadcast %mul3A_1209 : f32 to vector<16xf32>
        %mul3A_1211 = arith.mulf %add3A_1208, %mul3A_1210 : vector<16xf32>
        %sub3A_1212 = arith.subf %get3A_1191, %get3A_1179 : vector<16xf32>
        %sub3A_1213 = arith.subf %get3A_1197, %get3A_1185 : vector<16xf32>
        %mul3A_1214 = arith.constant 1.400000e+01 : f32
        %mul3A_1215 = vector.broadcast %mul3A_1214 : f32 to vector<16xf32>
        %mul3A_1216 = arith.mulf %mul3A_1207, %mul3A_1215 : vector<16xf32>
        %convert_element_type3A_1217 = arith.fptosi %mul3A_1216 : vector<16xf32> to vector<16xi32>
        %min3A_1218 = arith.constant 13 : i32
        %min3A_1219 = vector.broadcast %min3A_1218 : i32 to vector<16xi32>
        %min3A_1220 = arith.minsi %convert_element_type3A_1217, %min3A_1219 : vector<16xi32>
        %mul3A_1221 = arith.constant 1.400000e+01 : f32
        %mul3A_1222 = vector.broadcast %mul3A_1221 : f32 to vector<16xf32>
        %mul3A_1223 = arith.mulf %mul3A_1211, %mul3A_1222 : vector<16xf32>
        %convert_element_type3A_1224 = arith.fptosi %mul3A_1223 : vector<16xf32> to vector<16xi32>
        %min3A_1225 = arith.constant 13 : i32
        %min3A_1226 = vector.broadcast %min3A_1225 : i32 to vector<16xi32>
        %min3A_1227 = arith.minsi %convert_element_type3A_1224, %min3A_1226 : vector<16xi32>
        %max3A_1228 = arith.constant 0 : i32
        %max3A_1229 = vector.broadcast %max3A_1228 : i32 to vector<16xi32>
        %max3A_1230 = arith.maxsi %min3A_1220, %max3A_1229 : vector<16xi32>
        %max3A_1231 = arith.constant 0 : i32
        %max3A_1232 = vector.broadcast %max3A_1231 : i32 to vector<16xi32>
        %max3A_1233 = arith.maxsi %min3A_1227, %max3A_1232 : vector<16xi32>
        %mul3A_1234 = arith.constant 1.400000e+01 : f32
        %mul3A_1235 = vector.broadcast %mul3A_1234 : f32 to vector<16xf32>
        %mul3A_1236 = arith.mulf %mul3A_1207, %mul3A_1235 : vector<16xf32>
        %convert_element_type3A_1237 = arith.sitofp %max3A_1230 : vector<16xi32> to vector<16xf32>
        %sub3A_1238 = arith.subf %mul3A_1236, %convert_element_type3A_1237 : vector<16xf32>
        %mul3A_1239 = arith.constant 1.400000e+01 : f32
        %mul3A_1240 = vector.broadcast %mul3A_1239 : f32 to vector<16xf32>
        %mul3A_1241 = arith.mulf %mul3A_1211, %mul3A_1240 : vector<16xf32>
        %convert_element_type3A_1242 = arith.sitofp %max3A_1233 : vector<16xi32> to vector<16xf32>
        %sub3A_1243 = arith.subf %mul3A_1241, %convert_element_type3A_1242 : vector<16xf32>
        %mul3A_1244 = arith.constant 14 : i32
        %mul3A_1245 = vector.broadcast %mul3A_1244 : i32 to vector<16xi32>
        %mul3A_1246 = arith.muli %max3A_1233, %mul3A_1245 : vector<16xi32>
        %add3A_1247 = arith.addi %mul3A_1246, %max3A_1230 : vector<16xi32>
        %sub3A_1248 = vector.broadcast %mul3A_28 : i32 to vector<16xi32>
        %sub3A_1249 = arith.subi %add3A_1247, %sub3A_1248 : vector<16xi32>
        %ge3A_1250 = arith.constant 0 : i32
        %ge3A_1251 = vector.broadcast %ge3A_1250 : i32 to vector<16xi32>
        %ge3A_1252 = arith.cmpi sge, %sub3A_1249, %ge3A_1251 : vector<16xi32>
        %lt3A_1253 = vector.broadcast %select_n3A : i32 to vector<16xi32>
        %lt3A_1254 = arith.cmpi slt, %sub3A_1249, %lt3A_1253 : vector<16xi32>
        %and3A_1255 = arith.andi %ge3A_1252, %lt3A_1254 : vector<16xi1>
        %jit3A_1256 = arith.constant 0 : i32
        %jit3A_1257 = arith.constant 35 : i32
        %max3A_1258 = vector.broadcast %jit3A_1256 : i32 to vector<16xi32>
        %max3A_1259 = arith.maxsi %max3A_1258, %sub3A_1249 : vector<16xi32>
        %min3A_1260 = vector.broadcast %jit3A_1257 : i32 to vector<16xi32>
        %min3A_1261 = arith.minsi %min3A_1260, %max3A_1259 : vector<16xi32>
        %broadcast_in_dim3A_1262 = arith.constant 160 : i32
        %broadcast_in_dim3A_1263 = vector.broadcast %broadcast_in_dim3A_1262 : i32 to vector<16xi32>
        %add3A_1264 = arith.addi %broadcast_in_dim3A_1263, %min3A_1261 : vector<16xi32>
        %gather3A_1265 = tpu.vector_load_idx %arg7[%add3A_1264, %add3A_50] : memref<200x128xf32, #tpu.memory_space<vmem>>[vector<16xi32>, vector<16xi32>], vector<16xf32>,
        %eq3A_1266 = arith.constant 0.000000e+00 : f32
        %eq3A_1267 = vector.broadcast %eq3A_1266 : f32 to vector<16xf32>
        %eq3A_1268 = arith.cmpf oeq, %gather3A_1265, %eq3A_1267 : vector<16xf32>
        %and3A_1269 = arith.andi %and3A_1255, %eq3A_1268 : vector<16xi1>
        %broadcast_in_dim3A_1270 = arith.constant 0 : i32
        %broadcast_in_dim3A_1271 = vector.broadcast %broadcast_in_dim3A_1270 : i32 to vector<16xi32>
        %add3A_1272 = arith.addi %broadcast_in_dim3A_1271, %min3A_1261 : vector<16xi32>
        tpu.vector_store_idx %arg7[%add3A_1272, %add3A_50], %sub3A_1238 masked %and3A_1269 : memref<200x128xf32, #tpu.memory_space<vmem>>[vector<16xi32>, vector<16xi32>], vector<16xf32>, vector<16xi1>
        %broadcast_in_dim3A_1273 = arith.constant 40 : i32
        %broadcast_in_dim3A_1274 = vector.broadcast %broadcast_in_dim3A_1273 : i32 to vector<16xi32>
        %add3A_1275 = arith.addi %broadcast_in_dim3A_1274, %min3A_1261 : vector<16xi32>
        tpu.vector_store_idx %arg7[%add3A_1275, %add3A_50], %sub3A_1243 masked %and3A_1269 : memref<200x128xf32, #tpu.memory_space<vmem>>[vector<16xi32>, vector<16xi32>], vector<16xf32>, vector<16xi1>
        %broadcast_in_dim3A_1276 = arith.constant 80 : i32
        %broadcast_in_dim3A_1277 = vector.broadcast %broadcast_in_dim3A_1276 : i32 to vector<16xi32>
        %add3A_1278 = arith.addi %broadcast_in_dim3A_1277, %min3A_1261 : vector<16xi32>
        tpu.vector_store_idx %arg7[%add3A_1278, %add3A_50], %sub3A_1212 masked %and3A_1269 : memref<200x128xf32, #tpu.memory_space<vmem>>[vector<16xi32>, vector<16xi32>], vector<16xf32>, vector<16xi1>
        %broadcast_in_dim3A_1279 = arith.constant 120 : i32
        %broadcast_in_dim3A_1280 = vector.broadcast %broadcast_in_dim3A_1279 : i32 to vector<16xi32>
        %add3A_1281 = arith.addi %broadcast_in_dim3A_1280, %min3A_1261 : vector<16xi32>
        tpu.vector_store_idx %arg7[%add3A_1281, %add3A_50], %sub3A_1213 masked %and3A_1269 : memref<200x128xf32, #tpu.memory_space<vmem>>[vector<16xi32>, vector<16xi32>], vector<16xf32>, vector<16xi1>
        %broadcast_in_dim3A_1282 = arith.constant 160 : i32
        %broadcast_in_dim3A_1283 = vector.broadcast %broadcast_in_dim3A_1282 : i32 to vector<16xi32>
        %add3A_1284 = arith.addi %broadcast_in_dim3A_1283, %min3A_1261 : vector<16xi32>
        %convert_element_type3A_1285 = arith.sitofp %get3A_1203 : vector<16xi32> to vector<16xf32>
        %add3A_1286 = arith.addf %convert_element_type3A_1285, %broadcast_in_dim3A_26 : vector<16xf32>
        tpu.vector_store_idx %arg7[%add3A_1284, %add3A_50], %add3A_1286 masked %and3A_1269 : memref<200x128xf32, #tpu.memory_space<vmem>>[vector<16xi32>, vector<16xi32>], vector<16xf32>, vector<16xi1>
        %mul3A_1287 = arith.constant 16 : i32
        %mul3A_1288 = arith.muli %mul3A_1287, %scan3A_47 : i32
        %get3A_1289 = arith.constant 44 : i32
        %get3A_1290 = arith.index_cast %get3A_1289 : i32 to index
        %get3A_1291 = arith.index_cast %mul3A_1288 : i32 to index
        %get3A_1292 = tpu.vector_load %arg5[%get3A_1290, %get3A_1291] {strides = array<i32>} : memref<128x128xf32, #tpu.memory_space<vmem>>, vector<16xf32>,
        %mul3A_1293 = arith.constant 16 : i32
        %mul3A_1294 = arith.muli %mul3A_1293, %scan3A_47 : i32
        %get3A_1295 = arith.constant 45 : i32
        %get3A_1296 = arith.index_cast %get3A_1295 : i32 to index
        %get3A_1297 = arith.index_cast %mul3A_1294 : i32 to index
        %get3A_1298 = tpu.vector_load %arg5[%get3A_1296, %get3A_1297] {strides = array<i32>} : memref<128x128xf32, #tpu.memory_space<vmem>>, vector<16xf32>,
        %mul3A_1299 = arith.constant 16 : i32
        %mul3A_1300 = arith.muli %mul3A_1299, %scan3A_47 : i32
        %get3A_1301 = arith.constant 46 : i32
        %get3A_1302 = arith.index_cast %get3A_1301 : i32 to index
        %get3A_1303 = arith.index_cast %mul3A_1300 : i32 to index
        %get3A_1304 = tpu.vector_load %arg5[%get3A_1302, %get3A_1303] {strides = array<i32>} : memref<128x128xf32, #tpu.memory_space<vmem>>, vector<16xf32>,
        %mul3A_1305 = arith.constant 16 : i32
        %mul3A_1306 = arith.muli %mul3A_1305, %scan3A_47 : i32
        %get3A_1307 = arith.constant 47 : i32
        %get3A_1308 = arith.index_cast %get3A_1307 : i32 to index
        %get3A_1309 = arith.index_cast %mul3A_1306 : i32 to index
        %get3A_1310 = tpu.vector_load %arg5[%get3A_1308, %get3A_1309] {strides = array<i32>} : memref<128x128xf32, #tpu.memory_space<vmem>>, vector<16xf32>,
        %mul3A_1311 = arith.constant 16 : i32
        %mul3A_1312 = arith.muli %mul3A_1311, %scan3A_47 : i32
        %get3A_1313 = arith.constant 11 : i32
        %get3A_1314 = arith.index_cast %get3A_1313 : i32 to index
        %get3A_1315 = arith.index_cast %mul3A_1312 : i32 to index
        %get3A_1316 = tpu.vector_load %arg6[%get3A_1314, %get3A_1315] {strides = array<i32>} : memref<32x128xi32, #tpu.memory_space<vmem>>, vector<16xi32>,
        %add3A_1317 = arith.addf %get3A_1292, %get3A_1304 : vector<16xf32>
        %mul3A_1318 = arith.constant 5.000000e-01 : f32
        %mul3A_1319 = vector.broadcast %mul3A_1318 : f32 to vector<16xf32>
        %mul3A_1320 = arith.mulf %add3A_1317, %mul3A_1319 : vector<16xf32>
        %add3A_1321 = arith.addf %get3A_1298, %get3A_1310 : vector<16xf32>
        %mul3A_1322 = arith.constant 5.000000e-01 : f32
        %mul3A_1323 = vector.broadcast %mul3A_1322 : f32 to vector<16xf32>
        %mul3A_1324 = arith.mulf %add3A_1321, %mul3A_1323 : vector<16xf32>
        %sub3A_1325 = arith.subf %get3A_1304, %get3A_1292 : vector<16xf32>
        %sub3A_1326 = arith.subf %get3A_1310, %get3A_1298 : vector<16xf32>
        %mul3A_1327 = arith.constant 1.400000e+01 : f32
        %mul3A_1328 = vector.broadcast %mul3A_1327 : f32 to vector<16xf32>
        %mul3A_1329 = arith.mulf %mul3A_1320, %mul3A_1328 : vector<16xf32>
        %convert_element_type3A_1330 = arith.fptosi %mul3A_1329 : vector<16xf32> to vector<16xi32>
        %min3A_1331 = arith.constant 13 : i32
        %min3A_1332 = vector.broadcast %min3A_1331 : i32 to vector<16xi32>
        %min3A_1333 = arith.minsi %convert_element_type3A_1330, %min3A_1332 : vector<16xi32>
        %mul3A_1334 = arith.constant 1.400000e+01 : f32
        %mul3A_1335 = vector.broadcast %mul3A_1334 : f32 to vector<16xf32>
        %mul3A_1336 = arith.mulf %mul3A_1324, %mul3A_1335 : vector<16xf32>
        %convert_element_type3A_1337 = arith.fptosi %mul3A_1336 : vector<16xf32> to vector<16xi32>
        %min3A_1338 = arith.constant 13 : i32
        %min3A_1339 = vector.broadcast %min3A_1338 : i32 to vector<16xi32>
        %min3A_1340 = arith.minsi %convert_element_type3A_1337, %min3A_1339 : vector<16xi32>
        %max3A_1341 = arith.constant 0 : i32
        %max3A_1342 = vector.broadcast %max3A_1341 : i32 to vector<16xi32>
        %max3A_1343 = arith.maxsi %min3A_1333, %max3A_1342 : vector<16xi32>
        %max3A_1344 = arith.constant 0 : i32
        %max3A_1345 = vector.broadcast %max3A_1344 : i32 to vector<16xi32>
        %max3A_1346 = arith.maxsi %min3A_1340, %max3A_1345 : vector<16xi32>
        %mul3A_1347 = arith.constant 1.400000e+01 : f32
        %mul3A_1348 = vector.broadcast %mul3A_1347 : f32 to vector<16xf32>
        %mul3A_1349 = arith.mulf %mul3A_1320, %mul3A_1348 : vector<16xf32>
        %convert_element_type3A_1350 = arith.sitofp %max3A_1343 : vector<16xi32> to vector<16xf32>
        %sub3A_1351 = arith.subf %mul3A_1349, %convert_element_type3A_1350 : vector<16xf32>
        %mul3A_1352 = arith.constant 1.400000e+01 : f32
        %mul3A_1353 = vector.broadcast %mul3A_1352 : f32 to vector<16xf32>
        %mul3A_1354 = arith.mulf %mul3A_1324, %mul3A_1353 : vector<16xf32>
        %convert_element_type3A_1355 = arith.sitofp %max3A_1346 : vector<16xi32> to vector<16xf32>
        %sub3A_1356 = arith.subf %mul3A_1354, %convert_element_type3A_1355 : vector<16xf32>
        %mul3A_1357 = arith.constant 14 : i32
        %mul3A_1358 = vector.broadcast %mul3A_1357 : i32 to vector<16xi32>
        %mul3A_1359 = arith.muli %max3A_1346, %mul3A_1358 : vector<16xi32>
        %add3A_1360 = arith.addi %mul3A_1359, %max3A_1343 : vector<16xi32>
        %sub3A_1361 = vector.broadcast %mul3A_28 : i32 to vector<16xi32>
        %sub3A_1362 = arith.subi %add3A_1360, %sub3A_1361 : vector<16xi32>
        %ge3A_1363 = arith.constant 0 : i32
        %ge3A_1364 = vector.broadcast %ge3A_1363 : i32 to vector<16xi32>
        %ge3A_1365 = arith.cmpi sge, %sub3A_1362, %ge3A_1364 : vector<16xi32>
        %lt3A_1366 = vector.broadcast %select_n3A : i32 to vector<16xi32>
        %lt3A_1367 = arith.cmpi slt, %sub3A_1362, %lt3A_1366 : vector<16xi32>
        %and3A_1368 = arith.andi %ge3A_1365, %lt3A_1367 : vector<16xi1>
        %jit3A_1369 = arith.constant 0 : i32
        %jit3A_1370 = arith.constant 35 : i32
        %max3A_1371 = vector.broadcast %jit3A_1369 : i32 to vector<16xi32>
        %max3A_1372 = arith.maxsi %max3A_1371, %sub3A_1362 : vector<16xi32>
        %min3A_1373 = vector.broadcast %jit3A_1370 : i32 to vector<16xi32>
        %min3A_1374 = arith.minsi %min3A_1373, %max3A_1372 : vector<16xi32>
        %broadcast_in_dim3A_1375 = arith.constant 160 : i32
        %broadcast_in_dim3A_1376 = vector.broadcast %broadcast_in_dim3A_1375 : i32 to vector<16xi32>
        %add3A_1377 = arith.addi %broadcast_in_dim3A_1376, %min3A_1374 : vector<16xi32>
        %gather3A_1378 = tpu.vector_load_idx %arg7[%add3A_1377, %add3A_50] : memref<200x128xf32, #tpu.memory_space<vmem>>[vector<16xi32>, vector<16xi32>], vector<16xf32>,
        %eq3A_1379 = arith.constant 0.000000e+00 : f32
        %eq3A_1380 = vector.broadcast %eq3A_1379 : f32 to vector<16xf32>
        %eq3A_1381 = arith.cmpf oeq, %gather3A_1378, %eq3A_1380 : vector<16xf32>
        %and3A_1382 = arith.andi %and3A_1368, %eq3A_1381 : vector<16xi1>
        %broadcast_in_dim3A_1383 = arith.constant 0 : i32
        %broadcast_in_dim3A_1384 = vector.broadcast %broadcast_in_dim3A_1383 : i32 to vector<16xi32>
        %add3A_1385 = arith.addi %broadcast_in_dim3A_1384, %min3A_1374 : vector<16xi32>
        tpu.vector_store_idx %arg7[%add3A_1385, %add3A_50], %sub3A_1351 masked %and3A_1382 : memref<200x128xf32, #tpu.memory_space<vmem>>[vector<16xi32>, vector<16xi32>], vector<16xf32>, vector<16xi1>
        %broadcast_in_dim3A_1386 = arith.constant 40 : i32
        %broadcast_in_dim3A_1387 = vector.broadcast %broadcast_in_dim3A_1386 : i32 to vector<16xi32>
        %add3A_1388 = arith.addi %broadcast_in_dim3A_1387, %min3A_1374 : vector<16xi32>
        tpu.vector_store_idx %arg7[%add3A_1388, %add3A_50], %sub3A_1356 masked %and3A_1382 : memref<200x128xf32, #tpu.memory_space<vmem>>[vector<16xi32>, vector<16xi32>], vector<16xf32>, vector<16xi1>
        %broadcast_in_dim3A_1389 = arith.constant 80 : i32
        %broadcast_in_dim3A_1390 = vector.broadcast %broadcast_in_dim3A_1389 : i32 to vector<16xi32>
        %add3A_1391 = arith.addi %broadcast_in_dim3A_1390, %min3A_1374 : vector<16xi32>
        tpu.vector_store_idx %arg7[%add3A_1391, %add3A_50], %sub3A_1325 masked %and3A_1382 : memref<200x128xf32, #tpu.memory_space<vmem>>[vector<16xi32>, vector<16xi32>], vector<16xf32>, vector<16xi1>
        %broadcast_in_dim3A_1392 = arith.constant 120 : i32
        %broadcast_in_dim3A_1393 = vector.broadcast %broadcast_in_dim3A_1392 : i32 to vector<16xi32>
        %add3A_1394 = arith.addi %broadcast_in_dim3A_1393, %min3A_1374 : vector<16xi32>
        tpu.vector_store_idx %arg7[%add3A_1394, %add3A_50], %sub3A_1326 masked %and3A_1382 : memref<200x128xf32, #tpu.memory_space<vmem>>[vector<16xi32>, vector<16xi32>], vector<16xf32>, vector<16xi1>
        %broadcast_in_dim3A_1395 = arith.constant 160 : i32
        %broadcast_in_dim3A_1396 = vector.broadcast %broadcast_in_dim3A_1395 : i32 to vector<16xi32>
        %add3A_1397 = arith.addi %broadcast_in_dim3A_1396, %min3A_1374 : vector<16xi32>
        %convert_element_type3A_1398 = arith.sitofp %get3A_1316 : vector<16xi32> to vector<16xf32>
        %add3A_1399 = arith.addf %convert_element_type3A_1398, %broadcast_in_dim3A_26 : vector<16xf32>
        tpu.vector_store_idx %arg7[%add3A_1397, %add3A_50], %add3A_1399 masked %and3A_1382 : memref<200x128xf32, #tpu.memory_space<vmem>>[vector<16xi32>, vector<16xi32>], vector<16xf32>, vector<16xi1>
        %mul3A_1400 = arith.constant 16 : i32
        %mul3A_1401 = arith.muli %mul3A_1400, %scan3A_47 : i32
        %get3A_1402 = arith.constant 48 : i32
        %get3A_1403 = arith.index_cast %get3A_1402 : i32 to index
        %get3A_1404 = arith.index_cast %mul3A_1401 : i32 to index
        %get3A_1405 = tpu.vector_load %arg5[%get3A_1403, %get3A_1404] {strides = array<i32>} : memref<128x128xf32, #tpu.memory_space<vmem>>, vector<16xf32>,
        %mul3A_1406 = arith.constant 16 : i32
        %mul3A_1407 = arith.muli %mul3A_1406, %scan3A_47 : i32
        %get3A_1408 = arith.constant 49 : i32
        %get3A_1409 = arith.index_cast %get3A_1408 : i32 to index
        %get3A_1410 = arith.index_cast %mul3A_1407 : i32 to index
        %get3A_1411 = tpu.vector_load %arg5[%get3A_1409, %get3A_1410] {strides = array<i32>} : memref<128x128xf32, #tpu.memory_space<vmem>>, vector<16xf32>,
        %mul3A_1412 = arith.constant 16 : i32
        %mul3A_1413 = arith.muli %mul3A_1412, %scan3A_47 : i32
        %get3A_1414 = arith.constant 50 : i32
        %get3A_1415 = arith.index_cast %get3A_1414 : i32 to index
        %get3A_1416 = arith.index_cast %mul3A_1413 : i32 to index
        %get3A_1417 = tpu.vector_load %arg5[%get3A_1415, %get3A_1416] {strides = array<i32>} : memref<128x128xf32, #tpu.memory_space<vmem>>, vector<16xf32>,
        %mul3A_1418 = arith.constant 16 : i32
        %mul3A_1419 = arith.muli %mul3A_1418, %scan3A_47 : i32
        %get3A_1420 = arith.constant 51 : i32
        %get3A_1421 = arith.index_cast %get3A_1420 : i32 to index
        %get3A_1422 = arith.index_cast %mul3A_1419 : i32 to index
        %get3A_1423 = tpu.vector_load %arg5[%get3A_1421, %get3A_1422] {strides = array<i32>} : memref<128x128xf32, #tpu.memory_space<vmem>>, vector<16xf32>,
        %mul3A_1424 = arith.constant 16 : i32
        %mul3A_1425 = arith.muli %mul3A_1424, %scan3A_47 : i32
        %get3A_1426 = arith.constant 12 : i32
        %get3A_1427 = arith.index_cast %get3A_1426 : i32 to index
        %get3A_1428 = arith.index_cast %mul3A_1425 : i32 to index
        %get3A_1429 = tpu.vector_load %arg6[%get3A_1427, %get3A_1428] {strides = array<i32>} : memref<32x128xi32, #tpu.memory_space<vmem>>, vector<16xi32>,
        %add3A_1430 = arith.addf %get3A_1405, %get3A_1417 : vector<16xf32>
        %mul3A_1431 = arith.constant 5.000000e-01 : f32
        %mul3A_1432 = vector.broadcast %mul3A_1431 : f32 to vector<16xf32>
        %mul3A_1433 = arith.mulf %add3A_1430, %mul3A_1432 : vector<16xf32>
        %add3A_1434 = arith.addf %get3A_1411, %get3A_1423 : vector<16xf32>
        %mul3A_1435 = arith.constant 5.000000e-01 : f32
        %mul3A_1436 = vector.broadcast %mul3A_1435 : f32 to vector<16xf32>
        %mul3A_1437 = arith.mulf %add3A_1434, %mul3A_1436 : vector<16xf32>
        %sub3A_1438 = arith.subf %get3A_1417, %get3A_1405 : vector<16xf32>
        %sub3A_1439 = arith.subf %get3A_1423, %get3A_1411 : vector<16xf32>
        %mul3A_1440 = arith.constant 1.400000e+01 : f32
        %mul3A_1441 = vector.broadcast %mul3A_1440 : f32 to vector<16xf32>
        %mul3A_1442 = arith.mulf %mul3A_1433, %mul3A_1441 : vector<16xf32>
        %convert_element_type3A_1443 = arith.fptosi %mul3A_1442 : vector<16xf32> to vector<16xi32>
        %min3A_1444 = arith.constant 13 : i32
        %min3A_1445 = vector.broadcast %min3A_1444 : i32 to vector<16xi32>
        %min3A_1446 = arith.minsi %convert_element_type3A_1443, %min3A_1445 : vector<16xi32>
        %mul3A_1447 = arith.constant 1.400000e+01 : f32
        %mul3A_1448 = vector.broadcast %mul3A_1447 : f32 to vector<16xf32>
        %mul3A_1449 = arith.mulf %mul3A_1437, %mul3A_1448 : vector<16xf32>
        %convert_element_type3A_1450 = arith.fptosi %mul3A_1449 : vector<16xf32> to vector<16xi32>
        %min3A_1451 = arith.constant 13 : i32
        %min3A_1452 = vector.broadcast %min3A_1451 : i32 to vector<16xi32>
        %min3A_1453 = arith.minsi %convert_element_type3A_1450, %min3A_1452 : vector<16xi32>
        %max3A_1454 = arith.constant 0 : i32
        %max3A_1455 = vector.broadcast %max3A_1454 : i32 to vector<16xi32>
        %max3A_1456 = arith.maxsi %min3A_1446, %max3A_1455 : vector<16xi32>
        %max3A_1457 = arith.constant 0 : i32
        %max3A_1458 = vector.broadcast %max3A_1457 : i32 to vector<16xi32>
        %max3A_1459 = arith.maxsi %min3A_1453, %max3A_1458 : vector<16xi32>
        %mul3A_1460 = arith.constant 1.400000e+01 : f32
        %mul3A_1461 = vector.broadcast %mul3A_1460 : f32 to vector<16xf32>
        %mul3A_1462 = arith.mulf %mul3A_1433, %mul3A_1461 : vector<16xf32>
        %convert_element_type3A_1463 = arith.sitofp %max3A_1456 : vector<16xi32> to vector<16xf32>
        %sub3A_1464 = arith.subf %mul3A_1462, %convert_element_type3A_1463 : vector<16xf32>
        %mul3A_1465 = arith.constant 1.400000e+01 : f32
        %mul3A_1466 = vector.broadcast %mul3A_1465 : f32 to vector<16xf32>
        %mul3A_1467 = arith.mulf %mul3A_1437, %mul3A_1466 : vector<16xf32>
        %convert_element_type3A_1468 = arith.sitofp %max3A_1459 : vector<16xi32> to vector<16xf32>
        %sub3A_1469 = arith.subf %mul3A_1467, %convert_element_type3A_1468 : vector<16xf32>
        %mul3A_1470 = arith.constant 14 : i32
        %mul3A_1471 = vector.broadcast %mul3A_1470 : i32 to vector<16xi32>
        %mul3A_1472 = arith.muli %max3A_1459, %mul3A_1471 : vector<16xi32>
        %add3A_1473 = arith.addi %mul3A_1472, %max3A_1456 : vector<16xi32>
        %sub3A_1474 = vector.broadcast %mul3A_28 : i32 to vector<16xi32>
        %sub3A_1475 = arith.subi %add3A_1473, %sub3A_1474 : vector<16xi32>
        %ge3A_1476 = arith.constant 0 : i32
        %ge3A_1477 = vector.broadcast %ge3A_1476 : i32 to vector<16xi32>
        %ge3A_1478 = arith.cmpi sge, %sub3A_1475, %ge3A_1477 : vector<16xi32>
        %lt3A_1479 = vector.broadcast %select_n3A : i32 to vector<16xi32>
        %lt3A_1480 = arith.cmpi slt, %sub3A_1475, %lt3A_1479 : vector<16xi32>
        %and3A_1481 = arith.andi %ge3A_1478, %lt3A_1480 : vector<16xi1>
        %jit3A_1482 = arith.constant 0 : i32
        %jit3A_1483 = arith.constant 35 : i32
        %max3A_1484 = vector.broadcast %jit3A_1482 : i32 to vector<16xi32>
        %max3A_1485 = arith.maxsi %max3A_1484, %sub3A_1475 : vector<16xi32>
        %min3A_1486 = vector.broadcast %jit3A_1483 : i32 to vector<16xi32>
        %min3A_1487 = arith.minsi %min3A_1486, %max3A_1485 : vector<16xi32>
        %broadcast_in_dim3A_1488 = arith.constant 160 : i32
        %broadcast_in_dim3A_1489 = vector.broadcast %broadcast_in_dim3A_1488 : i32 to vector<16xi32>
        %add3A_1490 = arith.addi %broadcast_in_dim3A_1489, %min3A_1487 : vector<16xi32>
        %gather3A_1491 = tpu.vector_load_idx %arg7[%add3A_1490, %add3A_50] : memref<200x128xf32, #tpu.memory_space<vmem>>[vector<16xi32>, vector<16xi32>], vector<16xf32>,
        %eq3A_1492 = arith.constant 0.000000e+00 : f32
        %eq3A_1493 = vector.broadcast %eq3A_1492 : f32 to vector<16xf32>
        %eq3A_1494 = arith.cmpf oeq, %gather3A_1491, %eq3A_1493 : vector<16xf32>
        %and3A_1495 = arith.andi %and3A_1481, %eq3A_1494 : vector<16xi1>
        %broadcast_in_dim3A_1496 = arith.constant 0 : i32
        %broadcast_in_dim3A_1497 = vector.broadcast %broadcast_in_dim3A_1496 : i32 to vector<16xi32>
        %add3A_1498 = arith.addi %broadcast_in_dim3A_1497, %min3A_1487 : vector<16xi32>
        tpu.vector_store_idx %arg7[%add3A_1498, %add3A_50], %sub3A_1464 masked %and3A_1495 : memref<200x128xf32, #tpu.memory_space<vmem>>[vector<16xi32>, vector<16xi32>], vector<16xf32>, vector<16xi1>
        %broadcast_in_dim3A_1499 = arith.constant 40 : i32
        %broadcast_in_dim3A_1500 = vector.broadcast %broadcast_in_dim3A_1499 : i32 to vector<16xi32>
        %add3A_1501 = arith.addi %broadcast_in_dim3A_1500, %min3A_1487 : vector<16xi32>
        tpu.vector_store_idx %arg7[%add3A_1501, %add3A_50], %sub3A_1469 masked %and3A_1495 : memref<200x128xf32, #tpu.memory_space<vmem>>[vector<16xi32>, vector<16xi32>], vector<16xf32>, vector<16xi1>
        %broadcast_in_dim3A_1502 = arith.constant 80 : i32
        %broadcast_in_dim3A_1503 = vector.broadcast %broadcast_in_dim3A_1502 : i32 to vector<16xi32>
        %add3A_1504 = arith.addi %broadcast_in_dim3A_1503, %min3A_1487 : vector<16xi32>
        tpu.vector_store_idx %arg7[%add3A_1504, %add3A_50], %sub3A_1438 masked %and3A_1495 : memref<200x128xf32, #tpu.memory_space<vmem>>[vector<16xi32>, vector<16xi32>], vector<16xf32>, vector<16xi1>
        %broadcast_in_dim3A_1505 = arith.constant 120 : i32
        %broadcast_in_dim3A_1506 = vector.broadcast %broadcast_in_dim3A_1505 : i32 to vector<16xi32>
        %add3A_1507 = arith.addi %broadcast_in_dim3A_1506, %min3A_1487 : vector<16xi32>
        tpu.vector_store_idx %arg7[%add3A_1507, %add3A_50], %sub3A_1439 masked %and3A_1495 : memref<200x128xf32, #tpu.memory_space<vmem>>[vector<16xi32>, vector<16xi32>], vector<16xf32>, vector<16xi1>
        %broadcast_in_dim3A_1508 = arith.constant 160 : i32
        %broadcast_in_dim3A_1509 = vector.broadcast %broadcast_in_dim3A_1508 : i32 to vector<16xi32>
        %add3A_1510 = arith.addi %broadcast_in_dim3A_1509, %min3A_1487 : vector<16xi32>
        %convert_element_type3A_1511 = arith.sitofp %get3A_1429 : vector<16xi32> to vector<16xf32>
        %add3A_1512 = arith.addf %convert_element_type3A_1511, %broadcast_in_dim3A_26 : vector<16xf32>
        tpu.vector_store_idx %arg7[%add3A_1510, %add3A_50], %add3A_1512 masked %and3A_1495 : memref<200x128xf32, #tpu.memory_space<vmem>>[vector<16xi32>, vector<16xi32>], vector<16xf32>, vector<16xi1>
        %mul3A_1513 = arith.constant 16 : i32
        %mul3A_1514 = arith.muli %mul3A_1513, %scan3A_47 : i32
        %get3A_1515 = arith.constant 52 : i32
        %get3A_1516 = arith.index_cast %get3A_1515 : i32 to index
        %get3A_1517 = arith.index_cast %mul3A_1514 : i32 to index
        %get3A_1518 = tpu.vector_load %arg5[%get3A_1516, %get3A_1517] {strides = array<i32>} : memref<128x128xf32, #tpu.memory_space<vmem>>, vector<16xf32>,
        %mul3A_1519 = arith.constant 16 : i32
        %mul3A_1520 = arith.muli %mul3A_1519, %scan3A_47 : i32
        %get3A_1521 = arith.constant 53 : i32
        %get3A_1522 = arith.index_cast %get3A_1521 : i32 to index
        %get3A_1523 = arith.index_cast %mul3A_1520 : i32 to index
        %get3A_1524 = tpu.vector_load %arg5[%get3A_1522, %get3A_1523] {strides = array<i32>} : memref<128x128xf32, #tpu.memory_space<vmem>>, vector<16xf32>,
        %mul3A_1525 = arith.constant 16 : i32
        %mul3A_1526 = arith.muli %mul3A_1525, %scan3A_47 : i32
        %get3A_1527 = arith.constant 54 : i32
        %get3A_1528 = arith.index_cast %get3A_1527 : i32 to index
        %get3A_1529 = arith.index_cast %mul3A_1526 : i32 to index
        %get3A_1530 = tpu.vector_load %arg5[%get3A_1528, %get3A_1529] {strides = array<i32>} : memref<128x128xf32, #tpu.memory_space<vmem>>, vector<16xf32>,
        %mul3A_1531 = arith.constant 16 : i32
        %mul3A_1532 = arith.muli %mul3A_1531, %scan3A_47 : i32
        %get3A_1533 = arith.constant 55 : i32
        %get3A_1534 = arith.index_cast %get3A_1533 : i32 to index
        %get3A_1535 = arith.index_cast %mul3A_1532 : i32 to index
        %get3A_1536 = tpu.vector_load %arg5[%get3A_1534, %get3A_1535] {strides = array<i32>} : memref<128x128xf32, #tpu.memory_space<vmem>>, vector<16xf32>,
        %mul3A_1537 = arith.constant 16 : i32
        %mul3A_1538 = arith.muli %mul3A_1537, %scan3A_47 : i32
        %get3A_1539 = arith.constant 13 : i32
        %get3A_1540 = arith.index_cast %get3A_1539 : i32 to index
        %get3A_1541 = arith.index_cast %mul3A_1538 : i32 to index
        %get3A_1542 = tpu.vector_load %arg6[%get3A_1540, %get3A_1541] {strides = array<i32>} : memref<32x128xi32, #tpu.memory_space<vmem>>, vector<16xi32>,
        %add3A_1543 = arith.addf %get3A_1518, %get3A_1530 : vector<16xf32>
        %mul3A_1544 = arith.constant 5.000000e-01 : f32
        %mul3A_1545 = vector.broadcast %mul3A_1544 : f32 to vector<16xf32>
        %mul3A_1546 = arith.mulf %add3A_1543, %mul3A_1545 : vector<16xf32>
        %add3A_1547 = arith.addf %get3A_1524, %get3A_1536 : vector<16xf32>
        %mul3A_1548 = arith.constant 5.000000e-01 : f32
        %mul3A_1549 = vector.broadcast %mul3A_1548 : f32 to vector<16xf32>
        %mul3A_1550 = arith.mulf %add3A_1547, %mul3A_1549 : vector<16xf32>
        %sub3A_1551 = arith.subf %get3A_1530, %get3A_1518 : vector<16xf32>
        %sub3A_1552 = arith.subf %get3A_1536, %get3A_1524 : vector<16xf32>
        %mul3A_1553 = arith.constant 1.400000e+01 : f32
        %mul3A_1554 = vector.broadcast %mul3A_1553 : f32 to vector<16xf32>
        %mul3A_1555 = arith.mulf %mul3A_1546, %mul3A_1554 : vector<16xf32>
        %convert_element_type3A_1556 = arith.fptosi %mul3A_1555 : vector<16xf32> to vector<16xi32>
        %min3A_1557 = arith.constant 13 : i32
        %min3A_1558 = vector.broadcast %min3A_1557 : i32 to vector<16xi32>
        %min3A_1559 = arith.minsi %convert_element_type3A_1556, %min3A_1558 : vector<16xi32>
        %mul3A_1560 = arith.constant 1.400000e+01 : f32
        %mul3A_1561 = vector.broadcast %mul3A_1560 : f32 to vector<16xf32>
        %mul3A_1562 = arith.mulf %mul3A_1550, %mul3A_1561 : vector<16xf32>
        %convert_element_type3A_1563 = arith.fptosi %mul3A_1562 : vector<16xf32> to vector<16xi32>
        %min3A_1564 = arith.constant 13 : i32
        %min3A_1565 = vector.broadcast %min3A_1564 : i32 to vector<16xi32>
        %min3A_1566 = arith.minsi %convert_element_type3A_1563, %min3A_1565 : vector<16xi32>
        %max3A_1567 = arith.constant 0 : i32
        %max3A_1568 = vector.broadcast %max3A_1567 : i32 to vector<16xi32>
        %max3A_1569 = arith.maxsi %min3A_1559, %max3A_1568 : vector<16xi32>
        %max3A_1570 = arith.constant 0 : i32
        %max3A_1571 = vector.broadcast %max3A_1570 : i32 to vector<16xi32>
        %max3A_1572 = arith.maxsi %min3A_1566, %max3A_1571 : vector<16xi32>
        %mul3A_1573 = arith.constant 1.400000e+01 : f32
        %mul3A_1574 = vector.broadcast %mul3A_1573 : f32 to vector<16xf32>
        %mul3A_1575 = arith.mulf %mul3A_1546, %mul3A_1574 : vector<16xf32>
        %convert_element_type3A_1576 = arith.sitofp %max3A_1569 : vector<16xi32> to vector<16xf32>
        %sub3A_1577 = arith.subf %mul3A_1575, %convert_element_type3A_1576 : vector<16xf32>
        %mul3A_1578 = arith.constant 1.400000e+01 : f32
        %mul3A_1579 = vector.broadcast %mul3A_1578 : f32 to vector<16xf32>
        %mul3A_1580 = arith.mulf %mul3A_1550, %mul3A_1579 : vector<16xf32>
        %convert_element_type3A_1581 = arith.sitofp %max3A_1572 : vector<16xi32> to vector<16xf32>
        %sub3A_1582 = arith.subf %mul3A_1580, %convert_element_type3A_1581 : vector<16xf32>
        %mul3A_1583 = arith.constant 14 : i32
        %mul3A_1584 = vector.broadcast %mul3A_1583 : i32 to vector<16xi32>
        %mul3A_1585 = arith.muli %max3A_1572, %mul3A_1584 : vector<16xi32>
        %add3A_1586 = arith.addi %mul3A_1585, %max3A_1569 : vector<16xi32>
        %sub3A_1587 = vector.broadcast %mul3A_28 : i32 to vector<16xi32>
        %sub3A_1588 = arith.subi %add3A_1586, %sub3A_1587 : vector<16xi32>
        %ge3A_1589 = arith.constant 0 : i32
        %ge3A_1590 = vector.broadcast %ge3A_1589 : i32 to vector<16xi32>
        %ge3A_1591 = arith.cmpi sge, %sub3A_1588, %ge3A_1590 : vector<16xi32>
        %lt3A_1592 = vector.broadcast %select_n3A : i32 to vector<16xi32>
        %lt3A_1593 = arith.cmpi slt, %sub3A_1588, %lt3A_1592 : vector<16xi32>
        %and3A_1594 = arith.andi %ge3A_1591, %lt3A_1593 : vector<16xi1>
        %jit3A_1595 = arith.constant 0 : i32
        %jit3A_1596 = arith.constant 35 : i32
        %max3A_1597 = vector.broadcast %jit3A_1595 : i32 to vector<16xi32>
        %max3A_1598 = arith.maxsi %max3A_1597, %sub3A_1588 : vector<16xi32>
        %min3A_1599 = vector.broadcast %jit3A_1596 : i32 to vector<16xi32>
        %min3A_1600 = arith.minsi %min3A_1599, %max3A_1598 : vector<16xi32>
        %broadcast_in_dim3A_1601 = arith.constant 160 : i32
        %broadcast_in_dim3A_1602 = vector.broadcast %broadcast_in_dim3A_1601 : i32 to vector<16xi32>
        %add3A_1603 = arith.addi %broadcast_in_dim3A_1602, %min3A_1600 : vector<16xi32>
        %gather3A_1604 = tpu.vector_load_idx %arg7[%add3A_1603, %add3A_50] : memref<200x128xf32, #tpu.memory_space<vmem>>[vector<16xi32>, vector<16xi32>], vector<16xf32>,
        %eq3A_1605 = arith.constant 0.000000e+00 : f32
        %eq3A_1606 = vector.broadcast %eq3A_1605 : f32 to vector<16xf32>
        %eq3A_1607 = arith.cmpf oeq, %gather3A_1604, %eq3A_1606 : vector<16xf32>
        %and3A_1608 = arith.andi %and3A_1594, %eq3A_1607 : vector<16xi1>
        %broadcast_in_dim3A_1609 = arith.constant 0 : i32
        %broadcast_in_dim3A_1610 = vector.broadcast %broadcast_in_dim3A_1609 : i32 to vector<16xi32>
        %add3A_1611 = arith.addi %broadcast_in_dim3A_1610, %min3A_1600 : vector<16xi32>
        tpu.vector_store_idx %arg7[%add3A_1611, %add3A_50], %sub3A_1577 masked %and3A_1608 : memref<200x128xf32, #tpu.memory_space<vmem>>[vector<16xi32>, vector<16xi32>], vector<16xf32>, vector<16xi1>
        %broadcast_in_dim3A_1612 = arith.constant 40 : i32
        %broadcast_in_dim3A_1613 = vector.broadcast %broadcast_in_dim3A_1612 : i32 to vector<16xi32>
        %add3A_1614 = arith.addi %broadcast_in_dim3A_1613, %min3A_1600 : vector<16xi32>
        tpu.vector_store_idx %arg7[%add3A_1614, %add3A_50], %sub3A_1582 masked %and3A_1608 : memref<200x128xf32, #tpu.memory_space<vmem>>[vector<16xi32>, vector<16xi32>], vector<16xf32>, vector<16xi1>
        %broadcast_in_dim3A_1615 = arith.constant 80 : i32
        %broadcast_in_dim3A_1616 = vector.broadcast %broadcast_in_dim3A_1615 : i32 to vector<16xi32>
        %add3A_1617 = arith.addi %broadcast_in_dim3A_1616, %min3A_1600 : vector<16xi32>
        tpu.vector_store_idx %arg7[%add3A_1617, %add3A_50], %sub3A_1551 masked %and3A_1608 : memref<200x128xf32, #tpu.memory_space<vmem>>[vector<16xi32>, vector<16xi32>], vector<16xf32>, vector<16xi1>
        %broadcast_in_dim3A_1618 = arith.constant 120 : i32
        %broadcast_in_dim3A_1619 = vector.broadcast %broadcast_in_dim3A_1618 : i32 to vector<16xi32>
        %add3A_1620 = arith.addi %broadcast_in_dim3A_1619, %min3A_1600 : vector<16xi32>
        tpu.vector_store_idx %arg7[%add3A_1620, %add3A_50], %sub3A_1552 masked %and3A_1608 : memref<200x128xf32, #tpu.memory_space<vmem>>[vector<16xi32>, vector<16xi32>], vector<16xf32>, vector<16xi1>
        %broadcast_in_dim3A_1621 = arith.constant 160 : i32
        %broadcast_in_dim3A_1622 = vector.broadcast %broadcast_in_dim3A_1621 : i32 to vector<16xi32>
        %add3A_1623 = arith.addi %broadcast_in_dim3A_1622, %min3A_1600 : vector<16xi32>
        %convert_element_type3A_1624 = arith.sitofp %get3A_1542 : vector<16xi32> to vector<16xf32>
        %add3A_1625 = arith.addf %convert_element_type3A_1624, %broadcast_in_dim3A_26 : vector<16xf32>
        tpu.vector_store_idx %arg7[%add3A_1623, %add3A_50], %add3A_1625 masked %and3A_1608 : memref<200x128xf32, #tpu.memory_space<vmem>>[vector<16xi32>, vector<16xi32>], vector<16xf32>, vector<16xi1>
        %mul3A_1626 = arith.constant 16 : i32
        %mul3A_1627 = arith.muli %mul3A_1626, %scan3A_47 : i32
        %get3A_1628 = arith.constant 56 : i32
        %get3A_1629 = arith.index_cast %get3A_1628 : i32 to index
        %get3A_1630 = arith.index_cast %mul3A_1627 : i32 to index
        %get3A_1631 = tpu.vector_load %arg5[%get3A_1629, %get3A_1630] {strides = array<i32>} : memref<128x128xf32, #tpu.memory_space<vmem>>, vector<16xf32>,
        %mul3A_1632 = arith.constant 16 : i32
        %mul3A_1633 = arith.muli %mul3A_1632, %scan3A_47 : i32
        %get3A_1634 = arith.constant 57 : i32
        %get3A_1635 = arith.index_cast %get3A_1634 : i32 to index
        %get3A_1636 = arith.index_cast %mul3A_1633 : i32 to index
        %get3A_1637 = tpu.vector_load %arg5[%get3A_1635, %get3A_1636] {strides = array<i32>} : memref<128x128xf32, #tpu.memory_space<vmem>>, vector<16xf32>,
        %mul3A_1638 = arith.constant 16 : i32
        %mul3A_1639 = arith.muli %mul3A_1638, %scan3A_47 : i32
        %get3A_1640 = arith.constant 58 : i32
        %get3A_1641 = arith.index_cast %get3A_1640 : i32 to index
        %get3A_1642 = arith.index_cast %mul3A_1639 : i32 to index
        %get3A_1643 = tpu.vector_load %arg5[%get3A_1641, %get3A_1642] {strides = array<i32>} : memref<128x128xf32, #tpu.memory_space<vmem>>, vector<16xf32>,
        %mul3A_1644 = arith.constant 16 : i32
        %mul3A_1645 = arith.muli %mul3A_1644, %scan3A_47 : i32
        %get3A_1646 = arith.constant 59 : i32
        %get3A_1647 = arith.index_cast %get3A_1646 : i32 to index
        %get3A_1648 = arith.index_cast %mul3A_1645 : i32 to index
        %get3A_1649 = tpu.vector_load %arg5[%get3A_1647, %get3A_1648] {strides = array<i32>} : memref<128x128xf32, #tpu.memory_space<vmem>>, vector<16xf32>,
        %mul3A_1650 = arith.constant 16 : i32
        %mul3A_1651 = arith.muli %mul3A_1650, %scan3A_47 : i32
        %get3A_1652 = arith.constant 14 : i32
        %get3A_1653 = arith.index_cast %get3A_1652 : i32 to index
        %get3A_1654 = arith.index_cast %mul3A_1651 : i32 to index
        %get3A_1655 = tpu.vector_load %arg6[%get3A_1653, %get3A_1654] {strides = array<i32>} : memref<32x128xi32, #tpu.memory_space<vmem>>, vector<16xi32>,
        %add3A_1656 = arith.addf %get3A_1631, %get3A_1643 : vector<16xf32>
        %mul3A_1657 = arith.constant 5.000000e-01 : f32
        %mul3A_1658 = vector.broadcast %mul3A_1657 : f32 to vector<16xf32>
        %mul3A_1659 = arith.mulf %add3A_1656, %mul3A_1658 : vector<16xf32>
        %add3A_1660 = arith.addf %get3A_1637, %get3A_1649 : vector<16xf32>
        %mul3A_1661 = arith.constant 5.000000e-01 : f32
        %mul3A_1662 = vector.broadcast %mul3A_1661 : f32 to vector<16xf32>
        %mul3A_1663 = arith.mulf %add3A_1660, %mul3A_1662 : vector<16xf32>
        %sub3A_1664 = arith.subf %get3A_1643, %get3A_1631 : vector<16xf32>
        %sub3A_1665 = arith.subf %get3A_1649, %get3A_1637 : vector<16xf32>
        %mul3A_1666 = arith.constant 1.400000e+01 : f32
        %mul3A_1667 = vector.broadcast %mul3A_1666 : f32 to vector<16xf32>
        %mul3A_1668 = arith.mulf %mul3A_1659, %mul3A_1667 : vector<16xf32>
        %convert_element_type3A_1669 = arith.fptosi %mul3A_1668 : vector<16xf32> to vector<16xi32>
        %min3A_1670 = arith.constant 13 : i32
        %min3A_1671 = vector.broadcast %min3A_1670 : i32 to vector<16xi32>
        %min3A_1672 = arith.minsi %convert_element_type3A_1669, %min3A_1671 : vector<16xi32>
        %mul3A_1673 = arith.constant 1.400000e+01 : f32
        %mul3A_1674 = vector.broadcast %mul3A_1673 : f32 to vector<16xf32>
        %mul3A_1675 = arith.mulf %mul3A_1663, %mul3A_1674 : vector<16xf32>
        %convert_element_type3A_1676 = arith.fptosi %mul3A_1675 : vector<16xf32> to vector<16xi32>
        %min3A_1677 = arith.constant 13 : i32
        %min3A_1678 = vector.broadcast %min3A_1677 : i32 to vector<16xi32>
        %min3A_1679 = arith.minsi %convert_element_type3A_1676, %min3A_1678 : vector<16xi32>
        %max3A_1680 = arith.constant 0 : i32
        %max3A_1681 = vector.broadcast %max3A_1680 : i32 to vector<16xi32>
        %max3A_1682 = arith.maxsi %min3A_1672, %max3A_1681 : vector<16xi32>
        %max3A_1683 = arith.constant 0 : i32
        %max3A_1684 = vector.broadcast %max3A_1683 : i32 to vector<16xi32>
        %max3A_1685 = arith.maxsi %min3A_1679, %max3A_1684 : vector<16xi32>
        %mul3A_1686 = arith.constant 1.400000e+01 : f32
        %mul3A_1687 = vector.broadcast %mul3A_1686 : f32 to vector<16xf32>
        %mul3A_1688 = arith.mulf %mul3A_1659, %mul3A_1687 : vector<16xf32>
        %convert_element_type3A_1689 = arith.sitofp %max3A_1682 : vector<16xi32> to vector<16xf32>
        %sub3A_1690 = arith.subf %mul3A_1688, %convert_element_type3A_1689 : vector<16xf32>
        %mul3A_1691 = arith.constant 1.400000e+01 : f32
        %mul3A_1692 = vector.broadcast %mul3A_1691 : f32 to vector<16xf32>
        %mul3A_1693 = arith.mulf %mul3A_1663, %mul3A_1692 : vector<16xf32>
        %convert_element_type3A_1694 = arith.sitofp %max3A_1685 : vector<16xi32> to vector<16xf32>
        %sub3A_1695 = arith.subf %mul3A_1693, %convert_element_type3A_1694 : vector<16xf32>
        %mul3A_1696 = arith.constant 14 : i32
        %mul3A_1697 = vector.broadcast %mul3A_1696 : i32 to vector<16xi32>
        %mul3A_1698 = arith.muli %max3A_1685, %mul3A_1697 : vector<16xi32>
        %add3A_1699 = arith.addi %mul3A_1698, %max3A_1682 : vector<16xi32>
        %sub3A_1700 = vector.broadcast %mul3A_28 : i32 to vector<16xi32>
        %sub3A_1701 = arith.subi %add3A_1699, %sub3A_1700 : vector<16xi32>
        %ge3A_1702 = arith.constant 0 : i32
        %ge3A_1703 = vector.broadcast %ge3A_1702 : i32 to vector<16xi32>
        %ge3A_1704 = arith.cmpi sge, %sub3A_1701, %ge3A_1703 : vector<16xi32>
        %lt3A_1705 = vector.broadcast %select_n3A : i32 to vector<16xi32>
        %lt3A_1706 = arith.cmpi slt, %sub3A_1701, %lt3A_1705 : vector<16xi32>
        %and3A_1707 = arith.andi %ge3A_1704, %lt3A_1706 : vector<16xi1>
        %jit3A_1708 = arith.constant 0 : i32
        %jit3A_1709 = arith.constant 35 : i32
        %max3A_1710 = vector.broadcast %jit3A_1708 : i32 to vector<16xi32>
        %max3A_1711 = arith.maxsi %max3A_1710, %sub3A_1701 : vector<16xi32>
        %min3A_1712 = vector.broadcast %jit3A_1709 : i32 to vector<16xi32>
        %min3A_1713 = arith.minsi %min3A_1712, %max3A_1711 : vector<16xi32>
        %broadcast_in_dim3A_1714 = arith.constant 160 : i32
        %broadcast_in_dim3A_1715 = vector.broadcast %broadcast_in_dim3A_1714 : i32 to vector<16xi32>
        %add3A_1716 = arith.addi %broadcast_in_dim3A_1715, %min3A_1713 : vector<16xi32>
        %gather3A_1717 = tpu.vector_load_idx %arg7[%add3A_1716, %add3A_50] : memref<200x128xf32, #tpu.memory_space<vmem>>[vector<16xi32>, vector<16xi32>], vector<16xf32>,
        %eq3A_1718 = arith.constant 0.000000e+00 : f32
        %eq3A_1719 = vector.broadcast %eq3A_1718 : f32 to vector<16xf32>
        %eq3A_1720 = arith.cmpf oeq, %gather3A_1717, %eq3A_1719 : vector<16xf32>
        %and3A_1721 = arith.andi %and3A_1707, %eq3A_1720 : vector<16xi1>
        %broadcast_in_dim3A_1722 = arith.constant 0 : i32
        %broadcast_in_dim3A_1723 = vector.broadcast %broadcast_in_dim3A_1722 : i32 to vector<16xi32>
        %add3A_1724 = arith.addi %broadcast_in_dim3A_1723, %min3A_1713 : vector<16xi32>
        tpu.vector_store_idx %arg7[%add3A_1724, %add3A_50], %sub3A_1690 masked %and3A_1721 : memref<200x128xf32, #tpu.memory_space<vmem>>[vector<16xi32>, vector<16xi32>], vector<16xf32>, vector<16xi1>
        %broadcast_in_dim3A_1725 = arith.constant 40 : i32
        %broadcast_in_dim3A_1726 = vector.broadcast %broadcast_in_dim3A_1725 : i32 to vector<16xi32>
        %add3A_1727 = arith.addi %broadcast_in_dim3A_1726, %min3A_1713 : vector<16xi32>
        tpu.vector_store_idx %arg7[%add3A_1727, %add3A_50], %sub3A_1695 masked %and3A_1721 : memref<200x128xf32, #tpu.memory_space<vmem>>[vector<16xi32>, vector<16xi32>], vector<16xf32>, vector<16xi1>
        %broadcast_in_dim3A_1728 = arith.constant 80 : i32
        %broadcast_in_dim3A_1729 = vector.broadcast %broadcast_in_dim3A_1728 : i32 to vector<16xi32>
        %add3A_1730 = arith.addi %broadcast_in_dim3A_1729, %min3A_1713 : vector<16xi32>
        tpu.vector_store_idx %arg7[%add3A_1730, %add3A_50], %sub3A_1664 masked %and3A_1721 : memref<200x128xf32, #tpu.memory_space<vmem>>[vector<16xi32>, vector<16xi32>], vector<16xf32>, vector<16xi1>
        %broadcast_in_dim3A_1731 = arith.constant 120 : i32
        %broadcast_in_dim3A_1732 = vector.broadcast %broadcast_in_dim3A_1731 : i32 to vector<16xi32>
        %add3A_1733 = arith.addi %broadcast_in_dim3A_1732, %min3A_1713 : vector<16xi32>
        tpu.vector_store_idx %arg7[%add3A_1733, %add3A_50], %sub3A_1665 masked %and3A_1721 : memref<200x128xf32, #tpu.memory_space<vmem>>[vector<16xi32>, vector<16xi32>], vector<16xf32>, vector<16xi1>
        %broadcast_in_dim3A_1734 = arith.constant 160 : i32
        %broadcast_in_dim3A_1735 = vector.broadcast %broadcast_in_dim3A_1734 : i32 to vector<16xi32>
        %add3A_1736 = arith.addi %broadcast_in_dim3A_1735, %min3A_1713 : vector<16xi32>
        %convert_element_type3A_1737 = arith.sitofp %get3A_1655 : vector<16xi32> to vector<16xf32>
        %add3A_1738 = arith.addf %convert_element_type3A_1737, %broadcast_in_dim3A_26 : vector<16xf32>
        tpu.vector_store_idx %arg7[%add3A_1736, %add3A_50], %add3A_1738 masked %and3A_1721 : memref<200x128xf32, #tpu.memory_space<vmem>>[vector<16xi32>, vector<16xi32>], vector<16xf32>, vector<16xi1>
        %mul3A_1739 = arith.constant 16 : i32
        %mul3A_1740 = arith.muli %mul3A_1739, %scan3A_47 : i32
        %get3A_1741 = arith.constant 60 : i32
        %get3A_1742 = arith.index_cast %get3A_1741 : i32 to index
        %get3A_1743 = arith.index_cast %mul3A_1740 : i32 to index
        %get3A_1744 = tpu.vector_load %arg5[%get3A_1742, %get3A_1743] {strides = array<i32>} : memref<128x128xf32, #tpu.memory_space<vmem>>, vector<16xf32>,
        %mul3A_1745 = arith.constant 16 : i32
        %mul3A_1746 = arith.muli %mul3A_1745, %scan3A_47 : i32
        %get3A_1747 = arith.constant 61 : i32
        %get3A_1748 = arith.index_cast %get3A_1747 : i32 to index
        %get3A_1749 = arith.index_cast %mul3A_1746 : i32 to index
        %get3A_1750 = tpu.vector_load %arg5[%get3A_1748, %get3A_1749] {strides = array<i32>} : memref<128x128xf32, #tpu.memory_space<vmem>>, vector<16xf32>,
        %mul3A_1751 = arith.constant 16 : i32
        %mul3A_1752 = arith.muli %mul3A_1751, %scan3A_47 : i32
        %get3A_1753 = arith.constant 62 : i32
        %get3A_1754 = arith.index_cast %get3A_1753 : i32 to index
        %get3A_1755 = arith.index_cast %mul3A_1752 : i32 to index
        %get3A_1756 = tpu.vector_load %arg5[%get3A_1754, %get3A_1755] {strides = array<i32>} : memref<128x128xf32, #tpu.memory_space<vmem>>, vector<16xf32>,
        %mul3A_1757 = arith.constant 16 : i32
        %mul3A_1758 = arith.muli %mul3A_1757, %scan3A_47 : i32
        %get3A_1759 = arith.constant 63 : i32
        %get3A_1760 = arith.index_cast %get3A_1759 : i32 to index
        %get3A_1761 = arith.index_cast %mul3A_1758 : i32 to index
        %get3A_1762 = tpu.vector_load %arg5[%get3A_1760, %get3A_1761] {strides = array<i32>} : memref<128x128xf32, #tpu.memory_space<vmem>>, vector<16xf32>,
        %mul3A_1763 = arith.constant 16 : i32
        %mul3A_1764 = arith.muli %mul3A_1763, %scan3A_47 : i32
        %get3A_1765 = arith.constant 15 : i32
        %get3A_1766 = arith.index_cast %get3A_1765 : i32 to index
        %get3A_1767 = arith.index_cast %mul3A_1764 : i32 to index
        %get3A_1768 = tpu.vector_load %arg6[%get3A_1766, %get3A_1767] {strides = array<i32>} : memref<32x128xi32, #tpu.memory_space<vmem>>, vector<16xi32>,
        %add3A_1769 = arith.addf %get3A_1744, %get3A_1756 : vector<16xf32>
        %mul3A_1770 = arith.constant 5.000000e-01 : f32
        %mul3A_1771 = vector.broadcast %mul3A_1770 : f32 to vector<16xf32>
        %mul3A_1772 = arith.mulf %add3A_1769, %mul3A_1771 : vector<16xf32>
        %add3A_1773 = arith.addf %get3A_1750, %get3A_1762 : vector<16xf32>
        %mul3A_1774 = arith.constant 5.000000e-01 : f32
        %mul3A_1775 = vector.broadcast %mul3A_1774 : f32 to vector<16xf32>
        %mul3A_1776 = arith.mulf %add3A_1773, %mul3A_1775 : vector<16xf32>
        %sub3A_1777 = arith.subf %get3A_1756, %get3A_1744 : vector<16xf32>
        %sub3A_1778 = arith.subf %get3A_1762, %get3A_1750 : vector<16xf32>
        %mul3A_1779 = arith.constant 1.400000e+01 : f32
        %mul3A_1780 = vector.broadcast %mul3A_1779 : f32 to vector<16xf32>
        %mul3A_1781 = arith.mulf %mul3A_1772, %mul3A_1780 : vector<16xf32>
        %convert_element_type3A_1782 = arith.fptosi %mul3A_1781 : vector<16xf32> to vector<16xi32>
        %min3A_1783 = arith.constant 13 : i32
        %min3A_1784 = vector.broadcast %min3A_1783 : i32 to vector<16xi32>
        %min3A_1785 = arith.minsi %convert_element_type3A_1782, %min3A_1784 : vector<16xi32>
        %mul3A_1786 = arith.constant 1.400000e+01 : f32
        %mul3A_1787 = vector.broadcast %mul3A_1786 : f32 to vector<16xf32>
        %mul3A_1788 = arith.mulf %mul3A_1776, %mul3A_1787 : vector<16xf32>
        %convert_element_type3A_1789 = arith.fptosi %mul3A_1788 : vector<16xf32> to vector<16xi32>
        %min3A_1790 = arith.constant 13 : i32
        %min3A_1791 = vector.broadcast %min3A_1790 : i32 to vector<16xi32>
        %min3A_1792 = arith.minsi %convert_element_type3A_1789, %min3A_1791 : vector<16xi32>
        %max3A_1793 = arith.constant 0 : i32
        %max3A_1794 = vector.broadcast %max3A_1793 : i32 to vector<16xi32>
        %max3A_1795 = arith.maxsi %min3A_1785, %max3A_1794 : vector<16xi32>
        %max3A_1796 = arith.constant 0 : i32
        %max3A_1797 = vector.broadcast %max3A_1796 : i32 to vector<16xi32>
        %max3A_1798 = arith.maxsi %min3A_1792, %max3A_1797 : vector<16xi32>
        %mul3A_1799 = arith.constant 1.400000e+01 : f32
        %mul3A_1800 = vector.broadcast %mul3A_1799 : f32 to vector<16xf32>
        %mul3A_1801 = arith.mulf %mul3A_1772, %mul3A_1800 : vector<16xf32>
        %convert_element_type3A_1802 = arith.sitofp %max3A_1795 : vector<16xi32> to vector<16xf32>
        %sub3A_1803 = arith.subf %mul3A_1801, %convert_element_type3A_1802 : vector<16xf32>
        %mul3A_1804 = arith.constant 1.400000e+01 : f32
        %mul3A_1805 = vector.broadcast %mul3A_1804 : f32 to vector<16xf32>
        %mul3A_1806 = arith.mulf %mul3A_1776, %mul3A_1805 : vector<16xf32>
        %convert_element_type3A_1807 = arith.sitofp %max3A_1798 : vector<16xi32> to vector<16xf32>
        %sub3A_1808 = arith.subf %mul3A_1806, %convert_element_type3A_1807 : vector<16xf32>
        %mul3A_1809 = arith.constant 14 : i32
        %mul3A_1810 = vector.broadcast %mul3A_1809 : i32 to vector<16xi32>
        %mul3A_1811 = arith.muli %max3A_1798, %mul3A_1810 : vector<16xi32>
        %add3A_1812 = arith.addi %mul3A_1811, %max3A_1795 : vector<16xi32>
        %sub3A_1813 = vector.broadcast %mul3A_28 : i32 to vector<16xi32>
        %sub3A_1814 = arith.subi %add3A_1812, %sub3A_1813 : vector<16xi32>
        %ge3A_1815 = arith.constant 0 : i32
        %ge3A_1816 = vector.broadcast %ge3A_1815 : i32 to vector<16xi32>
        %ge3A_1817 = arith.cmpi sge, %sub3A_1814, %ge3A_1816 : vector<16xi32>
        %lt3A_1818 = vector.broadcast %select_n3A : i32 to vector<16xi32>
        %lt3A_1819 = arith.cmpi slt, %sub3A_1814, %lt3A_1818 : vector<16xi32>
        %and3A_1820 = arith.andi %ge3A_1817, %lt3A_1819 : vector<16xi1>
        %jit3A_1821 = arith.constant 0 : i32
        %jit3A_1822 = arith.constant 35 : i32
        %max3A_1823 = vector.broadcast %jit3A_1821 : i32 to vector<16xi32>
        %max3A_1824 = arith.maxsi %max3A_1823, %sub3A_1814 : vector<16xi32>
        %min3A_1825 = vector.broadcast %jit3A_1822 : i32 to vector<16xi32>
        %min3A_1826 = arith.minsi %min3A_1825, %max3A_1824 : vector<16xi32>
        %broadcast_in_dim3A_1827 = arith.constant 160 : i32
        %broadcast_in_dim3A_1828 = vector.broadcast %broadcast_in_dim3A_1827 : i32 to vector<16xi32>
        %add3A_1829 = arith.addi %broadcast_in_dim3A_1828, %min3A_1826 : vector<16xi32>
        %gather3A_1830 = tpu.vector_load_idx %arg7[%add3A_1829, %add3A_50] : memref<200x128xf32, #tpu.memory_space<vmem>>[vector<16xi32>, vector<16xi32>], vector<16xf32>,
        %eq3A_1831 = arith.constant 0.000000e+00 : f32
        %eq3A_1832 = vector.broadcast %eq3A_1831 : f32 to vector<16xf32>
        %eq3A_1833 = arith.cmpf oeq, %gather3A_1830, %eq3A_1832 : vector<16xf32>
        %and3A_1834 = arith.andi %and3A_1820, %eq3A_1833 : vector<16xi1>
        %broadcast_in_dim3A_1835 = arith.constant 0 : i32
        %broadcast_in_dim3A_1836 = vector.broadcast %broadcast_in_dim3A_1835 : i32 to vector<16xi32>
        %add3A_1837 = arith.addi %broadcast_in_dim3A_1836, %min3A_1826 : vector<16xi32>
        tpu.vector_store_idx %arg7[%add3A_1837, %add3A_50], %sub3A_1803 masked %and3A_1834 : memref<200x128xf32, #tpu.memory_space<vmem>>[vector<16xi32>, vector<16xi32>], vector<16xf32>, vector<16xi1>
        %broadcast_in_dim3A_1838 = arith.constant 40 : i32
        %broadcast_in_dim3A_1839 = vector.broadcast %broadcast_in_dim3A_1838 : i32 to vector<16xi32>
        %add3A_1840 = arith.addi %broadcast_in_dim3A_1839, %min3A_1826 : vector<16xi32>
        tpu.vector_store_idx %arg7[%add3A_1840, %add3A_50], %sub3A_1808 masked %and3A_1834 : memref<200x128xf32, #tpu.memory_space<vmem>>[vector<16xi32>, vector<16xi32>], vector<16xf32>, vector<16xi1>
        %broadcast_in_dim3A_1841 = arith.constant 80 : i32
        %broadcast_in_dim3A_1842 = vector.broadcast %broadcast_in_dim3A_1841 : i32 to vector<16xi32>
        %add3A_1843 = arith.addi %broadcast_in_dim3A_1842, %min3A_1826 : vector<16xi32>
        tpu.vector_store_idx %arg7[%add3A_1843, %add3A_50], %sub3A_1777 masked %and3A_1834 : memref<200x128xf32, #tpu.memory_space<vmem>>[vector<16xi32>, vector<16xi32>], vector<16xf32>, vector<16xi1>
        %broadcast_in_dim3A_1844 = arith.constant 120 : i32
        %broadcast_in_dim3A_1845 = vector.broadcast %broadcast_in_dim3A_1844 : i32 to vector<16xi32>
        %add3A_1846 = arith.addi %broadcast_in_dim3A_1845, %min3A_1826 : vector<16xi32>
        tpu.vector_store_idx %arg7[%add3A_1846, %add3A_50], %sub3A_1778 masked %and3A_1834 : memref<200x128xf32, #tpu.memory_space<vmem>>[vector<16xi32>, vector<16xi32>], vector<16xf32>, vector<16xi1>
        %broadcast_in_dim3A_1847 = arith.constant 160 : i32
        %broadcast_in_dim3A_1848 = vector.broadcast %broadcast_in_dim3A_1847 : i32 to vector<16xi32>
        %add3A_1849 = arith.addi %broadcast_in_dim3A_1848, %min3A_1826 : vector<16xi32>
        %convert_element_type3A_1850 = arith.sitofp %get3A_1768 : vector<16xi32> to vector<16xf32>
        %add3A_1851 = arith.addf %convert_element_type3A_1850, %broadcast_in_dim3A_26 : vector<16xf32>
        tpu.vector_store_idx %arg7[%add3A_1849, %add3A_50], %add3A_1851 masked %and3A_1834 : memref<200x128xf32, #tpu.memory_space<vmem>>[vector<16xi32>, vector<16xi32>], vector<16xf32>, vector<16xi1>
        %mul3A_1852 = arith.constant 16 : i32
        %mul3A_1853 = arith.muli %mul3A_1852, %scan3A_47 : i32
        %get3A_1854 = arith.constant 64 : i32
        %get3A_1855 = arith.index_cast %get3A_1854 : i32 to index
        %get3A_1856 = arith.index_cast %mul3A_1853 : i32 to index
        %get3A_1857 = tpu.vector_load %arg5[%get3A_1855, %get3A_1856] {strides = array<i32>} : memref<128x128xf32, #tpu.memory_space<vmem>>, vector<16xf32>,
        %mul3A_1858 = arith.constant 16 : i32
        %mul3A_1859 = arith.muli %mul3A_1858, %scan3A_47 : i32
        %get3A_1860 = arith.constant 65 : i32
        %get3A_1861 = arith.index_cast %get3A_1860 : i32 to index
        %get3A_1862 = arith.index_cast %mul3A_1859 : i32 to index
        %get3A_1863 = tpu.vector_load %arg5[%get3A_1861, %get3A_1862] {strides = array<i32>} : memref<128x128xf32, #tpu.memory_space<vmem>>, vector<16xf32>,
        %mul3A_1864 = arith.constant 16 : i32
        %mul3A_1865 = arith.muli %mul3A_1864, %scan3A_47 : i32
        %get3A_1866 = arith.constant 66 : i32
        %get3A_1867 = arith.index_cast %get3A_1866 : i32 to index
        %get3A_1868 = arith.index_cast %mul3A_1865 : i32 to index
        %get3A_1869 = tpu.vector_load %arg5[%get3A_1867, %get3A_1868] {strides = array<i32>} : memref<128x128xf32, #tpu.memory_space<vmem>>, vector<16xf32>,
        %mul3A_1870 = arith.constant 16 : i32
        %mul3A_1871 = arith.muli %mul3A_1870, %scan3A_47 : i32
        %get3A_1872 = arith.constant 67 : i32
        %get3A_1873 = arith.index_cast %get3A_1872 : i32 to index
        %get3A_1874 = arith.index_cast %mul3A_1871 : i32 to index
        %get3A_1875 = tpu.vector_load %arg5[%get3A_1873, %get3A_1874] {strides = array<i32>} : memref<128x128xf32, #tpu.memory_space<vmem>>, vector<16xf32>,
        %mul3A_1876 = arith.constant 16 : i32
        %mul3A_1877 = arith.muli %mul3A_1876, %scan3A_47 : i32
        %get3A_1878 = arith.constant 16 : i32
        %get3A_1879 = arith.index_cast %get3A_1878 : i32 to index
        %get3A_1880 = arith.index_cast %mul3A_1877 : i32 to index
        %get3A_1881 = tpu.vector_load %arg6[%get3A_1879, %get3A_1880] {strides = array<i32>} : memref<32x128xi32, #tpu.memory_space<vmem>>, vector<16xi32>,
        %add3A_1882 = arith.addf %get3A_1857, %get3A_1869 : vector<16xf32>
        %mul3A_1883 = arith.constant 5.000000e-01 : f32
        %mul3A_1884 = vector.broadcast %mul3A_1883 : f32 to vector<16xf32>
        %mul3A_1885 = arith.mulf %add3A_1882, %mul3A_1884 : vector<16xf32>
        %add3A_1886 = arith.addf %get3A_1863, %get3A_1875 : vector<16xf32>
        %mul3A_1887 = arith.constant 5.000000e-01 : f32
        %mul3A_1888 = vector.broadcast %mul3A_1887 : f32 to vector<16xf32>
        %mul3A_1889 = arith.mulf %add3A_1886, %mul3A_1888 : vector<16xf32>
        %sub3A_1890 = arith.subf %get3A_1869, %get3A_1857 : vector<16xf32>
        %sub3A_1891 = arith.subf %get3A_1875, %get3A_1863 : vector<16xf32>
        %mul3A_1892 = arith.constant 1.400000e+01 : f32
        %mul3A_1893 = vector.broadcast %mul3A_1892 : f32 to vector<16xf32>
        %mul3A_1894 = arith.mulf %mul3A_1885, %mul3A_1893 : vector<16xf32>
        %convert_element_type3A_1895 = arith.fptosi %mul3A_1894 : vector<16xf32> to vector<16xi32>
        %min3A_1896 = arith.constant 13 : i32
        %min3A_1897 = vector.broadcast %min3A_1896 : i32 to vector<16xi32>
        %min3A_1898 = arith.minsi %convert_element_type3A_1895, %min3A_1897 : vector<16xi32>
        %mul3A_1899 = arith.constant 1.400000e+01 : f32
        %mul3A_1900 = vector.broadcast %mul3A_1899 : f32 to vector<16xf32>
        %mul3A_1901 = arith.mulf %mul3A_1889, %mul3A_1900 : vector<16xf32>
        %convert_element_type3A_1902 = arith.fptosi %mul3A_1901 : vector<16xf32> to vector<16xi32>
        %min3A_1903 = arith.constant 13 : i32
        %min3A_1904 = vector.broadcast %min3A_1903 : i32 to vector<16xi32>
        %min3A_1905 = arith.minsi %convert_element_type3A_1902, %min3A_1904 : vector<16xi32>
        %max3A_1906 = arith.constant 0 : i32
        %max3A_1907 = vector.broadcast %max3A_1906 : i32 to vector<16xi32>
        %max3A_1908 = arith.maxsi %min3A_1898, %max3A_1907 : vector<16xi32>
        %max3A_1909 = arith.constant 0 : i32
        %max3A_1910 = vector.broadcast %max3A_1909 : i32 to vector<16xi32>
        %max3A_1911 = arith.maxsi %min3A_1905, %max3A_1910 : vector<16xi32>
        %mul3A_1912 = arith.constant 1.400000e+01 : f32
        %mul3A_1913 = vector.broadcast %mul3A_1912 : f32 to vector<16xf32>
        %mul3A_1914 = arith.mulf %mul3A_1885, %mul3A_1913 : vector<16xf32>
        %convert_element_type3A_1915 = arith.sitofp %max3A_1908 : vector<16xi32> to vector<16xf32>
        %sub3A_1916 = arith.subf %mul3A_1914, %convert_element_type3A_1915 : vector<16xf32>
        %mul3A_1917 = arith.constant 1.400000e+01 : f32
        %mul3A_1918 = vector.broadcast %mul3A_1917 : f32 to vector<16xf32>
        %mul3A_1919 = arith.mulf %mul3A_1889, %mul3A_1918 : vector<16xf32>
        %convert_element_type3A_1920 = arith.sitofp %max3A_1911 : vector<16xi32> to vector<16xf32>
        %sub3A_1921 = arith.subf %mul3A_1919, %convert_element_type3A_1920 : vector<16xf32>
        %mul3A_1922 = arith.constant 14 : i32
        %mul3A_1923 = vector.broadcast %mul3A_1922 : i32 to vector<16xi32>
        %mul3A_1924 = arith.muli %max3A_1911, %mul3A_1923 : vector<16xi32>
        %add3A_1925 = arith.addi %mul3A_1924, %max3A_1908 : vector<16xi32>
        %sub3A_1926 = vector.broadcast %mul3A_28 : i32 to vector<16xi32>
        %sub3A_1927 = arith.subi %add3A_1925, %sub3A_1926 : vector<16xi32>
        %ge3A_1928 = arith.constant 0 : i32
        %ge3A_1929 = vector.broadcast %ge3A_1928 : i32 to vector<16xi32>
        %ge3A_1930 = arith.cmpi sge, %sub3A_1927, %ge3A_1929 : vector<16xi32>
        %lt3A_1931 = vector.broadcast %select_n3A : i32 to vector<16xi32>
        %lt3A_1932 = arith.cmpi slt, %sub3A_1927, %lt3A_1931 : vector<16xi32>
        %and3A_1933 = arith.andi %ge3A_1930, %lt3A_1932 : vector<16xi1>
        %jit3A_1934 = arith.constant 0 : i32
        %jit3A_1935 = arith.constant 35 : i32
        %max3A_1936 = vector.broadcast %jit3A_1934 : i32 to vector<16xi32>
        %max3A_1937 = arith.maxsi %max3A_1936, %sub3A_1927 : vector<16xi32>
        %min3A_1938 = vector.broadcast %jit3A_1935 : i32 to vector<16xi32>
        %min3A_1939 = arith.minsi %min3A_1938, %max3A_1937 : vector<16xi32>
        %broadcast_in_dim3A_1940 = arith.constant 160 : i32
        %broadcast_in_dim3A_1941 = vector.broadcast %broadcast_in_dim3A_1940 : i32 to vector<16xi32>
        %add3A_1942 = arith.addi %broadcast_in_dim3A_1941, %min3A_1939 : vector<16xi32>
        %gather3A_1943 = tpu.vector_load_idx %arg7[%add3A_1942, %add3A_50] : memref<200x128xf32, #tpu.memory_space<vmem>>[vector<16xi32>, vector<16xi32>], vector<16xf32>,
        %eq3A_1944 = arith.constant 0.000000e+00 : f32
        %eq3A_1945 = vector.broadcast %eq3A_1944 : f32 to vector<16xf32>
        %eq3A_1946 = arith.cmpf oeq, %gather3A_1943, %eq3A_1945 : vector<16xf32>
        %and3A_1947 = arith.andi %and3A_1933, %eq3A_1946 : vector<16xi1>
        %broadcast_in_dim3A_1948 = arith.constant 0 : i32
        %broadcast_in_dim3A_1949 = vector.broadcast %broadcast_in_dim3A_1948 : i32 to vector<16xi32>
        %add3A_1950 = arith.addi %broadcast_in_dim3A_1949, %min3A_1939 : vector<16xi32>
        tpu.vector_store_idx %arg7[%add3A_1950, %add3A_50], %sub3A_1916 masked %and3A_1947 : memref<200x128xf32, #tpu.memory_space<vmem>>[vector<16xi32>, vector<16xi32>], vector<16xf32>, vector<16xi1>
        %broadcast_in_dim3A_1951 = arith.constant 40 : i32
        %broadcast_in_dim3A_1952 = vector.broadcast %broadcast_in_dim3A_1951 : i32 to vector<16xi32>
        %add3A_1953 = arith.addi %broadcast_in_dim3A_1952, %min3A_1939 : vector<16xi32>
        tpu.vector_store_idx %arg7[%add3A_1953, %add3A_50], %sub3A_1921 masked %and3A_1947 : memref<200x128xf32, #tpu.memory_space<vmem>>[vector<16xi32>, vector<16xi32>], vector<16xf32>, vector<16xi1>
        %broadcast_in_dim3A_1954 = arith.constant 80 : i32
        %broadcast_in_dim3A_1955 = vector.broadcast %broadcast_in_dim3A_1954 : i32 to vector<16xi32>
        %add3A_1956 = arith.addi %broadcast_in_dim3A_1955, %min3A_1939 : vector<16xi32>
        tpu.vector_store_idx %arg7[%add3A_1956, %add3A_50], %sub3A_1890 masked %and3A_1947 : memref<200x128xf32, #tpu.memory_space<vmem>>[vector<16xi32>, vector<16xi32>], vector<16xf32>, vector<16xi1>
        %broadcast_in_dim3A_1957 = arith.constant 120 : i32
        %broadcast_in_dim3A_1958 = vector.broadcast %broadcast_in_dim3A_1957 : i32 to vector<16xi32>
        %add3A_1959 = arith.addi %broadcast_in_dim3A_1958, %min3A_1939 : vector<16xi32>
        tpu.vector_store_idx %arg7[%add3A_1959, %add3A_50], %sub3A_1891 masked %and3A_1947 : memref<200x128xf32, #tpu.memory_space<vmem>>[vector<16xi32>, vector<16xi32>], vector<16xf32>, vector<16xi1>
        %broadcast_in_dim3A_1960 = arith.constant 160 : i32
        %broadcast_in_dim3A_1961 = vector.broadcast %broadcast_in_dim3A_1960 : i32 to vector<16xi32>
        %add3A_1962 = arith.addi %broadcast_in_dim3A_1961, %min3A_1939 : vector<16xi32>
        %convert_element_type3A_1963 = arith.sitofp %get3A_1881 : vector<16xi32> to vector<16xf32>
        %add3A_1964 = arith.addf %convert_element_type3A_1963, %broadcast_in_dim3A_26 : vector<16xf32>
        tpu.vector_store_idx %arg7[%add3A_1962, %add3A_50], %add3A_1964 masked %and3A_1947 : memref<200x128xf32, #tpu.memory_space<vmem>>[vector<16xi32>, vector<16xi32>], vector<16xf32>, vector<16xi1>
        %mul3A_1965 = arith.constant 16 : i32
        %mul3A_1966 = arith.muli %mul3A_1965, %scan3A_47 : i32
        %get3A_1967 = arith.constant 68 : i32
        %get3A_1968 = arith.index_cast %get3A_1967 : i32 to index
        %get3A_1969 = arith.index_cast %mul3A_1966 : i32 to index
        %get3A_1970 = tpu.vector_load %arg5[%get3A_1968, %get3A_1969] {strides = array<i32>} : memref<128x128xf32, #tpu.memory_space<vmem>>, vector<16xf32>,
        %mul3A_1971 = arith.constant 16 : i32
        %mul3A_1972 = arith.muli %mul3A_1971, %scan3A_47 : i32
        %get3A_1973 = arith.constant 69 : i32
        %get3A_1974 = arith.index_cast %get3A_1973 : i32 to index
        %get3A_1975 = arith.index_cast %mul3A_1972 : i32 to index
        %get3A_1976 = tpu.vector_load %arg5[%get3A_1974, %get3A_1975] {strides = array<i32>} : memref<128x128xf32, #tpu.memory_space<vmem>>, vector<16xf32>,
        %mul3A_1977 = arith.constant 16 : i32
        %mul3A_1978 = arith.muli %mul3A_1977, %scan3A_47 : i32
        %get3A_1979 = arith.constant 70 : i32
        %get3A_1980 = arith.index_cast %get3A_1979 : i32 to index
        %get3A_1981 = arith.index_cast %mul3A_1978 : i32 to index
        %get3A_1982 = tpu.vector_load %arg5[%get3A_1980, %get3A_1981] {strides = array<i32>} : memref<128x128xf32, #tpu.memory_space<vmem>>, vector<16xf32>,
        %mul3A_1983 = arith.constant 16 : i32
        %mul3A_1984 = arith.muli %mul3A_1983, %scan3A_47 : i32
        %get3A_1985 = arith.constant 71 : i32
        %get3A_1986 = arith.index_cast %get3A_1985 : i32 to index
        %get3A_1987 = arith.index_cast %mul3A_1984 : i32 to index
        %get3A_1988 = tpu.vector_load %arg5[%get3A_1986, %get3A_1987] {strides = array<i32>} : memref<128x128xf32, #tpu.memory_space<vmem>>, vector<16xf32>,
        %mul3A_1989 = arith.constant 16 : i32
        %mul3A_1990 = arith.muli %mul3A_1989, %scan3A_47 : i32
        %get3A_1991 = arith.constant 17 : i32
        %get3A_1992 = arith.index_cast %get3A_1991 : i32 to index
        %get3A_1993 = arith.index_cast %mul3A_1990 : i32 to index
        %get3A_1994 = tpu.vector_load %arg6[%get3A_1992, %get3A_1993] {strides = array<i32>} : memref<32x128xi32, #tpu.memory_space<vmem>>, vector<16xi32>,
        %add3A_1995 = arith.addf %get3A_1970, %get3A_1982 : vector<16xf32>
        %mul3A_1996 = arith.constant 5.000000e-01 : f32
        %mul3A_1997 = vector.broadcast %mul3A_1996 : f32 to vector<16xf32>
        %mul3A_1998 = arith.mulf %add3A_1995, %mul3A_1997 : vector<16xf32>
        %add3A_1999 = arith.addf %get3A_1976, %get3A_1988 : vector<16xf32>
        %mul3A_2000 = arith.constant 5.000000e-01 : f32
        %mul3A_2001 = vector.broadcast %mul3A_2000 : f32 to vector<16xf32>
        %mul3A_2002 = arith.mulf %add3A_1999, %mul3A_2001 : vector<16xf32>
        %sub3A_2003 = arith.subf %get3A_1982, %get3A_1970 : vector<16xf32>
        %sub3A_2004 = arith.subf %get3A_1988, %get3A_1976 : vector<16xf32>
        %mul3A_2005 = arith.constant 1.400000e+01 : f32
        %mul3A_2006 = vector.broadcast %mul3A_2005 : f32 to vector<16xf32>
        %mul3A_2007 = arith.mulf %mul3A_1998, %mul3A_2006 : vector<16xf32>
        %convert_element_type3A_2008 = arith.fptosi %mul3A_2007 : vector<16xf32> to vector<16xi32>
        %min3A_2009 = arith.constant 13 : i32
        %min3A_2010 = vector.broadcast %min3A_2009 : i32 to vector<16xi32>
        %min3A_2011 = arith.minsi %convert_element_type3A_2008, %min3A_2010 : vector<16xi32>
        %mul3A_2012 = arith.constant 1.400000e+01 : f32
        %mul3A_2013 = vector.broadcast %mul3A_2012 : f32 to vector<16xf32>
        %mul3A_2014 = arith.mulf %mul3A_2002, %mul3A_2013 : vector<16xf32>
        %convert_element_type3A_2015 = arith.fptosi %mul3A_2014 : vector<16xf32> to vector<16xi32>
        %min3A_2016 = arith.constant 13 : i32
        %min3A_2017 = vector.broadcast %min3A_2016 : i32 to vector<16xi32>
        %min3A_2018 = arith.minsi %convert_element_type3A_2015, %min3A_2017 : vector<16xi32>
        %max3A_2019 = arith.constant 0 : i32
        %max3A_2020 = vector.broadcast %max3A_2019 : i32 to vector<16xi32>
        %max3A_2021 = arith.maxsi %min3A_2011, %max3A_2020 : vector<16xi32>
        %max3A_2022 = arith.constant 0 : i32
        %max3A_2023 = vector.broadcast %max3A_2022 : i32 to vector<16xi32>
        %max3A_2024 = arith.maxsi %min3A_2018, %max3A_2023 : vector<16xi32>
        %mul3A_2025 = arith.constant 1.400000e+01 : f32
        %mul3A_2026 = vector.broadcast %mul3A_2025 : f32 to vector<16xf32>
        %mul3A_2027 = arith.mulf %mul3A_1998, %mul3A_2026 : vector<16xf32>
        %convert_element_type3A_2028 = arith.sitofp %max3A_2021 : vector<16xi32> to vector<16xf32>
        %sub3A_2029 = arith.subf %mul3A_2027, %convert_element_type3A_2028 : vector<16xf32>
        %mul3A_2030 = arith.constant 1.400000e+01 : f32
        %mul3A_2031 = vector.broadcast %mul3A_2030 : f32 to vector<16xf32>
        %mul3A_2032 = arith.mulf %mul3A_2002, %mul3A_2031 : vector<16xf32>
        %convert_element_type3A_2033 = arith.sitofp %max3A_2024 : vector<16xi32> to vector<16xf32>
        %sub3A_2034 = arith.subf %mul3A_2032, %convert_element_type3A_2033 : vector<16xf32>
        %mul3A_2035 = arith.constant 14 : i32
        %mul3A_2036 = vector.broadcast %mul3A_2035 : i32 to vector<16xi32>
        %mul3A_2037 = arith.muli %max3A_2024, %mul3A_2036 : vector<16xi32>
        %add3A_2038 = arith.addi %mul3A_2037, %max3A_2021 : vector<16xi32>
        %sub3A_2039 = vector.broadcast %mul3A_28 : i32 to vector<16xi32>
        %sub3A_2040 = arith.subi %add3A_2038, %sub3A_2039 : vector<16xi32>
        %ge3A_2041 = arith.constant 0 : i32
        %ge3A_2042 = vector.broadcast %ge3A_2041 : i32 to vector<16xi32>
        %ge3A_2043 = arith.cmpi sge, %sub3A_2040, %ge3A_2042 : vector<16xi32>
        %lt3A_2044 = vector.broadcast %select_n3A : i32 to vector<16xi32>
        %lt3A_2045 = arith.cmpi slt, %sub3A_2040, %lt3A_2044 : vector<16xi32>
        %and3A_2046 = arith.andi %ge3A_2043, %lt3A_2045 : vector<16xi1>
        %jit3A_2047 = arith.constant 0 : i32
        %jit3A_2048 = arith.constant 35 : i32
        %max3A_2049 = vector.broadcast %jit3A_2047 : i32 to vector<16xi32>
        %max3A_2050 = arith.maxsi %max3A_2049, %sub3A_2040 : vector<16xi32>
        %min3A_2051 = vector.broadcast %jit3A_2048 : i32 to vector<16xi32>
        %min3A_2052 = arith.minsi %min3A_2051, %max3A_2050 : vector<16xi32>
        %broadcast_in_dim3A_2053 = arith.constant 160 : i32
        %broadcast_in_dim3A_2054 = vector.broadcast %broadcast_in_dim3A_2053 : i32 to vector<16xi32>
        %add3A_2055 = arith.addi %broadcast_in_dim3A_2054, %min3A_2052 : vector<16xi32>
        %gather3A_2056 = tpu.vector_load_idx %arg7[%add3A_2055, %add3A_50] : memref<200x128xf32, #tpu.memory_space<vmem>>[vector<16xi32>, vector<16xi32>], vector<16xf32>,
        %eq3A_2057 = arith.constant 0.000000e+00 : f32
        %eq3A_2058 = vector.broadcast %eq3A_2057 : f32 to vector<16xf32>
        %eq3A_2059 = arith.cmpf oeq, %gather3A_2056, %eq3A_2058 : vector<16xf32>
        %and3A_2060 = arith.andi %and3A_2046, %eq3A_2059 : vector<16xi1>
        %broadcast_in_dim3A_2061 = arith.constant 0 : i32
        %broadcast_in_dim3A_2062 = vector.broadcast %broadcast_in_dim3A_2061 : i32 to vector<16xi32>
        %add3A_2063 = arith.addi %broadcast_in_dim3A_2062, %min3A_2052 : vector<16xi32>
        tpu.vector_store_idx %arg7[%add3A_2063, %add3A_50], %sub3A_2029 masked %and3A_2060 : memref<200x128xf32, #tpu.memory_space<vmem>>[vector<16xi32>, vector<16xi32>], vector<16xf32>, vector<16xi1>
        %broadcast_in_dim3A_2064 = arith.constant 40 : i32
        %broadcast_in_dim3A_2065 = vector.broadcast %broadcast_in_dim3A_2064 : i32 to vector<16xi32>
        %add3A_2066 = arith.addi %broadcast_in_dim3A_2065, %min3A_2052 : vector<16xi32>
        tpu.vector_store_idx %arg7[%add3A_2066, %add3A_50], %sub3A_2034 masked %and3A_2060 : memref<200x128xf32, #tpu.memory_space<vmem>>[vector<16xi32>, vector<16xi32>], vector<16xf32>, vector<16xi1>
        %broadcast_in_dim3A_2067 = arith.constant 80 : i32
        %broadcast_in_dim3A_2068 = vector.broadcast %broadcast_in_dim3A_2067 : i32 to vector<16xi32>
        %add3A_2069 = arith.addi %broadcast_in_dim3A_2068, %min3A_2052 : vector<16xi32>
        tpu.vector_store_idx %arg7[%add3A_2069, %add3A_50], %sub3A_2003 masked %and3A_2060 : memref<200x128xf32, #tpu.memory_space<vmem>>[vector<16xi32>, vector<16xi32>], vector<16xf32>, vector<16xi1>
        %broadcast_in_dim3A_2070 = arith.constant 120 : i32
        %broadcast_in_dim3A_2071 = vector.broadcast %broadcast_in_dim3A_2070 : i32 to vector<16xi32>
        %add3A_2072 = arith.addi %broadcast_in_dim3A_2071, %min3A_2052 : vector<16xi32>
        tpu.vector_store_idx %arg7[%add3A_2072, %add3A_50], %sub3A_2004 masked %and3A_2060 : memref<200x128xf32, #tpu.memory_space<vmem>>[vector<16xi32>, vector<16xi32>], vector<16xf32>, vector<16xi1>
        %broadcast_in_dim3A_2073 = arith.constant 160 : i32
        %broadcast_in_dim3A_2074 = vector.broadcast %broadcast_in_dim3A_2073 : i32 to vector<16xi32>
        %add3A_2075 = arith.addi %broadcast_in_dim3A_2074, %min3A_2052 : vector<16xi32>
        %convert_element_type3A_2076 = arith.sitofp %get3A_1994 : vector<16xi32> to vector<16xf32>
        %add3A_2077 = arith.addf %convert_element_type3A_2076, %broadcast_in_dim3A_26 : vector<16xf32>
        tpu.vector_store_idx %arg7[%add3A_2075, %add3A_50], %add3A_2077 masked %and3A_2060 : memref<200x128xf32, #tpu.memory_space<vmem>>[vector<16xi32>, vector<16xi32>], vector<16xf32>, vector<16xi1>
        %mul3A_2078 = arith.constant 16 : i32
        %mul3A_2079 = arith.muli %mul3A_2078, %scan3A_47 : i32
        %get3A_2080 = arith.constant 72 : i32
        %get3A_2081 = arith.index_cast %get3A_2080 : i32 to index
        %get3A_2082 = arith.index_cast %mul3A_2079 : i32 to index
        %get3A_2083 = tpu.vector_load %arg5[%get3A_2081, %get3A_2082] {strides = array<i32>} : memref<128x128xf32, #tpu.memory_space<vmem>>, vector<16xf32>,
        %mul3A_2084 = arith.constant 16 : i32
        %mul3A_2085 = arith.muli %mul3A_2084, %scan3A_47 : i32
        %get3A_2086 = arith.constant 73 : i32
        %get3A_2087 = arith.index_cast %get3A_2086 : i32 to index
        %get3A_2088 = arith.index_cast %mul3A_2085 : i32 to index
        %get3A_2089 = tpu.vector_load %arg5[%get3A_2087, %get3A_2088] {strides = array<i32>} : memref<128x128xf32, #tpu.memory_space<vmem>>, vector<16xf32>,
        %mul3A_2090 = arith.constant 16 : i32
        %mul3A_2091 = arith.muli %mul3A_2090, %scan3A_47 : i32
        %get3A_2092 = arith.constant 74 : i32
        %get3A_2093 = arith.index_cast %get3A_2092 : i32 to index
        %get3A_2094 = arith.index_cast %mul3A_2091 : i32 to index
        %get3A_2095 = tpu.vector_load %arg5[%get3A_2093, %get3A_2094] {strides = array<i32>} : memref<128x128xf32, #tpu.memory_space<vmem>>, vector<16xf32>,
        %mul3A_2096 = arith.constant 16 : i32
        %mul3A_2097 = arith.muli %mul3A_2096, %scan3A_47 : i32
        %get3A_2098 = arith.constant 75 : i32
        %get3A_2099 = arith.index_cast %get3A_2098 : i32 to index
        %get3A_2100 = arith.index_cast %mul3A_2097 : i32 to index
        %get3A_2101 = tpu.vector_load %arg5[%get3A_2099, %get3A_2100] {strides = array<i32>} : memref<128x128xf32, #tpu.memory_space<vmem>>, vector<16xf32>,
        %mul3A_2102 = arith.constant 16 : i32
        %mul3A_2103 = arith.muli %mul3A_2102, %scan3A_47 : i32
        %get3A_2104 = arith.constant 18 : i32
        %get3A_2105 = arith.index_cast %get3A_2104 : i32 to index
        %get3A_2106 = arith.index_cast %mul3A_2103 : i32 to index
        %get3A_2107 = tpu.vector_load %arg6[%get3A_2105, %get3A_2106] {strides = array<i32>} : memref<32x128xi32, #tpu.memory_space<vmem>>, vector<16xi32>,
        %add3A_2108 = arith.addf %get3A_2083, %get3A_2095 : vector<16xf32>
        %mul3A_2109 = arith.constant 5.000000e-01 : f32
        %mul3A_2110 = vector.broadcast %mul3A_2109 : f32 to vector<16xf32>
        %mul3A_2111 = arith.mulf %add3A_2108, %mul3A_2110 : vector<16xf32>
        %add3A_2112 = arith.addf %get3A_2089, %get3A_2101 : vector<16xf32>
        %mul3A_2113 = arith.constant 5.000000e-01 : f32
        %mul3A_2114 = vector.broadcast %mul3A_2113 : f32 to vector<16xf32>
        %mul3A_2115 = arith.mulf %add3A_2112, %mul3A_2114 : vector<16xf32>
        %sub3A_2116 = arith.subf %get3A_2095, %get3A_2083 : vector<16xf32>
        %sub3A_2117 = arith.subf %get3A_2101, %get3A_2089 : vector<16xf32>
        %mul3A_2118 = arith.constant 1.400000e+01 : f32
        %mul3A_2119 = vector.broadcast %mul3A_2118 : f32 to vector<16xf32>
        %mul3A_2120 = arith.mulf %mul3A_2111, %mul3A_2119 : vector<16xf32>
        %convert_element_type3A_2121 = arith.fptosi %mul3A_2120 : vector<16xf32> to vector<16xi32>
        %min3A_2122 = arith.constant 13 : i32
        %min3A_2123 = vector.broadcast %min3A_2122 : i32 to vector<16xi32>
        %min3A_2124 = arith.minsi %convert_element_type3A_2121, %min3A_2123 : vector<16xi32>
        %mul3A_2125 = arith.constant 1.400000e+01 : f32
        %mul3A_2126 = vector.broadcast %mul3A_2125 : f32 to vector<16xf32>
        %mul3A_2127 = arith.mulf %mul3A_2115, %mul3A_2126 : vector<16xf32>
        %convert_element_type3A_2128 = arith.fptosi %mul3A_2127 : vector<16xf32> to vector<16xi32>
        %min3A_2129 = arith.constant 13 : i32
        %min3A_2130 = vector.broadcast %min3A_2129 : i32 to vector<16xi32>
        %min3A_2131 = arith.minsi %convert_element_type3A_2128, %min3A_2130 : vector<16xi32>
        %max3A_2132 = arith.constant 0 : i32
        %max3A_2133 = vector.broadcast %max3A_2132 : i32 to vector<16xi32>
        %max3A_2134 = arith.maxsi %min3A_2124, %max3A_2133 : vector<16xi32>
        %max3A_2135 = arith.constant 0 : i32
        %max3A_2136 = vector.broadcast %max3A_2135 : i32 to vector<16xi32>
        %max3A_2137 = arith.maxsi %min3A_2131, %max3A_2136 : vector<16xi32>
        %mul3A_2138 = arith.constant 1.400000e+01 : f32
        %mul3A_2139 = vector.broadcast %mul3A_2138 : f32 to vector<16xf32>
        %mul3A_2140 = arith.mulf %mul3A_2111, %mul3A_2139 : vector<16xf32>
        %convert_element_type3A_2141 = arith.sitofp %max3A_2134 : vector<16xi32> to vector<16xf32>
        %sub3A_2142 = arith.subf %mul3A_2140, %convert_element_type3A_2141 : vector<16xf32>
        %mul3A_2143 = arith.constant 1.400000e+01 : f32
        %mul3A_2144 = vector.broadcast %mul3A_2143 : f32 to vector<16xf32>
        %mul3A_2145 = arith.mulf %mul3A_2115, %mul3A_2144 : vector<16xf32>
        %convert_element_type3A_2146 = arith.sitofp %max3A_2137 : vector<16xi32> to vector<16xf32>
        %sub3A_2147 = arith.subf %mul3A_2145, %convert_element_type3A_2146 : vector<16xf32>
        %mul3A_2148 = arith.constant 14 : i32
        %mul3A_2149 = vector.broadcast %mul3A_2148 : i32 to vector<16xi32>
        %mul3A_2150 = arith.muli %max3A_2137, %mul3A_2149 : vector<16xi32>
        %add3A_2151 = arith.addi %mul3A_2150, %max3A_2134 : vector<16xi32>
        %sub3A_2152 = vector.broadcast %mul3A_28 : i32 to vector<16xi32>
        %sub3A_2153 = arith.subi %add3A_2151, %sub3A_2152 : vector<16xi32>
        %ge3A_2154 = arith.constant 0 : i32
        %ge3A_2155 = vector.broadcast %ge3A_2154 : i32 to vector<16xi32>
        %ge3A_2156 = arith.cmpi sge, %sub3A_2153, %ge3A_2155 : vector<16xi32>
        %lt3A_2157 = vector.broadcast %select_n3A : i32 to vector<16xi32>
        %lt3A_2158 = arith.cmpi slt, %sub3A_2153, %lt3A_2157 : vector<16xi32>
        %and3A_2159 = arith.andi %ge3A_2156, %lt3A_2158 : vector<16xi1>
        %jit3A_2160 = arith.constant 0 : i32
        %jit3A_2161 = arith.constant 35 : i32
        %max3A_2162 = vector.broadcast %jit3A_2160 : i32 to vector<16xi32>
        %max3A_2163 = arith.maxsi %max3A_2162, %sub3A_2153 : vector<16xi32>
        %min3A_2164 = vector.broadcast %jit3A_2161 : i32 to vector<16xi32>
        %min3A_2165 = arith.minsi %min3A_2164, %max3A_2163 : vector<16xi32>
        %broadcast_in_dim3A_2166 = arith.constant 160 : i32
        %broadcast_in_dim3A_2167 = vector.broadcast %broadcast_in_dim3A_2166 : i32 to vector<16xi32>
        %add3A_2168 = arith.addi %broadcast_in_dim3A_2167, %min3A_2165 : vector<16xi32>
        %gather3A_2169 = tpu.vector_load_idx %arg7[%add3A_2168, %add3A_50] : memref<200x128xf32, #tpu.memory_space<vmem>>[vector<16xi32>, vector<16xi32>], vector<16xf32>,
        %eq3A_2170 = arith.constant 0.000000e+00 : f32
        %eq3A_2171 = vector.broadcast %eq3A_2170 : f32 to vector<16xf32>
        %eq3A_2172 = arith.cmpf oeq, %gather3A_2169, %eq3A_2171 : vector<16xf32>
        %and3A_2173 = arith.andi %and3A_2159, %eq3A_2172 : vector<16xi1>
        %broadcast_in_dim3A_2174 = arith.constant 0 : i32
        %broadcast_in_dim3A_2175 = vector.broadcast %broadcast_in_dim3A_2174 : i32 to vector<16xi32>
        %add3A_2176 = arith.addi %broadcast_in_dim3A_2175, %min3A_2165 : vector<16xi32>
        tpu.vector_store_idx %arg7[%add3A_2176, %add3A_50], %sub3A_2142 masked %and3A_2173 : memref<200x128xf32, #tpu.memory_space<vmem>>[vector<16xi32>, vector<16xi32>], vector<16xf32>, vector<16xi1>
        %broadcast_in_dim3A_2177 = arith.constant 40 : i32
        %broadcast_in_dim3A_2178 = vector.broadcast %broadcast_in_dim3A_2177 : i32 to vector<16xi32>
        %add3A_2179 = arith.addi %broadcast_in_dim3A_2178, %min3A_2165 : vector<16xi32>
        tpu.vector_store_idx %arg7[%add3A_2179, %add3A_50], %sub3A_2147 masked %and3A_2173 : memref<200x128xf32, #tpu.memory_space<vmem>>[vector<16xi32>, vector<16xi32>], vector<16xf32>, vector<16xi1>
        %broadcast_in_dim3A_2180 = arith.constant 80 : i32
        %broadcast_in_dim3A_2181 = vector.broadcast %broadcast_in_dim3A_2180 : i32 to vector<16xi32>
        %add3A_2182 = arith.addi %broadcast_in_dim3A_2181, %min3A_2165 : vector<16xi32>
        tpu.vector_store_idx %arg7[%add3A_2182, %add3A_50], %sub3A_2116 masked %and3A_2173 : memref<200x128xf32, #tpu.memory_space<vmem>>[vector<16xi32>, vector<16xi32>], vector<16xf32>, vector<16xi1>
        %broadcast_in_dim3A_2183 = arith.constant 120 : i32
        %broadcast_in_dim3A_2184 = vector.broadcast %broadcast_in_dim3A_2183 : i32 to vector<16xi32>
        %add3A_2185 = arith.addi %broadcast_in_dim3A_2184, %min3A_2165 : vector<16xi32>
        tpu.vector_store_idx %arg7[%add3A_2185, %add3A_50], %sub3A_2117 masked %and3A_2173 : memref<200x128xf32, #tpu.memory_space<vmem>>[vector<16xi32>, vector<16xi32>], vector<16xf32>, vector<16xi1>
        %broadcast_in_dim3A_2186 = arith.constant 160 : i32
        %broadcast_in_dim3A_2187 = vector.broadcast %broadcast_in_dim3A_2186 : i32 to vector<16xi32>
        %add3A_2188 = arith.addi %broadcast_in_dim3A_2187, %min3A_2165 : vector<16xi32>
        %convert_element_type3A_2189 = arith.sitofp %get3A_2107 : vector<16xi32> to vector<16xf32>
        %add3A_2190 = arith.addf %convert_element_type3A_2189, %broadcast_in_dim3A_26 : vector<16xf32>
        tpu.vector_store_idx %arg7[%add3A_2188, %add3A_50], %add3A_2190 masked %and3A_2173 : memref<200x128xf32, #tpu.memory_space<vmem>>[vector<16xi32>, vector<16xi32>], vector<16xf32>, vector<16xi1>
        %mul3A_2191 = arith.constant 16 : i32
        %mul3A_2192 = arith.muli %mul3A_2191, %scan3A_47 : i32
        %get3A_2193 = arith.constant 76 : i32
        %get3A_2194 = arith.index_cast %get3A_2193 : i32 to index
        %get3A_2195 = arith.index_cast %mul3A_2192 : i32 to index
        %get3A_2196 = tpu.vector_load %arg5[%get3A_2194, %get3A_2195] {strides = array<i32>} : memref<128x128xf32, #tpu.memory_space<vmem>>, vector<16xf32>,
        %mul3A_2197 = arith.constant 16 : i32
        %mul3A_2198 = arith.muli %mul3A_2197, %scan3A_47 : i32
        %get3A_2199 = arith.constant 77 : i32
        %get3A_2200 = arith.index_cast %get3A_2199 : i32 to index
        %get3A_2201 = arith.index_cast %mul3A_2198 : i32 to index
        %get3A_2202 = tpu.vector_load %arg5[%get3A_2200, %get3A_2201] {strides = array<i32>} : memref<128x128xf32, #tpu.memory_space<vmem>>, vector<16xf32>,
        %mul3A_2203 = arith.constant 16 : i32
        %mul3A_2204 = arith.muli %mul3A_2203, %scan3A_47 : i32
        %get3A_2205 = arith.constant 78 : i32
        %get3A_2206 = arith.index_cast %get3A_2205 : i32 to index
        %get3A_2207 = arith.index_cast %mul3A_2204 : i32 to index
        %get3A_2208 = tpu.vector_load %arg5[%get3A_2206, %get3A_2207] {strides = array<i32>} : memref<128x128xf32, #tpu.memory_space<vmem>>, vector<16xf32>,
        %mul3A_2209 = arith.constant 16 : i32
        %mul3A_2210 = arith.muli %mul3A_2209, %scan3A_47 : i32
        %get3A_2211 = arith.constant 79 : i32
        %get3A_2212 = arith.index_cast %get3A_2211 : i32 to index
        %get3A_2213 = arith.index_cast %mul3A_2210 : i32 to index
        %get3A_2214 = tpu.vector_load %arg5[%get3A_2212, %get3A_2213] {strides = array<i32>} : memref<128x128xf32, #tpu.memory_space<vmem>>, vector<16xf32>,
        %mul3A_2215 = arith.constant 16 : i32
        %mul3A_2216 = arith.muli %mul3A_2215, %scan3A_47 : i32
        %get3A_2217 = arith.constant 19 : i32
        %get3A_2218 = arith.index_cast %get3A_2217 : i32 to index
        %get3A_2219 = arith.index_cast %mul3A_2216 : i32 to index
        %get3A_2220 = tpu.vector_load %arg6[%get3A_2218, %get3A_2219] {strides = array<i32>} : memref<32x128xi32, #tpu.memory_space<vmem>>, vector<16xi32>,
        %add3A_2221 = arith.addf %get3A_2196, %get3A_2208 : vector<16xf32>
        %mul3A_2222 = arith.constant 5.000000e-01 : f32
        %mul3A_2223 = vector.broadcast %mul3A_2222 : f32 to vector<16xf32>
        %mul3A_2224 = arith.mulf %add3A_2221, %mul3A_2223 : vector<16xf32>
        %add3A_2225 = arith.addf %get3A_2202, %get3A_2214 : vector<16xf32>
        %mul3A_2226 = arith.constant 5.000000e-01 : f32
        %mul3A_2227 = vector.broadcast %mul3A_2226 : f32 to vector<16xf32>
        %mul3A_2228 = arith.mulf %add3A_2225, %mul3A_2227 : vector<16xf32>
        %sub3A_2229 = arith.subf %get3A_2208, %get3A_2196 : vector<16xf32>
        %sub3A_2230 = arith.subf %get3A_2214, %get3A_2202 : vector<16xf32>
        %mul3A_2231 = arith.constant 1.400000e+01 : f32
        %mul3A_2232 = vector.broadcast %mul3A_2231 : f32 to vector<16xf32>
        %mul3A_2233 = arith.mulf %mul3A_2224, %mul3A_2232 : vector<16xf32>
        %convert_element_type3A_2234 = arith.fptosi %mul3A_2233 : vector<16xf32> to vector<16xi32>
        %min3A_2235 = arith.constant 13 : i32
        %min3A_2236 = vector.broadcast %min3A_2235 : i32 to vector<16xi32>
        %min3A_2237 = arith.minsi %convert_element_type3A_2234, %min3A_2236 : vector<16xi32>
        %mul3A_2238 = arith.constant 1.400000e+01 : f32
        %mul3A_2239 = vector.broadcast %mul3A_2238 : f32 to vector<16xf32>
        %mul3A_2240 = arith.mulf %mul3A_2228, %mul3A_2239 : vector<16xf32>
        %convert_element_type3A_2241 = arith.fptosi %mul3A_2240 : vector<16xf32> to vector<16xi32>
        %min3A_2242 = arith.constant 13 : i32
        %min3A_2243 = vector.broadcast %min3A_2242 : i32 to vector<16xi32>
        %min3A_2244 = arith.minsi %convert_element_type3A_2241, %min3A_2243 : vector<16xi32>
        %max3A_2245 = arith.constant 0 : i32
        %max3A_2246 = vector.broadcast %max3A_2245 : i32 to vector<16xi32>
        %max3A_2247 = arith.maxsi %min3A_2237, %max3A_2246 : vector<16xi32>
        %max3A_2248 = arith.constant 0 : i32
        %max3A_2249 = vector.broadcast %max3A_2248 : i32 to vector<16xi32>
        %max3A_2250 = arith.maxsi %min3A_2244, %max3A_2249 : vector<16xi32>
        %mul3A_2251 = arith.constant 1.400000e+01 : f32
        %mul3A_2252 = vector.broadcast %mul3A_2251 : f32 to vector<16xf32>
        %mul3A_2253 = arith.mulf %mul3A_2224, %mul3A_2252 : vector<16xf32>
        %convert_element_type3A_2254 = arith.sitofp %max3A_2247 : vector<16xi32> to vector<16xf32>
        %sub3A_2255 = arith.subf %mul3A_2253, %convert_element_type3A_2254 : vector<16xf32>
        %mul3A_2256 = arith.constant 1.400000e+01 : f32
        %mul3A_2257 = vector.broadcast %mul3A_2256 : f32 to vector<16xf32>
        %mul3A_2258 = arith.mulf %mul3A_2228, %mul3A_2257 : vector<16xf32>
        %convert_element_type3A_2259 = arith.sitofp %max3A_2250 : vector<16xi32> to vector<16xf32>
        %sub3A_2260 = arith.subf %mul3A_2258, %convert_element_type3A_2259 : vector<16xf32>
        %mul3A_2261 = arith.constant 14 : i32
        %mul3A_2262 = vector.broadcast %mul3A_2261 : i32 to vector<16xi32>
        %mul3A_2263 = arith.muli %max3A_2250, %mul3A_2262 : vector<16xi32>
        %add3A_2264 = arith.addi %mul3A_2263, %max3A_2247 : vector<16xi32>
        %sub3A_2265 = vector.broadcast %mul3A_28 : i32 to vector<16xi32>
        %sub3A_2266 = arith.subi %add3A_2264, %sub3A_2265 : vector<16xi32>
        %ge3A_2267 = arith.constant 0 : i32
        %ge3A_2268 = vector.broadcast %ge3A_2267 : i32 to vector<16xi32>
        %ge3A_2269 = arith.cmpi sge, %sub3A_2266, %ge3A_2268 : vector<16xi32>
        %lt3A_2270 = vector.broadcast %select_n3A : i32 to vector<16xi32>
        %lt3A_2271 = arith.cmpi slt, %sub3A_2266, %lt3A_2270 : vector<16xi32>
        %and3A_2272 = arith.andi %ge3A_2269, %lt3A_2271 : vector<16xi1>
        %jit3A_2273 = arith.constant 0 : i32
        %jit3A_2274 = arith.constant 35 : i32
        %max3A_2275 = vector.broadcast %jit3A_2273 : i32 to vector<16xi32>
        %max3A_2276 = arith.maxsi %max3A_2275, %sub3A_2266 : vector<16xi32>
        %min3A_2277 = vector.broadcast %jit3A_2274 : i32 to vector<16xi32>
        %min3A_2278 = arith.minsi %min3A_2277, %max3A_2276 : vector<16xi32>
        %broadcast_in_dim3A_2279 = arith.constant 160 : i32
        %broadcast_in_dim3A_2280 = vector.broadcast %broadcast_in_dim3A_2279 : i32 to vector<16xi32>
        %add3A_2281 = arith.addi %broadcast_in_dim3A_2280, %min3A_2278 : vector<16xi32>
        %gather3A_2282 = tpu.vector_load_idx %arg7[%add3A_2281, %add3A_50] : memref<200x128xf32, #tpu.memory_space<vmem>>[vector<16xi32>, vector<16xi32>], vector<16xf32>,
        %eq3A_2283 = arith.constant 0.000000e+00 : f32
        %eq3A_2284 = vector.broadcast %eq3A_2283 : f32 to vector<16xf32>
        %eq3A_2285 = arith.cmpf oeq, %gather3A_2282, %eq3A_2284 : vector<16xf32>
        %and3A_2286 = arith.andi %and3A_2272, %eq3A_2285 : vector<16xi1>
        %broadcast_in_dim3A_2287 = arith.constant 0 : i32
        %broadcast_in_dim3A_2288 = vector.broadcast %broadcast_in_dim3A_2287 : i32 to vector<16xi32>
        %add3A_2289 = arith.addi %broadcast_in_dim3A_2288, %min3A_2278 : vector<16xi32>
        tpu.vector_store_idx %arg7[%add3A_2289, %add3A_50], %sub3A_2255 masked %and3A_2286 : memref<200x128xf32, #tpu.memory_space<vmem>>[vector<16xi32>, vector<16xi32>], vector<16xf32>, vector<16xi1>
        %broadcast_in_dim3A_2290 = arith.constant 40 : i32
        %broadcast_in_dim3A_2291 = vector.broadcast %broadcast_in_dim3A_2290 : i32 to vector<16xi32>
        %add3A_2292 = arith.addi %broadcast_in_dim3A_2291, %min3A_2278 : vector<16xi32>
        tpu.vector_store_idx %arg7[%add3A_2292, %add3A_50], %sub3A_2260 masked %and3A_2286 : memref<200x128xf32, #tpu.memory_space<vmem>>[vector<16xi32>, vector<16xi32>], vector<16xf32>, vector<16xi1>
        %broadcast_in_dim3A_2293 = arith.constant 80 : i32
        %broadcast_in_dim3A_2294 = vector.broadcast %broadcast_in_dim3A_2293 : i32 to vector<16xi32>
        %add3A_2295 = arith.addi %broadcast_in_dim3A_2294, %min3A_2278 : vector<16xi32>
        tpu.vector_store_idx %arg7[%add3A_2295, %add3A_50], %sub3A_2229 masked %and3A_2286 : memref<200x128xf32, #tpu.memory_space<vmem>>[vector<16xi32>, vector<16xi32>], vector<16xf32>, vector<16xi1>
        %broadcast_in_dim3A_2296 = arith.constant 120 : i32
        %broadcast_in_dim3A_2297 = vector.broadcast %broadcast_in_dim3A_2296 : i32 to vector<16xi32>
        %add3A_2298 = arith.addi %broadcast_in_dim3A_2297, %min3A_2278 : vector<16xi32>
        tpu.vector_store_idx %arg7[%add3A_2298, %add3A_50], %sub3A_2230 masked %and3A_2286 : memref<200x128xf32, #tpu.memory_space<vmem>>[vector<16xi32>, vector<16xi32>], vector<16xf32>, vector<16xi1>
        %broadcast_in_dim3A_2299 = arith.constant 160 : i32
        %broadcast_in_dim3A_2300 = vector.broadcast %broadcast_in_dim3A_2299 : i32 to vector<16xi32>
        %add3A_2301 = arith.addi %broadcast_in_dim3A_2300, %min3A_2278 : vector<16xi32>
        %convert_element_type3A_2302 = arith.sitofp %get3A_2220 : vector<16xi32> to vector<16xf32>
        %add3A_2303 = arith.addf %convert_element_type3A_2302, %broadcast_in_dim3A_26 : vector<16xf32>
        tpu.vector_store_idx %arg7[%add3A_2301, %add3A_50], %add3A_2303 masked %and3A_2286 : memref<200x128xf32, #tpu.memory_space<vmem>>[vector<16xi32>, vector<16xi32>], vector<16xf32>, vector<16xi1>
        %mul3A_2304 = arith.constant 16 : i32
        %mul3A_2305 = arith.muli %mul3A_2304, %scan3A_47 : i32
        %get3A_2306 = arith.constant 80 : i32
        %get3A_2307 = arith.index_cast %get3A_2306 : i32 to index
        %get3A_2308 = arith.index_cast %mul3A_2305 : i32 to index
        %get3A_2309 = tpu.vector_load %arg5[%get3A_2307, %get3A_2308] {strides = array<i32>} : memref<128x128xf32, #tpu.memory_space<vmem>>, vector<16xf32>,
        %mul3A_2310 = arith.constant 16 : i32
        %mul3A_2311 = arith.muli %mul3A_2310, %scan3A_47 : i32
        %get3A_2312 = arith.constant 81 : i32
        %get3A_2313 = arith.index_cast %get3A_2312 : i32 to index
        %get3A_2314 = arith.index_cast %mul3A_2311 : i32 to index
        %get3A_2315 = tpu.vector_load %arg5[%get3A_2313, %get3A_2314] {strides = array<i32>} : memref<128x128xf32, #tpu.memory_space<vmem>>, vector<16xf32>,
        %mul3A_2316 = arith.constant 16 : i32
        %mul3A_2317 = arith.muli %mul3A_2316, %scan3A_47 : i32
        %get3A_2318 = arith.constant 82 : i32
        %get3A_2319 = arith.index_cast %get3A_2318 : i32 to index
        %get3A_2320 = arith.index_cast %mul3A_2317 : i32 to index
        %get3A_2321 = tpu.vector_load %arg5[%get3A_2319, %get3A_2320] {strides = array<i32>} : memref<128x128xf32, #tpu.memory_space<vmem>>, vector<16xf32>,
        %mul3A_2322 = arith.constant 16 : i32
        %mul3A_2323 = arith.muli %mul3A_2322, %scan3A_47 : i32
        %get3A_2324 = arith.constant 83 : i32
        %get3A_2325 = arith.index_cast %get3A_2324 : i32 to index
        %get3A_2326 = arith.index_cast %mul3A_2323 : i32 to index
        %get3A_2327 = tpu.vector_load %arg5[%get3A_2325, %get3A_2326] {strides = array<i32>} : memref<128x128xf32, #tpu.memory_space<vmem>>, vector<16xf32>,
        %mul3A_2328 = arith.constant 16 : i32
        %mul3A_2329 = arith.muli %mul3A_2328, %scan3A_47 : i32
        %get3A_2330 = arith.constant 20 : i32
        %get3A_2331 = arith.index_cast %get3A_2330 : i32 to index
        %get3A_2332 = arith.index_cast %mul3A_2329 : i32 to index
        %get3A_2333 = tpu.vector_load %arg6[%get3A_2331, %get3A_2332] {strides = array<i32>} : memref<32x128xi32, #tpu.memory_space<vmem>>, vector<16xi32>,
        %add3A_2334 = arith.addf %get3A_2309, %get3A_2321 : vector<16xf32>
        %mul3A_2335 = arith.constant 5.000000e-01 : f32
        %mul3A_2336 = vector.broadcast %mul3A_2335 : f32 to vector<16xf32>
        %mul3A_2337 = arith.mulf %add3A_2334, %mul3A_2336 : vector<16xf32>
        %add3A_2338 = arith.addf %get3A_2315, %get3A_2327 : vector<16xf32>
        %mul3A_2339 = arith.constant 5.000000e-01 : f32
        %mul3A_2340 = vector.broadcast %mul3A_2339 : f32 to vector<16xf32>
        %mul3A_2341 = arith.mulf %add3A_2338, %mul3A_2340 : vector<16xf32>
        %sub3A_2342 = arith.subf %get3A_2321, %get3A_2309 : vector<16xf32>
        %sub3A_2343 = arith.subf %get3A_2327, %get3A_2315 : vector<16xf32>
        %mul3A_2344 = arith.constant 1.400000e+01 : f32
        %mul3A_2345 = vector.broadcast %mul3A_2344 : f32 to vector<16xf32>
        %mul3A_2346 = arith.mulf %mul3A_2337, %mul3A_2345 : vector<16xf32>
        %convert_element_type3A_2347 = arith.fptosi %mul3A_2346 : vector<16xf32> to vector<16xi32>
        %min3A_2348 = arith.constant 13 : i32
        %min3A_2349 = vector.broadcast %min3A_2348 : i32 to vector<16xi32>
        %min3A_2350 = arith.minsi %convert_element_type3A_2347, %min3A_2349 : vector<16xi32>
        %mul3A_2351 = arith.constant 1.400000e+01 : f32
        %mul3A_2352 = vector.broadcast %mul3A_2351 : f32 to vector<16xf32>
        %mul3A_2353 = arith.mulf %mul3A_2341, %mul3A_2352 : vector<16xf32>
        %convert_element_type3A_2354 = arith.fptosi %mul3A_2353 : vector<16xf32> to vector<16xi32>
        %min3A_2355 = arith.constant 13 : i32
        %min3A_2356 = vector.broadcast %min3A_2355 : i32 to vector<16xi32>
        %min3A_2357 = arith.minsi %convert_element_type3A_2354, %min3A_2356 : vector<16xi32>
        %max3A_2358 = arith.constant 0 : i32
        %max3A_2359 = vector.broadcast %max3A_2358 : i32 to vector<16xi32>
        %max3A_2360 = arith.maxsi %min3A_2350, %max3A_2359 : vector<16xi32>
        %max3A_2361 = arith.constant 0 : i32
        %max3A_2362 = vector.broadcast %max3A_2361 : i32 to vector<16xi32>
        %max3A_2363 = arith.maxsi %min3A_2357, %max3A_2362 : vector<16xi32>
        %mul3A_2364 = arith.constant 1.400000e+01 : f32
        %mul3A_2365 = vector.broadcast %mul3A_2364 : f32 to vector<16xf32>
        %mul3A_2366 = arith.mulf %mul3A_2337, %mul3A_2365 : vector<16xf32>
        %convert_element_type3A_2367 = arith.sitofp %max3A_2360 : vector<16xi32> to vector<16xf32>
        %sub3A_2368 = arith.subf %mul3A_2366, %convert_element_type3A_2367 : vector<16xf32>
        %mul3A_2369 = arith.constant 1.400000e+01 : f32
        %mul3A_2370 = vector.broadcast %mul3A_2369 : f32 to vector<16xf32>
        %mul3A_2371 = arith.mulf %mul3A_2341, %mul3A_2370 : vector<16xf32>
        %convert_element_type3A_2372 = arith.sitofp %max3A_2363 : vector<16xi32> to vector<16xf32>
        %sub3A_2373 = arith.subf %mul3A_2371, %convert_element_type3A_2372 : vector<16xf32>
        %mul3A_2374 = arith.constant 14 : i32
        %mul3A_2375 = vector.broadcast %mul3A_2374 : i32 to vector<16xi32>
        %mul3A_2376 = arith.muli %max3A_2363, %mul3A_2375 : vector<16xi32>
        %add3A_2377 = arith.addi %mul3A_2376, %max3A_2360 : vector<16xi32>
        %sub3A_2378 = vector.broadcast %mul3A_28 : i32 to vector<16xi32>
        %sub3A_2379 = arith.subi %add3A_2377, %sub3A_2378 : vector<16xi32>
        %ge3A_2380 = arith.constant 0 : i32
        %ge3A_2381 = vector.broadcast %ge3A_2380 : i32 to vector<16xi32>
        %ge3A_2382 = arith.cmpi sge, %sub3A_2379, %ge3A_2381 : vector<16xi32>
        %lt3A_2383 = vector.broadcast %select_n3A : i32 to vector<16xi32>
        %lt3A_2384 = arith.cmpi slt, %sub3A_2379, %lt3A_2383 : vector<16xi32>
        %and3A_2385 = arith.andi %ge3A_2382, %lt3A_2384 : vector<16xi1>
        %jit3A_2386 = arith.constant 0 : i32
        %jit3A_2387 = arith.constant 35 : i32
        %max3A_2388 = vector.broadcast %jit3A_2386 : i32 to vector<16xi32>
        %max3A_2389 = arith.maxsi %max3A_2388, %sub3A_2379 : vector<16xi32>
        %min3A_2390 = vector.broadcast %jit3A_2387 : i32 to vector<16xi32>
        %min3A_2391 = arith.minsi %min3A_2390, %max3A_2389 : vector<16xi32>
        %broadcast_in_dim3A_2392 = arith.constant 160 : i32
        %broadcast_in_dim3A_2393 = vector.broadcast %broadcast_in_dim3A_2392 : i32 to vector<16xi32>
        %add3A_2394 = arith.addi %broadcast_in_dim3A_2393, %min3A_2391 : vector<16xi32>
        %gather3A_2395 = tpu.vector_load_idx %arg7[%add3A_2394, %add3A_50] : memref<200x128xf32, #tpu.memory_space<vmem>>[vector<16xi32>, vector<16xi32>], vector<16xf32>,
        %eq3A_2396 = arith.constant 0.000000e+00 : f32
        %eq3A_2397 = vector.broadcast %eq3A_2396 : f32 to vector<16xf32>
        %eq3A_2398 = arith.cmpf oeq, %gather3A_2395, %eq3A_2397 : vector<16xf32>
        %and3A_2399 = arith.andi %and3A_2385, %eq3A_2398 : vector<16xi1>
        %broadcast_in_dim3A_2400 = arith.constant 0 : i32
        %broadcast_in_dim3A_2401 = vector.broadcast %broadcast_in_dim3A_2400 : i32 to vector<16xi32>
        %add3A_2402 = arith.addi %broadcast_in_dim3A_2401, %min3A_2391 : vector<16xi32>
        tpu.vector_store_idx %arg7[%add3A_2402, %add3A_50], %sub3A_2368 masked %and3A_2399 : memref<200x128xf32, #tpu.memory_space<vmem>>[vector<16xi32>, vector<16xi32>], vector<16xf32>, vector<16xi1>
        %broadcast_in_dim3A_2403 = arith.constant 40 : i32
        %broadcast_in_dim3A_2404 = vector.broadcast %broadcast_in_dim3A_2403 : i32 to vector<16xi32>
        %add3A_2405 = arith.addi %broadcast_in_dim3A_2404, %min3A_2391 : vector<16xi32>
        tpu.vector_store_idx %arg7[%add3A_2405, %add3A_50], %sub3A_2373 masked %and3A_2399 : memref<200x128xf32, #tpu.memory_space<vmem>>[vector<16xi32>, vector<16xi32>], vector<16xf32>, vector<16xi1>
        %broadcast_in_dim3A_2406 = arith.constant 80 : i32
        %broadcast_in_dim3A_2407 = vector.broadcast %broadcast_in_dim3A_2406 : i32 to vector<16xi32>
        %add3A_2408 = arith.addi %broadcast_in_dim3A_2407, %min3A_2391 : vector<16xi32>
        tpu.vector_store_idx %arg7[%add3A_2408, %add3A_50], %sub3A_2342 masked %and3A_2399 : memref<200x128xf32, #tpu.memory_space<vmem>>[vector<16xi32>, vector<16xi32>], vector<16xf32>, vector<16xi1>
        %broadcast_in_dim3A_2409 = arith.constant 120 : i32
        %broadcast_in_dim3A_2410 = vector.broadcast %broadcast_in_dim3A_2409 : i32 to vector<16xi32>
        %add3A_2411 = arith.addi %broadcast_in_dim3A_2410, %min3A_2391 : vector<16xi32>
        tpu.vector_store_idx %arg7[%add3A_2411, %add3A_50], %sub3A_2343 masked %and3A_2399 : memref<200x128xf32, #tpu.memory_space<vmem>>[vector<16xi32>, vector<16xi32>], vector<16xf32>, vector<16xi1>
        %broadcast_in_dim3A_2412 = arith.constant 160 : i32
        %broadcast_in_dim3A_2413 = vector.broadcast %broadcast_in_dim3A_2412 : i32 to vector<16xi32>
        %add3A_2414 = arith.addi %broadcast_in_dim3A_2413, %min3A_2391 : vector<16xi32>
        %convert_element_type3A_2415 = arith.sitofp %get3A_2333 : vector<16xi32> to vector<16xf32>
        %add3A_2416 = arith.addf %convert_element_type3A_2415, %broadcast_in_dim3A_26 : vector<16xf32>
        tpu.vector_store_idx %arg7[%add3A_2414, %add3A_50], %add3A_2416 masked %and3A_2399 : memref<200x128xf32, #tpu.memory_space<vmem>>[vector<16xi32>, vector<16xi32>], vector<16xf32>, vector<16xi1>
        %mul3A_2417 = arith.constant 16 : i32
        %mul3A_2418 = arith.muli %mul3A_2417, %scan3A_47 : i32
        %get3A_2419 = arith.constant 84 : i32
        %get3A_2420 = arith.index_cast %get3A_2419 : i32 to index
        %get3A_2421 = arith.index_cast %mul3A_2418 : i32 to index
        %get3A_2422 = tpu.vector_load %arg5[%get3A_2420, %get3A_2421] {strides = array<i32>} : memref<128x128xf32, #tpu.memory_space<vmem>>, vector<16xf32>,
        %mul3A_2423 = arith.constant 16 : i32
        %mul3A_2424 = arith.muli %mul3A_2423, %scan3A_47 : i32
        %get3A_2425 = arith.constant 85 : i32
        %get3A_2426 = arith.index_cast %get3A_2425 : i32 to index
        %get3A_2427 = arith.index_cast %mul3A_2424 : i32 to index
        %get3A_2428 = tpu.vector_load %arg5[%get3A_2426, %get3A_2427] {strides = array<i32>} : memref<128x128xf32, #tpu.memory_space<vmem>>, vector<16xf32>,
        %mul3A_2429 = arith.constant 16 : i32
        %mul3A_2430 = arith.muli %mul3A_2429, %scan3A_47 : i32
        %get3A_2431 = arith.constant 86 : i32
        %get3A_2432 = arith.index_cast %get3A_2431 : i32 to index
        %get3A_2433 = arith.index_cast %mul3A_2430 : i32 to index
        %get3A_2434 = tpu.vector_load %arg5[%get3A_2432, %get3A_2433] {strides = array<i32>} : memref<128x128xf32, #tpu.memory_space<vmem>>, vector<16xf32>,
        %mul3A_2435 = arith.constant 16 : i32
        %mul3A_2436 = arith.muli %mul3A_2435, %scan3A_47 : i32
        %get3A_2437 = arith.constant 87 : i32
        %get3A_2438 = arith.index_cast %get3A_2437 : i32 to index
        %get3A_2439 = arith.index_cast %mul3A_2436 : i32 to index
        %get3A_2440 = tpu.vector_load %arg5[%get3A_2438, %get3A_2439] {strides = array<i32>} : memref<128x128xf32, #tpu.memory_space<vmem>>, vector<16xf32>,
        %mul3A_2441 = arith.constant 16 : i32
        %mul3A_2442 = arith.muli %mul3A_2441, %scan3A_47 : i32
        %get3A_2443 = arith.constant 21 : i32
        %get3A_2444 = arith.index_cast %get3A_2443 : i32 to index
        %get3A_2445 = arith.index_cast %mul3A_2442 : i32 to index
        %get3A_2446 = tpu.vector_load %arg6[%get3A_2444, %get3A_2445] {strides = array<i32>} : memref<32x128xi32, #tpu.memory_space<vmem>>, vector<16xi32>,
        %add3A_2447 = arith.addf %get3A_2422, %get3A_2434 : vector<16xf32>
        %mul3A_2448 = arith.constant 5.000000e-01 : f32
        %mul3A_2449 = vector.broadcast %mul3A_2448 : f32 to vector<16xf32>
        %mul3A_2450 = arith.mulf %add3A_2447, %mul3A_2449 : vector<16xf32>
        %add3A_2451 = arith.addf %get3A_2428, %get3A_2440 : vector<16xf32>
        %mul3A_2452 = arith.constant 5.000000e-01 : f32
        %mul3A_2453 = vector.broadcast %mul3A_2452 : f32 to vector<16xf32>
        %mul3A_2454 = arith.mulf %add3A_2451, %mul3A_2453 : vector<16xf32>
        %sub3A_2455 = arith.subf %get3A_2434, %get3A_2422 : vector<16xf32>
        %sub3A_2456 = arith.subf %get3A_2440, %get3A_2428 : vector<16xf32>
        %mul3A_2457 = arith.constant 1.400000e+01 : f32
        %mul3A_2458 = vector.broadcast %mul3A_2457 : f32 to vector<16xf32>
        %mul3A_2459 = arith.mulf %mul3A_2450, %mul3A_2458 : vector<16xf32>
        %convert_element_type3A_2460 = arith.fptosi %mul3A_2459 : vector<16xf32> to vector<16xi32>
        %min3A_2461 = arith.constant 13 : i32
        %min3A_2462 = vector.broadcast %min3A_2461 : i32 to vector<16xi32>
        %min3A_2463 = arith.minsi %convert_element_type3A_2460, %min3A_2462 : vector<16xi32>
        %mul3A_2464 = arith.constant 1.400000e+01 : f32
        %mul3A_2465 = vector.broadcast %mul3A_2464 : f32 to vector<16xf32>
        %mul3A_2466 = arith.mulf %mul3A_2454, %mul3A_2465 : vector<16xf32>
        %convert_element_type3A_2467 = arith.fptosi %mul3A_2466 : vector<16xf32> to vector<16xi32>
        %min3A_2468 = arith.constant 13 : i32
        %min3A_2469 = vector.broadcast %min3A_2468 : i32 to vector<16xi32>
        %min3A_2470 = arith.minsi %convert_element_type3A_2467, %min3A_2469 : vector<16xi32>
        %max3A_2471 = arith.constant 0 : i32
        %max3A_2472 = vector.broadcast %max3A_2471 : i32 to vector<16xi32>
        %max3A_2473 = arith.maxsi %min3A_2463, %max3A_2472 : vector<16xi32>
        %max3A_2474 = arith.constant 0 : i32
        %max3A_2475 = vector.broadcast %max3A_2474 : i32 to vector<16xi32>
        %max3A_2476 = arith.maxsi %min3A_2470, %max3A_2475 : vector<16xi32>
        %mul3A_2477 = arith.constant 1.400000e+01 : f32
        %mul3A_2478 = vector.broadcast %mul3A_2477 : f32 to vector<16xf32>
        %mul3A_2479 = arith.mulf %mul3A_2450, %mul3A_2478 : vector<16xf32>
        %convert_element_type3A_2480 = arith.sitofp %max3A_2473 : vector<16xi32> to vector<16xf32>
        %sub3A_2481 = arith.subf %mul3A_2479, %convert_element_type3A_2480 : vector<16xf32>
        %mul3A_2482 = arith.constant 1.400000e+01 : f32
        %mul3A_2483 = vector.broadcast %mul3A_2482 : f32 to vector<16xf32>
        %mul3A_2484 = arith.mulf %mul3A_2454, %mul3A_2483 : vector<16xf32>
        %convert_element_type3A_2485 = arith.sitofp %max3A_2476 : vector<16xi32> to vector<16xf32>
        %sub3A_2486 = arith.subf %mul3A_2484, %convert_element_type3A_2485 : vector<16xf32>
        %mul3A_2487 = arith.constant 14 : i32
        %mul3A_2488 = vector.broadcast %mul3A_2487 : i32 to vector<16xi32>
        %mul3A_2489 = arith.muli %max3A_2476, %mul3A_2488 : vector<16xi32>
        %add3A_2490 = arith.addi %mul3A_2489, %max3A_2473 : vector<16xi32>
        %sub3A_2491 = vector.broadcast %mul3A_28 : i32 to vector<16xi32>
        %sub3A_2492 = arith.subi %add3A_2490, %sub3A_2491 : vector<16xi32>
        %ge3A_2493 = arith.constant 0 : i32
        %ge3A_2494 = vector.broadcast %ge3A_2493 : i32 to vector<16xi32>
        %ge3A_2495 = arith.cmpi sge, %sub3A_2492, %ge3A_2494 : vector<16xi32>
        %lt3A_2496 = vector.broadcast %select_n3A : i32 to vector<16xi32>
        %lt3A_2497 = arith.cmpi slt, %sub3A_2492, %lt3A_2496 : vector<16xi32>
        %and3A_2498 = arith.andi %ge3A_2495, %lt3A_2497 : vector<16xi1>
        %jit3A_2499 = arith.constant 0 : i32
        %jit3A_2500 = arith.constant 35 : i32
        %max3A_2501 = vector.broadcast %jit3A_2499 : i32 to vector<16xi32>
        %max3A_2502 = arith.maxsi %max3A_2501, %sub3A_2492 : vector<16xi32>
        %min3A_2503 = vector.broadcast %jit3A_2500 : i32 to vector<16xi32>
        %min3A_2504 = arith.minsi %min3A_2503, %max3A_2502 : vector<16xi32>
        %broadcast_in_dim3A_2505 = arith.constant 160 : i32
        %broadcast_in_dim3A_2506 = vector.broadcast %broadcast_in_dim3A_2505 : i32 to vector<16xi32>
        %add3A_2507 = arith.addi %broadcast_in_dim3A_2506, %min3A_2504 : vector<16xi32>
        %gather3A_2508 = tpu.vector_load_idx %arg7[%add3A_2507, %add3A_50] : memref<200x128xf32, #tpu.memory_space<vmem>>[vector<16xi32>, vector<16xi32>], vector<16xf32>,
        %eq3A_2509 = arith.constant 0.000000e+00 : f32
        %eq3A_2510 = vector.broadcast %eq3A_2509 : f32 to vector<16xf32>
        %eq3A_2511 = arith.cmpf oeq, %gather3A_2508, %eq3A_2510 : vector<16xf32>
        %and3A_2512 = arith.andi %and3A_2498, %eq3A_2511 : vector<16xi1>
        %broadcast_in_dim3A_2513 = arith.constant 0 : i32
        %broadcast_in_dim3A_2514 = vector.broadcast %broadcast_in_dim3A_2513 : i32 to vector<16xi32>
        %add3A_2515 = arith.addi %broadcast_in_dim3A_2514, %min3A_2504 : vector<16xi32>
        tpu.vector_store_idx %arg7[%add3A_2515, %add3A_50], %sub3A_2481 masked %and3A_2512 : memref<200x128xf32, #tpu.memory_space<vmem>>[vector<16xi32>, vector<16xi32>], vector<16xf32>, vector<16xi1>
        %broadcast_in_dim3A_2516 = arith.constant 40 : i32
        %broadcast_in_dim3A_2517 = vector.broadcast %broadcast_in_dim3A_2516 : i32 to vector<16xi32>
        %add3A_2518 = arith.addi %broadcast_in_dim3A_2517, %min3A_2504 : vector<16xi32>
        tpu.vector_store_idx %arg7[%add3A_2518, %add3A_50], %sub3A_2486 masked %and3A_2512 : memref<200x128xf32, #tpu.memory_space<vmem>>[vector<16xi32>, vector<16xi32>], vector<16xf32>, vector<16xi1>
        %broadcast_in_dim3A_2519 = arith.constant 80 : i32
        %broadcast_in_dim3A_2520 = vector.broadcast %broadcast_in_dim3A_2519 : i32 to vector<16xi32>
        %add3A_2521 = arith.addi %broadcast_in_dim3A_2520, %min3A_2504 : vector<16xi32>
        tpu.vector_store_idx %arg7[%add3A_2521, %add3A_50], %sub3A_2455 masked %and3A_2512 : memref<200x128xf32, #tpu.memory_space<vmem>>[vector<16xi32>, vector<16xi32>], vector<16xf32>, vector<16xi1>
        %broadcast_in_dim3A_2522 = arith.constant 120 : i32
        %broadcast_in_dim3A_2523 = vector.broadcast %broadcast_in_dim3A_2522 : i32 to vector<16xi32>
        %add3A_2524 = arith.addi %broadcast_in_dim3A_2523, %min3A_2504 : vector<16xi32>
        tpu.vector_store_idx %arg7[%add3A_2524, %add3A_50], %sub3A_2456 masked %and3A_2512 : memref<200x128xf32, #tpu.memory_space<vmem>>[vector<16xi32>, vector<16xi32>], vector<16xf32>, vector<16xi1>
        %broadcast_in_dim3A_2525 = arith.constant 160 : i32
        %broadcast_in_dim3A_2526 = vector.broadcast %broadcast_in_dim3A_2525 : i32 to vector<16xi32>
        %add3A_2527 = arith.addi %broadcast_in_dim3A_2526, %min3A_2504 : vector<16xi32>
        %convert_element_type3A_2528 = arith.sitofp %get3A_2446 : vector<16xi32> to vector<16xf32>
        %add3A_2529 = arith.addf %convert_element_type3A_2528, %broadcast_in_dim3A_26 : vector<16xf32>
        tpu.vector_store_idx %arg7[%add3A_2527, %add3A_50], %add3A_2529 masked %and3A_2512 : memref<200x128xf32, #tpu.memory_space<vmem>>[vector<16xi32>, vector<16xi32>], vector<16xf32>, vector<16xi1>
        %mul3A_2530 = arith.constant 16 : i32
        %mul3A_2531 = arith.muli %mul3A_2530, %scan3A_47 : i32
        %get3A_2532 = arith.constant 88 : i32
        %get3A_2533 = arith.index_cast %get3A_2532 : i32 to index
        %get3A_2534 = arith.index_cast %mul3A_2531 : i32 to index
        %get3A_2535 = tpu.vector_load %arg5[%get3A_2533, %get3A_2534] {strides = array<i32>} : memref<128x128xf32, #tpu.memory_space<vmem>>, vector<16xf32>,
        %mul3A_2536 = arith.constant 16 : i32
        %mul3A_2537 = arith.muli %mul3A_2536, %scan3A_47 : i32
        %get3A_2538 = arith.constant 89 : i32
        %get3A_2539 = arith.index_cast %get3A_2538 : i32 to index
        %get3A_2540 = arith.index_cast %mul3A_2537 : i32 to index
        %get3A_2541 = tpu.vector_load %arg5[%get3A_2539, %get3A_2540] {strides = array<i32>} : memref<128x128xf32, #tpu.memory_space<vmem>>, vector<16xf32>,
        %mul3A_2542 = arith.constant 16 : i32
        %mul3A_2543 = arith.muli %mul3A_2542, %scan3A_47 : i32
        %get3A_2544 = arith.constant 90 : i32
        %get3A_2545 = arith.index_cast %get3A_2544 : i32 to index
        %get3A_2546 = arith.index_cast %mul3A_2543 : i32 to index
        %get3A_2547 = tpu.vector_load %arg5[%get3A_2545, %get3A_2546] {strides = array<i32>} : memref<128x128xf32, #tpu.memory_space<vmem>>, vector<16xf32>,
        %mul3A_2548 = arith.constant 16 : i32
        %mul3A_2549 = arith.muli %mul3A_2548, %scan3A_47 : i32
        %get3A_2550 = arith.constant 91 : i32
        %get3A_2551 = arith.index_cast %get3A_2550 : i32 to index
        %get3A_2552 = arith.index_cast %mul3A_2549 : i32 to index
        %get3A_2553 = tpu.vector_load %arg5[%get3A_2551, %get3A_2552] {strides = array<i32>} : memref<128x128xf32, #tpu.memory_space<vmem>>, vector<16xf32>,
        %mul3A_2554 = arith.constant 16 : i32
        %mul3A_2555 = arith.muli %mul3A_2554, %scan3A_47 : i32
        %get3A_2556 = arith.constant 22 : i32
        %get3A_2557 = arith.index_cast %get3A_2556 : i32 to index
        %get3A_2558 = arith.index_cast %mul3A_2555 : i32 to index
        %get3A_2559 = tpu.vector_load %arg6[%get3A_2557, %get3A_2558] {strides = array<i32>} : memref<32x128xi32, #tpu.memory_space<vmem>>, vector<16xi32>,
        %add3A_2560 = arith.addf %get3A_2535, %get3A_2547 : vector<16xf32>
        %mul3A_2561 = arith.constant 5.000000e-01 : f32
        %mul3A_2562 = vector.broadcast %mul3A_2561 : f32 to vector<16xf32>
        %mul3A_2563 = arith.mulf %add3A_2560, %mul3A_2562 : vector<16xf32>
        %add3A_2564 = arith.addf %get3A_2541, %get3A_2553 : vector<16xf32>
        %mul3A_2565 = arith.constant 5.000000e-01 : f32
        %mul3A_2566 = vector.broadcast %mul3A_2565 : f32 to vector<16xf32>
        %mul3A_2567 = arith.mulf %add3A_2564, %mul3A_2566 : vector<16xf32>
        %sub3A_2568 = arith.subf %get3A_2547, %get3A_2535 : vector<16xf32>
        %sub3A_2569 = arith.subf %get3A_2553, %get3A_2541 : vector<16xf32>
        %mul3A_2570 = arith.constant 1.400000e+01 : f32
        %mul3A_2571 = vector.broadcast %mul3A_2570 : f32 to vector<16xf32>
        %mul3A_2572 = arith.mulf %mul3A_2563, %mul3A_2571 : vector<16xf32>
        %convert_element_type3A_2573 = arith.fptosi %mul3A_2572 : vector<16xf32> to vector<16xi32>
        %min3A_2574 = arith.constant 13 : i32
        %min3A_2575 = vector.broadcast %min3A_2574 : i32 to vector<16xi32>
        %min3A_2576 = arith.minsi %convert_element_type3A_2573, %min3A_2575 : vector<16xi32>
        %mul3A_2577 = arith.constant 1.400000e+01 : f32
        %mul3A_2578 = vector.broadcast %mul3A_2577 : f32 to vector<16xf32>
        %mul3A_2579 = arith.mulf %mul3A_2567, %mul3A_2578 : vector<16xf32>
        %convert_element_type3A_2580 = arith.fptosi %mul3A_2579 : vector<16xf32> to vector<16xi32>
        %min3A_2581 = arith.constant 13 : i32
        %min3A_2582 = vector.broadcast %min3A_2581 : i32 to vector<16xi32>
        %min3A_2583 = arith.minsi %convert_element_type3A_2580, %min3A_2582 : vector<16xi32>
        %max3A_2584 = arith.constant 0 : i32
        %max3A_2585 = vector.broadcast %max3A_2584 : i32 to vector<16xi32>
        %max3A_2586 = arith.maxsi %min3A_2576, %max3A_2585 : vector<16xi32>
        %max3A_2587 = arith.constant 0 : i32
        %max3A_2588 = vector.broadcast %max3A_2587 : i32 to vector<16xi32>
        %max3A_2589 = arith.maxsi %min3A_2583, %max3A_2588 : vector<16xi32>
        %mul3A_2590 = arith.constant 1.400000e+01 : f32
        %mul3A_2591 = vector.broadcast %mul3A_2590 : f32 to vector<16xf32>
        %mul3A_2592 = arith.mulf %mul3A_2563, %mul3A_2591 : vector<16xf32>
        %convert_element_type3A_2593 = arith.sitofp %max3A_2586 : vector<16xi32> to vector<16xf32>
        %sub3A_2594 = arith.subf %mul3A_2592, %convert_element_type3A_2593 : vector<16xf32>
        %mul3A_2595 = arith.constant 1.400000e+01 : f32
        %mul3A_2596 = vector.broadcast %mul3A_2595 : f32 to vector<16xf32>
        %mul3A_2597 = arith.mulf %mul3A_2567, %mul3A_2596 : vector<16xf32>
        %convert_element_type3A_2598 = arith.sitofp %max3A_2589 : vector<16xi32> to vector<16xf32>
        %sub3A_2599 = arith.subf %mul3A_2597, %convert_element_type3A_2598 : vector<16xf32>
        %mul3A_2600 = arith.constant 14 : i32
        %mul3A_2601 = vector.broadcast %mul3A_2600 : i32 to vector<16xi32>
        %mul3A_2602 = arith.muli %max3A_2589, %mul3A_2601 : vector<16xi32>
        %add3A_2603 = arith.addi %mul3A_2602, %max3A_2586 : vector<16xi32>
        %sub3A_2604 = vector.broadcast %mul3A_28 : i32 to vector<16xi32>
        %sub3A_2605 = arith.subi %add3A_2603, %sub3A_2604 : vector<16xi32>
        %ge3A_2606 = arith.constant 0 : i32
        %ge3A_2607 = vector.broadcast %ge3A_2606 : i32 to vector<16xi32>
        %ge3A_2608 = arith.cmpi sge, %sub3A_2605, %ge3A_2607 : vector<16xi32>
        %lt3A_2609 = vector.broadcast %select_n3A : i32 to vector<16xi32>
        %lt3A_2610 = arith.cmpi slt, %sub3A_2605, %lt3A_2609 : vector<16xi32>
        %and3A_2611 = arith.andi %ge3A_2608, %lt3A_2610 : vector<16xi1>
        %jit3A_2612 = arith.constant 0 : i32
        %jit3A_2613 = arith.constant 35 : i32
        %max3A_2614 = vector.broadcast %jit3A_2612 : i32 to vector<16xi32>
        %max3A_2615 = arith.maxsi %max3A_2614, %sub3A_2605 : vector<16xi32>
        %min3A_2616 = vector.broadcast %jit3A_2613 : i32 to vector<16xi32>
        %min3A_2617 = arith.minsi %min3A_2616, %max3A_2615 : vector<16xi32>
        %broadcast_in_dim3A_2618 = arith.constant 160 : i32
        %broadcast_in_dim3A_2619 = vector.broadcast %broadcast_in_dim3A_2618 : i32 to vector<16xi32>
        %add3A_2620 = arith.addi %broadcast_in_dim3A_2619, %min3A_2617 : vector<16xi32>
        %gather3A_2621 = tpu.vector_load_idx %arg7[%add3A_2620, %add3A_50] : memref<200x128xf32, #tpu.memory_space<vmem>>[vector<16xi32>, vector<16xi32>], vector<16xf32>,
        %eq3A_2622 = arith.constant 0.000000e+00 : f32
        %eq3A_2623 = vector.broadcast %eq3A_2622 : f32 to vector<16xf32>
        %eq3A_2624 = arith.cmpf oeq, %gather3A_2621, %eq3A_2623 : vector<16xf32>
        %and3A_2625 = arith.andi %and3A_2611, %eq3A_2624 : vector<16xi1>
        %broadcast_in_dim3A_2626 = arith.constant 0 : i32
        %broadcast_in_dim3A_2627 = vector.broadcast %broadcast_in_dim3A_2626 : i32 to vector<16xi32>
        %add3A_2628 = arith.addi %broadcast_in_dim3A_2627, %min3A_2617 : vector<16xi32>
        tpu.vector_store_idx %arg7[%add3A_2628, %add3A_50], %sub3A_2594 masked %and3A_2625 : memref<200x128xf32, #tpu.memory_space<vmem>>[vector<16xi32>, vector<16xi32>], vector<16xf32>, vector<16xi1>
        %broadcast_in_dim3A_2629 = arith.constant 40 : i32
        %broadcast_in_dim3A_2630 = vector.broadcast %broadcast_in_dim3A_2629 : i32 to vector<16xi32>
        %add3A_2631 = arith.addi %broadcast_in_dim3A_2630, %min3A_2617 : vector<16xi32>
        tpu.vector_store_idx %arg7[%add3A_2631, %add3A_50], %sub3A_2599 masked %and3A_2625 : memref<200x128xf32, #tpu.memory_space<vmem>>[vector<16xi32>, vector<16xi32>], vector<16xf32>, vector<16xi1>
        %broadcast_in_dim3A_2632 = arith.constant 80 : i32
        %broadcast_in_dim3A_2633 = vector.broadcast %broadcast_in_dim3A_2632 : i32 to vector<16xi32>
        %add3A_2634 = arith.addi %broadcast_in_dim3A_2633, %min3A_2617 : vector<16xi32>
        tpu.vector_store_idx %arg7[%add3A_2634, %add3A_50], %sub3A_2568 masked %and3A_2625 : memref<200x128xf32, #tpu.memory_space<vmem>>[vector<16xi32>, vector<16xi32>], vector<16xf32>, vector<16xi1>
        %broadcast_in_dim3A_2635 = arith.constant 120 : i32
        %broadcast_in_dim3A_2636 = vector.broadcast %broadcast_in_dim3A_2635 : i32 to vector<16xi32>
        %add3A_2637 = arith.addi %broadcast_in_dim3A_2636, %min3A_2617 : vector<16xi32>
        tpu.vector_store_idx %arg7[%add3A_2637, %add3A_50], %sub3A_2569 masked %and3A_2625 : memref<200x128xf32, #tpu.memory_space<vmem>>[vector<16xi32>, vector<16xi32>], vector<16xf32>, vector<16xi1>
        %broadcast_in_dim3A_2638 = arith.constant 160 : i32
        %broadcast_in_dim3A_2639 = vector.broadcast %broadcast_in_dim3A_2638 : i32 to vector<16xi32>
        %add3A_2640 = arith.addi %broadcast_in_dim3A_2639, %min3A_2617 : vector<16xi32>
        %convert_element_type3A_2641 = arith.sitofp %get3A_2559 : vector<16xi32> to vector<16xf32>
        %add3A_2642 = arith.addf %convert_element_type3A_2641, %broadcast_in_dim3A_26 : vector<16xf32>
        tpu.vector_store_idx %arg7[%add3A_2640, %add3A_50], %add3A_2642 masked %and3A_2625 : memref<200x128xf32, #tpu.memory_space<vmem>>[vector<16xi32>, vector<16xi32>], vector<16xf32>, vector<16xi1>
        %mul3A_2643 = arith.constant 16 : i32
        %mul3A_2644 = arith.muli %mul3A_2643, %scan3A_47 : i32
        %get3A_2645 = arith.constant 92 : i32
        %get3A_2646 = arith.index_cast %get3A_2645 : i32 to index
        %get3A_2647 = arith.index_cast %mul3A_2644 : i32 to index
        %get3A_2648 = tpu.vector_load %arg5[%get3A_2646, %get3A_2647] {strides = array<i32>} : memref<128x128xf32, #tpu.memory_space<vmem>>, vector<16xf32>,
        %mul3A_2649 = arith.constant 16 : i32
        %mul3A_2650 = arith.muli %mul3A_2649, %scan3A_47 : i32
        %get3A_2651 = arith.constant 93 : i32
        %get3A_2652 = arith.index_cast %get3A_2651 : i32 to index
        %get3A_2653 = arith.index_cast %mul3A_2650 : i32 to index
        %get3A_2654 = tpu.vector_load %arg5[%get3A_2652, %get3A_2653] {strides = array<i32>} : memref<128x128xf32, #tpu.memory_space<vmem>>, vector<16xf32>,
        %mul3A_2655 = arith.constant 16 : i32
        %mul3A_2656 = arith.muli %mul3A_2655, %scan3A_47 : i32
        %get3A_2657 = arith.constant 94 : i32
        %get3A_2658 = arith.index_cast %get3A_2657 : i32 to index
        %get3A_2659 = arith.index_cast %mul3A_2656 : i32 to index
        %get3A_2660 = tpu.vector_load %arg5[%get3A_2658, %get3A_2659] {strides = array<i32>} : memref<128x128xf32, #tpu.memory_space<vmem>>, vector<16xf32>,
        %mul3A_2661 = arith.constant 16 : i32
        %mul3A_2662 = arith.muli %mul3A_2661, %scan3A_47 : i32
        %get3A_2663 = arith.constant 95 : i32
        %get3A_2664 = arith.index_cast %get3A_2663 : i32 to index
        %get3A_2665 = arith.index_cast %mul3A_2662 : i32 to index
        %get3A_2666 = tpu.vector_load %arg5[%get3A_2664, %get3A_2665] {strides = array<i32>} : memref<128x128xf32, #tpu.memory_space<vmem>>, vector<16xf32>,
        %mul3A_2667 = arith.constant 16 : i32
        %mul3A_2668 = arith.muli %mul3A_2667, %scan3A_47 : i32
        %get3A_2669 = arith.constant 23 : i32
        %get3A_2670 = arith.index_cast %get3A_2669 : i32 to index
        %get3A_2671 = arith.index_cast %mul3A_2668 : i32 to index
        %get3A_2672 = tpu.vector_load %arg6[%get3A_2670, %get3A_2671] {strides = array<i32>} : memref<32x128xi32, #tpu.memory_space<vmem>>, vector<16xi32>,
        %add3A_2673 = arith.addf %get3A_2648, %get3A_2660 : vector<16xf32>
        %mul3A_2674 = arith.constant 5.000000e-01 : f32
        %mul3A_2675 = vector.broadcast %mul3A_2674 : f32 to vector<16xf32>
        %mul3A_2676 = arith.mulf %add3A_2673, %mul3A_2675 : vector<16xf32>
        %add3A_2677 = arith.addf %get3A_2654, %get3A_2666 : vector<16xf32>
        %mul3A_2678 = arith.constant 5.000000e-01 : f32
        %mul3A_2679 = vector.broadcast %mul3A_2678 : f32 to vector<16xf32>
        %mul3A_2680 = arith.mulf %add3A_2677, %mul3A_2679 : vector<16xf32>
        %sub3A_2681 = arith.subf %get3A_2660, %get3A_2648 : vector<16xf32>
        %sub3A_2682 = arith.subf %get3A_2666, %get3A_2654 : vector<16xf32>
        %mul3A_2683 = arith.constant 1.400000e+01 : f32
        %mul3A_2684 = vector.broadcast %mul3A_2683 : f32 to vector<16xf32>
        %mul3A_2685 = arith.mulf %mul3A_2676, %mul3A_2684 : vector<16xf32>
        %convert_element_type3A_2686 = arith.fptosi %mul3A_2685 : vector<16xf32> to vector<16xi32>
        %min3A_2687 = arith.constant 13 : i32
        %min3A_2688 = vector.broadcast %min3A_2687 : i32 to vector<16xi32>
        %min3A_2689 = arith.minsi %convert_element_type3A_2686, %min3A_2688 : vector<16xi32>
        %mul3A_2690 = arith.constant 1.400000e+01 : f32
        %mul3A_2691 = vector.broadcast %mul3A_2690 : f32 to vector<16xf32>
        %mul3A_2692 = arith.mulf %mul3A_2680, %mul3A_2691 : vector<16xf32>
        %convert_element_type3A_2693 = arith.fptosi %mul3A_2692 : vector<16xf32> to vector<16xi32>
        %min3A_2694 = arith.constant 13 : i32
        %min3A_2695 = vector.broadcast %min3A_2694 : i32 to vector<16xi32>
        %min3A_2696 = arith.minsi %convert_element_type3A_2693, %min3A_2695 : vector<16xi32>
        %max3A_2697 = arith.constant 0 : i32
        %max3A_2698 = vector.broadcast %max3A_2697 : i32 to vector<16xi32>
        %max3A_2699 = arith.maxsi %min3A_2689, %max3A_2698 : vector<16xi32>
        %max3A_2700 = arith.constant 0 : i32
        %max3A_2701 = vector.broadcast %max3A_2700 : i32 to vector<16xi32>
        %max3A_2702 = arith.maxsi %min3A_2696, %max3A_2701 : vector<16xi32>
        %mul3A_2703 = arith.constant 1.400000e+01 : f32
        %mul3A_2704 = vector.broadcast %mul3A_2703 : f32 to vector<16xf32>
        %mul3A_2705 = arith.mulf %mul3A_2676, %mul3A_2704 : vector<16xf32>
        %convert_element_type3A_2706 = arith.sitofp %max3A_2699 : vector<16xi32> to vector<16xf32>
        %sub3A_2707 = arith.subf %mul3A_2705, %convert_element_type3A_2706 : vector<16xf32>
        %mul3A_2708 = arith.constant 1.400000e+01 : f32
        %mul3A_2709 = vector.broadcast %mul3A_2708 : f32 to vector<16xf32>
        %mul3A_2710 = arith.mulf %mul3A_2680, %mul3A_2709 : vector<16xf32>
        %convert_element_type3A_2711 = arith.sitofp %max3A_2702 : vector<16xi32> to vector<16xf32>
        %sub3A_2712 = arith.subf %mul3A_2710, %convert_element_type3A_2711 : vector<16xf32>
        %mul3A_2713 = arith.constant 14 : i32
        %mul3A_2714 = vector.broadcast %mul3A_2713 : i32 to vector<16xi32>
        %mul3A_2715 = arith.muli %max3A_2702, %mul3A_2714 : vector<16xi32>
        %add3A_2716 = arith.addi %mul3A_2715, %max3A_2699 : vector<16xi32>
        %sub3A_2717 = vector.broadcast %mul3A_28 : i32 to vector<16xi32>
        %sub3A_2718 = arith.subi %add3A_2716, %sub3A_2717 : vector<16xi32>
        %ge3A_2719 = arith.constant 0 : i32
        %ge3A_2720 = vector.broadcast %ge3A_2719 : i32 to vector<16xi32>
        %ge3A_2721 = arith.cmpi sge, %sub3A_2718, %ge3A_2720 : vector<16xi32>
        %lt3A_2722 = vector.broadcast %select_n3A : i32 to vector<16xi32>
        %lt3A_2723 = arith.cmpi slt, %sub3A_2718, %lt3A_2722 : vector<16xi32>
        %and3A_2724 = arith.andi %ge3A_2721, %lt3A_2723 : vector<16xi1>
        %jit3A_2725 = arith.constant 0 : i32
        %jit3A_2726 = arith.constant 35 : i32
        %max3A_2727 = vector.broadcast %jit3A_2725 : i32 to vector<16xi32>
        %max3A_2728 = arith.maxsi %max3A_2727, %sub3A_2718 : vector<16xi32>
        %min3A_2729 = vector.broadcast %jit3A_2726 : i32 to vector<16xi32>
        %min3A_2730 = arith.minsi %min3A_2729, %max3A_2728 : vector<16xi32>
        %broadcast_in_dim3A_2731 = arith.constant 160 : i32
        %broadcast_in_dim3A_2732 = vector.broadcast %broadcast_in_dim3A_2731 : i32 to vector<16xi32>
        %add3A_2733 = arith.addi %broadcast_in_dim3A_2732, %min3A_2730 : vector<16xi32>
        %gather3A_2734 = tpu.vector_load_idx %arg7[%add3A_2733, %add3A_50] : memref<200x128xf32, #tpu.memory_space<vmem>>[vector<16xi32>, vector<16xi32>], vector<16xf32>,
        %eq3A_2735 = arith.constant 0.000000e+00 : f32
        %eq3A_2736 = vector.broadcast %eq3A_2735 : f32 to vector<16xf32>
        %eq3A_2737 = arith.cmpf oeq, %gather3A_2734, %eq3A_2736 : vector<16xf32>
        %and3A_2738 = arith.andi %and3A_2724, %eq3A_2737 : vector<16xi1>
        %broadcast_in_dim3A_2739 = arith.constant 0 : i32
        %broadcast_in_dim3A_2740 = vector.broadcast %broadcast_in_dim3A_2739 : i32 to vector<16xi32>
        %add3A_2741 = arith.addi %broadcast_in_dim3A_2740, %min3A_2730 : vector<16xi32>
        tpu.vector_store_idx %arg7[%add3A_2741, %add3A_50], %sub3A_2707 masked %and3A_2738 : memref<200x128xf32, #tpu.memory_space<vmem>>[vector<16xi32>, vector<16xi32>], vector<16xf32>, vector<16xi1>
        %broadcast_in_dim3A_2742 = arith.constant 40 : i32
        %broadcast_in_dim3A_2743 = vector.broadcast %broadcast_in_dim3A_2742 : i32 to vector<16xi32>
        %add3A_2744 = arith.addi %broadcast_in_dim3A_2743, %min3A_2730 : vector<16xi32>
        tpu.vector_store_idx %arg7[%add3A_2744, %add3A_50], %sub3A_2712 masked %and3A_2738 : memref<200x128xf32, #tpu.memory_space<vmem>>[vector<16xi32>, vector<16xi32>], vector<16xf32>, vector<16xi1>
        %broadcast_in_dim3A_2745 = arith.constant 80 : i32
        %broadcast_in_dim3A_2746 = vector.broadcast %broadcast_in_dim3A_2745 : i32 to vector<16xi32>
        %add3A_2747 = arith.addi %broadcast_in_dim3A_2746, %min3A_2730 : vector<16xi32>
        tpu.vector_store_idx %arg7[%add3A_2747, %add3A_50], %sub3A_2681 masked %and3A_2738 : memref<200x128xf32, #tpu.memory_space<vmem>>[vector<16xi32>, vector<16xi32>], vector<16xf32>, vector<16xi1>
        %broadcast_in_dim3A_2748 = arith.constant 120 : i32
        %broadcast_in_dim3A_2749 = vector.broadcast %broadcast_in_dim3A_2748 : i32 to vector<16xi32>
        %add3A_2750 = arith.addi %broadcast_in_dim3A_2749, %min3A_2730 : vector<16xi32>
        tpu.vector_store_idx %arg7[%add3A_2750, %add3A_50], %sub3A_2682 masked %and3A_2738 : memref<200x128xf32, #tpu.memory_space<vmem>>[vector<16xi32>, vector<16xi32>], vector<16xf32>, vector<16xi1>
        %broadcast_in_dim3A_2751 = arith.constant 160 : i32
        %broadcast_in_dim3A_2752 = vector.broadcast %broadcast_in_dim3A_2751 : i32 to vector<16xi32>
        %add3A_2753 = arith.addi %broadcast_in_dim3A_2752, %min3A_2730 : vector<16xi32>
        %convert_element_type3A_2754 = arith.sitofp %get3A_2672 : vector<16xi32> to vector<16xf32>
        %add3A_2755 = arith.addf %convert_element_type3A_2754, %broadcast_in_dim3A_26 : vector<16xf32>
        tpu.vector_store_idx %arg7[%add3A_2753, %add3A_50], %add3A_2755 masked %and3A_2738 : memref<200x128xf32, #tpu.memory_space<vmem>>[vector<16xi32>, vector<16xi32>], vector<16xf32>, vector<16xi1>
        %mul3A_2756 = arith.constant 16 : i32
        %mul3A_2757 = arith.muli %mul3A_2756, %scan3A_47 : i32
        %get3A_2758 = arith.constant 96 : i32
        %get3A_2759 = arith.index_cast %get3A_2758 : i32 to index
        %get3A_2760 = arith.index_cast %mul3A_2757 : i32 to index
        %get3A_2761 = tpu.vector_load %arg5[%get3A_2759, %get3A_2760] {strides = array<i32>} : memref<128x128xf32, #tpu.memory_space<vmem>>, vector<16xf32>,
        %mul3A_2762 = arith.constant 16 : i32
        %mul3A_2763 = arith.muli %mul3A_2762, %scan3A_47 : i32
        %get3A_2764 = arith.constant 97 : i32
        %get3A_2765 = arith.index_cast %get3A_2764 : i32 to index
        %get3A_2766 = arith.index_cast %mul3A_2763 : i32 to index
        %get3A_2767 = tpu.vector_load %arg5[%get3A_2765, %get3A_2766] {strides = array<i32>} : memref<128x128xf32, #tpu.memory_space<vmem>>, vector<16xf32>,
        %mul3A_2768 = arith.constant 16 : i32
        %mul3A_2769 = arith.muli %mul3A_2768, %scan3A_47 : i32
        %get3A_2770 = arith.constant 98 : i32
        %get3A_2771 = arith.index_cast %get3A_2770 : i32 to index
        %get3A_2772 = arith.index_cast %mul3A_2769 : i32 to index
        %get3A_2773 = tpu.vector_load %arg5[%get3A_2771, %get3A_2772] {strides = array<i32>} : memref<128x128xf32, #tpu.memory_space<vmem>>, vector<16xf32>,
        %mul3A_2774 = arith.constant 16 : i32
        %mul3A_2775 = arith.muli %mul3A_2774, %scan3A_47 : i32
        %get3A_2776 = arith.constant 99 : i32
        %get3A_2777 = arith.index_cast %get3A_2776 : i32 to index
        %get3A_2778 = arith.index_cast %mul3A_2775 : i32 to index
        %get3A_2779 = tpu.vector_load %arg5[%get3A_2777, %get3A_2778] {strides = array<i32>} : memref<128x128xf32, #tpu.memory_space<vmem>>, vector<16xf32>,
        %mul3A_2780 = arith.constant 16 : i32
        %mul3A_2781 = arith.muli %mul3A_2780, %scan3A_47 : i32
        %get3A_2782 = arith.constant 24 : i32
        %get3A_2783 = arith.index_cast %get3A_2782 : i32 to index
        %get3A_2784 = arith.index_cast %mul3A_2781 : i32 to index
        %get3A_2785 = tpu.vector_load %arg6[%get3A_2783, %get3A_2784] {strides = array<i32>} : memref<32x128xi32, #tpu.memory_space<vmem>>, vector<16xi32>,
        %add3A_2786 = arith.addf %get3A_2761, %get3A_2773 : vector<16xf32>
        %mul3A_2787 = arith.constant 5.000000e-01 : f32
        %mul3A_2788 = vector.broadcast %mul3A_2787 : f32 to vector<16xf32>
        %mul3A_2789 = arith.mulf %add3A_2786, %mul3A_2788 : vector<16xf32>
        %add3A_2790 = arith.addf %get3A_2767, %get3A_2779 : vector<16xf32>
        %mul3A_2791 = arith.constant 5.000000e-01 : f32
        %mul3A_2792 = vector.broadcast %mul3A_2791 : f32 to vector<16xf32>
        %mul3A_2793 = arith.mulf %add3A_2790, %mul3A_2792 : vector<16xf32>
        %sub3A_2794 = arith.subf %get3A_2773, %get3A_2761 : vector<16xf32>
        %sub3A_2795 = arith.subf %get3A_2779, %get3A_2767 : vector<16xf32>
        %mul3A_2796 = arith.constant 1.400000e+01 : f32
        %mul3A_2797 = vector.broadcast %mul3A_2796 : f32 to vector<16xf32>
        %mul3A_2798 = arith.mulf %mul3A_2789, %mul3A_2797 : vector<16xf32>
        %convert_element_type3A_2799 = arith.fptosi %mul3A_2798 : vector<16xf32> to vector<16xi32>
        %min3A_2800 = arith.constant 13 : i32
        %min3A_2801 = vector.broadcast %min3A_2800 : i32 to vector<16xi32>
        %min3A_2802 = arith.minsi %convert_element_type3A_2799, %min3A_2801 : vector<16xi32>
        %mul3A_2803 = arith.constant 1.400000e+01 : f32
        %mul3A_2804 = vector.broadcast %mul3A_2803 : f32 to vector<16xf32>
        %mul3A_2805 = arith.mulf %mul3A_2793, %mul3A_2804 : vector<16xf32>
        %convert_element_type3A_2806 = arith.fptosi %mul3A_2805 : vector<16xf32> to vector<16xi32>
        %min3A_2807 = arith.constant 13 : i32
        %min3A_2808 = vector.broadcast %min3A_2807 : i32 to vector<16xi32>
        %min3A_2809 = arith.minsi %convert_element_type3A_2806, %min3A_2808 : vector<16xi32>
        %max3A_2810 = arith.constant 0 : i32
        %max3A_2811 = vector.broadcast %max3A_2810 : i32 to vector<16xi32>
        %max3A_2812 = arith.maxsi %min3A_2802, %max3A_2811 : vector<16xi32>
        %max3A_2813 = arith.constant 0 : i32
        %max3A_2814 = vector.broadcast %max3A_2813 : i32 to vector<16xi32>
        %max3A_2815 = arith.maxsi %min3A_2809, %max3A_2814 : vector<16xi32>
        %mul3A_2816 = arith.constant 1.400000e+01 : f32
        %mul3A_2817 = vector.broadcast %mul3A_2816 : f32 to vector<16xf32>
        %mul3A_2818 = arith.mulf %mul3A_2789, %mul3A_2817 : vector<16xf32>
        %convert_element_type3A_2819 = arith.sitofp %max3A_2812 : vector<16xi32> to vector<16xf32>
        %sub3A_2820 = arith.subf %mul3A_2818, %convert_element_type3A_2819 : vector<16xf32>
        %mul3A_2821 = arith.constant 1.400000e+01 : f32
        %mul3A_2822 = vector.broadcast %mul3A_2821 : f32 to vector<16xf32>
        %mul3A_2823 = arith.mulf %mul3A_2793, %mul3A_2822 : vector<16xf32>
        %convert_element_type3A_2824 = arith.sitofp %max3A_2815 : vector<16xi32> to vector<16xf32>
        %sub3A_2825 = arith.subf %mul3A_2823, %convert_element_type3A_2824 : vector<16xf32>
        %mul3A_2826 = arith.constant 14 : i32
        %mul3A_2827 = vector.broadcast %mul3A_2826 : i32 to vector<16xi32>
        %mul3A_2828 = arith.muli %max3A_2815, %mul3A_2827 : vector<16xi32>
        %add3A_2829 = arith.addi %mul3A_2828, %max3A_2812 : vector<16xi32>
        %sub3A_2830 = vector.broadcast %mul3A_28 : i32 to vector<16xi32>
        %sub3A_2831 = arith.subi %add3A_2829, %sub3A_2830 : vector<16xi32>
        %ge3A_2832 = arith.constant 0 : i32
        %ge3A_2833 = vector.broadcast %ge3A_2832 : i32 to vector<16xi32>
        %ge3A_2834 = arith.cmpi sge, %sub3A_2831, %ge3A_2833 : vector<16xi32>
        %lt3A_2835 = vector.broadcast %select_n3A : i32 to vector<16xi32>
        %lt3A_2836 = arith.cmpi slt, %sub3A_2831, %lt3A_2835 : vector<16xi32>
        %and3A_2837 = arith.andi %ge3A_2834, %lt3A_2836 : vector<16xi1>
        %jit3A_2838 = arith.constant 0 : i32
        %jit3A_2839 = arith.constant 35 : i32
        %max3A_2840 = vector.broadcast %jit3A_2838 : i32 to vector<16xi32>
        %max3A_2841 = arith.maxsi %max3A_2840, %sub3A_2831 : vector<16xi32>
        %min3A_2842 = vector.broadcast %jit3A_2839 : i32 to vector<16xi32>
        %min3A_2843 = arith.minsi %min3A_2842, %max3A_2841 : vector<16xi32>
        %broadcast_in_dim3A_2844 = arith.constant 160 : i32
        %broadcast_in_dim3A_2845 = vector.broadcast %broadcast_in_dim3A_2844 : i32 to vector<16xi32>
        %add3A_2846 = arith.addi %broadcast_in_dim3A_2845, %min3A_2843 : vector<16xi32>
        %gather3A_2847 = tpu.vector_load_idx %arg7[%add3A_2846, %add3A_50] : memref<200x128xf32, #tpu.memory_space<vmem>>[vector<16xi32>, vector<16xi32>], vector<16xf32>,
        %eq3A_2848 = arith.constant 0.000000e+00 : f32
        %eq3A_2849 = vector.broadcast %eq3A_2848 : f32 to vector<16xf32>
        %eq3A_2850 = arith.cmpf oeq, %gather3A_2847, %eq3A_2849 : vector<16xf32>
        %and3A_2851 = arith.andi %and3A_2837, %eq3A_2850 : vector<16xi1>
        %broadcast_in_dim3A_2852 = arith.constant 0 : i32
        %broadcast_in_dim3A_2853 = vector.broadcast %broadcast_in_dim3A_2852 : i32 to vector<16xi32>
        %add3A_2854 = arith.addi %broadcast_in_dim3A_2853, %min3A_2843 : vector<16xi32>
        tpu.vector_store_idx %arg7[%add3A_2854, %add3A_50], %sub3A_2820 masked %and3A_2851 : memref<200x128xf32, #tpu.memory_space<vmem>>[vector<16xi32>, vector<16xi32>], vector<16xf32>, vector<16xi1>
        %broadcast_in_dim3A_2855 = arith.constant 40 : i32
        %broadcast_in_dim3A_2856 = vector.broadcast %broadcast_in_dim3A_2855 : i32 to vector<16xi32>
        %add3A_2857 = arith.addi %broadcast_in_dim3A_2856, %min3A_2843 : vector<16xi32>
        tpu.vector_store_idx %arg7[%add3A_2857, %add3A_50], %sub3A_2825 masked %and3A_2851 : memref<200x128xf32, #tpu.memory_space<vmem>>[vector<16xi32>, vector<16xi32>], vector<16xf32>, vector<16xi1>
        %broadcast_in_dim3A_2858 = arith.constant 80 : i32
        %broadcast_in_dim3A_2859 = vector.broadcast %broadcast_in_dim3A_2858 : i32 to vector<16xi32>
        %add3A_2860 = arith.addi %broadcast_in_dim3A_2859, %min3A_2843 : vector<16xi32>
        tpu.vector_store_idx %arg7[%add3A_2860, %add3A_50], %sub3A_2794 masked %and3A_2851 : memref<200x128xf32, #tpu.memory_space<vmem>>[vector<16xi32>, vector<16xi32>], vector<16xf32>, vector<16xi1>
        %broadcast_in_dim3A_2861 = arith.constant 120 : i32
        %broadcast_in_dim3A_2862 = vector.broadcast %broadcast_in_dim3A_2861 : i32 to vector<16xi32>
        %add3A_2863 = arith.addi %broadcast_in_dim3A_2862, %min3A_2843 : vector<16xi32>
        tpu.vector_store_idx %arg7[%add3A_2863, %add3A_50], %sub3A_2795 masked %and3A_2851 : memref<200x128xf32, #tpu.memory_space<vmem>>[vector<16xi32>, vector<16xi32>], vector<16xf32>, vector<16xi1>
        %broadcast_in_dim3A_2864 = arith.constant 160 : i32
        %broadcast_in_dim3A_2865 = vector.broadcast %broadcast_in_dim3A_2864 : i32 to vector<16xi32>
        %add3A_2866 = arith.addi %broadcast_in_dim3A_2865, %min3A_2843 : vector<16xi32>
        %convert_element_type3A_2867 = arith.sitofp %get3A_2785 : vector<16xi32> to vector<16xf32>
        %add3A_2868 = arith.addf %convert_element_type3A_2867, %broadcast_in_dim3A_26 : vector<16xf32>
        tpu.vector_store_idx %arg7[%add3A_2866, %add3A_50], %add3A_2868 masked %and3A_2851 : memref<200x128xf32, #tpu.memory_space<vmem>>[vector<16xi32>, vector<16xi32>], vector<16xf32>, vector<16xi1>
        %mul3A_2869 = arith.constant 16 : i32
        %mul3A_2870 = arith.muli %mul3A_2869, %scan3A_47 : i32
        %get3A_2871 = arith.constant 100 : i32
        %get3A_2872 = arith.index_cast %get3A_2871 : i32 to index
        %get3A_2873 = arith.index_cast %mul3A_2870 : i32 to index
        %get3A_2874 = tpu.vector_load %arg5[%get3A_2872, %get3A_2873] {strides = array<i32>} : memref<128x128xf32, #tpu.memory_space<vmem>>, vector<16xf32>,
        %mul3A_2875 = arith.constant 16 : i32
        %mul3A_2876 = arith.muli %mul3A_2875, %scan3A_47 : i32
        %get3A_2877 = arith.constant 101 : i32
        %get3A_2878 = arith.index_cast %get3A_2877 : i32 to index
        %get3A_2879 = arith.index_cast %mul3A_2876 : i32 to index
        %get3A_2880 = tpu.vector_load %arg5[%get3A_2878, %get3A_2879] {strides = array<i32>} : memref<128x128xf32, #tpu.memory_space<vmem>>, vector<16xf32>,
        %mul3A_2881 = arith.constant 16 : i32
        %mul3A_2882 = arith.muli %mul3A_2881, %scan3A_47 : i32
        %get3A_2883 = arith.constant 102 : i32
        %get3A_2884 = arith.index_cast %get3A_2883 : i32 to index
        %get3A_2885 = arith.index_cast %mul3A_2882 : i32 to index
        %get3A_2886 = tpu.vector_load %arg5[%get3A_2884, %get3A_2885] {strides = array<i32>} : memref<128x128xf32, #tpu.memory_space<vmem>>, vector<16xf32>,
        %mul3A_2887 = arith.constant 16 : i32
        %mul3A_2888 = arith.muli %mul3A_2887, %scan3A_47 : i32
        %get3A_2889 = arith.constant 103 : i32
        %get3A_2890 = arith.index_cast %get3A_2889 : i32 to index
        %get3A_2891 = arith.index_cast %mul3A_2888 : i32 to index
        %get3A_2892 = tpu.vector_load %arg5[%get3A_2890, %get3A_2891] {strides = array<i32>} : memref<128x128xf32, #tpu.memory_space<vmem>>, vector<16xf32>,
        %mul3A_2893 = arith.constant 16 : i32
        %mul3A_2894 = arith.muli %mul3A_2893, %scan3A_47 : i32
        %get3A_2895 = arith.constant 25 : i32
        %get3A_2896 = arith.index_cast %get3A_2895 : i32 to index
        %get3A_2897 = arith.index_cast %mul3A_2894 : i32 to index
        %get3A_2898 = tpu.vector_load %arg6[%get3A_2896, %get3A_2897] {strides = array<i32>} : memref<32x128xi32, #tpu.memory_space<vmem>>, vector<16xi32>,
        %add3A_2899 = arith.addf %get3A_2874, %get3A_2886 : vector<16xf32>
        %mul3A_2900 = arith.constant 5.000000e-01 : f32
        %mul3A_2901 = vector.broadcast %mul3A_2900 : f32 to vector<16xf32>
        %mul3A_2902 = arith.mulf %add3A_2899, %mul3A_2901 : vector<16xf32>
        %add3A_2903 = arith.addf %get3A_2880, %get3A_2892 : vector<16xf32>
        %mul3A_2904 = arith.constant 5.000000e-01 : f32
        %mul3A_2905 = vector.broadcast %mul3A_2904 : f32 to vector<16xf32>
        %mul3A_2906 = arith.mulf %add3A_2903, %mul3A_2905 : vector<16xf32>
        %sub3A_2907 = arith.subf %get3A_2886, %get3A_2874 : vector<16xf32>
        %sub3A_2908 = arith.subf %get3A_2892, %get3A_2880 : vector<16xf32>
        %mul3A_2909 = arith.constant 1.400000e+01 : f32
        %mul3A_2910 = vector.broadcast %mul3A_2909 : f32 to vector<16xf32>
        %mul3A_2911 = arith.mulf %mul3A_2902, %mul3A_2910 : vector<16xf32>
        %convert_element_type3A_2912 = arith.fptosi %mul3A_2911 : vector<16xf32> to vector<16xi32>
        %min3A_2913 = arith.constant 13 : i32
        %min3A_2914 = vector.broadcast %min3A_2913 : i32 to vector<16xi32>
        %min3A_2915 = arith.minsi %convert_element_type3A_2912, %min3A_2914 : vector<16xi32>
        %mul3A_2916 = arith.constant 1.400000e+01 : f32
        %mul3A_2917 = vector.broadcast %mul3A_2916 : f32 to vector<16xf32>
        %mul3A_2918 = arith.mulf %mul3A_2906, %mul3A_2917 : vector<16xf32>
        %convert_element_type3A_2919 = arith.fptosi %mul3A_2918 : vector<16xf32> to vector<16xi32>
        %min3A_2920 = arith.constant 13 : i32
        %min3A_2921 = vector.broadcast %min3A_2920 : i32 to vector<16xi32>
        %min3A_2922 = arith.minsi %convert_element_type3A_2919, %min3A_2921 : vector<16xi32>
        %max3A_2923 = arith.constant 0 : i32
        %max3A_2924 = vector.broadcast %max3A_2923 : i32 to vector<16xi32>
        %max3A_2925 = arith.maxsi %min3A_2915, %max3A_2924 : vector<16xi32>
        %max3A_2926 = arith.constant 0 : i32
        %max3A_2927 = vector.broadcast %max3A_2926 : i32 to vector<16xi32>
        %max3A_2928 = arith.maxsi %min3A_2922, %max3A_2927 : vector<16xi32>
        %mul3A_2929 = arith.constant 1.400000e+01 : f32
        %mul3A_2930 = vector.broadcast %mul3A_2929 : f32 to vector<16xf32>
        %mul3A_2931 = arith.mulf %mul3A_2902, %mul3A_2930 : vector<16xf32>
        %convert_element_type3A_2932 = arith.sitofp %max3A_2925 : vector<16xi32> to vector<16xf32>
        %sub3A_2933 = arith.subf %mul3A_2931, %convert_element_type3A_2932 : vector<16xf32>
        %mul3A_2934 = arith.constant 1.400000e+01 : f32
        %mul3A_2935 = vector.broadcast %mul3A_2934 : f32 to vector<16xf32>
        %mul3A_2936 = arith.mulf %mul3A_2906, %mul3A_2935 : vector<16xf32>
        %convert_element_type3A_2937 = arith.sitofp %max3A_2928 : vector<16xi32> to vector<16xf32>
        %sub3A_2938 = arith.subf %mul3A_2936, %convert_element_type3A_2937 : vector<16xf32>
        %mul3A_2939 = arith.constant 14 : i32
        %mul3A_2940 = vector.broadcast %mul3A_2939 : i32 to vector<16xi32>
        %mul3A_2941 = arith.muli %max3A_2928, %mul3A_2940 : vector<16xi32>
        %add3A_2942 = arith.addi %mul3A_2941, %max3A_2925 : vector<16xi32>
        %sub3A_2943 = vector.broadcast %mul3A_28 : i32 to vector<16xi32>
        %sub3A_2944 = arith.subi %add3A_2942, %sub3A_2943 : vector<16xi32>
        %ge3A_2945 = arith.constant 0 : i32
        %ge3A_2946 = vector.broadcast %ge3A_2945 : i32 to vector<16xi32>
        %ge3A_2947 = arith.cmpi sge, %sub3A_2944, %ge3A_2946 : vector<16xi32>
        %lt3A_2948 = vector.broadcast %select_n3A : i32 to vector<16xi32>
        %lt3A_2949 = arith.cmpi slt, %sub3A_2944, %lt3A_2948 : vector<16xi32>
        %and3A_2950 = arith.andi %ge3A_2947, %lt3A_2949 : vector<16xi1>
        %jit3A_2951 = arith.constant 0 : i32
        %jit3A_2952 = arith.constant 35 : i32
        %max3A_2953 = vector.broadcast %jit3A_2951 : i32 to vector<16xi32>
        %max3A_2954 = arith.maxsi %max3A_2953, %sub3A_2944 : vector<16xi32>
        %min3A_2955 = vector.broadcast %jit3A_2952 : i32 to vector<16xi32>
        %min3A_2956 = arith.minsi %min3A_2955, %max3A_2954 : vector<16xi32>
        %broadcast_in_dim3A_2957 = arith.constant 160 : i32
        %broadcast_in_dim3A_2958 = vector.broadcast %broadcast_in_dim3A_2957 : i32 to vector<16xi32>
        %add3A_2959 = arith.addi %broadcast_in_dim3A_2958, %min3A_2956 : vector<16xi32>
        %gather3A_2960 = tpu.vector_load_idx %arg7[%add3A_2959, %add3A_50] : memref<200x128xf32, #tpu.memory_space<vmem>>[vector<16xi32>, vector<16xi32>], vector<16xf32>,
        %eq3A_2961 = arith.constant 0.000000e+00 : f32
        %eq3A_2962 = vector.broadcast %eq3A_2961 : f32 to vector<16xf32>
        %eq3A_2963 = arith.cmpf oeq, %gather3A_2960, %eq3A_2962 : vector<16xf32>
        %and3A_2964 = arith.andi %and3A_2950, %eq3A_2963 : vector<16xi1>
        %broadcast_in_dim3A_2965 = arith.constant 0 : i32
        %broadcast_in_dim3A_2966 = vector.broadcast %broadcast_in_dim3A_2965 : i32 to vector<16xi32>
        %add3A_2967 = arith.addi %broadcast_in_dim3A_2966, %min3A_2956 : vector<16xi32>
        tpu.vector_store_idx %arg7[%add3A_2967, %add3A_50], %sub3A_2933 masked %and3A_2964 : memref<200x128xf32, #tpu.memory_space<vmem>>[vector<16xi32>, vector<16xi32>], vector<16xf32>, vector<16xi1>
        %broadcast_in_dim3A_2968 = arith.constant 40 : i32
        %broadcast_in_dim3A_2969 = vector.broadcast %broadcast_in_dim3A_2968 : i32 to vector<16xi32>
        %add3A_2970 = arith.addi %broadcast_in_dim3A_2969, %min3A_2956 : vector<16xi32>
        tpu.vector_store_idx %arg7[%add3A_2970, %add3A_50], %sub3A_2938 masked %and3A_2964 : memref<200x128xf32, #tpu.memory_space<vmem>>[vector<16xi32>, vector<16xi32>], vector<16xf32>, vector<16xi1>
        %broadcast_in_dim3A_2971 = arith.constant 80 : i32
        %broadcast_in_dim3A_2972 = vector.broadcast %broadcast_in_dim3A_2971 : i32 to vector<16xi32>
        %add3A_2973 = arith.addi %broadcast_in_dim3A_2972, %min3A_2956 : vector<16xi32>
        tpu.vector_store_idx %arg7[%add3A_2973, %add3A_50], %sub3A_2907 masked %and3A_2964 : memref<200x128xf32, #tpu.memory_space<vmem>>[vector<16xi32>, vector<16xi32>], vector<16xf32>, vector<16xi1>
        %broadcast_in_dim3A_2974 = arith.constant 120 : i32
        %broadcast_in_dim3A_2975 = vector.broadcast %broadcast_in_dim3A_2974 : i32 to vector<16xi32>
        %add3A_2976 = arith.addi %broadcast_in_dim3A_2975, %min3A_2956 : vector<16xi32>
        tpu.vector_store_idx %arg7[%add3A_2976, %add3A_50], %sub3A_2908 masked %and3A_2964 : memref<200x128xf32, #tpu.memory_space<vmem>>[vector<16xi32>, vector<16xi32>], vector<16xf32>, vector<16xi1>
        %broadcast_in_dim3A_2977 = arith.constant 160 : i32
        %broadcast_in_dim3A_2978 = vector.broadcast %broadcast_in_dim3A_2977 : i32 to vector<16xi32>
        %add3A_2979 = arith.addi %broadcast_in_dim3A_2978, %min3A_2956 : vector<16xi32>
        %convert_element_type3A_2980 = arith.sitofp %get3A_2898 : vector<16xi32> to vector<16xf32>
        %add3A_2981 = arith.addf %convert_element_type3A_2980, %broadcast_in_dim3A_26 : vector<16xf32>
        tpu.vector_store_idx %arg7[%add3A_2979, %add3A_50], %add3A_2981 masked %and3A_2964 : memref<200x128xf32, #tpu.memory_space<vmem>>[vector<16xi32>, vector<16xi32>], vector<16xf32>, vector<16xi1>
        %mul3A_2982 = arith.constant 16 : i32
        %mul3A_2983 = arith.muli %mul3A_2982, %scan3A_47 : i32
        %get3A_2984 = arith.constant 104 : i32
        %get3A_2985 = arith.index_cast %get3A_2984 : i32 to index
        %get3A_2986 = arith.index_cast %mul3A_2983 : i32 to index
        %get3A_2987 = tpu.vector_load %arg5[%get3A_2985, %get3A_2986] {strides = array<i32>} : memref<128x128xf32, #tpu.memory_space<vmem>>, vector<16xf32>,
        %mul3A_2988 = arith.constant 16 : i32
        %mul3A_2989 = arith.muli %mul3A_2988, %scan3A_47 : i32
        %get3A_2990 = arith.constant 105 : i32
        %get3A_2991 = arith.index_cast %get3A_2990 : i32 to index
        %get3A_2992 = arith.index_cast %mul3A_2989 : i32 to index
        %get3A_2993 = tpu.vector_load %arg5[%get3A_2991, %get3A_2992] {strides = array<i32>} : memref<128x128xf32, #tpu.memory_space<vmem>>, vector<16xf32>,
        %mul3A_2994 = arith.constant 16 : i32
        %mul3A_2995 = arith.muli %mul3A_2994, %scan3A_47 : i32
        %get3A_2996 = arith.constant 106 : i32
        %get3A_2997 = arith.index_cast %get3A_2996 : i32 to index
        %get3A_2998 = arith.index_cast %mul3A_2995 : i32 to index
        %get3A_2999 = tpu.vector_load %arg5[%get3A_2997, %get3A_2998] {strides = array<i32>} : memref<128x128xf32, #tpu.memory_space<vmem>>, vector<16xf32>,
        %mul3A_3000 = arith.constant 16 : i32
        %mul3A_3001 = arith.muli %mul3A_3000, %scan3A_47 : i32
        %get3A_3002 = arith.constant 107 : i32
        %get3A_3003 = arith.index_cast %get3A_3002 : i32 to index
        %get3A_3004 = arith.index_cast %mul3A_3001 : i32 to index
        %get3A_3005 = tpu.vector_load %arg5[%get3A_3003, %get3A_3004] {strides = array<i32>} : memref<128x128xf32, #tpu.memory_space<vmem>>, vector<16xf32>,
        %mul3A_3006 = arith.constant 16 : i32
        %mul3A_3007 = arith.muli %mul3A_3006, %scan3A_47 : i32
        %get3A_3008 = arith.constant 26 : i32
        %get3A_3009 = arith.index_cast %get3A_3008 : i32 to index
        %get3A_3010 = arith.index_cast %mul3A_3007 : i32 to index
        %get3A_3011 = tpu.vector_load %arg6[%get3A_3009, %get3A_3010] {strides = array<i32>} : memref<32x128xi32, #tpu.memory_space<vmem>>, vector<16xi32>,
        %add3A_3012 = arith.addf %get3A_2987, %get3A_2999 : vector<16xf32>
        %mul3A_3013 = arith.constant 5.000000e-01 : f32
        %mul3A_3014 = vector.broadcast %mul3A_3013 : f32 to vector<16xf32>
        %mul3A_3015 = arith.mulf %add3A_3012, %mul3A_3014 : vector<16xf32>
        %add3A_3016 = arith.addf %get3A_2993, %get3A_3005 : vector<16xf32>
        %mul3A_3017 = arith.constant 5.000000e-01 : f32
        %mul3A_3018 = vector.broadcast %mul3A_3017 : f32 to vector<16xf32>
        %mul3A_3019 = arith.mulf %add3A_3016, %mul3A_3018 : vector<16xf32>
        %sub3A_3020 = arith.subf %get3A_2999, %get3A_2987 : vector<16xf32>
        %sub3A_3021 = arith.subf %get3A_3005, %get3A_2993 : vector<16xf32>
        %mul3A_3022 = arith.constant 1.400000e+01 : f32
        %mul3A_3023 = vector.broadcast %mul3A_3022 : f32 to vector<16xf32>
        %mul3A_3024 = arith.mulf %mul3A_3015, %mul3A_3023 : vector<16xf32>
        %convert_element_type3A_3025 = arith.fptosi %mul3A_3024 : vector<16xf32> to vector<16xi32>
        %min3A_3026 = arith.constant 13 : i32
        %min3A_3027 = vector.broadcast %min3A_3026 : i32 to vector<16xi32>
        %min3A_3028 = arith.minsi %convert_element_type3A_3025, %min3A_3027 : vector<16xi32>
        %mul3A_3029 = arith.constant 1.400000e+01 : f32
        %mul3A_3030 = vector.broadcast %mul3A_3029 : f32 to vector<16xf32>
        %mul3A_3031 = arith.mulf %mul3A_3019, %mul3A_3030 : vector<16xf32>
        %convert_element_type3A_3032 = arith.fptosi %mul3A_3031 : vector<16xf32> to vector<16xi32>
        %min3A_3033 = arith.constant 13 : i32
        %min3A_3034 = vector.broadcast %min3A_3033 : i32 to vector<16xi32>
        %min3A_3035 = arith.minsi %convert_element_type3A_3032, %min3A_3034 : vector<16xi32>
        %max3A_3036 = arith.constant 0 : i32
        %max3A_3037 = vector.broadcast %max3A_3036 : i32 to vector<16xi32>
        %max3A_3038 = arith.maxsi %min3A_3028, %max3A_3037 : vector<16xi32>
        %max3A_3039 = arith.constant 0 : i32
        %max3A_3040 = vector.broadcast %max3A_3039 : i32 to vector<16xi32>
        %max3A_3041 = arith.maxsi %min3A_3035, %max3A_3040 : vector<16xi32>
        %mul3A_3042 = arith.constant 1.400000e+01 : f32
        %mul3A_3043 = vector.broadcast %mul3A_3042 : f32 to vector<16xf32>
        %mul3A_3044 = arith.mulf %mul3A_3015, %mul3A_3043 : vector<16xf32>
        %convert_element_type3A_3045 = arith.sitofp %max3A_3038 : vector<16xi32> to vector<16xf32>
        %sub3A_3046 = arith.subf %mul3A_3044, %convert_element_type3A_3045 : vector<16xf32>
        %mul3A_3047 = arith.constant 1.400000e+01 : f32
        %mul3A_3048 = vector.broadcast %mul3A_3047 : f32 to vector<16xf32>
        %mul3A_3049 = arith.mulf %mul3A_3019, %mul3A_3048 : vector<16xf32>
        %convert_element_type3A_3050 = arith.sitofp %max3A_3041 : vector<16xi32> to vector<16xf32>
        %sub3A_3051 = arith.subf %mul3A_3049, %convert_element_type3A_3050 : vector<16xf32>
        %mul3A_3052 = arith.constant 14 : i32
        %mul3A_3053 = vector.broadcast %mul3A_3052 : i32 to vector<16xi32>
        %mul3A_3054 = arith.muli %max3A_3041, %mul3A_3053 : vector<16xi32>
        %add3A_3055 = arith.addi %mul3A_3054, %max3A_3038 : vector<16xi32>
        %sub3A_3056 = vector.broadcast %mul3A_28 : i32 to vector<16xi32>
        %sub3A_3057 = arith.subi %add3A_3055, %sub3A_3056 : vector<16xi32>
        %ge3A_3058 = arith.constant 0 : i32
        %ge3A_3059 = vector.broadcast %ge3A_3058 : i32 to vector<16xi32>
        %ge3A_3060 = arith.cmpi sge, %sub3A_3057, %ge3A_3059 : vector<16xi32>
        %lt3A_3061 = vector.broadcast %select_n3A : i32 to vector<16xi32>
        %lt3A_3062 = arith.cmpi slt, %sub3A_3057, %lt3A_3061 : vector<16xi32>
        %and3A_3063 = arith.andi %ge3A_3060, %lt3A_3062 : vector<16xi1>
        %jit3A_3064 = arith.constant 0 : i32
        %jit3A_3065 = arith.constant 35 : i32
        %max3A_3066 = vector.broadcast %jit3A_3064 : i32 to vector<16xi32>
        %max3A_3067 = arith.maxsi %max3A_3066, %sub3A_3057 : vector<16xi32>
        %min3A_3068 = vector.broadcast %jit3A_3065 : i32 to vector<16xi32>
        %min3A_3069 = arith.minsi %min3A_3068, %max3A_3067 : vector<16xi32>
        %broadcast_in_dim3A_3070 = arith.constant 160 : i32
        %broadcast_in_dim3A_3071 = vector.broadcast %broadcast_in_dim3A_3070 : i32 to vector<16xi32>
        %add3A_3072 = arith.addi %broadcast_in_dim3A_3071, %min3A_3069 : vector<16xi32>
        %gather3A_3073 = tpu.vector_load_idx %arg7[%add3A_3072, %add3A_50] : memref<200x128xf32, #tpu.memory_space<vmem>>[vector<16xi32>, vector<16xi32>], vector<16xf32>,
        %eq3A_3074 = arith.constant 0.000000e+00 : f32
        %eq3A_3075 = vector.broadcast %eq3A_3074 : f32 to vector<16xf32>
        %eq3A_3076 = arith.cmpf oeq, %gather3A_3073, %eq3A_3075 : vector<16xf32>
        %and3A_3077 = arith.andi %and3A_3063, %eq3A_3076 : vector<16xi1>
        %broadcast_in_dim3A_3078 = arith.constant 0 : i32
        %broadcast_in_dim3A_3079 = vector.broadcast %broadcast_in_dim3A_3078 : i32 to vector<16xi32>
        %add3A_3080 = arith.addi %broadcast_in_dim3A_3079, %min3A_3069 : vector<16xi32>
        tpu.vector_store_idx %arg7[%add3A_3080, %add3A_50], %sub3A_3046 masked %and3A_3077 : memref<200x128xf32, #tpu.memory_space<vmem>>[vector<16xi32>, vector<16xi32>], vector<16xf32>, vector<16xi1>
        %broadcast_in_dim3A_3081 = arith.constant 40 : i32
        %broadcast_in_dim3A_3082 = vector.broadcast %broadcast_in_dim3A_3081 : i32 to vector<16xi32>
        %add3A_3083 = arith.addi %broadcast_in_dim3A_3082, %min3A_3069 : vector<16xi32>
        tpu.vector_store_idx %arg7[%add3A_3083, %add3A_50], %sub3A_3051 masked %and3A_3077 : memref<200x128xf32, #tpu.memory_space<vmem>>[vector<16xi32>, vector<16xi32>], vector<16xf32>, vector<16xi1>
        %broadcast_in_dim3A_3084 = arith.constant 80 : i32
        %broadcast_in_dim3A_3085 = vector.broadcast %broadcast_in_dim3A_3084 : i32 to vector<16xi32>
        %add3A_3086 = arith.addi %broadcast_in_dim3A_3085, %min3A_3069 : vector<16xi32>
        tpu.vector_store_idx %arg7[%add3A_3086, %add3A_50], %sub3A_3020 masked %and3A_3077 : memref<200x128xf32, #tpu.memory_space<vmem>>[vector<16xi32>, vector<16xi32>], vector<16xf32>, vector<16xi1>
        %broadcast_in_dim3A_3087 = arith.constant 120 : i32
        %broadcast_in_dim3A_3088 = vector.broadcast %broadcast_in_dim3A_3087 : i32 to vector<16xi32>
        %add3A_3089 = arith.addi %broadcast_in_dim3A_3088, %min3A_3069 : vector<16xi32>
        tpu.vector_store_idx %arg7[%add3A_3089, %add3A_50], %sub3A_3021 masked %and3A_3077 : memref<200x128xf32, #tpu.memory_space<vmem>>[vector<16xi32>, vector<16xi32>], vector<16xf32>, vector<16xi1>
        %broadcast_in_dim3A_3090 = arith.constant 160 : i32
        %broadcast_in_dim3A_3091 = vector.broadcast %broadcast_in_dim3A_3090 : i32 to vector<16xi32>
        %add3A_3092 = arith.addi %broadcast_in_dim3A_3091, %min3A_3069 : vector<16xi32>
        %convert_element_type3A_3093 = arith.sitofp %get3A_3011 : vector<16xi32> to vector<16xf32>
        %add3A_3094 = arith.addf %convert_element_type3A_3093, %broadcast_in_dim3A_26 : vector<16xf32>
        tpu.vector_store_idx %arg7[%add3A_3092, %add3A_50], %add3A_3094 masked %and3A_3077 : memref<200x128xf32, #tpu.memory_space<vmem>>[vector<16xi32>, vector<16xi32>], vector<16xf32>, vector<16xi1>
        %mul3A_3095 = arith.constant 16 : i32
        %mul3A_3096 = arith.muli %mul3A_3095, %scan3A_47 : i32
        %get3A_3097 = arith.constant 108 : i32
        %get3A_3098 = arith.index_cast %get3A_3097 : i32 to index
        %get3A_3099 = arith.index_cast %mul3A_3096 : i32 to index
        %get3A_3100 = tpu.vector_load %arg5[%get3A_3098, %get3A_3099] {strides = array<i32>} : memref<128x128xf32, #tpu.memory_space<vmem>>, vector<16xf32>,
        %mul3A_3101 = arith.constant 16 : i32
        %mul3A_3102 = arith.muli %mul3A_3101, %scan3A_47 : i32
        %get3A_3103 = arith.constant 109 : i32
        %get3A_3104 = arith.index_cast %get3A_3103 : i32 to index
        %get3A_3105 = arith.index_cast %mul3A_3102 : i32 to index
        %get3A_3106 = tpu.vector_load %arg5[%get3A_3104, %get3A_3105] {strides = array<i32>} : memref<128x128xf32, #tpu.memory_space<vmem>>, vector<16xf32>,
        %mul3A_3107 = arith.constant 16 : i32
        %mul3A_3108 = arith.muli %mul3A_3107, %scan3A_47 : i32
        %get3A_3109 = arith.constant 110 : i32
        %get3A_3110 = arith.index_cast %get3A_3109 : i32 to index
        %get3A_3111 = arith.index_cast %mul3A_3108 : i32 to index
        %get3A_3112 = tpu.vector_load %arg5[%get3A_3110, %get3A_3111] {strides = array<i32>} : memref<128x128xf32, #tpu.memory_space<vmem>>, vector<16xf32>,
        %mul3A_3113 = arith.constant 16 : i32
        %mul3A_3114 = arith.muli %mul3A_3113, %scan3A_47 : i32
        %get3A_3115 = arith.constant 111 : i32
        %get3A_3116 = arith.index_cast %get3A_3115 : i32 to index
        %get3A_3117 = arith.index_cast %mul3A_3114 : i32 to index
        %get3A_3118 = tpu.vector_load %arg5[%get3A_3116, %get3A_3117] {strides = array<i32>} : memref<128x128xf32, #tpu.memory_space<vmem>>, vector<16xf32>,
        %mul3A_3119 = arith.constant 16 : i32
        %mul3A_3120 = arith.muli %mul3A_3119, %scan3A_47 : i32
        %get3A_3121 = arith.constant 27 : i32
        %get3A_3122 = arith.index_cast %get3A_3121 : i32 to index
        %get3A_3123 = arith.index_cast %mul3A_3120 : i32 to index
        %get3A_3124 = tpu.vector_load %arg6[%get3A_3122, %get3A_3123] {strides = array<i32>} : memref<32x128xi32, #tpu.memory_space<vmem>>, vector<16xi32>,
        %add3A_3125 = arith.addf %get3A_3100, %get3A_3112 : vector<16xf32>
        %mul3A_3126 = arith.constant 5.000000e-01 : f32
        %mul3A_3127 = vector.broadcast %mul3A_3126 : f32 to vector<16xf32>
        %mul3A_3128 = arith.mulf %add3A_3125, %mul3A_3127 : vector<16xf32>
        %add3A_3129 = arith.addf %get3A_3106, %get3A_3118 : vector<16xf32>
        %mul3A_3130 = arith.constant 5.000000e-01 : f32
        %mul3A_3131 = vector.broadcast %mul3A_3130 : f32 to vector<16xf32>
        %mul3A_3132 = arith.mulf %add3A_3129, %mul3A_3131 : vector<16xf32>
        %sub3A_3133 = arith.subf %get3A_3112, %get3A_3100 : vector<16xf32>
        %sub3A_3134 = arith.subf %get3A_3118, %get3A_3106 : vector<16xf32>
        %mul3A_3135 = arith.constant 1.400000e+01 : f32
        %mul3A_3136 = vector.broadcast %mul3A_3135 : f32 to vector<16xf32>
        %mul3A_3137 = arith.mulf %mul3A_3128, %mul3A_3136 : vector<16xf32>
        %convert_element_type3A_3138 = arith.fptosi %mul3A_3137 : vector<16xf32> to vector<16xi32>
        %min3A_3139 = arith.constant 13 : i32
        %min3A_3140 = vector.broadcast %min3A_3139 : i32 to vector<16xi32>
        %min3A_3141 = arith.minsi %convert_element_type3A_3138, %min3A_3140 : vector<16xi32>
        %mul3A_3142 = arith.constant 1.400000e+01 : f32
        %mul3A_3143 = vector.broadcast %mul3A_3142 : f32 to vector<16xf32>
        %mul3A_3144 = arith.mulf %mul3A_3132, %mul3A_3143 : vector<16xf32>
        %convert_element_type3A_3145 = arith.fptosi %mul3A_3144 : vector<16xf32> to vector<16xi32>
        %min3A_3146 = arith.constant 13 : i32
        %min3A_3147 = vector.broadcast %min3A_3146 : i32 to vector<16xi32>
        %min3A_3148 = arith.minsi %convert_element_type3A_3145, %min3A_3147 : vector<16xi32>
        %max3A_3149 = arith.constant 0 : i32
        %max3A_3150 = vector.broadcast %max3A_3149 : i32 to vector<16xi32>
        %max3A_3151 = arith.maxsi %min3A_3141, %max3A_3150 : vector<16xi32>
        %max3A_3152 = arith.constant 0 : i32
        %max3A_3153 = vector.broadcast %max3A_3152 : i32 to vector<16xi32>
        %max3A_3154 = arith.maxsi %min3A_3148, %max3A_3153 : vector<16xi32>
        %mul3A_3155 = arith.constant 1.400000e+01 : f32
        %mul3A_3156 = vector.broadcast %mul3A_3155 : f32 to vector<16xf32>
        %mul3A_3157 = arith.mulf %mul3A_3128, %mul3A_3156 : vector<16xf32>
        %convert_element_type3A_3158 = arith.sitofp %max3A_3151 : vector<16xi32> to vector<16xf32>
        %sub3A_3159 = arith.subf %mul3A_3157, %convert_element_type3A_3158 : vector<16xf32>
        %mul3A_3160 = arith.constant 1.400000e+01 : f32
        %mul3A_3161 = vector.broadcast %mul3A_3160 : f32 to vector<16xf32>
        %mul3A_3162 = arith.mulf %mul3A_3132, %mul3A_3161 : vector<16xf32>
        %convert_element_type3A_3163 = arith.sitofp %max3A_3154 : vector<16xi32> to vector<16xf32>
        %sub3A_3164 = arith.subf %mul3A_3162, %convert_element_type3A_3163 : vector<16xf32>
        %mul3A_3165 = arith.constant 14 : i32
        %mul3A_3166 = vector.broadcast %mul3A_3165 : i32 to vector<16xi32>
        %mul3A_3167 = arith.muli %max3A_3154, %mul3A_3166 : vector<16xi32>
        %add3A_3168 = arith.addi %mul3A_3167, %max3A_3151 : vector<16xi32>
        %sub3A_3169 = vector.broadcast %mul3A_28 : i32 to vector<16xi32>
        %sub3A_3170 = arith.subi %add3A_3168, %sub3A_3169 : vector<16xi32>
        %ge3A_3171 = arith.constant 0 : i32
        %ge3A_3172 = vector.broadcast %ge3A_3171 : i32 to vector<16xi32>
        %ge3A_3173 = arith.cmpi sge, %sub3A_3170, %ge3A_3172 : vector<16xi32>
        %lt3A_3174 = vector.broadcast %select_n3A : i32 to vector<16xi32>
        %lt3A_3175 = arith.cmpi slt, %sub3A_3170, %lt3A_3174 : vector<16xi32>
        %and3A_3176 = arith.andi %ge3A_3173, %lt3A_3175 : vector<16xi1>
        %jit3A_3177 = arith.constant 0 : i32
        %jit3A_3178 = arith.constant 35 : i32
        %max3A_3179 = vector.broadcast %jit3A_3177 : i32 to vector<16xi32>
        %max3A_3180 = arith.maxsi %max3A_3179, %sub3A_3170 : vector<16xi32>
        %min3A_3181 = vector.broadcast %jit3A_3178 : i32 to vector<16xi32>
        %min3A_3182 = arith.minsi %min3A_3181, %max3A_3180 : vector<16xi32>
        %broadcast_in_dim3A_3183 = arith.constant 160 : i32
        %broadcast_in_dim3A_3184 = vector.broadcast %broadcast_in_dim3A_3183 : i32 to vector<16xi32>
        %add3A_3185 = arith.addi %broadcast_in_dim3A_3184, %min3A_3182 : vector<16xi32>
        %gather3A_3186 = tpu.vector_load_idx %arg7[%add3A_3185, %add3A_50] : memref<200x128xf32, #tpu.memory_space<vmem>>[vector<16xi32>, vector<16xi32>], vector<16xf32>,
        %eq3A_3187 = arith.constant 0.000000e+00 : f32
        %eq3A_3188 = vector.broadcast %eq3A_3187 : f32 to vector<16xf32>
        %eq3A_3189 = arith.cmpf oeq, %gather3A_3186, %eq3A_3188 : vector<16xf32>
        %and3A_3190 = arith.andi %and3A_3176, %eq3A_3189 : vector<16xi1>
        %broadcast_in_dim3A_3191 = arith.constant 0 : i32
        %broadcast_in_dim3A_3192 = vector.broadcast %broadcast_in_dim3A_3191 : i32 to vector<16xi32>
        %add3A_3193 = arith.addi %broadcast_in_dim3A_3192, %min3A_3182 : vector<16xi32>
        tpu.vector_store_idx %arg7[%add3A_3193, %add3A_50], %sub3A_3159 masked %and3A_3190 : memref<200x128xf32, #tpu.memory_space<vmem>>[vector<16xi32>, vector<16xi32>], vector<16xf32>, vector<16xi1>
        %broadcast_in_dim3A_3194 = arith.constant 40 : i32
        %broadcast_in_dim3A_3195 = vector.broadcast %broadcast_in_dim3A_3194 : i32 to vector<16xi32>
        %add3A_3196 = arith.addi %broadcast_in_dim3A_3195, %min3A_3182 : vector<16xi32>
        tpu.vector_store_idx %arg7[%add3A_3196, %add3A_50], %sub3A_3164 masked %and3A_3190 : memref<200x128xf32, #tpu.memory_space<vmem>>[vector<16xi32>, vector<16xi32>], vector<16xf32>, vector<16xi1>
        %broadcast_in_dim3A_3197 = arith.constant 80 : i32
        %broadcast_in_dim3A_3198 = vector.broadcast %broadcast_in_dim3A_3197 : i32 to vector<16xi32>
        %add3A_3199 = arith.addi %broadcast_in_dim3A_3198, %min3A_3182 : vector<16xi32>
        tpu.vector_store_idx %arg7[%add3A_3199, %add3A_50], %sub3A_3133 masked %and3A_3190 : memref<200x128xf32, #tpu.memory_space<vmem>>[vector<16xi32>, vector<16xi32>], vector<16xf32>, vector<16xi1>
        %broadcast_in_dim3A_3200 = arith.constant 120 : i32
        %broadcast_in_dim3A_3201 = vector.broadcast %broadcast_in_dim3A_3200 : i32 to vector<16xi32>
        %add3A_3202 = arith.addi %broadcast_in_dim3A_3201, %min3A_3182 : vector<16xi32>
        tpu.vector_store_idx %arg7[%add3A_3202, %add3A_50], %sub3A_3134 masked %and3A_3190 : memref<200x128xf32, #tpu.memory_space<vmem>>[vector<16xi32>, vector<16xi32>], vector<16xf32>, vector<16xi1>
        %broadcast_in_dim3A_3203 = arith.constant 160 : i32
        %broadcast_in_dim3A_3204 = vector.broadcast %broadcast_in_dim3A_3203 : i32 to vector<16xi32>
        %add3A_3205 = arith.addi %broadcast_in_dim3A_3204, %min3A_3182 : vector<16xi32>
        %convert_element_type3A_3206 = arith.sitofp %get3A_3124 : vector<16xi32> to vector<16xf32>
        %add3A_3207 = arith.addf %convert_element_type3A_3206, %broadcast_in_dim3A_26 : vector<16xf32>
        tpu.vector_store_idx %arg7[%add3A_3205, %add3A_50], %add3A_3207 masked %and3A_3190 : memref<200x128xf32, #tpu.memory_space<vmem>>[vector<16xi32>, vector<16xi32>], vector<16xf32>, vector<16xi1>
        %mul3A_3208 = arith.constant 16 : i32
        %mul3A_3209 = arith.muli %mul3A_3208, %scan3A_47 : i32
        %get3A_3210 = arith.constant 112 : i32
        %get3A_3211 = arith.index_cast %get3A_3210 : i32 to index
        %get3A_3212 = arith.index_cast %mul3A_3209 : i32 to index
        %get3A_3213 = tpu.vector_load %arg5[%get3A_3211, %get3A_3212] {strides = array<i32>} : memref<128x128xf32, #tpu.memory_space<vmem>>, vector<16xf32>,
        %mul3A_3214 = arith.constant 16 : i32
        %mul3A_3215 = arith.muli %mul3A_3214, %scan3A_47 : i32
        %get3A_3216 = arith.constant 113 : i32
        %get3A_3217 = arith.index_cast %get3A_3216 : i32 to index
        %get3A_3218 = arith.index_cast %mul3A_3215 : i32 to index
        %get3A_3219 = tpu.vector_load %arg5[%get3A_3217, %get3A_3218] {strides = array<i32>} : memref<128x128xf32, #tpu.memory_space<vmem>>, vector<16xf32>,
        %mul3A_3220 = arith.constant 16 : i32
        %mul3A_3221 = arith.muli %mul3A_3220, %scan3A_47 : i32
        %get3A_3222 = arith.constant 114 : i32
        %get3A_3223 = arith.index_cast %get3A_3222 : i32 to index
        %get3A_3224 = arith.index_cast %mul3A_3221 : i32 to index
        %get3A_3225 = tpu.vector_load %arg5[%get3A_3223, %get3A_3224] {strides = array<i32>} : memref<128x128xf32, #tpu.memory_space<vmem>>, vector<16xf32>,
        %mul3A_3226 = arith.constant 16 : i32
        %mul3A_3227 = arith.muli %mul3A_3226, %scan3A_47 : i32
        %get3A_3228 = arith.constant 115 : i32
        %get3A_3229 = arith.index_cast %get3A_3228 : i32 to index
        %get3A_3230 = arith.index_cast %mul3A_3227 : i32 to index
        %get3A_3231 = tpu.vector_load %arg5[%get3A_3229, %get3A_3230] {strides = array<i32>} : memref<128x128xf32, #tpu.memory_space<vmem>>, vector<16xf32>,
        %mul3A_3232 = arith.constant 16 : i32
        %mul3A_3233 = arith.muli %mul3A_3232, %scan3A_47 : i32
        %get3A_3234 = arith.constant 28 : i32
        %get3A_3235 = arith.index_cast %get3A_3234 : i32 to index
        %get3A_3236 = arith.index_cast %mul3A_3233 : i32 to index
        %get3A_3237 = tpu.vector_load %arg6[%get3A_3235, %get3A_3236] {strides = array<i32>} : memref<32x128xi32, #tpu.memory_space<vmem>>, vector<16xi32>,
        %add3A_3238 = arith.addf %get3A_3213, %get3A_3225 : vector<16xf32>
        %mul3A_3239 = arith.constant 5.000000e-01 : f32
        %mul3A_3240 = vector.broadcast %mul3A_3239 : f32 to vector<16xf32>
        %mul3A_3241 = arith.mulf %add3A_3238, %mul3A_3240 : vector<16xf32>
        %add3A_3242 = arith.addf %get3A_3219, %get3A_3231 : vector<16xf32>
        %mul3A_3243 = arith.constant 5.000000e-01 : f32
        %mul3A_3244 = vector.broadcast %mul3A_3243 : f32 to vector<16xf32>
        %mul3A_3245 = arith.mulf %add3A_3242, %mul3A_3244 : vector<16xf32>
        %sub3A_3246 = arith.subf %get3A_3225, %get3A_3213 : vector<16xf32>
        %sub3A_3247 = arith.subf %get3A_3231, %get3A_3219 : vector<16xf32>
        %mul3A_3248 = arith.constant 1.400000e+01 : f32
        %mul3A_3249 = vector.broadcast %mul3A_3248 : f32 to vector<16xf32>
        %mul3A_3250 = arith.mulf %mul3A_3241, %mul3A_3249 : vector<16xf32>
        %convert_element_type3A_3251 = arith.fptosi %mul3A_3250 : vector<16xf32> to vector<16xi32>
        %min3A_3252 = arith.constant 13 : i32
        %min3A_3253 = vector.broadcast %min3A_3252 : i32 to vector<16xi32>
        %min3A_3254 = arith.minsi %convert_element_type3A_3251, %min3A_3253 : vector<16xi32>
        %mul3A_3255 = arith.constant 1.400000e+01 : f32
        %mul3A_3256 = vector.broadcast %mul3A_3255 : f32 to vector<16xf32>
        %mul3A_3257 = arith.mulf %mul3A_3245, %mul3A_3256 : vector<16xf32>
        %convert_element_type3A_3258 = arith.fptosi %mul3A_3257 : vector<16xf32> to vector<16xi32>
        %min3A_3259 = arith.constant 13 : i32
        %min3A_3260 = vector.broadcast %min3A_3259 : i32 to vector<16xi32>
        %min3A_3261 = arith.minsi %convert_element_type3A_3258, %min3A_3260 : vector<16xi32>
        %max3A_3262 = arith.constant 0 : i32
        %max3A_3263 = vector.broadcast %max3A_3262 : i32 to vector<16xi32>
        %max3A_3264 = arith.maxsi %min3A_3254, %max3A_3263 : vector<16xi32>
        %max3A_3265 = arith.constant 0 : i32
        %max3A_3266 = vector.broadcast %max3A_3265 : i32 to vector<16xi32>
        %max3A_3267 = arith.maxsi %min3A_3261, %max3A_3266 : vector<16xi32>
        %mul3A_3268 = arith.constant 1.400000e+01 : f32
        %mul3A_3269 = vector.broadcast %mul3A_3268 : f32 to vector<16xf32>
        %mul3A_3270 = arith.mulf %mul3A_3241, %mul3A_3269 : vector<16xf32>
        %convert_element_type3A_3271 = arith.sitofp %max3A_3264 : vector<16xi32> to vector<16xf32>
        %sub3A_3272 = arith.subf %mul3A_3270, %convert_element_type3A_3271 : vector<16xf32>
        %mul3A_3273 = arith.constant 1.400000e+01 : f32
        %mul3A_3274 = vector.broadcast %mul3A_3273 : f32 to vector<16xf32>
        %mul3A_3275 = arith.mulf %mul3A_3245, %mul3A_3274 : vector<16xf32>
        %convert_element_type3A_3276 = arith.sitofp %max3A_3267 : vector<16xi32> to vector<16xf32>
        %sub3A_3277 = arith.subf %mul3A_3275, %convert_element_type3A_3276 : vector<16xf32>
        %mul3A_3278 = arith.constant 14 : i32
        %mul3A_3279 = vector.broadcast %mul3A_3278 : i32 to vector<16xi32>
        %mul3A_3280 = arith.muli %max3A_3267, %mul3A_3279 : vector<16xi32>
        %add3A_3281 = arith.addi %mul3A_3280, %max3A_3264 : vector<16xi32>
        %sub3A_3282 = vector.broadcast %mul3A_28 : i32 to vector<16xi32>
        %sub3A_3283 = arith.subi %add3A_3281, %sub3A_3282 : vector<16xi32>
        %ge3A_3284 = arith.constant 0 : i32
        %ge3A_3285 = vector.broadcast %ge3A_3284 : i32 to vector<16xi32>
        %ge3A_3286 = arith.cmpi sge, %sub3A_3283, %ge3A_3285 : vector<16xi32>
        %lt3A_3287 = vector.broadcast %select_n3A : i32 to vector<16xi32>
        %lt3A_3288 = arith.cmpi slt, %sub3A_3283, %lt3A_3287 : vector<16xi32>
        %and3A_3289 = arith.andi %ge3A_3286, %lt3A_3288 : vector<16xi1>
        %jit3A_3290 = arith.constant 0 : i32
        %jit3A_3291 = arith.constant 35 : i32
        %max3A_3292 = vector.broadcast %jit3A_3290 : i32 to vector<16xi32>
        %max3A_3293 = arith.maxsi %max3A_3292, %sub3A_3283 : vector<16xi32>
        %min3A_3294 = vector.broadcast %jit3A_3291 : i32 to vector<16xi32>
        %min3A_3295 = arith.minsi %min3A_3294, %max3A_3293 : vector<16xi32>
        %broadcast_in_dim3A_3296 = arith.constant 160 : i32
        %broadcast_in_dim3A_3297 = vector.broadcast %broadcast_in_dim3A_3296 : i32 to vector<16xi32>
        %add3A_3298 = arith.addi %broadcast_in_dim3A_3297, %min3A_3295 : vector<16xi32>
        %gather3A_3299 = tpu.vector_load_idx %arg7[%add3A_3298, %add3A_50] : memref<200x128xf32, #tpu.memory_space<vmem>>[vector<16xi32>, vector<16xi32>], vector<16xf32>,
        %eq3A_3300 = arith.constant 0.000000e+00 : f32
        %eq3A_3301 = vector.broadcast %eq3A_3300 : f32 to vector<16xf32>
        %eq3A_3302 = arith.cmpf oeq, %gather3A_3299, %eq3A_3301 : vector<16xf32>
        %and3A_3303 = arith.andi %and3A_3289, %eq3A_3302 : vector<16xi1>
        %broadcast_in_dim3A_3304 = arith.constant 0 : i32
        %broadcast_in_dim3A_3305 = vector.broadcast %broadcast_in_dim3A_3304 : i32 to vector<16xi32>
        %add3A_3306 = arith.addi %broadcast_in_dim3A_3305, %min3A_3295 : vector<16xi32>
        tpu.vector_store_idx %arg7[%add3A_3306, %add3A_50], %sub3A_3272 masked %and3A_3303 : memref<200x128xf32, #tpu.memory_space<vmem>>[vector<16xi32>, vector<16xi32>], vector<16xf32>, vector<16xi1>
        %broadcast_in_dim3A_3307 = arith.constant 40 : i32
        %broadcast_in_dim3A_3308 = vector.broadcast %broadcast_in_dim3A_3307 : i32 to vector<16xi32>
        %add3A_3309 = arith.addi %broadcast_in_dim3A_3308, %min3A_3295 : vector<16xi32>
        tpu.vector_store_idx %arg7[%add3A_3309, %add3A_50], %sub3A_3277 masked %and3A_3303 : memref<200x128xf32, #tpu.memory_space<vmem>>[vector<16xi32>, vector<16xi32>], vector<16xf32>, vector<16xi1>
        %broadcast_in_dim3A_3310 = arith.constant 80 : i32
        %broadcast_in_dim3A_3311 = vector.broadcast %broadcast_in_dim3A_3310 : i32 to vector<16xi32>
        %add3A_3312 = arith.addi %broadcast_in_dim3A_3311, %min3A_3295 : vector<16xi32>
        tpu.vector_store_idx %arg7[%add3A_3312, %add3A_50], %sub3A_3246 masked %and3A_3303 : memref<200x128xf32, #tpu.memory_space<vmem>>[vector<16xi32>, vector<16xi32>], vector<16xf32>, vector<16xi1>
        %broadcast_in_dim3A_3313 = arith.constant 120 : i32
        %broadcast_in_dim3A_3314 = vector.broadcast %broadcast_in_dim3A_3313 : i32 to vector<16xi32>
        %add3A_3315 = arith.addi %broadcast_in_dim3A_3314, %min3A_3295 : vector<16xi32>
        tpu.vector_store_idx %arg7[%add3A_3315, %add3A_50], %sub3A_3247 masked %and3A_3303 : memref<200x128xf32, #tpu.memory_space<vmem>>[vector<16xi32>, vector<16xi32>], vector<16xf32>, vector<16xi1>
        %broadcast_in_dim3A_3316 = arith.constant 160 : i32
        %broadcast_in_dim3A_3317 = vector.broadcast %broadcast_in_dim3A_3316 : i32 to vector<16xi32>
        %add3A_3318 = arith.addi %broadcast_in_dim3A_3317, %min3A_3295 : vector<16xi32>
        %convert_element_type3A_3319 = arith.sitofp %get3A_3237 : vector<16xi32> to vector<16xf32>
        %add3A_3320 = arith.addf %convert_element_type3A_3319, %broadcast_in_dim3A_26 : vector<16xf32>
        tpu.vector_store_idx %arg7[%add3A_3318, %add3A_50], %add3A_3320 masked %and3A_3303 : memref<200x128xf32, #tpu.memory_space<vmem>>[vector<16xi32>, vector<16xi32>], vector<16xf32>, vector<16xi1>
        %mul3A_3321 = arith.constant 16 : i32
        %mul3A_3322 = arith.muli %mul3A_3321, %scan3A_47 : i32
        %get3A_3323 = arith.constant 116 : i32
        %get3A_3324 = arith.index_cast %get3A_3323 : i32 to index
        %get3A_3325 = arith.index_cast %mul3A_3322 : i32 to index
        %get3A_3326 = tpu.vector_load %arg5[%get3A_3324, %get3A_3325] {strides = array<i32>} : memref<128x128xf32, #tpu.memory_space<vmem>>, vector<16xf32>,
        %mul3A_3327 = arith.constant 16 : i32
        %mul3A_3328 = arith.muli %mul3A_3327, %scan3A_47 : i32
        %get3A_3329 = arith.constant 117 : i32
        %get3A_3330 = arith.index_cast %get3A_3329 : i32 to index
        %get3A_3331 = arith.index_cast %mul3A_3328 : i32 to index
        %get3A_3332 = tpu.vector_load %arg5[%get3A_3330, %get3A_3331] {strides = array<i32>} : memref<128x128xf32, #tpu.memory_space<vmem>>, vector<16xf32>,
        %mul3A_3333 = arith.constant 16 : i32
        %mul3A_3334 = arith.muli %mul3A_3333, %scan3A_47 : i32
        %get3A_3335 = arith.constant 118 : i32
        %get3A_3336 = arith.index_cast %get3A_3335 : i32 to index
        %get3A_3337 = arith.index_cast %mul3A_3334 : i32 to index
        %get3A_3338 = tpu.vector_load %arg5[%get3A_3336, %get3A_3337] {strides = array<i32>} : memref<128x128xf32, #tpu.memory_space<vmem>>, vector<16xf32>,
        %mul3A_3339 = arith.constant 16 : i32
        %mul3A_3340 = arith.muli %mul3A_3339, %scan3A_47 : i32
        %get3A_3341 = arith.constant 119 : i32
        %get3A_3342 = arith.index_cast %get3A_3341 : i32 to index
        %get3A_3343 = arith.index_cast %mul3A_3340 : i32 to index
        %get3A_3344 = tpu.vector_load %arg5[%get3A_3342, %get3A_3343] {strides = array<i32>} : memref<128x128xf32, #tpu.memory_space<vmem>>, vector<16xf32>,
        %mul3A_3345 = arith.constant 16 : i32
        %mul3A_3346 = arith.muli %mul3A_3345, %scan3A_47 : i32
        %get3A_3347 = arith.constant 29 : i32
        %get3A_3348 = arith.index_cast %get3A_3347 : i32 to index
        %get3A_3349 = arith.index_cast %mul3A_3346 : i32 to index
        %get3A_3350 = tpu.vector_load %arg6[%get3A_3348, %get3A_3349] {strides = array<i32>} : memref<32x128xi32, #tpu.memory_space<vmem>>, vector<16xi32>,
        %add3A_3351 = arith.addf %get3A_3326, %get3A_3338 : vector<16xf32>
        %mul3A_3352 = arith.constant 5.000000e-01 : f32
        %mul3A_3353 = vector.broadcast %mul3A_3352 : f32 to vector<16xf32>
        %mul3A_3354 = arith.mulf %add3A_3351, %mul3A_3353 : vector<16xf32>
        %add3A_3355 = arith.addf %get3A_3332, %get3A_3344 : vector<16xf32>
        %mul3A_3356 = arith.constant 5.000000e-01 : f32
        %mul3A_3357 = vector.broadcast %mul3A_3356 : f32 to vector<16xf32>
        %mul3A_3358 = arith.mulf %add3A_3355, %mul3A_3357 : vector<16xf32>
        %sub3A_3359 = arith.subf %get3A_3338, %get3A_3326 : vector<16xf32>
        %sub3A_3360 = arith.subf %get3A_3344, %get3A_3332 : vector<16xf32>
        %mul3A_3361 = arith.constant 1.400000e+01 : f32
        %mul3A_3362 = vector.broadcast %mul3A_3361 : f32 to vector<16xf32>
        %mul3A_3363 = arith.mulf %mul3A_3354, %mul3A_3362 : vector<16xf32>
        %convert_element_type3A_3364 = arith.fptosi %mul3A_3363 : vector<16xf32> to vector<16xi32>
        %min3A_3365 = arith.constant 13 : i32
        %min3A_3366 = vector.broadcast %min3A_3365 : i32 to vector<16xi32>
        %min3A_3367 = arith.minsi %convert_element_type3A_3364, %min3A_3366 : vector<16xi32>
        %mul3A_3368 = arith.constant 1.400000e+01 : f32
        %mul3A_3369 = vector.broadcast %mul3A_3368 : f32 to vector<16xf32>
        %mul3A_3370 = arith.mulf %mul3A_3358, %mul3A_3369 : vector<16xf32>
        %convert_element_type3A_3371 = arith.fptosi %mul3A_3370 : vector<16xf32> to vector<16xi32>
        %min3A_3372 = arith.constant 13 : i32
        %min3A_3373 = vector.broadcast %min3A_3372 : i32 to vector<16xi32>
        %min3A_3374 = arith.minsi %convert_element_type3A_3371, %min3A_3373 : vector<16xi32>
        %max3A_3375 = arith.constant 0 : i32
        %max3A_3376 = vector.broadcast %max3A_3375 : i32 to vector<16xi32>
        %max3A_3377 = arith.maxsi %min3A_3367, %max3A_3376 : vector<16xi32>
        %max3A_3378 = arith.constant 0 : i32
        %max3A_3379 = vector.broadcast %max3A_3378 : i32 to vector<16xi32>
        %max3A_3380 = arith.maxsi %min3A_3374, %max3A_3379 : vector<16xi32>
        %mul3A_3381 = arith.constant 1.400000e+01 : f32
        %mul3A_3382 = vector.broadcast %mul3A_3381 : f32 to vector<16xf32>
        %mul3A_3383 = arith.mulf %mul3A_3354, %mul3A_3382 : vector<16xf32>
        %convert_element_type3A_3384 = arith.sitofp %max3A_3377 : vector<16xi32> to vector<16xf32>
        %sub3A_3385 = arith.subf %mul3A_3383, %convert_element_type3A_3384 : vector<16xf32>
        %mul3A_3386 = arith.constant 1.400000e+01 : f32
        %mul3A_3387 = vector.broadcast %mul3A_3386 : f32 to vector<16xf32>
        %mul3A_3388 = arith.mulf %mul3A_3358, %mul3A_3387 : vector<16xf32>
        %convert_element_type3A_3389 = arith.sitofp %max3A_3380 : vector<16xi32> to vector<16xf32>
        %sub3A_3390 = arith.subf %mul3A_3388, %convert_element_type3A_3389 : vector<16xf32>
        %mul3A_3391 = arith.constant 14 : i32
        %mul3A_3392 = vector.broadcast %mul3A_3391 : i32 to vector<16xi32>
        %mul3A_3393 = arith.muli %max3A_3380, %mul3A_3392 : vector<16xi32>
        %add3A_3394 = arith.addi %mul3A_3393, %max3A_3377 : vector<16xi32>
        %sub3A_3395 = vector.broadcast %mul3A_28 : i32 to vector<16xi32>
        %sub3A_3396 = arith.subi %add3A_3394, %sub3A_3395 : vector<16xi32>
        %ge3A_3397 = arith.constant 0 : i32
        %ge3A_3398 = vector.broadcast %ge3A_3397 : i32 to vector<16xi32>
        %ge3A_3399 = arith.cmpi sge, %sub3A_3396, %ge3A_3398 : vector<16xi32>
        %lt3A_3400 = vector.broadcast %select_n3A : i32 to vector<16xi32>
        %lt3A_3401 = arith.cmpi slt, %sub3A_3396, %lt3A_3400 : vector<16xi32>
        %and3A_3402 = arith.andi %ge3A_3399, %lt3A_3401 : vector<16xi1>
        %jit3A_3403 = arith.constant 0 : i32
        %jit3A_3404 = arith.constant 35 : i32
        %max3A_3405 = vector.broadcast %jit3A_3403 : i32 to vector<16xi32>
        %max3A_3406 = arith.maxsi %max3A_3405, %sub3A_3396 : vector<16xi32>
        %min3A_3407 = vector.broadcast %jit3A_3404 : i32 to vector<16xi32>
        %min3A_3408 = arith.minsi %min3A_3407, %max3A_3406 : vector<16xi32>
        %broadcast_in_dim3A_3409 = arith.constant 160 : i32
        %broadcast_in_dim3A_3410 = vector.broadcast %broadcast_in_dim3A_3409 : i32 to vector<16xi32>
        %add3A_3411 = arith.addi %broadcast_in_dim3A_3410, %min3A_3408 : vector<16xi32>
        %gather3A_3412 = tpu.vector_load_idx %arg7[%add3A_3411, %add3A_50] : memref<200x128xf32, #tpu.memory_space<vmem>>[vector<16xi32>, vector<16xi32>], vector<16xf32>,
        %eq3A_3413 = arith.constant 0.000000e+00 : f32
        %eq3A_3414 = vector.broadcast %eq3A_3413 : f32 to vector<16xf32>
        %eq3A_3415 = arith.cmpf oeq, %gather3A_3412, %eq3A_3414 : vector<16xf32>
        %and3A_3416 = arith.andi %and3A_3402, %eq3A_3415 : vector<16xi1>
        %broadcast_in_dim3A_3417 = arith.constant 0 : i32
        %broadcast_in_dim3A_3418 = vector.broadcast %broadcast_in_dim3A_3417 : i32 to vector<16xi32>
        %add3A_3419 = arith.addi %broadcast_in_dim3A_3418, %min3A_3408 : vector<16xi32>
        tpu.vector_store_idx %arg7[%add3A_3419, %add3A_50], %sub3A_3385 masked %and3A_3416 : memref<200x128xf32, #tpu.memory_space<vmem>>[vector<16xi32>, vector<16xi32>], vector<16xf32>, vector<16xi1>
        %broadcast_in_dim3A_3420 = arith.constant 40 : i32
        %broadcast_in_dim3A_3421 = vector.broadcast %broadcast_in_dim3A_3420 : i32 to vector<16xi32>
        %add3A_3422 = arith.addi %broadcast_in_dim3A_3421, %min3A_3408 : vector<16xi32>
        tpu.vector_store_idx %arg7[%add3A_3422, %add3A_50], %sub3A_3390 masked %and3A_3416 : memref<200x128xf32, #tpu.memory_space<vmem>>[vector<16xi32>, vector<16xi32>], vector<16xf32>, vector<16xi1>
        %broadcast_in_dim3A_3423 = arith.constant 80 : i32
        %broadcast_in_dim3A_3424 = vector.broadcast %broadcast_in_dim3A_3423 : i32 to vector<16xi32>
        %add3A_3425 = arith.addi %broadcast_in_dim3A_3424, %min3A_3408 : vector<16xi32>
        tpu.vector_store_idx %arg7[%add3A_3425, %add3A_50], %sub3A_3359 masked %and3A_3416 : memref<200x128xf32, #tpu.memory_space<vmem>>[vector<16xi32>, vector<16xi32>], vector<16xf32>, vector<16xi1>
        %broadcast_in_dim3A_3426 = arith.constant 120 : i32
        %broadcast_in_dim3A_3427 = vector.broadcast %broadcast_in_dim3A_3426 : i32 to vector<16xi32>
        %add3A_3428 = arith.addi %broadcast_in_dim3A_3427, %min3A_3408 : vector<16xi32>
        tpu.vector_store_idx %arg7[%add3A_3428, %add3A_50], %sub3A_3360 masked %and3A_3416 : memref<200x128xf32, #tpu.memory_space<vmem>>[vector<16xi32>, vector<16xi32>], vector<16xf32>, vector<16xi1>
        %broadcast_in_dim3A_3429 = arith.constant 160 : i32
        %broadcast_in_dim3A_3430 = vector.broadcast %broadcast_in_dim3A_3429 : i32 to vector<16xi32>
        %add3A_3431 = arith.addi %broadcast_in_dim3A_3430, %min3A_3408 : vector<16xi32>
        %convert_element_type3A_3432 = arith.sitofp %get3A_3350 : vector<16xi32> to vector<16xf32>
        %add3A_3433 = arith.addf %convert_element_type3A_3432, %broadcast_in_dim3A_26 : vector<16xf32>
        tpu.vector_store_idx %arg7[%add3A_3431, %add3A_50], %add3A_3433 masked %and3A_3416 : memref<200x128xf32, #tpu.memory_space<vmem>>[vector<16xi32>, vector<16xi32>], vector<16xf32>, vector<16xi1>
        %mul3A_3434 = arith.constant 16 : i32
        %mul3A_3435 = arith.muli %mul3A_3434, %scan3A_47 : i32
        %get3A_3436 = arith.constant 120 : i32
        %get3A_3437 = arith.index_cast %get3A_3436 : i32 to index
        %get3A_3438 = arith.index_cast %mul3A_3435 : i32 to index
        %get3A_3439 = tpu.vector_load %arg5[%get3A_3437, %get3A_3438] {strides = array<i32>} : memref<128x128xf32, #tpu.memory_space<vmem>>, vector<16xf32>,
        %mul3A_3440 = arith.constant 16 : i32
        %mul3A_3441 = arith.muli %mul3A_3440, %scan3A_47 : i32
        %get3A_3442 = arith.constant 121 : i32
        %get3A_3443 = arith.index_cast %get3A_3442 : i32 to index
        %get3A_3444 = arith.index_cast %mul3A_3441 : i32 to index
        %get3A_3445 = tpu.vector_load %arg5[%get3A_3443, %get3A_3444] {strides = array<i32>} : memref<128x128xf32, #tpu.memory_space<vmem>>, vector<16xf32>,
        %mul3A_3446 = arith.constant 16 : i32
        %mul3A_3447 = arith.muli %mul3A_3446, %scan3A_47 : i32
        %get3A_3448 = arith.constant 122 : i32
        %get3A_3449 = arith.index_cast %get3A_3448 : i32 to index
        %get3A_3450 = arith.index_cast %mul3A_3447 : i32 to index
        %get3A_3451 = tpu.vector_load %arg5[%get3A_3449, %get3A_3450] {strides = array<i32>} : memref<128x128xf32, #tpu.memory_space<vmem>>, vector<16xf32>,
        %mul3A_3452 = arith.constant 16 : i32
        %mul3A_3453 = arith.muli %mul3A_3452, %scan3A_47 : i32
        %get3A_3454 = arith.constant 123 : i32
        %get3A_3455 = arith.index_cast %get3A_3454 : i32 to index
        %get3A_3456 = arith.index_cast %mul3A_3453 : i32 to index
        %get3A_3457 = tpu.vector_load %arg5[%get3A_3455, %get3A_3456] {strides = array<i32>} : memref<128x128xf32, #tpu.memory_space<vmem>>, vector<16xf32>,
        %mul3A_3458 = arith.constant 16 : i32
        %mul3A_3459 = arith.muli %mul3A_3458, %scan3A_47 : i32
        %get3A_3460 = arith.constant 30 : i32
        %get3A_3461 = arith.index_cast %get3A_3460 : i32 to index
        %get3A_3462 = arith.index_cast %mul3A_3459 : i32 to index
        %get3A_3463 = tpu.vector_load %arg6[%get3A_3461, %get3A_3462] {strides = array<i32>} : memref<32x128xi32, #tpu.memory_space<vmem>>, vector<16xi32>,
        %add3A_3464 = arith.addf %get3A_3439, %get3A_3451 : vector<16xf32>
        %mul3A_3465 = arith.constant 5.000000e-01 : f32
        %mul3A_3466 = vector.broadcast %mul3A_3465 : f32 to vector<16xf32>
        %mul3A_3467 = arith.mulf %add3A_3464, %mul3A_3466 : vector<16xf32>
        %add3A_3468 = arith.addf %get3A_3445, %get3A_3457 : vector<16xf32>
        %mul3A_3469 = arith.constant 5.000000e-01 : f32
        %mul3A_3470 = vector.broadcast %mul3A_3469 : f32 to vector<16xf32>
        %mul3A_3471 = arith.mulf %add3A_3468, %mul3A_3470 : vector<16xf32>
        %sub3A_3472 = arith.subf %get3A_3451, %get3A_3439 : vector<16xf32>
        %sub3A_3473 = arith.subf %get3A_3457, %get3A_3445 : vector<16xf32>
        %mul3A_3474 = arith.constant 1.400000e+01 : f32
        %mul3A_3475 = vector.broadcast %mul3A_3474 : f32 to vector<16xf32>
        %mul3A_3476 = arith.mulf %mul3A_3467, %mul3A_3475 : vector<16xf32>
        %convert_element_type3A_3477 = arith.fptosi %mul3A_3476 : vector<16xf32> to vector<16xi32>
        %min3A_3478 = arith.constant 13 : i32
        %min3A_3479 = vector.broadcast %min3A_3478 : i32 to vector<16xi32>
        %min3A_3480 = arith.minsi %convert_element_type3A_3477, %min3A_3479 : vector<16xi32>
        %mul3A_3481 = arith.constant 1.400000e+01 : f32
        %mul3A_3482 = vector.broadcast %mul3A_3481 : f32 to vector<16xf32>
        %mul3A_3483 = arith.mulf %mul3A_3471, %mul3A_3482 : vector<16xf32>
        %convert_element_type3A_3484 = arith.fptosi %mul3A_3483 : vector<16xf32> to vector<16xi32>
        %min3A_3485 = arith.constant 13 : i32
        %min3A_3486 = vector.broadcast %min3A_3485 : i32 to vector<16xi32>
        %min3A_3487 = arith.minsi %convert_element_type3A_3484, %min3A_3486 : vector<16xi32>
        %max3A_3488 = arith.constant 0 : i32
        %max3A_3489 = vector.broadcast %max3A_3488 : i32 to vector<16xi32>
        %max3A_3490 = arith.maxsi %min3A_3480, %max3A_3489 : vector<16xi32>
        %max3A_3491 = arith.constant 0 : i32
        %max3A_3492 = vector.broadcast %max3A_3491 : i32 to vector<16xi32>
        %max3A_3493 = arith.maxsi %min3A_3487, %max3A_3492 : vector<16xi32>
        %mul3A_3494 = arith.constant 1.400000e+01 : f32
        %mul3A_3495 = vector.broadcast %mul3A_3494 : f32 to vector<16xf32>
        %mul3A_3496 = arith.mulf %mul3A_3467, %mul3A_3495 : vector<16xf32>
        %convert_element_type3A_3497 = arith.sitofp %max3A_3490 : vector<16xi32> to vector<16xf32>
        %sub3A_3498 = arith.subf %mul3A_3496, %convert_element_type3A_3497 : vector<16xf32>
        %mul3A_3499 = arith.constant 1.400000e+01 : f32
        %mul3A_3500 = vector.broadcast %mul3A_3499 : f32 to vector<16xf32>
        %mul3A_3501 = arith.mulf %mul3A_3471, %mul3A_3500 : vector<16xf32>
        %convert_element_type3A_3502 = arith.sitofp %max3A_3493 : vector<16xi32> to vector<16xf32>
        %sub3A_3503 = arith.subf %mul3A_3501, %convert_element_type3A_3502 : vector<16xf32>
        %mul3A_3504 = arith.constant 14 : i32
        %mul3A_3505 = vector.broadcast %mul3A_3504 : i32 to vector<16xi32>
        %mul3A_3506 = arith.muli %max3A_3493, %mul3A_3505 : vector<16xi32>
        %add3A_3507 = arith.addi %mul3A_3506, %max3A_3490 : vector<16xi32>
        %sub3A_3508 = vector.broadcast %mul3A_28 : i32 to vector<16xi32>
        %sub3A_3509 = arith.subi %add3A_3507, %sub3A_3508 : vector<16xi32>
        %ge3A_3510 = arith.constant 0 : i32
        %ge3A_3511 = vector.broadcast %ge3A_3510 : i32 to vector<16xi32>
        %ge3A_3512 = arith.cmpi sge, %sub3A_3509, %ge3A_3511 : vector<16xi32>
        %lt3A_3513 = vector.broadcast %select_n3A : i32 to vector<16xi32>
        %lt3A_3514 = arith.cmpi slt, %sub3A_3509, %lt3A_3513 : vector<16xi32>
        %and3A_3515 = arith.andi %ge3A_3512, %lt3A_3514 : vector<16xi1>
        %jit3A_3516 = arith.constant 0 : i32
        %jit3A_3517 = arith.constant 35 : i32
        %max3A_3518 = vector.broadcast %jit3A_3516 : i32 to vector<16xi32>
        %max3A_3519 = arith.maxsi %max3A_3518, %sub3A_3509 : vector<16xi32>
        %min3A_3520 = vector.broadcast %jit3A_3517 : i32 to vector<16xi32>
        %min3A_3521 = arith.minsi %min3A_3520, %max3A_3519 : vector<16xi32>
        %broadcast_in_dim3A_3522 = arith.constant 160 : i32
        %broadcast_in_dim3A_3523 = vector.broadcast %broadcast_in_dim3A_3522 : i32 to vector<16xi32>
        %add3A_3524 = arith.addi %broadcast_in_dim3A_3523, %min3A_3521 : vector<16xi32>
        %gather3A_3525 = tpu.vector_load_idx %arg7[%add3A_3524, %add3A_50] : memref<200x128xf32, #tpu.memory_space<vmem>>[vector<16xi32>, vector<16xi32>], vector<16xf32>,
        %eq3A_3526 = arith.constant 0.000000e+00 : f32
        %eq3A_3527 = vector.broadcast %eq3A_3526 : f32 to vector<16xf32>
        %eq3A_3528 = arith.cmpf oeq, %gather3A_3525, %eq3A_3527 : vector<16xf32>
        %and3A_3529 = arith.andi %and3A_3515, %eq3A_3528 : vector<16xi1>
        %broadcast_in_dim3A_3530 = arith.constant 0 : i32
        %broadcast_in_dim3A_3531 = vector.broadcast %broadcast_in_dim3A_3530 : i32 to vector<16xi32>
        %add3A_3532 = arith.addi %broadcast_in_dim3A_3531, %min3A_3521 : vector<16xi32>
        tpu.vector_store_idx %arg7[%add3A_3532, %add3A_50], %sub3A_3498 masked %and3A_3529 : memref<200x128xf32, #tpu.memory_space<vmem>>[vector<16xi32>, vector<16xi32>], vector<16xf32>, vector<16xi1>
        %broadcast_in_dim3A_3533 = arith.constant 40 : i32
        %broadcast_in_dim3A_3534 = vector.broadcast %broadcast_in_dim3A_3533 : i32 to vector<16xi32>
        %add3A_3535 = arith.addi %broadcast_in_dim3A_3534, %min3A_3521 : vector<16xi32>
        tpu.vector_store_idx %arg7[%add3A_3535, %add3A_50], %sub3A_3503 masked %and3A_3529 : memref<200x128xf32, #tpu.memory_space<vmem>>[vector<16xi32>, vector<16xi32>], vector<16xf32>, vector<16xi1>
        %broadcast_in_dim3A_3536 = arith.constant 80 : i32
        %broadcast_in_dim3A_3537 = vector.broadcast %broadcast_in_dim3A_3536 : i32 to vector<16xi32>
        %add3A_3538 = arith.addi %broadcast_in_dim3A_3537, %min3A_3521 : vector<16xi32>
        tpu.vector_store_idx %arg7[%add3A_3538, %add3A_50], %sub3A_3472 masked %and3A_3529 : memref<200x128xf32, #tpu.memory_space<vmem>>[vector<16xi32>, vector<16xi32>], vector<16xf32>, vector<16xi1>
        %broadcast_in_dim3A_3539 = arith.constant 120 : i32
        %broadcast_in_dim3A_3540 = vector.broadcast %broadcast_in_dim3A_3539 : i32 to vector<16xi32>
        %add3A_3541 = arith.addi %broadcast_in_dim3A_3540, %min3A_3521 : vector<16xi32>
        tpu.vector_store_idx %arg7[%add3A_3541, %add3A_50], %sub3A_3473 masked %and3A_3529 : memref<200x128xf32, #tpu.memory_space<vmem>>[vector<16xi32>, vector<16xi32>], vector<16xf32>, vector<16xi1>
        %broadcast_in_dim3A_3542 = arith.constant 160 : i32
        %broadcast_in_dim3A_3543 = vector.broadcast %broadcast_in_dim3A_3542 : i32 to vector<16xi32>
        %add3A_3544 = arith.addi %broadcast_in_dim3A_3543, %min3A_3521 : vector<16xi32>
        %convert_element_type3A_3545 = arith.sitofp %get3A_3463 : vector<16xi32> to vector<16xf32>
        %add3A_3546 = arith.addf %convert_element_type3A_3545, %broadcast_in_dim3A_26 : vector<16xf32>
        tpu.vector_store_idx %arg7[%add3A_3544, %add3A_50], %add3A_3546 masked %and3A_3529 : memref<200x128xf32, #tpu.memory_space<vmem>>[vector<16xi32>, vector<16xi32>], vector<16xf32>, vector<16xi1>
        %mul3A_3547 = arith.constant 16 : i32
        %mul3A_3548 = arith.muli %mul3A_3547, %scan3A_47 : i32
        %get3A_3549 = arith.constant 124 : i32
        %get3A_3550 = arith.index_cast %get3A_3549 : i32 to index
        %get3A_3551 = arith.index_cast %mul3A_3548 : i32 to index
        %get3A_3552 = tpu.vector_load %arg5[%get3A_3550, %get3A_3551] {strides = array<i32>} : memref<128x128xf32, #tpu.memory_space<vmem>>, vector<16xf32>,
        %mul3A_3553 = arith.constant 16 : i32
        %mul3A_3554 = arith.muli %mul3A_3553, %scan3A_47 : i32
        %get3A_3555 = arith.constant 125 : i32
        %get3A_3556 = arith.index_cast %get3A_3555 : i32 to index
        %get3A_3557 = arith.index_cast %mul3A_3554 : i32 to index
        %get3A_3558 = tpu.vector_load %arg5[%get3A_3556, %get3A_3557] {strides = array<i32>} : memref<128x128xf32, #tpu.memory_space<vmem>>, vector<16xf32>,
        %mul3A_3559 = arith.constant 16 : i32
        %mul3A_3560 = arith.muli %mul3A_3559, %scan3A_47 : i32
        %get3A_3561 = arith.constant 126 : i32
        %get3A_3562 = arith.index_cast %get3A_3561 : i32 to index
        %get3A_3563 = arith.index_cast %mul3A_3560 : i32 to index
        %get3A_3564 = tpu.vector_load %arg5[%get3A_3562, %get3A_3563] {strides = array<i32>} : memref<128x128xf32, #tpu.memory_space<vmem>>, vector<16xf32>,
        %mul3A_3565 = arith.constant 16 : i32
        %mul3A_3566 = arith.muli %mul3A_3565, %scan3A_47 : i32
        %get3A_3567 = arith.constant 127 : i32
        %get3A_3568 = arith.index_cast %get3A_3567 : i32 to index
        %get3A_3569 = arith.index_cast %mul3A_3566 : i32 to index
        %get3A_3570 = tpu.vector_load %arg5[%get3A_3568, %get3A_3569] {strides = array<i32>} : memref<128x128xf32, #tpu.memory_space<vmem>>, vector<16xf32>,
        %mul3A_3571 = arith.constant 16 : i32
        %mul3A_3572 = arith.muli %mul3A_3571, %scan3A_47 : i32
        %get3A_3573 = arith.constant 31 : i32
        %get3A_3574 = arith.index_cast %get3A_3573 : i32 to index
        %get3A_3575 = arith.index_cast %mul3A_3572 : i32 to index
        %get3A_3576 = tpu.vector_load %arg6[%get3A_3574, %get3A_3575] {strides = array<i32>} : memref<32x128xi32, #tpu.memory_space<vmem>>, vector<16xi32>,
        %add3A_3577 = arith.addf %get3A_3552, %get3A_3564 : vector<16xf32>
        %mul3A_3578 = arith.constant 5.000000e-01 : f32
        %mul3A_3579 = vector.broadcast %mul3A_3578 : f32 to vector<16xf32>
        %mul3A_3580 = arith.mulf %add3A_3577, %mul3A_3579 : vector<16xf32>
        %add3A_3581 = arith.addf %get3A_3558, %get3A_3570 : vector<16xf32>
        %mul3A_3582 = arith.constant 5.000000e-01 : f32
        %mul3A_3583 = vector.broadcast %mul3A_3582 : f32 to vector<16xf32>
        %mul3A_3584 = arith.mulf %add3A_3581, %mul3A_3583 : vector<16xf32>
        %sub3A_3585 = arith.subf %get3A_3564, %get3A_3552 : vector<16xf32>
        %sub3A_3586 = arith.subf %get3A_3570, %get3A_3558 : vector<16xf32>
        %mul3A_3587 = arith.constant 1.400000e+01 : f32
        %mul3A_3588 = vector.broadcast %mul3A_3587 : f32 to vector<16xf32>
        %mul3A_3589 = arith.mulf %mul3A_3580, %mul3A_3588 : vector<16xf32>
        %convert_element_type3A_3590 = arith.fptosi %mul3A_3589 : vector<16xf32> to vector<16xi32>
        %min3A_3591 = arith.constant 13 : i32
        %min3A_3592 = vector.broadcast %min3A_3591 : i32 to vector<16xi32>
        %min3A_3593 = arith.minsi %convert_element_type3A_3590, %min3A_3592 : vector<16xi32>
        %mul3A_3594 = arith.constant 1.400000e+01 : f32
        %mul3A_3595 = vector.broadcast %mul3A_3594 : f32 to vector<16xf32>
        %mul3A_3596 = arith.mulf %mul3A_3584, %mul3A_3595 : vector<16xf32>
        %convert_element_type3A_3597 = arith.fptosi %mul3A_3596 : vector<16xf32> to vector<16xi32>
        %min3A_3598 = arith.constant 13 : i32
        %min3A_3599 = vector.broadcast %min3A_3598 : i32 to vector<16xi32>
        %min3A_3600 = arith.minsi %convert_element_type3A_3597, %min3A_3599 : vector<16xi32>
        %max3A_3601 = arith.constant 0 : i32
        %max3A_3602 = vector.broadcast %max3A_3601 : i32 to vector<16xi32>
        %max3A_3603 = arith.maxsi %min3A_3593, %max3A_3602 : vector<16xi32>
        %max3A_3604 = arith.constant 0 : i32
        %max3A_3605 = vector.broadcast %max3A_3604 : i32 to vector<16xi32>
        %max3A_3606 = arith.maxsi %min3A_3600, %max3A_3605 : vector<16xi32>
        %mul3A_3607 = arith.constant 1.400000e+01 : f32
        %mul3A_3608 = vector.broadcast %mul3A_3607 : f32 to vector<16xf32>
        %mul3A_3609 = arith.mulf %mul3A_3580, %mul3A_3608 : vector<16xf32>
        %convert_element_type3A_3610 = arith.sitofp %max3A_3603 : vector<16xi32> to vector<16xf32>
        %sub3A_3611 = arith.subf %mul3A_3609, %convert_element_type3A_3610 : vector<16xf32>
        %mul3A_3612 = arith.constant 1.400000e+01 : f32
        %mul3A_3613 = vector.broadcast %mul3A_3612 : f32 to vector<16xf32>
        %mul3A_3614 = arith.mulf %mul3A_3584, %mul3A_3613 : vector<16xf32>
        %convert_element_type3A_3615 = arith.sitofp %max3A_3606 : vector<16xi32> to vector<16xf32>
        %sub3A_3616 = arith.subf %mul3A_3614, %convert_element_type3A_3615 : vector<16xf32>
        %mul3A_3617 = arith.constant 14 : i32
        %mul3A_3618 = vector.broadcast %mul3A_3617 : i32 to vector<16xi32>
        %mul3A_3619 = arith.muli %max3A_3606, %mul3A_3618 : vector<16xi32>
        %add3A_3620 = arith.addi %mul3A_3619, %max3A_3603 : vector<16xi32>
        %sub3A_3621 = vector.broadcast %mul3A_28 : i32 to vector<16xi32>
        %sub3A_3622 = arith.subi %add3A_3620, %sub3A_3621 : vector<16xi32>
        %ge3A_3623 = arith.constant 0 : i32
        %ge3A_3624 = vector.broadcast %ge3A_3623 : i32 to vector<16xi32>
        %ge3A_3625 = arith.cmpi sge, %sub3A_3622, %ge3A_3624 : vector<16xi32>
        %lt3A_3626 = vector.broadcast %select_n3A : i32 to vector<16xi32>
        %lt3A_3627 = arith.cmpi slt, %sub3A_3622, %lt3A_3626 : vector<16xi32>
        %and3A_3628 = arith.andi %ge3A_3625, %lt3A_3627 : vector<16xi1>
        %jit3A_3629 = arith.constant 0 : i32
        %jit3A_3630 = arith.constant 35 : i32
        %max3A_3631 = vector.broadcast %jit3A_3629 : i32 to vector<16xi32>
        %max3A_3632 = arith.maxsi %max3A_3631, %sub3A_3622 : vector<16xi32>
        %min3A_3633 = vector.broadcast %jit3A_3630 : i32 to vector<16xi32>
        %min3A_3634 = arith.minsi %min3A_3633, %max3A_3632 : vector<16xi32>
        %broadcast_in_dim3A_3635 = arith.constant 160 : i32
        %broadcast_in_dim3A_3636 = vector.broadcast %broadcast_in_dim3A_3635 : i32 to vector<16xi32>
        %add3A_3637 = arith.addi %broadcast_in_dim3A_3636, %min3A_3634 : vector<16xi32>
        %gather3A_3638 = tpu.vector_load_idx %arg7[%add3A_3637, %add3A_50] : memref<200x128xf32, #tpu.memory_space<vmem>>[vector<16xi32>, vector<16xi32>], vector<16xf32>,
        %eq3A_3639 = arith.constant 0.000000e+00 : f32
        %eq3A_3640 = vector.broadcast %eq3A_3639 : f32 to vector<16xf32>
        %eq3A_3641 = arith.cmpf oeq, %gather3A_3638, %eq3A_3640 : vector<16xf32>
        %and3A_3642 = arith.andi %and3A_3628, %eq3A_3641 : vector<16xi1>
        %broadcast_in_dim3A_3643 = arith.constant 0 : i32
        %broadcast_in_dim3A_3644 = vector.broadcast %broadcast_in_dim3A_3643 : i32 to vector<16xi32>
        %add3A_3645 = arith.addi %broadcast_in_dim3A_3644, %min3A_3634 : vector<16xi32>
        tpu.vector_store_idx %arg7[%add3A_3645, %add3A_50], %sub3A_3611 masked %and3A_3642 : memref<200x128xf32, #tpu.memory_space<vmem>>[vector<16xi32>, vector<16xi32>], vector<16xf32>, vector<16xi1>
        %broadcast_in_dim3A_3646 = arith.constant 40 : i32
        %broadcast_in_dim3A_3647 = vector.broadcast %broadcast_in_dim3A_3646 : i32 to vector<16xi32>
        %add3A_3648 = arith.addi %broadcast_in_dim3A_3647, %min3A_3634 : vector<16xi32>
        tpu.vector_store_idx %arg7[%add3A_3648, %add3A_50], %sub3A_3616 masked %and3A_3642 : memref<200x128xf32, #tpu.memory_space<vmem>>[vector<16xi32>, vector<16xi32>], vector<16xf32>, vector<16xi1>
        %broadcast_in_dim3A_3649 = arith.constant 80 : i32
        %broadcast_in_dim3A_3650 = vector.broadcast %broadcast_in_dim3A_3649 : i32 to vector<16xi32>
        %add3A_3651 = arith.addi %broadcast_in_dim3A_3650, %min3A_3634 : vector<16xi32>
        tpu.vector_store_idx %arg7[%add3A_3651, %add3A_50], %sub3A_3585 masked %and3A_3642 : memref<200x128xf32, #tpu.memory_space<vmem>>[vector<16xi32>, vector<16xi32>], vector<16xf32>, vector<16xi1>
        %broadcast_in_dim3A_3652 = arith.constant 120 : i32
        %broadcast_in_dim3A_3653 = vector.broadcast %broadcast_in_dim3A_3652 : i32 to vector<16xi32>
        %add3A_3654 = arith.addi %broadcast_in_dim3A_3653, %min3A_3634 : vector<16xi32>
        tpu.vector_store_idx %arg7[%add3A_3654, %add3A_50], %sub3A_3586 masked %and3A_3642 : memref<200x128xf32, #tpu.memory_space<vmem>>[vector<16xi32>, vector<16xi32>], vector<16xf32>, vector<16xi1>
        %broadcast_in_dim3A_3655 = arith.constant 160 : i32
        %broadcast_in_dim3A_3656 = vector.broadcast %broadcast_in_dim3A_3655 : i32 to vector<16xi32>
        %add3A_3657 = arith.addi %broadcast_in_dim3A_3656, %min3A_3634 : vector<16xi32>
        %convert_element_type3A_3658 = arith.sitofp %get3A_3576 : vector<16xi32> to vector<16xf32>
        %add3A_3659 = arith.addf %convert_element_type3A_3658, %broadcast_in_dim3A_26 : vector<16xf32>
        tpu.vector_store_idx %arg7[%add3A_3657, %add3A_50], %add3A_3659 masked %and3A_3642 : memref<200x128xf32, #tpu.memory_space<vmem>>[vector<16xi32>, vector<16xi32>], vector<16xf32>, vector<16xi1>
      }
      %scan3A_36 = arith.constant 8 : i32
      %lt3A_37 = arith.constant 5 : i32
      %lt3A_38 = arith.cmpi slt, %arg1, %lt3A_37 : i32
      %convert_element_type3A_39 = arith.extui %lt3A_38 : i1 to i32
      %cond3A_40 = arith.constant 0 : i32
      %cond3A_41 = arith.cmpi ne, %convert_element_type3A_39, %cond3A_40 : i32
      scf.if %cond3A_41 {
        %add3A = arith.constant 0 : i32
        %add3A_47 = arith.addi %add3A, %mul3A_28 : i32
        %mul3A_48 = arith.constant 128 : i32
        %mul3A_49 = arith.muli %mul3A_48, %arg0 : i32
        "tpu.region"() ({
          %run_scoped3A = tpu.sem_alloc : memref<!tpu.dma_semaphore, #tpu.memory_space<semaphore_mem>>
          %dma_start3A_66 = arith.constant 0 : i32
          %dma_start3A_67 = arith.constant 0 : i32
          %dma_start3A_68 = tpu.memref_slice %arg7[%dma_start3A_66, %dma_start3A_67] : memref<200x128xf32, #tpu.memory_space<vmem>> -> memref<32x128xf32, #tpu.memory_space<vmem>>
          %dma_start3A_69 = tpu.memref_slice %arg4[%add3A_47, %mul3A_49] : memref<1120x256xf32, #tpu.memory_space<hbm>> -> memref<32x128xf32, #tpu.memory_space<hbm>>
          %dma_start3A_70 = tpu.memref_slice %arg4[%add3A_47, %mul3A_49] : memref<1120x256xf32, #tpu.memory_space<hbm>> -> memref<32x128xf32, #tpu.memory_space<hbm>>
          %dma_start3A_71 = arith.constant 0 : i32
          %dma_start3A_72 = arith.constant 0 : i32
          %dma_start3A_73 = tpu.memref_slice %arg7[%dma_start3A_71, %dma_start3A_72] : memref<200x128xf32, #tpu.memory_space<vmem>> -> memref<32x128xf32, #tpu.memory_space<vmem>>
          tpu.enqueue_dma source(%dma_start3A_73 : memref<32x128xf32, #tpu.memory_space<vmem>>) target(%dma_start3A_70 : memref<32x128xf32, #tpu.memory_space<hbm>>) target_semaphore(%run_scoped3A : memref<!tpu.dma_semaphore, #tpu.memory_space<semaphore_mem>>)
          %dma_wait3A_74 = arith.constant 0 : i32
          %dma_wait3A_75 = arith.constant 0 : i32
          %dma_wait3A_76 = tpu.memref_slice %arg7[%dma_wait3A_74, %dma_wait3A_75] : memref<200x128xf32, #tpu.memory_space<vmem>> -> memref<32x128xf32, #tpu.memory_space<vmem>>
          %dma_wait3A_77 = tpu.memref_slice %arg4[%add3A_47, %mul3A_49] : memref<1120x256xf32, #tpu.memory_space<hbm>> -> memref<32x128xf32, #tpu.memory_space<hbm>>
          %dma_wait3A_78 = tpu.memref_slice %arg4[%add3A_47, %mul3A_49] : memref<1120x256xf32, #tpu.memory_space<hbm>> -> memref<32x128xf32, #tpu.memory_space<hbm>>
          %dma_wait3A_79 = arith.constant 0 : i32
          %dma_wait3A_80 = arith.constant 0 : i32
          %dma_wait3A_81 = tpu.memref_slice %arg7[%dma_wait3A_79, %dma_wait3A_80] : memref<200x128xf32, #tpu.memory_space<vmem>> -> memref<32x128xf32, #tpu.memory_space<vmem>>
          tpu.wait_dma2 semaphore(%run_scoped3A : memref<!tpu.dma_semaphore, #tpu.memory_space<semaphore_mem>>) src(%dma_wait3A_81 : memref<32x128xf32, #tpu.memory_space<vmem>>) dst(%dma_wait3A_78 : memref<32x128xf32, #tpu.memory_space<hbm>>)
          tpu.yield
        }) : () -> ()
        %add3A_50 = arith.constant 224 : i32
        %add3A_51 = arith.addi %add3A_50, %mul3A_28 : i32
        %mul3A_52 = arith.constant 128 : i32
        %mul3A_53 = arith.muli %mul3A_52, %arg0 : i32
        "tpu.region"() ({
          %run_scoped3A = tpu.sem_alloc : memref<!tpu.dma_semaphore, #tpu.memory_space<semaphore_mem>>
          %dma_start3A_66 = arith.constant 40 : i32
          %dma_start3A_67 = arith.constant 0 : i32
          %dma_start3A_68 = tpu.memref_slice %arg7[%dma_start3A_66, %dma_start3A_67] : memref<200x128xf32, #tpu.memory_space<vmem>> -> memref<32x128xf32, #tpu.memory_space<vmem>>
          %dma_start3A_69 = tpu.memref_slice %arg4[%add3A_51, %mul3A_53] : memref<1120x256xf32, #tpu.memory_space<hbm>> -> memref<32x128xf32, #tpu.memory_space<hbm>>
          %dma_start3A_70 = tpu.memref_slice %arg4[%add3A_51, %mul3A_53] : memref<1120x256xf32, #tpu.memory_space<hbm>> -> memref<32x128xf32, #tpu.memory_space<hbm>>
          %dma_start3A_71 = arith.constant 40 : i32
          %dma_start3A_72 = arith.constant 0 : i32
          %dma_start3A_73 = tpu.memref_slice %arg7[%dma_start3A_71, %dma_start3A_72] : memref<200x128xf32, #tpu.memory_space<vmem>> -> memref<32x128xf32, #tpu.memory_space<vmem>>
          tpu.enqueue_dma source(%dma_start3A_73 : memref<32x128xf32, #tpu.memory_space<vmem>>) target(%dma_start3A_70 : memref<32x128xf32, #tpu.memory_space<hbm>>) target_semaphore(%run_scoped3A : memref<!tpu.dma_semaphore, #tpu.memory_space<semaphore_mem>>)
          %dma_wait3A_74 = arith.constant 40 : i32
          %dma_wait3A_75 = arith.constant 0 : i32
          %dma_wait3A_76 = tpu.memref_slice %arg7[%dma_wait3A_74, %dma_wait3A_75] : memref<200x128xf32, #tpu.memory_space<vmem>> -> memref<32x128xf32, #tpu.memory_space<vmem>>
          %dma_wait3A_77 = tpu.memref_slice %arg4[%add3A_51, %mul3A_53] : memref<1120x256xf32, #tpu.memory_space<hbm>> -> memref<32x128xf32, #tpu.memory_space<hbm>>
          %dma_wait3A_78 = tpu.memref_slice %arg4[%add3A_51, %mul3A_53] : memref<1120x256xf32, #tpu.memory_space<hbm>> -> memref<32x128xf32, #tpu.memory_space<hbm>>
          %dma_wait3A_79 = arith.constant 40 : i32
          %dma_wait3A_80 = arith.constant 0 : i32
          %dma_wait3A_81 = tpu.memref_slice %arg7[%dma_wait3A_79, %dma_wait3A_80] : memref<200x128xf32, #tpu.memory_space<vmem>> -> memref<32x128xf32, #tpu.memory_space<vmem>>
          tpu.wait_dma2 semaphore(%run_scoped3A : memref<!tpu.dma_semaphore, #tpu.memory_space<semaphore_mem>>) src(%dma_wait3A_81 : memref<32x128xf32, #tpu.memory_space<vmem>>) dst(%dma_wait3A_78 : memref<32x128xf32, #tpu.memory_space<hbm>>)
          tpu.yield
        }) : () -> ()
        %add3A_54 = arith.constant 448 : i32
        %add3A_55 = arith.addi %add3A_54, %mul3A_28 : i32
        %mul3A_56 = arith.constant 128 : i32
        %mul3A_57 = arith.muli %mul3A_56, %arg0 : i32
        "tpu.region"() ({
          %run_scoped3A = tpu.sem_alloc : memref<!tpu.dma_semaphore, #tpu.memory_space<semaphore_mem>>
          %dma_start3A_66 = arith.constant 80 : i32
          %dma_start3A_67 = arith.constant 0 : i32
          %dma_start3A_68 = tpu.memref_slice %arg7[%dma_start3A_66, %dma_start3A_67] : memref<200x128xf32, #tpu.memory_space<vmem>> -> memref<32x128xf32, #tpu.memory_space<vmem>>
          %dma_start3A_69 = tpu.memref_slice %arg4[%add3A_55, %mul3A_57] : memref<1120x256xf32, #tpu.memory_space<hbm>> -> memref<32x128xf32, #tpu.memory_space<hbm>>
          %dma_start3A_70 = tpu.memref_slice %arg4[%add3A_55, %mul3A_57] : memref<1120x256xf32, #tpu.memory_space<hbm>> -> memref<32x128xf32, #tpu.memory_space<hbm>>
          %dma_start3A_71 = arith.constant 80 : i32
          %dma_start3A_72 = arith.constant 0 : i32
          %dma_start3A_73 = tpu.memref_slice %arg7[%dma_start3A_71, %dma_start3A_72] : memref<200x128xf32, #tpu.memory_space<vmem>> -> memref<32x128xf32, #tpu.memory_space<vmem>>
          tpu.enqueue_dma source(%dma_start3A_73 : memref<32x128xf32, #tpu.memory_space<vmem>>) target(%dma_start3A_70 : memref<32x128xf32, #tpu.memory_space<hbm>>) target_semaphore(%run_scoped3A : memref<!tpu.dma_semaphore, #tpu.memory_space<semaphore_mem>>)
          %dma_wait3A_74 = arith.constant 80 : i32
          %dma_wait3A_75 = arith.constant 0 : i32
          %dma_wait3A_76 = tpu.memref_slice %arg7[%dma_wait3A_74, %dma_wait3A_75] : memref<200x128xf32, #tpu.memory_space<vmem>> -> memref<32x128xf32, #tpu.memory_space<vmem>>
          %dma_wait3A_77 = tpu.memref_slice %arg4[%add3A_55, %mul3A_57] : memref<1120x256xf32, #tpu.memory_space<hbm>> -> memref<32x128xf32, #tpu.memory_space<hbm>>
          %dma_wait3A_78 = tpu.memref_slice %arg4[%add3A_55, %mul3A_57] : memref<1120x256xf32, #tpu.memory_space<hbm>> -> memref<32x128xf32, #tpu.memory_space<hbm>>
          %dma_wait3A_79 = arith.constant 80 : i32
          %dma_wait3A_80 = arith.constant 0 : i32
          %dma_wait3A_81 = tpu.memref_slice %arg7[%dma_wait3A_79, %dma_wait3A_80] : memref<200x128xf32, #tpu.memory_space<vmem>> -> memref<32x128xf32, #tpu.memory_space<vmem>>
          tpu.wait_dma2 semaphore(%run_scoped3A : memref<!tpu.dma_semaphore, #tpu.memory_space<semaphore_mem>>) src(%dma_wait3A_81 : memref<32x128xf32, #tpu.memory_space<vmem>>) dst(%dma_wait3A_78 : memref<32x128xf32, #tpu.memory_space<hbm>>)
          tpu.yield
        }) : () -> ()
        %add3A_58 = arith.constant 672 : i32
        %add3A_59 = arith.addi %add3A_58, %mul3A_28 : i32
        %mul3A_60 = arith.constant 128 : i32
        %mul3A_61 = arith.muli %mul3A_60, %arg0 : i32
        "tpu.region"() ({
          %run_scoped3A = tpu.sem_alloc : memref<!tpu.dma_semaphore, #tpu.memory_space<semaphore_mem>>
          %dma_start3A_66 = arith.constant 120 : i32
          %dma_start3A_67 = arith.constant 0 : i32
          %dma_start3A_68 = tpu.memref_slice %arg7[%dma_start3A_66, %dma_start3A_67] : memref<200x128xf32, #tpu.memory_space<vmem>> -> memref<32x128xf32, #tpu.memory_space<vmem>>
          %dma_start3A_69 = tpu.memref_slice %arg4[%add3A_59, %mul3A_61] : memref<1120x256xf32, #tpu.memory_space<hbm>> -> memref<32x128xf32, #tpu.memory_space<hbm>>
          %dma_start3A_70 = tpu.memref_slice %arg4[%add3A_59, %mul3A_61] : memref<1120x256xf32, #tpu.memory_space<hbm>> -> memref<32x128xf32, #tpu.memory_space<hbm>>
          %dma_start3A_71 = arith.constant 120 : i32
          %dma_start3A_72 = arith.constant 0 : i32
          %dma_start3A_73 = tpu.memref_slice %arg7[%dma_start3A_71, %dma_start3A_72] : memref<200x128xf32, #tpu.memory_space<vmem>> -> memref<32x128xf32, #tpu.memory_space<vmem>>
          tpu.enqueue_dma source(%dma_start3A_73 : memref<32x128xf32, #tpu.memory_space<vmem>>) target(%dma_start3A_70 : memref<32x128xf32, #tpu.memory_space<hbm>>) target_semaphore(%run_scoped3A : memref<!tpu.dma_semaphore, #tpu.memory_space<semaphore_mem>>)
          %dma_wait3A_74 = arith.constant 120 : i32
          %dma_wait3A_75 = arith.constant 0 : i32
          %dma_wait3A_76 = tpu.memref_slice %arg7[%dma_wait3A_74, %dma_wait3A_75] : memref<200x128xf32, #tpu.memory_space<vmem>> -> memref<32x128xf32, #tpu.memory_space<vmem>>
          %dma_wait3A_77 = tpu.memref_slice %arg4[%add3A_59, %mul3A_61] : memref<1120x256xf32, #tpu.memory_space<hbm>> -> memref<32x128xf32, #tpu.memory_space<hbm>>
          %dma_wait3A_78 = tpu.memref_slice %arg4[%add3A_59, %mul3A_61] : memref<1120x256xf32, #tpu.memory_space<hbm>> -> memref<32x128xf32, #tpu.memory_space<hbm>>
          %dma_wait3A_79 = arith.constant 120 : i32
          %dma_wait3A_80 = arith.constant 0 : i32
          %dma_wait3A_81 = tpu.memref_slice %arg7[%dma_wait3A_79, %dma_wait3A_80] : memref<200x128xf32, #tpu.memory_space<vmem>> -> memref<32x128xf32, #tpu.memory_space<vmem>>
          tpu.wait_dma2 semaphore(%run_scoped3A : memref<!tpu.dma_semaphore, #tpu.memory_space<semaphore_mem>>) src(%dma_wait3A_81 : memref<32x128xf32, #tpu.memory_space<vmem>>) dst(%dma_wait3A_78 : memref<32x128xf32, #tpu.memory_space<hbm>>)
          tpu.yield
        }) : () -> ()
        %add3A_62 = arith.constant 896 : i32
        %add3A_63 = arith.addi %add3A_62, %mul3A_28 : i32
        %mul3A_64 = arith.constant 128 : i32
        %mul3A_65 = arith.muli %mul3A_64, %arg0 : i32
        "tpu.region"() ({
          %run_scoped3A = tpu.sem_alloc : memref<!tpu.dma_semaphore, #tpu.memory_space<semaphore_mem>>
          %dma_start3A_66 = arith.constant 160 : i32
          %dma_start3A_67 = arith.constant 0 : i32
          %dma_start3A_68 = tpu.memref_slice %arg7[%dma_start3A_66, %dma_start3A_67] : memref<200x128xf32, #tpu.memory_space<vmem>> -> memref<32x128xf32, #tpu.memory_space<vmem>>
          %dma_start3A_69 = tpu.memref_slice %arg4[%add3A_63, %mul3A_65] : memref<1120x256xf32, #tpu.memory_space<hbm>> -> memref<32x128xf32, #tpu.memory_space<hbm>>
          %dma_start3A_70 = tpu.memref_slice %arg4[%add3A_63, %mul3A_65] : memref<1120x256xf32, #tpu.memory_space<hbm>> -> memref<32x128xf32, #tpu.memory_space<hbm>>
          %dma_start3A_71 = arith.constant 160 : i32
          %dma_start3A_72 = arith.constant 0 : i32
          %dma_start3A_73 = tpu.memref_slice %arg7[%dma_start3A_71, %dma_start3A_72] : memref<200x128xf32, #tpu.memory_space<vmem>> -> memref<32x128xf32, #tpu.memory_space<vmem>>
          tpu.enqueue_dma source(%dma_start3A_73 : memref<32x128xf32, #tpu.memory_space<vmem>>) target(%dma_start3A_70 : memref<32x128xf32, #tpu.memory_space<hbm>>) target_semaphore(%run_scoped3A : memref<!tpu.dma_semaphore, #tpu.memory_space<semaphore_mem>>)
          %dma_wait3A_74 = arith.constant 160 : i32
          %dma_wait3A_75 = arith.constant 0 : i32
          %dma_wait3A_76 = tpu.memref_slice %arg7[%dma_wait3A_74, %dma_wait3A_75] : memref<200x128xf32, #tpu.memory_space<vmem>> -> memref<32x128xf32, #tpu.memory_space<vmem>>
          %dma_wait3A_77 = tpu.memref_slice %arg4[%add3A_63, %mul3A_65] : memref<1120x256xf32, #tpu.memory_space<hbm>> -> memref<32x128xf32, #tpu.memory_space<hbm>>
          %dma_wait3A_78 = tpu.memref_slice %arg4[%add3A_63, %mul3A_65] : memref<1120x256xf32, #tpu.memory_space<hbm>> -> memref<32x128xf32, #tpu.memory_space<hbm>>
          %dma_wait3A_79 = arith.constant 160 : i32
          %dma_wait3A_80 = arith.constant 0 : i32
          %dma_wait3A_81 = tpu.memref_slice %arg7[%dma_wait3A_79, %dma_wait3A_80] : memref<200x128xf32, #tpu.memory_space<vmem>> -> memref<32x128xf32, #tpu.memory_space<vmem>>
          tpu.wait_dma2 semaphore(%run_scoped3A : memref<!tpu.dma_semaphore, #tpu.memory_space<semaphore_mem>>) src(%dma_wait3A_81 : memref<32x128xf32, #tpu.memory_space<vmem>>) dst(%dma_wait3A_78 : memref<32x128xf32, #tpu.memory_space<hbm>>)
          tpu.yield
        }) : () -> ()
      } else {
      }
      %eq3A_42 = arith.constant 5 : i32
      %eq3A_43 = arith.cmpi eq, %arg1, %eq3A_42 : i32
      %convert_element_type3A_44 = arith.extui %eq3A_43 : i1 to i32
      %cond3A_45 = arith.constant 0 : i32
      %cond3A_46 = arith.cmpi ne, %convert_element_type3A_44, %cond3A_45 : i32
      scf.if %cond3A_46 {
        %mul3A_47 = arith.constant 128 : i32
        %mul3A_48 = arith.muli %mul3A_47, %arg0 : i32
        "tpu.region"() ({
          %run_scoped3A = tpu.sem_alloc : memref<!tpu.dma_semaphore, #tpu.memory_space<semaphore_mem>>
          %dma_start3A_57 = arith.constant 0 : i32
          %dma_start3A_58 = arith.constant 0 : i32
          %dma_start3A_59 = tpu.memref_slice %arg7[%dma_start3A_57, %dma_start3A_58] : memref<200x128xf32, #tpu.memory_space<vmem>> -> memref<40x128xf32, #tpu.memory_space<vmem>>
          %dma_start3A_60 = arith.constant 160 : i32
          %dma_start3A_61 = tpu.memref_slice %arg4[%dma_start3A_60, %mul3A_48] : memref<1120x256xf32, #tpu.memory_space<hbm>> -> memref<40x128xf32, #tpu.memory_space<hbm>>
          %dma_start3A_62 = arith.constant 160 : i32
          %dma_start3A_63 = tpu.memref_slice %arg4[%dma_start3A_62, %mul3A_48] : memref<1120x256xf32, #tpu.memory_space<hbm>> -> memref<40x128xf32, #tpu.memory_space<hbm>>
          %dma_start3A_64 = arith.constant 0 : i32
          %dma_start3A_65 = arith.constant 0 : i32
          %dma_start3A_66 = tpu.memref_slice %arg7[%dma_start3A_64, %dma_start3A_65] : memref<200x128xf32, #tpu.memory_space<vmem>> -> memref<40x128xf32, #tpu.memory_space<vmem>>
          tpu.enqueue_dma source(%dma_start3A_66 : memref<40x128xf32, #tpu.memory_space<vmem>>) target(%dma_start3A_63 : memref<40x128xf32, #tpu.memory_space<hbm>>) target_semaphore(%run_scoped3A : memref<!tpu.dma_semaphore, #tpu.memory_space<semaphore_mem>>)
          %dma_wait3A_67 = arith.constant 0 : i32
          %dma_wait3A_68 = arith.constant 0 : i32
          %dma_wait3A_69 = tpu.memref_slice %arg7[%dma_wait3A_67, %dma_wait3A_68] : memref<200x128xf32, #tpu.memory_space<vmem>> -> memref<40x128xf32, #tpu.memory_space<vmem>>
          %dma_wait3A_70 = arith.constant 160 : i32
          %dma_wait3A_71 = tpu.memref_slice %arg4[%dma_wait3A_70, %mul3A_48] : memref<1120x256xf32, #tpu.memory_space<hbm>> -> memref<40x128xf32, #tpu.memory_space<hbm>>
          %dma_wait3A_72 = arith.constant 160 : i32
          %dma_wait3A_73 = tpu.memref_slice %arg4[%dma_wait3A_72, %mul3A_48] : memref<1120x256xf32, #tpu.memory_space<hbm>> -> memref<40x128xf32, #tpu.memory_space<hbm>>
          %dma_wait3A_74 = arith.constant 0 : i32
          %dma_wait3A_75 = arith.constant 0 : i32
          %dma_wait3A_76 = tpu.memref_slice %arg7[%dma_wait3A_74, %dma_wait3A_75] : memref<200x128xf32, #tpu.memory_space<vmem>> -> memref<40x128xf32, #tpu.memory_space<vmem>>
          tpu.wait_dma2 semaphore(%run_scoped3A : memref<!tpu.dma_semaphore, #tpu.memory_space<semaphore_mem>>) src(%dma_wait3A_76 : memref<40x128xf32, #tpu.memory_space<vmem>>) dst(%dma_wait3A_73 : memref<40x128xf32, #tpu.memory_space<hbm>>)
          tpu.yield
        }) : () -> ()
        %mul3A_49 = arith.constant 128 : i32
        %mul3A_50 = arith.muli %mul3A_49, %arg0 : i32
        "tpu.region"() ({
          %run_scoped3A = tpu.sem_alloc : memref<!tpu.dma_semaphore, #tpu.memory_space<semaphore_mem>>
          %dma_start3A_57 = arith.constant 40 : i32
          %dma_start3A_58 = arith.constant 0 : i32
          %dma_start3A_59 = tpu.memref_slice %arg7[%dma_start3A_57, %dma_start3A_58] : memref<200x128xf32, #tpu.memory_space<vmem>> -> memref<40x128xf32, #tpu.memory_space<vmem>>
          %dma_start3A_60 = arith.constant 384 : i32
          %dma_start3A_61 = tpu.memref_slice %arg4[%dma_start3A_60, %mul3A_50] : memref<1120x256xf32, #tpu.memory_space<hbm>> -> memref<40x128xf32, #tpu.memory_space<hbm>>
          %dma_start3A_62 = arith.constant 384 : i32
          %dma_start3A_63 = tpu.memref_slice %arg4[%dma_start3A_62, %mul3A_50] : memref<1120x256xf32, #tpu.memory_space<hbm>> -> memref<40x128xf32, #tpu.memory_space<hbm>>
          %dma_start3A_64 = arith.constant 40 : i32
          %dma_start3A_65 = arith.constant 0 : i32
          %dma_start3A_66 = tpu.memref_slice %arg7[%dma_start3A_64, %dma_start3A_65] : memref<200x128xf32, #tpu.memory_space<vmem>> -> memref<40x128xf32, #tpu.memory_space<vmem>>
          tpu.enqueue_dma source(%dma_start3A_66 : memref<40x128xf32, #tpu.memory_space<vmem>>) target(%dma_start3A_63 : memref<40x128xf32, #tpu.memory_space<hbm>>) target_semaphore(%run_scoped3A : memref<!tpu.dma_semaphore, #tpu.memory_space<semaphore_mem>>)
          %dma_wait3A_67 = arith.constant 40 : i32
          %dma_wait3A_68 = arith.constant 0 : i32
          %dma_wait3A_69 = tpu.memref_slice %arg7[%dma_wait3A_67, %dma_wait3A_68] : memref<200x128xf32, #tpu.memory_space<vmem>> -> memref<40x128xf32, #tpu.memory_space<vmem>>
          %dma_wait3A_70 = arith.constant 384 : i32
          %dma_wait3A_71 = tpu.memref_slice %arg4[%dma_wait3A_70, %mul3A_50] : memref<1120x256xf32, #tpu.memory_space<hbm>> -> memref<40x128xf32, #tpu.memory_space<hbm>>
          %dma_wait3A_72 = arith.constant 384 : i32
          %dma_wait3A_73 = tpu.memref_slice %arg4[%dma_wait3A_72, %mul3A_50] : memref<1120x256xf32, #tpu.memory_space<hbm>> -> memref<40x128xf32, #tpu.memory_space<hbm>>
          %dma_wait3A_74 = arith.constant 40 : i32
          %dma_wait3A_75 = arith.constant 0 : i32
          %dma_wait3A_76 = tpu.memref_slice %arg7[%dma_wait3A_74, %dma_wait3A_75] : memref<200x128xf32, #tpu.memory_space<vmem>> -> memref<40x128xf32, #tpu.memory_space<vmem>>
          tpu.wait_dma2 semaphore(%run_scoped3A : memref<!tpu.dma_semaphore, #tpu.memory_space<semaphore_mem>>) src(%dma_wait3A_76 : memref<40x128xf32, #tpu.memory_space<vmem>>) dst(%dma_wait3A_73 : memref<40x128xf32, #tpu.memory_space<hbm>>)
          tpu.yield
        }) : () -> ()
        %mul3A_51 = arith.constant 128 : i32
        %mul3A_52 = arith.muli %mul3A_51, %arg0 : i32
        "tpu.region"() ({
          %run_scoped3A = tpu.sem_alloc : memref<!tpu.dma_semaphore, #tpu.memory_space<semaphore_mem>>
          %dma_start3A_57 = arith.constant 80 : i32
          %dma_start3A_58 = arith.constant 0 : i32
          %dma_start3A_59 = tpu.memref_slice %arg7[%dma_start3A_57, %dma_start3A_58] : memref<200x128xf32, #tpu.memory_space<vmem>> -> memref<40x128xf32, #tpu.memory_space<vmem>>
          %dma_start3A_60 = arith.constant 608 : i32
          %dma_start3A_61 = tpu.memref_slice %arg4[%dma_start3A_60, %mul3A_52] : memref<1120x256xf32, #tpu.memory_space<hbm>> -> memref<40x128xf32, #tpu.memory_space<hbm>>
          %dma_start3A_62 = arith.constant 608 : i32
          %dma_start3A_63 = tpu.memref_slice %arg4[%dma_start3A_62, %mul3A_52] : memref<1120x256xf32, #tpu.memory_space<hbm>> -> memref<40x128xf32, #tpu.memory_space<hbm>>
          %dma_start3A_64 = arith.constant 80 : i32
          %dma_start3A_65 = arith.constant 0 : i32
          %dma_start3A_66 = tpu.memref_slice %arg7[%dma_start3A_64, %dma_start3A_65] : memref<200x128xf32, #tpu.memory_space<vmem>> -> memref<40x128xf32, #tpu.memory_space<vmem>>
          tpu.enqueue_dma source(%dma_start3A_66 : memref<40x128xf32, #tpu.memory_space<vmem>>) target(%dma_start3A_63 : memref<40x128xf32, #tpu.memory_space<hbm>>) target_semaphore(%run_scoped3A : memref<!tpu.dma_semaphore, #tpu.memory_space<semaphore_mem>>)
          %dma_wait3A_67 = arith.constant 80 : i32
          %dma_wait3A_68 = arith.constant 0 : i32
          %dma_wait3A_69 = tpu.memref_slice %arg7[%dma_wait3A_67, %dma_wait3A_68] : memref<200x128xf32, #tpu.memory_space<vmem>> -> memref<40x128xf32, #tpu.memory_space<vmem>>
          %dma_wait3A_70 = arith.constant 608 : i32
          %dma_wait3A_71 = tpu.memref_slice %arg4[%dma_wait3A_70, %mul3A_52] : memref<1120x256xf32, #tpu.memory_space<hbm>> -> memref<40x128xf32, #tpu.memory_space<hbm>>
          %dma_wait3A_72 = arith.constant 608 : i32
          %dma_wait3A_73 = tpu.memref_slice %arg4[%dma_wait3A_72, %mul3A_52] : memref<1120x256xf32, #tpu.memory_space<hbm>> -> memref<40x128xf32, #tpu.memory_space<hbm>>
          %dma_wait3A_74 = arith.constant 80 : i32
          %dma_wait3A_75 = arith.constant 0 : i32
          %dma_wait3A_76 = tpu.memref_slice %arg7[%dma_wait3A_74, %dma_wait3A_75] : memref<200x128xf32, #tpu.memory_space<vmem>> -> memref<40x128xf32, #tpu.memory_space<vmem>>
          tpu.wait_dma2 semaphore(%run_scoped3A : memref<!tpu.dma_semaphore, #tpu.memory_space<semaphore_mem>>) src(%dma_wait3A_76 : memref<40x128xf32, #tpu.memory_space<vmem>>) dst(%dma_wait3A_73 : memref<40x128xf32, #tpu.memory_space<hbm>>)
          tpu.yield
        }) : () -> ()
        %mul3A_53 = arith.constant 128 : i32
        %mul3A_54 = arith.muli %mul3A_53, %arg0 : i32
        "tpu.region"() ({
          %run_scoped3A = tpu.sem_alloc : memref<!tpu.dma_semaphore, #tpu.memory_space<semaphore_mem>>
          %dma_start3A_57 = arith.constant 120 : i32
          %dma_start3A_58 = arith.constant 0 : i32
          %dma_start3A_59 = tpu.memref_slice %arg7[%dma_start3A_57, %dma_start3A_58] : memref<200x128xf32, #tpu.memory_space<vmem>> -> memref<40x128xf32, #tpu.memory_space<vmem>>
          %dma_start3A_60 = arith.constant 832 : i32
          %dma_start3A_61 = tpu.memref_slice %arg4[%dma_start3A_60, %mul3A_54] : memref<1120x256xf32, #tpu.memory_space<hbm>> -> memref<40x128xf32, #tpu.memory_space<hbm>>
          %dma_start3A_62 = arith.constant 832 : i32
          %dma_start3A_63 = tpu.memref_slice %arg4[%dma_start3A_62, %mul3A_54] : memref<1120x256xf32, #tpu.memory_space<hbm>> -> memref<40x128xf32, #tpu.memory_space<hbm>>
          %dma_start3A_64 = arith.constant 120 : i32
          %dma_start3A_65 = arith.constant 0 : i32
          %dma_start3A_66 = tpu.memref_slice %arg7[%dma_start3A_64, %dma_start3A_65] : memref<200x128xf32, #tpu.memory_space<vmem>> -> memref<40x128xf32, #tpu.memory_space<vmem>>
          tpu.enqueue_dma source(%dma_start3A_66 : memref<40x128xf32, #tpu.memory_space<vmem>>) target(%dma_start3A_63 : memref<40x128xf32, #tpu.memory_space<hbm>>) target_semaphore(%run_scoped3A : memref<!tpu.dma_semaphore, #tpu.memory_space<semaphore_mem>>)
          %dma_wait3A_67 = arith.constant 120 : i32
          %dma_wait3A_68 = arith.constant 0 : i32
          %dma_wait3A_69 = tpu.memref_slice %arg7[%dma_wait3A_67, %dma_wait3A_68] : memref<200x128xf32, #tpu.memory_space<vmem>> -> memref<40x128xf32, #tpu.memory_space<vmem>>
          %dma_wait3A_70 = arith.constant 832 : i32
          %dma_wait3A_71 = tpu.memref_slice %arg4[%dma_wait3A_70, %mul3A_54] : memref<1120x256xf32, #tpu.memory_space<hbm>> -> memref<40x128xf32, #tpu.memory_space<hbm>>
          %dma_wait3A_72 = arith.constant 832 : i32
          %dma_wait3A_73 = tpu.memref_slice %arg4[%dma_wait3A_72, %mul3A_54] : memref<1120x256xf32, #tpu.memory_space<hbm>> -> memref<40x128xf32, #tpu.memory_space<hbm>>
          %dma_wait3A_74 = arith.constant 120 : i32
          %dma_wait3A_75 = arith.constant 0 : i32
          %dma_wait3A_76 = tpu.memref_slice %arg7[%dma_wait3A_74, %dma_wait3A_75] : memref<200x128xf32, #tpu.memory_space<vmem>> -> memref<40x128xf32, #tpu.memory_space<vmem>>
          tpu.wait_dma2 semaphore(%run_scoped3A : memref<!tpu.dma_semaphore, #tpu.memory_space<semaphore_mem>>) src(%dma_wait3A_76 : memref<40x128xf32, #tpu.memory_space<vmem>>) dst(%dma_wait3A_73 : memref<40x128xf32, #tpu.memory_space<hbm>>)
          tpu.yield
        }) : () -> ()
        %mul3A_55 = arith.constant 128 : i32
        %mul3A_56 = arith.muli %mul3A_55, %arg0 : i32
        "tpu.region"() ({
          %run_scoped3A = tpu.sem_alloc : memref<!tpu.dma_semaphore, #tpu.memory_space<semaphore_mem>>
          %dma_start3A_57 = arith.constant 160 : i32
          %dma_start3A_58 = arith.constant 0 : i32
          %dma_start3A_59 = tpu.memref_slice %arg7[%dma_start3A_57, %dma_start3A_58] : memref<200x128xf32, #tpu.memory_space<vmem>> -> memref<40x128xf32, #tpu.memory_space<vmem>>
          %dma_start3A_60 = arith.constant 1056 : i32
          %dma_start3A_61 = tpu.memref_slice %arg4[%dma_start3A_60, %mul3A_56] : memref<1120x256xf32, #tpu.memory_space<hbm>> -> memref<40x128xf32, #tpu.memory_space<hbm>>
          %dma_start3A_62 = arith.constant 1056 : i32
          %dma_start3A_63 = tpu.memref_slice %arg4[%dma_start3A_62, %mul3A_56] : memref<1120x256xf32, #tpu.memory_space<hbm>> -> memref<40x128xf32, #tpu.memory_space<hbm>>
          %dma_start3A_64 = arith.constant 160 : i32
          %dma_start3A_65 = arith.constant 0 : i32
          %dma_start3A_66 = tpu.memref_slice %arg7[%dma_start3A_64, %dma_start3A_65] : memref<200x128xf32, #tpu.memory_space<vmem>> -> memref<40x128xf32, #tpu.memory_space<vmem>>
          tpu.enqueue_dma source(%dma_start3A_66 : memref<40x128xf32, #tpu.memory_space<vmem>>) target(%dma_start3A_63 : memref<40x128xf32, #tpu.memory_space<hbm>>) target_semaphore(%run_scoped3A : memref<!tpu.dma_semaphore, #tpu.memory_space<semaphore_mem>>)
          %dma_wait3A_67 = arith.constant 160 : i32
          %dma_wait3A_68 = arith.constant 0 : i32
          %dma_wait3A_69 = tpu.memref_slice %arg7[%dma_wait3A_67, %dma_wait3A_68] : memref<200x128xf32, #tpu.memory_space<vmem>> -> memref<40x128xf32, #tpu.memory_space<vmem>>
          %dma_wait3A_70 = arith.constant 1056 : i32
          %dma_wait3A_71 = tpu.memref_slice %arg4[%dma_wait3A_70, %mul3A_56] : memref<1120x256xf32, #tpu.memory_space<hbm>> -> memref<40x128xf32, #tpu.memory_space<hbm>>
          %dma_wait3A_72 = arith.constant 1056 : i32
          %dma_wait3A_73 = tpu.memref_slice %arg4[%dma_wait3A_72, %mul3A_56] : memref<1120x256xf32, #tpu.memory_space<hbm>> -> memref<40x128xf32, #tpu.memory_space<hbm>>
          %dma_wait3A_74 = arith.constant 160 : i32
          %dma_wait3A_75 = arith.constant 0 : i32
          %dma_wait3A_76 = tpu.memref_slice %arg7[%dma_wait3A_74, %dma_wait3A_75] : memref<200x128xf32, #tpu.memory_space<vmem>> -> memref<40x128xf32, #tpu.memory_space<vmem>>
          tpu.wait_dma2 semaphore(%run_scoped3A : memref<!tpu.dma_semaphore, #tpu.memory_space<semaphore_mem>>) src(%dma_wait3A_76 : memref<40x128xf32, #tpu.memory_space<vmem>>) dst(%dma_wait3A_73 : memref<40x128xf32, #tpu.memory_space<hbm>>)
          tpu.yield
        }) : () -> ()
      } else {
      }
    } else {
    }
    return
  }
}

module attributes {stable_mosaic.version = 14 : i64} {
  func.func @_loss_body(%arg0: i32, %arg1: memref<2x14x3x85x256xf32, #tpu.memory_space<vmem>>, %arg2: memref<5x2x14x256xf32, #tpu.memory_space<vmem>>, %arg3: memref<8x128xf32, #tpu.memory_space<vmem>>, %arg4: memref<8x16x256xf32, #tpu.memory_space<vmem>>) attributes {dimension_semantics = [#tpu.dimension_semantics<arbitrary>], iteration_bounds = array<i64: 7>, scalar_prefetch = 0 : i64, scratch_operands = 1 : i64, tpu.core_type = #tpu.core_type<tc>, window_params = [{transform_indices = @transform_0, window_bounds = array<i64: 2, 14, 3, 85, 256>}, {transform_indices = @transform_1, window_bounds = array<i64: 5, 2, 14, 256>}, {pipeline_mode = #tpu.pipeline_mode<synchronous>, transform_indices = @transform_2, window_bounds = array<i64: 8, 128>}]} {
    %eq3A = arith.constant 0 : i32
    %eq3A_0 = arith.cmpi eq, %arg0, %eq3A : i32
    %convert_element_type3A = arith.extui %eq3A_0 : i1 to i32
    %cond3A = arith.constant 0 : i32
    %cond3A_1 = arith.cmpi ne, %convert_element_type3A, %cond3A : i32
    scf.if %cond3A_1 {
      %broadcast_in_dim3A_916 = arith.constant 0.000000e+00 : f32
      %broadcast_in_dim3A_917 = vector.broadcast %broadcast_in_dim3A_916 : f32 to vector<8x16x256xf32>
      %swap3A_918 = arith.constant 0 : index
      %swap3A_919 = arith.constant 0 : index
      %swap3A_920 = arith.constant 0 : index
      %swap3A_921 = vector.load %arg4[%swap3A_918, %swap3A_919, %swap3A_920] : memref<8x16x256xf32, #tpu.memory_space<vmem>>, vector<8x16x256xf32>
      tpu.vector_store %arg4[%swap3A_918, %swap3A_919, %swap3A_920], %broadcast_in_dim3A_917 {strides = array<i32>} : memref<8x16x256xf32, #tpu.memory_space<vmem>>, vector<8x16x256xf32>,
    } else {
    }
    %get3A = arith.constant 0 : index
    %get3A_2 = arith.constant 0 : index
    %get3A_3 = arith.constant 0 : index
    %get3A_4 = arith.constant 0 : index
    %get3A_5 = vector.load %arg2[%get3A, %get3A_2, %get3A_3, %get3A_4] : memref<5x2x14x256xf32, #tpu.memory_space<vmem>>, vector<5x1x14x256xf32>
    %get3A_6 = vector.shape_cast %get3A_5 : vector<5x1x14x256xf32> to vector<5x14x256xf32>
    %slice3A = vector.extract_strided_slice %get3A_6 {offsets = [4, 0, 0], sizes = [1, 14, 256], strides = [1, 1, 1]} : vector<5x14x256xf32> to vector<1x14x256xf32>
    %squeeze3A = vector.shape_cast %slice3A : vector<1x14x256xf32> to vector<14x256xf32>
    %gt3A = arith.constant 0.000000e+00 : f32
    %gt3A_7 = vector.broadcast %gt3A : f32 to vector<14x256xf32>
    %gt3A_8 = arith.cmpf ogt, %squeeze3A, %gt3A_7 : vector<14x256xf32>
    %jit3A = arith.constant 1.000000e+00 : f32
    %jit3A_9 = arith.constant 0.000000e+00 : f32
    %broadcast_in_dim3A = vector.broadcast %jit3A : f32 to vector<14x256xf32>
    %broadcast_in_dim3A_10 = vector.broadcast %jit3A_9 : f32 to vector<14x256xf32>
    %select_n3A = arith.select %gt3A_8, %broadcast_in_dim3A, %broadcast_in_dim3A_10 : vector<14x256xi1>, vector<14x256xf32>
    %slice3A_11 = vector.extract_strided_slice %get3A_6 {offsets = [0, 0, 0], sizes = [1, 14, 256], strides = [1, 1, 1]} : vector<5x14x256xf32> to vector<1x14x256xf32>
    %squeeze3A_12 = vector.shape_cast %slice3A_11 : vector<1x14x256xf32> to vector<14x256xf32>
    %jit3A_13 = arith.constant 0.000000e+00 : f32
    %broadcast_in_dim3A_14 = vector.broadcast %jit3A_13 : f32 to vector<14x256xf32>
    %select_n3A_15 = arith.select %gt3A_8, %squeeze3A_12, %broadcast_in_dim3A_14 : vector<14x256xi1>, vector<14x256xf32>
    %slice3A_16 = vector.extract_strided_slice %get3A_6 {offsets = [1, 0, 0], sizes = [1, 14, 256], strides = [1, 1, 1]} : vector<5x14x256xf32> to vector<1x14x256xf32>
    %squeeze3A_17 = vector.shape_cast %slice3A_16 : vector<1x14x256xf32> to vector<14x256xf32>
    %jit3A_18 = arith.constant 0.000000e+00 : f32
    %broadcast_in_dim3A_19 = vector.broadcast %jit3A_18 : f32 to vector<14x256xf32>
    %select_n3A_20 = arith.select %gt3A_8, %squeeze3A_17, %broadcast_in_dim3A_19 : vector<14x256xi1>, vector<14x256xf32>
    %slice3A_21 = vector.extract_strided_slice %get3A_6 {offsets = [2, 0, 0], sizes = [1, 14, 256], strides = [1, 1, 1]} : vector<5x14x256xf32> to vector<1x14x256xf32>
    %squeeze3A_22 = vector.shape_cast %slice3A_21 : vector<1x14x256xf32> to vector<14x256xf32>
    %jit3A_23 = arith.constant 0.000000e+00 : f32
    %broadcast_in_dim3A_24 = vector.broadcast %jit3A_23 : f32 to vector<14x256xf32>
    %select_n3A_25 = arith.select %gt3A_8, %squeeze3A_22, %broadcast_in_dim3A_24 : vector<14x256xi1>, vector<14x256xf32>
    %slice3A_26 = vector.extract_strided_slice %get3A_6 {offsets = [3, 0, 0], sizes = [1, 14, 256], strides = [1, 1, 1]} : vector<5x14x256xf32> to vector<1x14x256xf32>
    %squeeze3A_27 = vector.shape_cast %slice3A_26 : vector<1x14x256xf32> to vector<14x256xf32>
    %jit3A_28 = arith.constant 0.000000e+00 : f32
    %broadcast_in_dim3A_29 = vector.broadcast %jit3A_28 : f32 to vector<14x256xf32>
    %select_n3A_30 = arith.select %gt3A_8, %squeeze3A_27, %broadcast_in_dim3A_29 : vector<14x256xi1>, vector<14x256xf32>
    %slice3A_31 = vector.extract_strided_slice %get3A_6 {offsets = [4, 0, 0], sizes = [1, 14, 256], strides = [1, 1, 1]} : vector<5x14x256xf32> to vector<1x14x256xf32>
    %squeeze3A_32 = vector.shape_cast %slice3A_31 : vector<1x14x256xf32> to vector<14x256xf32>
    %sub3A = arith.constant 1.000000e+00 : f32
    %sub3A_33 = vector.broadcast %sub3A : f32 to vector<14x256xf32>
    %sub3A_34 = arith.subf %squeeze3A_32, %sub3A_33 : vector<14x256xf32>
    %iota3A = tpu.iota {dimensions = array<i32: 1>} : vector<14x80x256xi32>
    %convert_element_type3A_35 = arith.sitofp %iota3A : vector<14x80x256xi32> to vector<14x80x256xf32>
    %broadcast_in_dim3A_36 = vector.shape_cast %sub3A_34 : vector<14x256xf32> to vector<14x1x256xf32>
    %eq3A_37 = vector.broadcast %broadcast_in_dim3A_36 : vector<14x1x256xf32> to vector<14x80x256xf32>
    %eq3A_38 = arith.cmpf oeq, %convert_element_type3A_35, %eq3A_37 : vector<14x80x256xf32>
    %convert_element_type3A_39 = arith.extui %eq3A_38 : vector<14x80x256xi1> to vector<14x80x256xi32>
    %convert_element_type3A_40 = arith.sitofp %convert_element_type3A_39 : vector<14x80x256xi32> to vector<14x80x256xf32>
    %get3A_41 = arith.constant 0 : index
    %get3A_42 = arith.constant 0 : index
    %get3A_43 = arith.constant 0 : index
    %get3A_44 = arith.constant 0 : index
    %get3A_45 = arith.constant 0 : index
    %get3A_46 = vector.load %arg1[%get3A_41, %get3A_42, %get3A_43, %get3A_44, %get3A_45] : memref<2x14x3x85x256xf32, #tpu.memory_space<vmem>>, vector<1x14x1x1x256xf32>
    %get3A_47 = vector.shape_cast %get3A_46 : vector<1x14x1x1x256xf32> to vector<14x256xf32>
    %get3A_48 = arith.constant 0 : index
    %get3A_49 = arith.constant 0 : index
    %get3A_50 = arith.constant 0 : index
    %get3A_51 = arith.constant 1 : index
    %get3A_52 = arith.constant 0 : index
    %get3A_53 = vector.load %arg1[%get3A_48, %get3A_49, %get3A_50, %get3A_51, %get3A_52] : memref<2x14x3x85x256xf32, #tpu.memory_space<vmem>>, vector<1x14x1x1x256xf32>
    %get3A_54 = vector.shape_cast %get3A_53 : vector<1x14x1x1x256xf32> to vector<14x256xf32>
    %get3A_55 = arith.constant 0 : index
    %get3A_56 = arith.constant 0 : index
    %get3A_57 = arith.constant 0 : index
    %get3A_58 = arith.constant 2 : index
    %get3A_59 = arith.constant 0 : index
    %get3A_60 = vector.load %arg1[%get3A_55, %get3A_56, %get3A_57, %get3A_58, %get3A_59] : memref<2x14x3x85x256xf32, #tpu.memory_space<vmem>>, vector<1x14x1x1x256xf32>
    %get3A_61 = vector.shape_cast %get3A_60 : vector<1x14x1x1x256xf32> to vector<14x256xf32>
    %get3A_62 = arith.constant 0 : index
    %get3A_63 = arith.constant 0 : index
    %get3A_64 = arith.constant 0 : index
    %get3A_65 = arith.constant 3 : index
    %get3A_66 = arith.constant 0 : index
    %get3A_67 = vector.load %arg1[%get3A_62, %get3A_63, %get3A_64, %get3A_65, %get3A_66] : memref<2x14x3x85x256xf32, #tpu.memory_space<vmem>>, vector<1x14x1x1x256xf32>
    %get3A_68 = vector.shape_cast %get3A_67 : vector<1x14x1x1x256xf32> to vector<14x256xf32>
    %get3A_69 = arith.constant 0 : index
    %get3A_70 = arith.constant 0 : index
    %get3A_71 = arith.constant 0 : index
    %get3A_72 = arith.constant 4 : index
    %get3A_73 = arith.constant 0 : index
    %get3A_74 = vector.load %arg1[%get3A_69, %get3A_70, %get3A_71, %get3A_72, %get3A_73] : memref<2x14x3x85x256xf32, #tpu.memory_space<vmem>>, vector<1x14x1x1x256xf32>
    %get3A_75 = vector.shape_cast %get3A_74 : vector<1x14x1x1x256xf32> to vector<14x256xf32>
    %get3A_76 = arith.constant 0 : index
    %get3A_77 = arith.constant 0 : index
    %get3A_78 = arith.constant 0 : index
    %get3A_79 = arith.constant 5 : index
    %get3A_80 = arith.constant 0 : index
    %get3A_81 = vector.load %arg1[%get3A_76, %get3A_77, %get3A_78, %get3A_79, %get3A_80] : memref<2x14x3x85x256xf32, #tpu.memory_space<vmem>>, vector<1x14x1x80x256xf32>
    %get3A_82 = vector.shape_cast %get3A_81 : vector<1x14x1x80x256xf32> to vector<14x80x256xf32>
    %sub3A_83 = arith.subf %get3A_82, %convert_element_type3A_40 : vector<14x80x256xf32>
    %mul3A = arith.mulf %sub3A_83, %sub3A_83 : vector<14x80x256xf32>
    %reduce_sum3A = arith.constant dense<0.000000e+00> : vector<14x256xf32>
    %reduce_sum3A_84 = vector.multi_reduction <add>, %mul3A, %reduce_sum3A [1] : vector<14x80x256xf32> to vector<14x256xf32>
    %get3A_85 = arith.constant 0 : index
    %get3A_86 = arith.constant 0 : index
    %get3A_87 = arith.constant 1 : index
    %get3A_88 = arith.constant 0 : index
    %get3A_89 = arith.constant 0 : index
    %get3A_90 = vector.load %arg1[%get3A_85, %get3A_86, %get3A_87, %get3A_88, %get3A_89] : memref<2x14x3x85x256xf32, #tpu.memory_space<vmem>>, vector<1x14x1x1x256xf32>
    %get3A_91 = vector.shape_cast %get3A_90 : vector<1x14x1x1x256xf32> to vector<14x256xf32>
    %get3A_92 = arith.constant 0 : index
    %get3A_93 = arith.constant 0 : index
    %get3A_94 = arith.constant 1 : index
    %get3A_95 = arith.constant 1 : index
    %get3A_96 = arith.constant 0 : index
    %get3A_97 = vector.load %arg1[%get3A_92, %get3A_93, %get3A_94, %get3A_95, %get3A_96] : memref<2x14x3x85x256xf32, #tpu.memory_space<vmem>>, vector<1x14x1x1x256xf32>
    %get3A_98 = vector.shape_cast %get3A_97 : vector<1x14x1x1x256xf32> to vector<14x256xf32>
    %get3A_99 = arith.constant 0 : index
    %get3A_100 = arith.constant 0 : index
    %get3A_101 = arith.constant 1 : index
    %get3A_102 = arith.constant 2 : index
    %get3A_103 = arith.constant 0 : index
    %get3A_104 = vector.load %arg1[%get3A_99, %get3A_100, %get3A_101, %get3A_102, %get3A_103] : memref<2x14x3x85x256xf32, #tpu.memory_space<vmem>>, vector<1x14x1x1x256xf32>
    %get3A_105 = vector.shape_cast %get3A_104 : vector<1x14x1x1x256xf32> to vector<14x256xf32>
    %get3A_106 = arith.constant 0 : index
    %get3A_107 = arith.constant 0 : index
    %get3A_108 = arith.constant 1 : index
    %get3A_109 = arith.constant 3 : index
    %get3A_110 = arith.constant 0 : index
    %get3A_111 = vector.load %arg1[%get3A_106, %get3A_107, %get3A_108, %get3A_109, %get3A_110] : memref<2x14x3x85x256xf32, #tpu.memory_space<vmem>>, vector<1x14x1x1x256xf32>
    %get3A_112 = vector.shape_cast %get3A_111 : vector<1x14x1x1x256xf32> to vector<14x256xf32>
    %get3A_113 = arith.constant 0 : index
    %get3A_114 = arith.constant 0 : index
    %get3A_115 = arith.constant 1 : index
    %get3A_116 = arith.constant 4 : index
    %get3A_117 = arith.constant 0 : index
    %get3A_118 = vector.load %arg1[%get3A_113, %get3A_114, %get3A_115, %get3A_116, %get3A_117] : memref<2x14x3x85x256xf32, #tpu.memory_space<vmem>>, vector<1x14x1x1x256xf32>
    %get3A_119 = vector.shape_cast %get3A_118 : vector<1x14x1x1x256xf32> to vector<14x256xf32>
    %get3A_120 = arith.constant 0 : index
    %get3A_121 = arith.constant 0 : index
    %get3A_122 = arith.constant 1 : index
    %get3A_123 = arith.constant 5 : index
    %get3A_124 = arith.constant 0 : index
    %get3A_125 = vector.load %arg1[%get3A_120, %get3A_121, %get3A_122, %get3A_123, %get3A_124] : memref<2x14x3x85x256xf32, #tpu.memory_space<vmem>>, vector<1x14x1x80x256xf32>
    %get3A_126 = vector.shape_cast %get3A_125 : vector<1x14x1x80x256xf32> to vector<14x80x256xf32>
    %sub3A_127 = arith.subf %get3A_126, %convert_element_type3A_40 : vector<14x80x256xf32>
    %mul3A_128 = arith.mulf %sub3A_127, %sub3A_127 : vector<14x80x256xf32>
    %reduce_sum3A_129 = arith.constant dense<0.000000e+00> : vector<14x256xf32>
    %reduce_sum3A_130 = vector.multi_reduction <add>, %mul3A_128, %reduce_sum3A_129 [1] : vector<14x80x256xf32> to vector<14x256xf32>
    %get3A_131 = arith.constant 0 : index
    %get3A_132 = arith.constant 0 : index
    %get3A_133 = arith.constant 2 : index
    %get3A_134 = arith.constant 0 : index
    %get3A_135 = arith.constant 0 : index
    %get3A_136 = vector.load %arg1[%get3A_131, %get3A_132, %get3A_133, %get3A_134, %get3A_135] : memref<2x14x3x85x256xf32, #tpu.memory_space<vmem>>, vector<1x14x1x1x256xf32>
    %get3A_137 = vector.shape_cast %get3A_136 : vector<1x14x1x1x256xf32> to vector<14x256xf32>
    %get3A_138 = arith.constant 0 : index
    %get3A_139 = arith.constant 0 : index
    %get3A_140 = arith.constant 2 : index
    %get3A_141 = arith.constant 1 : index
    %get3A_142 = arith.constant 0 : index
    %get3A_143 = vector.load %arg1[%get3A_138, %get3A_139, %get3A_140, %get3A_141, %get3A_142] : memref<2x14x3x85x256xf32, #tpu.memory_space<vmem>>, vector<1x14x1x1x256xf32>
    %get3A_144 = vector.shape_cast %get3A_143 : vector<1x14x1x1x256xf32> to vector<14x256xf32>
    %get3A_145 = arith.constant 0 : index
    %get3A_146 = arith.constant 0 : index
    %get3A_147 = arith.constant 2 : index
    %get3A_148 = arith.constant 2 : index
    %get3A_149 = arith.constant 0 : index
    %get3A_150 = vector.load %arg1[%get3A_145, %get3A_146, %get3A_147, %get3A_148, %get3A_149] : memref<2x14x3x85x256xf32, #tpu.memory_space<vmem>>, vector<1x14x1x1x256xf32>
    %get3A_151 = vector.shape_cast %get3A_150 : vector<1x14x1x1x256xf32> to vector<14x256xf32>
    %get3A_152 = arith.constant 0 : index
    %get3A_153 = arith.constant 0 : index
    %get3A_154 = arith.constant 2 : index
    %get3A_155 = arith.constant 3 : index
    %get3A_156 = arith.constant 0 : index
    %get3A_157 = vector.load %arg1[%get3A_152, %get3A_153, %get3A_154, %get3A_155, %get3A_156] : memref<2x14x3x85x256xf32, #tpu.memory_space<vmem>>, vector<1x14x1x1x256xf32>
    %get3A_158 = vector.shape_cast %get3A_157 : vector<1x14x1x1x256xf32> to vector<14x256xf32>
    %get3A_159 = arith.constant 0 : index
    %get3A_160 = arith.constant 0 : index
    %get3A_161 = arith.constant 2 : index
    %get3A_162 = arith.constant 4 : index
    %get3A_163 = arith.constant 0 : index
    %get3A_164 = vector.load %arg1[%get3A_159, %get3A_160, %get3A_161, %get3A_162, %get3A_163] : memref<2x14x3x85x256xf32, #tpu.memory_space<vmem>>, vector<1x14x1x1x256xf32>
    %get3A_165 = vector.shape_cast %get3A_164 : vector<1x14x1x1x256xf32> to vector<14x256xf32>
    %get3A_166 = arith.constant 0 : index
    %get3A_167 = arith.constant 0 : index
    %get3A_168 = arith.constant 2 : index
    %get3A_169 = arith.constant 5 : index
    %get3A_170 = arith.constant 0 : index
    %get3A_171 = vector.load %arg1[%get3A_166, %get3A_167, %get3A_168, %get3A_169, %get3A_170] : memref<2x14x3x85x256xf32, #tpu.memory_space<vmem>>, vector<1x14x1x80x256xf32>
    %get3A_172 = vector.shape_cast %get3A_171 : vector<1x14x1x80x256xf32> to vector<14x80x256xf32>
    %sub3A_173 = arith.subf %get3A_172, %convert_element_type3A_40 : vector<14x80x256xf32>
    %mul3A_174 = arith.mulf %sub3A_173, %sub3A_173 : vector<14x80x256xf32>
    %reduce_sum3A_175 = arith.constant dense<0.000000e+00> : vector<14x256xf32>
    %reduce_sum3A_176 = vector.multi_reduction <add>, %mul3A_174, %reduce_sum3A_175 [1] : vector<14x80x256xf32> to vector<14x256xf32>
    %mul3A_177 = arith.constant 5.000000e-01 : f32
    %mul3A_178 = vector.broadcast %mul3A_177 : f32 to vector<14x256xf32>
    %mul3A_179 = arith.mulf %select_n3A_25, %mul3A_178 : vector<14x256xf32>
    %sub3A_180 = arith.subf %select_n3A_15, %mul3A_179 : vector<14x256xf32>
    %mul3A_181 = arith.constant 5.000000e-01 : f32
    %mul3A_182 = vector.broadcast %mul3A_181 : f32 to vector<14x256xf32>
    %mul3A_183 = arith.mulf %select_n3A_25, %mul3A_182 : vector<14x256xf32>
    %add3A = arith.addf %select_n3A_15, %mul3A_183 : vector<14x256xf32>
    %mul3A_184 = arith.constant 5.000000e-01 : f32
    %mul3A_185 = vector.broadcast %mul3A_184 : f32 to vector<14x256xf32>
    %mul3A_186 = arith.mulf %select_n3A_30, %mul3A_185 : vector<14x256xf32>
    %sub3A_187 = arith.subf %select_n3A_20, %mul3A_186 : vector<14x256xf32>
    %mul3A_188 = arith.constant 5.000000e-01 : f32
    %mul3A_189 = vector.broadcast %mul3A_188 : f32 to vector<14x256xf32>
    %mul3A_190 = arith.mulf %select_n3A_30, %mul3A_189 : vector<14x256xf32>
    %add3A_191 = arith.addf %select_n3A_20, %mul3A_190 : vector<14x256xf32>
    %sub3A_192 = arith.subf %add3A, %sub3A_180 : vector<14x256xf32>
    %max3A = arith.constant 0.000000e+00 : f32
    %max3A_193 = vector.broadcast %max3A : f32 to vector<14x256xf32>
    %max3A_194 = arith.maximumf %sub3A_192, %max3A_193 : vector<14x256xf32>
    %sub3A_195 = arith.subf %add3A_191, %sub3A_187 : vector<14x256xf32>
    %max3A_196 = arith.constant 0.000000e+00 : f32
    %max3A_197 = vector.broadcast %max3A_196 : f32 to vector<14x256xf32>
    %max3A_198 = arith.maximumf %sub3A_195, %max3A_197 : vector<14x256xf32>
    %mul3A_199 = arith.mulf %max3A_194, %max3A_198 : vector<14x256xf32>
    %mul3A_200 = arith.constant 5.000000e-01 : f32
    %mul3A_201 = vector.broadcast %mul3A_200 : f32 to vector<14x256xf32>
    %mul3A_202 = arith.mulf %get3A_61, %mul3A_201 : vector<14x256xf32>
    %sub3A_203 = arith.subf %get3A_47, %mul3A_202 : vector<14x256xf32>
    %mul3A_204 = arith.constant 5.000000e-01 : f32
    %mul3A_205 = vector.broadcast %mul3A_204 : f32 to vector<14x256xf32>
    %mul3A_206 = arith.mulf %get3A_61, %mul3A_205 : vector<14x256xf32>
    %add3A_207 = arith.addf %get3A_47, %mul3A_206 : vector<14x256xf32>
    %mul3A_208 = arith.constant 5.000000e-01 : f32
    %mul3A_209 = vector.broadcast %mul3A_208 : f32 to vector<14x256xf32>
    %mul3A_210 = arith.mulf %get3A_68, %mul3A_209 : vector<14x256xf32>
    %sub3A_211 = arith.subf %get3A_54, %mul3A_210 : vector<14x256xf32>
    %mul3A_212 = arith.constant 5.000000e-01 : f32
    %mul3A_213 = vector.broadcast %mul3A_212 : f32 to vector<14x256xf32>
    %mul3A_214 = arith.mulf %get3A_68, %mul3A_213 : vector<14x256xf32>
    %add3A_215 = arith.addf %get3A_54, %mul3A_214 : vector<14x256xf32>
    %min3A = arith.minimumf %add3A_207, %add3A : vector<14x256xf32>
    %max3A_216 = arith.maximumf %sub3A_203, %sub3A_180 : vector<14x256xf32>
    %sub3A_217 = arith.subf %min3A, %max3A_216 : vector<14x256xf32>
    %max3A_218 = arith.constant 0.000000e+00 : f32
    %max3A_219 = vector.broadcast %max3A_218 : f32 to vector<14x256xf32>
    %max3A_220 = arith.maximumf %sub3A_217, %max3A_219 : vector<14x256xf32>
    %min3A_221 = arith.minimumf %add3A_215, %add3A_191 : vector<14x256xf32>
    %max3A_222 = arith.maximumf %sub3A_211, %sub3A_187 : vector<14x256xf32>
    %sub3A_223 = arith.subf %min3A_221, %max3A_222 : vector<14x256xf32>
    %max3A_224 = arith.constant 0.000000e+00 : f32
    %max3A_225 = vector.broadcast %max3A_224 : f32 to vector<14x256xf32>
    %max3A_226 = arith.maximumf %sub3A_223, %max3A_225 : vector<14x256xf32>
    %mul3A_227 = arith.mulf %max3A_220, %max3A_226 : vector<14x256xf32>
    %sub3A_228 = arith.subf %add3A_207, %sub3A_203 : vector<14x256xf32>
    %max3A_229 = arith.constant 0.000000e+00 : f32
    %max3A_230 = vector.broadcast %max3A_229 : f32 to vector<14x256xf32>
    %max3A_231 = arith.maximumf %sub3A_228, %max3A_230 : vector<14x256xf32>
    %sub3A_232 = arith.subf %add3A_215, %sub3A_211 : vector<14x256xf32>
    %max3A_233 = arith.constant 0.000000e+00 : f32
    %max3A_234 = vector.broadcast %max3A_233 : f32 to vector<14x256xf32>
    %max3A_235 = arith.maximumf %sub3A_232, %max3A_234 : vector<14x256xf32>
    %mul3A_236 = arith.mulf %max3A_231, %max3A_235 : vector<14x256xf32>
    %add3A_237 = arith.addf %mul3A_236, %mul3A_199 : vector<14x256xf32>
    %sub3A_238 = arith.subf %add3A_237, %mul3A_227 : vector<14x256xf32>
    %add3A_239 = arith.constant 9.99999997E-7 : f32
    %add3A_240 = vector.broadcast %add3A_239 : f32 to vector<14x256xf32>
    %add3A_241 = arith.addf %sub3A_238, %add3A_240 : vector<14x256xf32>
    %div3A = arith.divf %mul3A_227, %add3A_241 : vector<14x256xf32>
    %mul3A_242 = arith.constant 5.000000e-01 : f32
    %mul3A_243 = vector.broadcast %mul3A_242 : f32 to vector<14x256xf32>
    %mul3A_244 = arith.mulf %get3A_105, %mul3A_243 : vector<14x256xf32>
    %sub3A_245 = arith.subf %get3A_91, %mul3A_244 : vector<14x256xf32>
    %mul3A_246 = arith.constant 5.000000e-01 : f32
    %mul3A_247 = vector.broadcast %mul3A_246 : f32 to vector<14x256xf32>
    %mul3A_248 = arith.mulf %get3A_105, %mul3A_247 : vector<14x256xf32>
    %add3A_249 = arith.addf %get3A_91, %mul3A_248 : vector<14x256xf32>
    %mul3A_250 = arith.constant 5.000000e-01 : f32
    %mul3A_251 = vector.broadcast %mul3A_250 : f32 to vector<14x256xf32>
    %mul3A_252 = arith.mulf %get3A_112, %mul3A_251 : vector<14x256xf32>
    %sub3A_253 = arith.subf %get3A_98, %mul3A_252 : vector<14x256xf32>
    %mul3A_254 = arith.constant 5.000000e-01 : f32
    %mul3A_255 = vector.broadcast %mul3A_254 : f32 to vector<14x256xf32>
    %mul3A_256 = arith.mulf %get3A_112, %mul3A_255 : vector<14x256xf32>
    %add3A_257 = arith.addf %get3A_98, %mul3A_256 : vector<14x256xf32>
    %min3A_258 = arith.minimumf %add3A_249, %add3A : vector<14x256xf32>
    %max3A_259 = arith.maximumf %sub3A_245, %sub3A_180 : vector<14x256xf32>
    %sub3A_260 = arith.subf %min3A_258, %max3A_259 : vector<14x256xf32>
    %max3A_261 = arith.constant 0.000000e+00 : f32
    %max3A_262 = vector.broadcast %max3A_261 : f32 to vector<14x256xf32>
    %max3A_263 = arith.maximumf %sub3A_260, %max3A_262 : vector<14x256xf32>
    %min3A_264 = arith.minimumf %add3A_257, %add3A_191 : vector<14x256xf32>
    %max3A_265 = arith.maximumf %sub3A_253, %sub3A_187 : vector<14x256xf32>
    %sub3A_266 = arith.subf %min3A_264, %max3A_265 : vector<14x256xf32>
    %max3A_267 = arith.constant 0.000000e+00 : f32
    %max3A_268 = vector.broadcast %max3A_267 : f32 to vector<14x256xf32>
    %max3A_269 = arith.maximumf %sub3A_266, %max3A_268 : vector<14x256xf32>
    %mul3A_270 = arith.mulf %max3A_263, %max3A_269 : vector<14x256xf32>
    %sub3A_271 = arith.subf %add3A_249, %sub3A_245 : vector<14x256xf32>
    %max3A_272 = arith.constant 0.000000e+00 : f32
    %max3A_273 = vector.broadcast %max3A_272 : f32 to vector<14x256xf32>
    %max3A_274 = arith.maximumf %sub3A_271, %max3A_273 : vector<14x256xf32>
    %sub3A_275 = arith.subf %add3A_257, %sub3A_253 : vector<14x256xf32>
    %max3A_276 = arith.constant 0.000000e+00 : f32
    %max3A_277 = vector.broadcast %max3A_276 : f32 to vector<14x256xf32>
    %max3A_278 = arith.maximumf %sub3A_275, %max3A_277 : vector<14x256xf32>
    %mul3A_279 = arith.mulf %max3A_274, %max3A_278 : vector<14x256xf32>
    %add3A_280 = arith.addf %mul3A_279, %mul3A_199 : vector<14x256xf32>
    %sub3A_281 = arith.subf %add3A_280, %mul3A_270 : vector<14x256xf32>
    %add3A_282 = arith.constant 9.99999997E-7 : f32
    %add3A_283 = vector.broadcast %add3A_282 : f32 to vector<14x256xf32>
    %add3A_284 = arith.addf %sub3A_281, %add3A_283 : vector<14x256xf32>
    %div3A_285 = arith.divf %mul3A_270, %add3A_284 : vector<14x256xf32>
    %mul3A_286 = arith.constant 5.000000e-01 : f32
    %mul3A_287 = vector.broadcast %mul3A_286 : f32 to vector<14x256xf32>
    %mul3A_288 = arith.mulf %get3A_151, %mul3A_287 : vector<14x256xf32>
    %sub3A_289 = arith.subf %get3A_137, %mul3A_288 : vector<14x256xf32>
    %mul3A_290 = arith.constant 5.000000e-01 : f32
    %mul3A_291 = vector.broadcast %mul3A_290 : f32 to vector<14x256xf32>
    %mul3A_292 = arith.mulf %get3A_151, %mul3A_291 : vector<14x256xf32>
    %add3A_293 = arith.addf %get3A_137, %mul3A_292 : vector<14x256xf32>
    %mul3A_294 = arith.constant 5.000000e-01 : f32
    %mul3A_295 = vector.broadcast %mul3A_294 : f32 to vector<14x256xf32>
    %mul3A_296 = arith.mulf %get3A_158, %mul3A_295 : vector<14x256xf32>
    %sub3A_297 = arith.subf %get3A_144, %mul3A_296 : vector<14x256xf32>
    %mul3A_298 = arith.constant 5.000000e-01 : f32
    %mul3A_299 = vector.broadcast %mul3A_298 : f32 to vector<14x256xf32>
    %mul3A_300 = arith.mulf %get3A_158, %mul3A_299 : vector<14x256xf32>
    %add3A_301 = arith.addf %get3A_144, %mul3A_300 : vector<14x256xf32>
    %min3A_302 = arith.minimumf %add3A_293, %add3A : vector<14x256xf32>
    %max3A_303 = arith.maximumf %sub3A_289, %sub3A_180 : vector<14x256xf32>
    %sub3A_304 = arith.subf %min3A_302, %max3A_303 : vector<14x256xf32>
    %max3A_305 = arith.constant 0.000000e+00 : f32
    %max3A_306 = vector.broadcast %max3A_305 : f32 to vector<14x256xf32>
    %max3A_307 = arith.maximumf %sub3A_304, %max3A_306 : vector<14x256xf32>
    %min3A_308 = arith.minimumf %add3A_301, %add3A_191 : vector<14x256xf32>
    %max3A_309 = arith.maximumf %sub3A_297, %sub3A_187 : vector<14x256xf32>
    %sub3A_310 = arith.subf %min3A_308, %max3A_309 : vector<14x256xf32>
    %max3A_311 = arith.constant 0.000000e+00 : f32
    %max3A_312 = vector.broadcast %max3A_311 : f32 to vector<14x256xf32>
    %max3A_313 = arith.maximumf %sub3A_310, %max3A_312 : vector<14x256xf32>
    %mul3A_314 = arith.mulf %max3A_307, %max3A_313 : vector<14x256xf32>
    %sub3A_315 = arith.subf %add3A_293, %sub3A_289 : vector<14x256xf32>
    %max3A_316 = arith.constant 0.000000e+00 : f32
    %max3A_317 = vector.broadcast %max3A_316 : f32 to vector<14x256xf32>
    %max3A_318 = arith.maximumf %sub3A_315, %max3A_317 : vector<14x256xf32>
    %sub3A_319 = arith.subf %add3A_301, %sub3A_297 : vector<14x256xf32>
    %max3A_320 = arith.constant 0.000000e+00 : f32
    %max3A_321 = vector.broadcast %max3A_320 : f32 to vector<14x256xf32>
    %max3A_322 = arith.maximumf %sub3A_319, %max3A_321 : vector<14x256xf32>
    %mul3A_323 = arith.mulf %max3A_318, %max3A_322 : vector<14x256xf32>
    %add3A_324 = arith.addf %mul3A_323, %mul3A_199 : vector<14x256xf32>
    %sub3A_325 = arith.subf %add3A_324, %mul3A_314 : vector<14x256xf32>
    %add3A_326 = arith.constant 9.99999997E-7 : f32
    %add3A_327 = vector.broadcast %add3A_326 : f32 to vector<14x256xf32>
    %add3A_328 = arith.addf %sub3A_325, %add3A_327 : vector<14x256xf32>
    %div3A_329 = arith.divf %mul3A_314, %add3A_328 : vector<14x256xf32>
    %ge3A = arith.cmpf oge, %div3A, %div3A_285 : vector<14x256xf32>
    %ge3A_330 = arith.cmpf oge, %div3A, %div3A_329 : vector<14x256xf32>
    %and3A = arith.andi %ge3A, %ge3A_330 : vector<14x256xi1>
    %not3A = arith.constant dense<true> : vector<14x256xi1>
    %not3A_331 = arith.xori %and3A, %not3A : vector<14x256xi1>
    %ge3A_332 = arith.cmpf oge, %div3A_285, %div3A_329 : vector<14x256xf32>
    %and3A_333 = arith.andi %not3A_331, %ge3A_332 : vector<14x256xi1>
    %select_n3A_334 = arith.select %and3A_333, %get3A_91, %get3A_137 : vector<14x256xi1>, vector<14x256xf32>
    %select_n3A_335 = arith.select %and3A, %get3A_47, %select_n3A_334 : vector<14x256xi1>, vector<14x256xf32>
    %select_n3A_336 = arith.select %and3A_333, %get3A_98, %get3A_144 : vector<14x256xi1>, vector<14x256xf32>
    %select_n3A_337 = arith.select %and3A, %get3A_54, %select_n3A_336 : vector<14x256xi1>, vector<14x256xf32>
    %select_n3A_338 = arith.select %and3A_333, %get3A_105, %get3A_151 : vector<14x256xi1>, vector<14x256xf32>
    %select_n3A_339 = arith.select %and3A, %get3A_61, %select_n3A_338 : vector<14x256xi1>, vector<14x256xf32>
    %select_n3A_340 = arith.select %and3A_333, %get3A_112, %get3A_158 : vector<14x256xi1>, vector<14x256xf32>
    %select_n3A_341 = arith.select %and3A, %get3A_68, %select_n3A_340 : vector<14x256xi1>, vector<14x256xf32>
    %select_n3A_342 = arith.select %and3A_333, %get3A_119, %get3A_165 : vector<14x256xi1>, vector<14x256xf32>
    %select_n3A_343 = arith.select %and3A, %get3A_75, %select_n3A_342 : vector<14x256xi1>, vector<14x256xf32>
    %select_n3A_344 = arith.select %and3A_333, %reduce_sum3A_130, %reduce_sum3A_176 : vector<14x256xi1>, vector<14x256xf32>
    %select_n3A_345 = arith.select %and3A, %reduce_sum3A_84, %select_n3A_344 : vector<14x256xi1>, vector<14x256xf32>
    %mul3A_346 = arith.mulf %get3A_75, %get3A_75 : vector<14x256xf32>
    %mul3A_347 = arith.mulf %get3A_119, %get3A_119 : vector<14x256xf32>
    %add3A_348 = arith.addf %mul3A_346, %mul3A_347 : vector<14x256xf32>
    %mul3A_349 = arith.mulf %get3A_165, %get3A_165 : vector<14x256xf32>
    %add3A_350 = arith.addf %add3A_348, %mul3A_349 : vector<14x256xf32>
    %sub3A_351 = arith.subf %select_n3A_335, %select_n3A_15 : vector<14x256xf32>
    %integer_pow3A = arith.mulf %sub3A_351, %sub3A_351 : vector<14x256xf32>
    %sub3A_352 = arith.subf %select_n3A_337, %select_n3A_20 : vector<14x256xf32>
    %integer_pow3A_353 = arith.mulf %sub3A_352, %sub3A_352 : vector<14x256xf32>
    %add3A_354 = arith.addf %integer_pow3A, %integer_pow3A_353 : vector<14x256xf32>
    %max3A_355 = arith.constant 9.99999997E-7 : f32
    %max3A_356 = vector.broadcast %max3A_355 : f32 to vector<14x256xf32>
    %max3A_357 = arith.maximumf %select_n3A_339, %max3A_356 : vector<14x256xf32>
    %sqrt3A = math.sqrt %max3A_357 : vector<14x256xf32>
    %max3A_358 = arith.constant 9.99999997E-7 : f32
    %max3A_359 = vector.broadcast %max3A_358 : f32 to vector<14x256xf32>
    %max3A_360 = arith.maximumf %select_n3A_25, %max3A_359 : vector<14x256xf32>
    %sqrt3A_361 = math.sqrt %max3A_360 : vector<14x256xf32>
    %sub3A_362 = arith.subf %sqrt3A, %sqrt3A_361 : vector<14x256xf32>
    %integer_pow3A_363 = arith.mulf %sub3A_362, %sub3A_362 : vector<14x256xf32>
    %max3A_364 = arith.constant 9.99999997E-7 : f32
    %max3A_365 = vector.broadcast %max3A_364 : f32 to vector<14x256xf32>
    %max3A_366 = arith.maximumf %select_n3A_341, %max3A_365 : vector<14x256xf32>
    %sqrt3A_367 = math.sqrt %max3A_366 : vector<14x256xf32>
    %max3A_368 = arith.constant 9.99999997E-7 : f32
    %max3A_369 = vector.broadcast %max3A_368 : f32 to vector<14x256xf32>
    %max3A_370 = arith.maximumf %select_n3A_30, %max3A_369 : vector<14x256xf32>
    %sqrt3A_371 = math.sqrt %max3A_370 : vector<14x256xf32>
    %sub3A_372 = arith.subf %sqrt3A_367, %sqrt3A_371 : vector<14x256xf32>
    %integer_pow3A_373 = arith.mulf %sub3A_372, %sub3A_372 : vector<14x256xf32>
    %add3A_374 = arith.addf %integer_pow3A_363, %integer_pow3A_373 : vector<14x256xf32>
    %sub3A_375 = arith.constant 1.000000e+00 : f32
    %sub3A_376 = vector.broadcast %sub3A_375 : f32 to vector<14x256xf32>
    %sub3A_377 = arith.subf %select_n3A_343, %sub3A_376 : vector<14x256xf32>
    %integer_pow3A_378 = arith.mulf %sub3A_377, %sub3A_377 : vector<14x256xf32>
    %get3A_379 = arith.constant 0 : index
    %get3A_380 = arith.constant 0 : index
    %get3A_381 = arith.constant 0 : index
    %get3A_382 = vector.load %arg4[%get3A_379, %get3A_380, %get3A_381] : memref<8x16x256xf32, #tpu.memory_space<vmem>>, vector<1x14x256xf32>
    %get3A_383 = vector.shape_cast %get3A_382 : vector<1x14x256xf32> to vector<14x256xf32>
    %mul3A_384 = arith.mulf %select_n3A, %add3A_354 : vector<14x256xf32>
    %add3A_385 = arith.addf %get3A_383, %mul3A_384 : vector<14x256xf32>
    %swap3A = arith.constant 0 : index
    %swap3A_386 = arith.constant 0 : index
    %swap3A_387 = arith.constant 0 : index
    %swap3A_388 = vector.load %arg4[%swap3A, %swap3A_386, %swap3A_387] : memref<8x16x256xf32, #tpu.memory_space<vmem>>, vector<1x14x256xf32>
    %swap3A_389 = vector.shape_cast %swap3A_388 : vector<1x14x256xf32> to vector<14x256xf32>
    %swap3A_390 = vector.shape_cast %add3A_385 : vector<14x256xf32> to vector<1x14x256xf32>
    tpu.vector_store %arg4[%swap3A, %swap3A_386, %swap3A_387], %swap3A_390 {strides = array<i32>} : memref<8x16x256xf32, #tpu.memory_space<vmem>>, vector<1x14x256xf32>,
    %get3A_391 = arith.constant 1 : index
    %get3A_392 = arith.constant 0 : index
    %get3A_393 = arith.constant 0 : index
    %get3A_394 = vector.load %arg4[%get3A_391, %get3A_392, %get3A_393] : memref<8x16x256xf32, #tpu.memory_space<vmem>>, vector<1x14x256xf32>
    %get3A_395 = vector.shape_cast %get3A_394 : vector<1x14x256xf32> to vector<14x256xf32>
    %mul3A_396 = arith.mulf %select_n3A, %add3A_374 : vector<14x256xf32>
    %add3A_397 = arith.addf %get3A_395, %mul3A_396 : vector<14x256xf32>
    %swap3A_398 = arith.constant 1 : index
    %swap3A_399 = arith.constant 0 : index
    %swap3A_400 = arith.constant 0 : index
    %swap3A_401 = vector.load %arg4[%swap3A_398, %swap3A_399, %swap3A_400] : memref<8x16x256xf32, #tpu.memory_space<vmem>>, vector<1x14x256xf32>
    %swap3A_402 = vector.shape_cast %swap3A_401 : vector<1x14x256xf32> to vector<14x256xf32>
    %swap3A_403 = vector.shape_cast %add3A_397 : vector<14x256xf32> to vector<1x14x256xf32>
    tpu.vector_store %arg4[%swap3A_398, %swap3A_399, %swap3A_400], %swap3A_403 {strides = array<i32>} : memref<8x16x256xf32, #tpu.memory_space<vmem>>, vector<1x14x256xf32>,
    %get3A_404 = arith.constant 2 : index
    %get3A_405 = arith.constant 0 : index
    %get3A_406 = arith.constant 0 : index
    %get3A_407 = vector.load %arg4[%get3A_404, %get3A_405, %get3A_406] : memref<8x16x256xf32, #tpu.memory_space<vmem>>, vector<1x14x256xf32>
    %get3A_408 = vector.shape_cast %get3A_407 : vector<1x14x256xf32> to vector<14x256xf32>
    %mul3A_409 = arith.mulf %select_n3A, %integer_pow3A_378 : vector<14x256xf32>
    %add3A_410 = arith.addf %get3A_408, %mul3A_409 : vector<14x256xf32>
    %swap3A_411 = arith.constant 2 : index
    %swap3A_412 = arith.constant 0 : index
    %swap3A_413 = arith.constant 0 : index
    %swap3A_414 = vector.load %arg4[%swap3A_411, %swap3A_412, %swap3A_413] : memref<8x16x256xf32, #tpu.memory_space<vmem>>, vector<1x14x256xf32>
    %swap3A_415 = vector.shape_cast %swap3A_414 : vector<1x14x256xf32> to vector<14x256xf32>
    %swap3A_416 = vector.shape_cast %add3A_410 : vector<14x256xf32> to vector<1x14x256xf32>
    tpu.vector_store %arg4[%swap3A_411, %swap3A_412, %swap3A_413], %swap3A_416 {strides = array<i32>} : memref<8x16x256xf32, #tpu.memory_space<vmem>>, vector<1x14x256xf32>,
    %get3A_417 = arith.constant 3 : index
    %get3A_418 = arith.constant 0 : index
    %get3A_419 = arith.constant 0 : index
    %get3A_420 = vector.load %arg4[%get3A_417, %get3A_418, %get3A_419] : memref<8x16x256xf32, #tpu.memory_space<vmem>>, vector<1x14x256xf32>
    %get3A_421 = vector.shape_cast %get3A_420 : vector<1x14x256xf32> to vector<14x256xf32>
    %sub3A_422 = arith.constant 1.000000e+00 : f32
    %sub3A_423 = vector.broadcast %sub3A_422 : f32 to vector<14x256xf32>
    %sub3A_424 = arith.subf %sub3A_423, %select_n3A : vector<14x256xf32>
    %mul3A_425 = arith.mulf %sub3A_424, %add3A_350 : vector<14x256xf32>
    %add3A_426 = arith.addf %get3A_421, %mul3A_425 : vector<14x256xf32>
    %swap3A_427 = arith.constant 3 : index
    %swap3A_428 = arith.constant 0 : index
    %swap3A_429 = arith.constant 0 : index
    %swap3A_430 = vector.load %arg4[%swap3A_427, %swap3A_428, %swap3A_429] : memref<8x16x256xf32, #tpu.memory_space<vmem>>, vector<1x14x256xf32>
    %swap3A_431 = vector.shape_cast %swap3A_430 : vector<1x14x256xf32> to vector<14x256xf32>
    %swap3A_432 = vector.shape_cast %add3A_426 : vector<14x256xf32> to vector<1x14x256xf32>
    tpu.vector_store %arg4[%swap3A_427, %swap3A_428, %swap3A_429], %swap3A_432 {strides = array<i32>} : memref<8x16x256xf32, #tpu.memory_space<vmem>>, vector<1x14x256xf32>,
    %get3A_433 = arith.constant 4 : index
    %get3A_434 = arith.constant 0 : index
    %get3A_435 = arith.constant 0 : index
    %get3A_436 = vector.load %arg4[%get3A_433, %get3A_434, %get3A_435] : memref<8x16x256xf32, #tpu.memory_space<vmem>>, vector<1x14x256xf32>
    %get3A_437 = vector.shape_cast %get3A_436 : vector<1x14x256xf32> to vector<14x256xf32>
    %mul3A_438 = arith.mulf %select_n3A, %select_n3A_345 : vector<14x256xf32>
    %add3A_439 = arith.addf %get3A_437, %mul3A_438 : vector<14x256xf32>
    %swap3A_440 = arith.constant 4 : index
    %swap3A_441 = arith.constant 0 : index
    %swap3A_442 = arith.constant 0 : index
    %swap3A_443 = vector.load %arg4[%swap3A_440, %swap3A_441, %swap3A_442] : memref<8x16x256xf32, #tpu.memory_space<vmem>>, vector<1x14x256xf32>
    %swap3A_444 = vector.shape_cast %swap3A_443 : vector<1x14x256xf32> to vector<14x256xf32>
    %swap3A_445 = vector.shape_cast %add3A_439 : vector<14x256xf32> to vector<1x14x256xf32>
    tpu.vector_store %arg4[%swap3A_440, %swap3A_441, %swap3A_442], %swap3A_445 {strides = array<i32>} : memref<8x16x256xf32, #tpu.memory_space<vmem>>, vector<1x14x256xf32>,
    %get3A_446 = arith.constant 0 : index
    %get3A_447 = arith.constant 1 : index
    %get3A_448 = arith.constant 0 : index
    %get3A_449 = arith.constant 0 : index
    %get3A_450 = vector.load %arg2[%get3A_446, %get3A_447, %get3A_448, %get3A_449] : memref<5x2x14x256xf32, #tpu.memory_space<vmem>>, vector<5x1x14x256xf32>
    %get3A_451 = vector.shape_cast %get3A_450 : vector<5x1x14x256xf32> to vector<5x14x256xf32>
    %slice3A_452 = vector.extract_strided_slice %get3A_451 {offsets = [4, 0, 0], sizes = [1, 14, 256], strides = [1, 1, 1]} : vector<5x14x256xf32> to vector<1x14x256xf32>
    %squeeze3A_453 = vector.shape_cast %slice3A_452 : vector<1x14x256xf32> to vector<14x256xf32>
    %gt3A_454 = arith.constant 0.000000e+00 : f32
    %gt3A_455 = vector.broadcast %gt3A_454 : f32 to vector<14x256xf32>
    %gt3A_456 = arith.cmpf ogt, %squeeze3A_453, %gt3A_455 : vector<14x256xf32>
    %jit3A_457 = arith.constant 1.000000e+00 : f32
    %jit3A_458 = arith.constant 0.000000e+00 : f32
    %broadcast_in_dim3A_459 = vector.broadcast %jit3A_457 : f32 to vector<14x256xf32>
    %broadcast_in_dim3A_460 = vector.broadcast %jit3A_458 : f32 to vector<14x256xf32>
    %select_n3A_461 = arith.select %gt3A_456, %broadcast_in_dim3A_459, %broadcast_in_dim3A_460 : vector<14x256xi1>, vector<14x256xf32>
    %slice3A_462 = vector.extract_strided_slice %get3A_451 {offsets = [0, 0, 0], sizes = [1, 14, 256], strides = [1, 1, 1]} : vector<5x14x256xf32> to vector<1x14x256xf32>
    %squeeze3A_463 = vector.shape_cast %slice3A_462 : vector<1x14x256xf32> to vector<14x256xf32>
    %jit3A_464 = arith.constant 0.000000e+00 : f32
    %broadcast_in_dim3A_465 = vector.broadcast %jit3A_464 : f32 to vector<14x256xf32>
    %select_n3A_466 = arith.select %gt3A_456, %squeeze3A_463, %broadcast_in_dim3A_465 : vector<14x256xi1>, vector<14x256xf32>
    %slice3A_467 = vector.extract_strided_slice %get3A_451 {offsets = [1, 0, 0], sizes = [1, 14, 256], strides = [1, 1, 1]} : vector<5x14x256xf32> to vector<1x14x256xf32>
    %squeeze3A_468 = vector.shape_cast %slice3A_467 : vector<1x14x256xf32> to vector<14x256xf32>
    %jit3A_469 = arith.constant 0.000000e+00 : f32
    %broadcast_in_dim3A_470 = vector.broadcast %jit3A_469 : f32 to vector<14x256xf32>
    %select_n3A_471 = arith.select %gt3A_456, %squeeze3A_468, %broadcast_in_dim3A_470 : vector<14x256xi1>, vector<14x256xf32>
    %slice3A_472 = vector.extract_strided_slice %get3A_451 {offsets = [2, 0, 0], sizes = [1, 14, 256], strides = [1, 1, 1]} : vector<5x14x256xf32> to vector<1x14x256xf32>
    %squeeze3A_473 = vector.shape_cast %slice3A_472 : vector<1x14x256xf32> to vector<14x256xf32>
    %jit3A_474 = arith.constant 0.000000e+00 : f32
    %broadcast_in_dim3A_475 = vector.broadcast %jit3A_474 : f32 to vector<14x256xf32>
    %select_n3A_476 = arith.select %gt3A_456, %squeeze3A_473, %broadcast_in_dim3A_475 : vector<14x256xi1>, vector<14x256xf32>
    %slice3A_477 = vector.extract_strided_slice %get3A_451 {offsets = [3, 0, 0], sizes = [1, 14, 256], strides = [1, 1, 1]} : vector<5x14x256xf32> to vector<1x14x256xf32>
    %squeeze3A_478 = vector.shape_cast %slice3A_477 : vector<1x14x256xf32> to vector<14x256xf32>
    %jit3A_479 = arith.constant 0.000000e+00 : f32
    %broadcast_in_dim3A_480 = vector.broadcast %jit3A_479 : f32 to vector<14x256xf32>
    %select_n3A_481 = arith.select %gt3A_456, %squeeze3A_478, %broadcast_in_dim3A_480 : vector<14x256xi1>, vector<14x256xf32>
    %slice3A_482 = vector.extract_strided_slice %get3A_451 {offsets = [4, 0, 0], sizes = [1, 14, 256], strides = [1, 1, 1]} : vector<5x14x256xf32> to vector<1x14x256xf32>
    %squeeze3A_483 = vector.shape_cast %slice3A_482 : vector<1x14x256xf32> to vector<14x256xf32>
    %sub3A_484 = arith.constant 1.000000e+00 : f32
    %sub3A_485 = vector.broadcast %sub3A_484 : f32 to vector<14x256xf32>
    %sub3A_486 = arith.subf %squeeze3A_483, %sub3A_485 : vector<14x256xf32>
    %iota3A_487 = tpu.iota {dimensions = array<i32: 1>} : vector<14x80x256xi32>
    %convert_element_type3A_488 = arith.sitofp %iota3A_487 : vector<14x80x256xi32> to vector<14x80x256xf32>
    %broadcast_in_dim3A_489 = vector.shape_cast %sub3A_486 : vector<14x256xf32> to vector<14x1x256xf32>
    %eq3A_490 = vector.broadcast %broadcast_in_dim3A_489 : vector<14x1x256xf32> to vector<14x80x256xf32>
    %eq3A_491 = arith.cmpf oeq, %convert_element_type3A_488, %eq3A_490 : vector<14x80x256xf32>
    %convert_element_type3A_492 = arith.extui %eq3A_491 : vector<14x80x256xi1> to vector<14x80x256xi32>
    %convert_element_type3A_493 = arith.sitofp %convert_element_type3A_492 : vector<14x80x256xi32> to vector<14x80x256xf32>
    %get3A_494 = arith.constant 1 : index
    %get3A_495 = arith.constant 0 : index
    %get3A_496 = arith.constant 0 : index
    %get3A_497 = arith.constant 0 : index
    %get3A_498 = arith.constant 0 : index
    %get3A_499 = vector.load %arg1[%get3A_494, %get3A_495, %get3A_496, %get3A_497, %get3A_498] : memref<2x14x3x85x256xf32, #tpu.memory_space<vmem>>, vector<1x14x1x1x256xf32>
    %get3A_500 = vector.shape_cast %get3A_499 : vector<1x14x1x1x256xf32> to vector<14x256xf32>
    %get3A_501 = arith.constant 1 : index
    %get3A_502 = arith.constant 0 : index
    %get3A_503 = arith.constant 0 : index
    %get3A_504 = arith.constant 1 : index
    %get3A_505 = arith.constant 0 : index
    %get3A_506 = vector.load %arg1[%get3A_501, %get3A_502, %get3A_503, %get3A_504, %get3A_505] : memref<2x14x3x85x256xf32, #tpu.memory_space<vmem>>, vector<1x14x1x1x256xf32>
    %get3A_507 = vector.shape_cast %get3A_506 : vector<1x14x1x1x256xf32> to vector<14x256xf32>
    %get3A_508 = arith.constant 1 : index
    %get3A_509 = arith.constant 0 : index
    %get3A_510 = arith.constant 0 : index
    %get3A_511 = arith.constant 2 : index
    %get3A_512 = arith.constant 0 : index
    %get3A_513 = vector.load %arg1[%get3A_508, %get3A_509, %get3A_510, %get3A_511, %get3A_512] : memref<2x14x3x85x256xf32, #tpu.memory_space<vmem>>, vector<1x14x1x1x256xf32>
    %get3A_514 = vector.shape_cast %get3A_513 : vector<1x14x1x1x256xf32> to vector<14x256xf32>
    %get3A_515 = arith.constant 1 : index
    %get3A_516 = arith.constant 0 : index
    %get3A_517 = arith.constant 0 : index
    %get3A_518 = arith.constant 3 : index
    %get3A_519 = arith.constant 0 : index
    %get3A_520 = vector.load %arg1[%get3A_515, %get3A_516, %get3A_517, %get3A_518, %get3A_519] : memref<2x14x3x85x256xf32, #tpu.memory_space<vmem>>, vector<1x14x1x1x256xf32>
    %get3A_521 = vector.shape_cast %get3A_520 : vector<1x14x1x1x256xf32> to vector<14x256xf32>
    %get3A_522 = arith.constant 1 : index
    %get3A_523 = arith.constant 0 : index
    %get3A_524 = arith.constant 0 : index
    %get3A_525 = arith.constant 4 : index
    %get3A_526 = arith.constant 0 : index
    %get3A_527 = vector.load %arg1[%get3A_522, %get3A_523, %get3A_524, %get3A_525, %get3A_526] : memref<2x14x3x85x256xf32, #tpu.memory_space<vmem>>, vector<1x14x1x1x256xf32>
    %get3A_528 = vector.shape_cast %get3A_527 : vector<1x14x1x1x256xf32> to vector<14x256xf32>
    %get3A_529 = arith.constant 1 : index
    %get3A_530 = arith.constant 0 : index
    %get3A_531 = arith.constant 0 : index
    %get3A_532 = arith.constant 5 : index
    %get3A_533 = arith.constant 0 : index
    %get3A_534 = vector.load %arg1[%get3A_529, %get3A_530, %get3A_531, %get3A_532, %get3A_533] : memref<2x14x3x85x256xf32, #tpu.memory_space<vmem>>, vector<1x14x1x80x256xf32>
    %get3A_535 = vector.shape_cast %get3A_534 : vector<1x14x1x80x256xf32> to vector<14x80x256xf32>
    %sub3A_536 = arith.subf %get3A_535, %convert_element_type3A_493 : vector<14x80x256xf32>
    %mul3A_537 = arith.mulf %sub3A_536, %sub3A_536 : vector<14x80x256xf32>
    %reduce_sum3A_538 = arith.constant dense<0.000000e+00> : vector<14x256xf32>
    %reduce_sum3A_539 = vector.multi_reduction <add>, %mul3A_537, %reduce_sum3A_538 [1] : vector<14x80x256xf32> to vector<14x256xf32>
    %get3A_540 = arith.constant 1 : index
    %get3A_541 = arith.constant 0 : index
    %get3A_542 = arith.constant 1 : index
    %get3A_543 = arith.constant 0 : index
    %get3A_544 = arith.constant 0 : index
    %get3A_545 = vector.load %arg1[%get3A_540, %get3A_541, %get3A_542, %get3A_543, %get3A_544] : memref<2x14x3x85x256xf32, #tpu.memory_space<vmem>>, vector<1x14x1x1x256xf32>
    %get3A_546 = vector.shape_cast %get3A_545 : vector<1x14x1x1x256xf32> to vector<14x256xf32>
    %get3A_547 = arith.constant 1 : index
    %get3A_548 = arith.constant 0 : index
    %get3A_549 = arith.constant 1 : index
    %get3A_550 = arith.constant 1 : index
    %get3A_551 = arith.constant 0 : index
    %get3A_552 = vector.load %arg1[%get3A_547, %get3A_548, %get3A_549, %get3A_550, %get3A_551] : memref<2x14x3x85x256xf32, #tpu.memory_space<vmem>>, vector<1x14x1x1x256xf32>
    %get3A_553 = vector.shape_cast %get3A_552 : vector<1x14x1x1x256xf32> to vector<14x256xf32>
    %get3A_554 = arith.constant 1 : index
    %get3A_555 = arith.constant 0 : index
    %get3A_556 = arith.constant 1 : index
    %get3A_557 = arith.constant 2 : index
    %get3A_558 = arith.constant 0 : index
    %get3A_559 = vector.load %arg1[%get3A_554, %get3A_555, %get3A_556, %get3A_557, %get3A_558] : memref<2x14x3x85x256xf32, #tpu.memory_space<vmem>>, vector<1x14x1x1x256xf32>
    %get3A_560 = vector.shape_cast %get3A_559 : vector<1x14x1x1x256xf32> to vector<14x256xf32>
    %get3A_561 = arith.constant 1 : index
    %get3A_562 = arith.constant 0 : index
    %get3A_563 = arith.constant 1 : index
    %get3A_564 = arith.constant 3 : index
    %get3A_565 = arith.constant 0 : index
    %get3A_566 = vector.load %arg1[%get3A_561, %get3A_562, %get3A_563, %get3A_564, %get3A_565] : memref<2x14x3x85x256xf32, #tpu.memory_space<vmem>>, vector<1x14x1x1x256xf32>
    %get3A_567 = vector.shape_cast %get3A_566 : vector<1x14x1x1x256xf32> to vector<14x256xf32>
    %get3A_568 = arith.constant 1 : index
    %get3A_569 = arith.constant 0 : index
    %get3A_570 = arith.constant 1 : index
    %get3A_571 = arith.constant 4 : index
    %get3A_572 = arith.constant 0 : index
    %get3A_573 = vector.load %arg1[%get3A_568, %get3A_569, %get3A_570, %get3A_571, %get3A_572] : memref<2x14x3x85x256xf32, #tpu.memory_space<vmem>>, vector<1x14x1x1x256xf32>
    %get3A_574 = vector.shape_cast %get3A_573 : vector<1x14x1x1x256xf32> to vector<14x256xf32>
    %get3A_575 = arith.constant 1 : index
    %get3A_576 = arith.constant 0 : index
    %get3A_577 = arith.constant 1 : index
    %get3A_578 = arith.constant 5 : index
    %get3A_579 = arith.constant 0 : index
    %get3A_580 = vector.load %arg1[%get3A_575, %get3A_576, %get3A_577, %get3A_578, %get3A_579] : memref<2x14x3x85x256xf32, #tpu.memory_space<vmem>>, vector<1x14x1x80x256xf32>
    %get3A_581 = vector.shape_cast %get3A_580 : vector<1x14x1x80x256xf32> to vector<14x80x256xf32>
    %sub3A_582 = arith.subf %get3A_581, %convert_element_type3A_493 : vector<14x80x256xf32>
    %mul3A_583 = arith.mulf %sub3A_582, %sub3A_582 : vector<14x80x256xf32>
    %reduce_sum3A_584 = arith.constant dense<0.000000e+00> : vector<14x256xf32>
    %reduce_sum3A_585 = vector.multi_reduction <add>, %mul3A_583, %reduce_sum3A_584 [1] : vector<14x80x256xf32> to vector<14x256xf32>
    %get3A_586 = arith.constant 1 : index
    %get3A_587 = arith.constant 0 : index
    %get3A_588 = arith.constant 2 : index
    %get3A_589 = arith.constant 0 : index
    %get3A_590 = arith.constant 0 : index
    %get3A_591 = vector.load %arg1[%get3A_586, %get3A_587, %get3A_588, %get3A_589, %get3A_590] : memref<2x14x3x85x256xf32, #tpu.memory_space<vmem>>, vector<1x14x1x1x256xf32>
    %get3A_592 = vector.shape_cast %get3A_591 : vector<1x14x1x1x256xf32> to vector<14x256xf32>
    %get3A_593 = arith.constant 1 : index
    %get3A_594 = arith.constant 0 : index
    %get3A_595 = arith.constant 2 : index
    %get3A_596 = arith.constant 1 : index
    %get3A_597 = arith.constant 0 : index
    %get3A_598 = vector.load %arg1[%get3A_593, %get3A_594, %get3A_595, %get3A_596, %get3A_597] : memref<2x14x3x85x256xf32, #tpu.memory_space<vmem>>, vector<1x14x1x1x256xf32>
    %get3A_599 = vector.shape_cast %get3A_598 : vector<1x14x1x1x256xf32> to vector<14x256xf32>
    %get3A_600 = arith.constant 1 : index
    %get3A_601 = arith.constant 0 : index
    %get3A_602 = arith.constant 2 : index
    %get3A_603 = arith.constant 2 : index
    %get3A_604 = arith.constant 0 : index
    %get3A_605 = vector.load %arg1[%get3A_600, %get3A_601, %get3A_602, %get3A_603, %get3A_604] : memref<2x14x3x85x256xf32, #tpu.memory_space<vmem>>, vector<1x14x1x1x256xf32>
    %get3A_606 = vector.shape_cast %get3A_605 : vector<1x14x1x1x256xf32> to vector<14x256xf32>
    %get3A_607 = arith.constant 1 : index
    %get3A_608 = arith.constant 0 : index
    %get3A_609 = arith.constant 2 : index
    %get3A_610 = arith.constant 3 : index
    %get3A_611 = arith.constant 0 : index
    %get3A_612 = vector.load %arg1[%get3A_607, %get3A_608, %get3A_609, %get3A_610, %get3A_611] : memref<2x14x3x85x256xf32, #tpu.memory_space<vmem>>, vector<1x14x1x1x256xf32>
    %get3A_613 = vector.shape_cast %get3A_612 : vector<1x14x1x1x256xf32> to vector<14x256xf32>
    %get3A_614 = arith.constant 1 : index
    %get3A_615 = arith.constant 0 : index
    %get3A_616 = arith.constant 2 : index
    %get3A_617 = arith.constant 4 : index
    %get3A_618 = arith.constant 0 : index
    %get3A_619 = vector.load %arg1[%get3A_614, %get3A_615, %get3A_616, %get3A_617, %get3A_618] : memref<2x14x3x85x256xf32, #tpu.memory_space<vmem>>, vector<1x14x1x1x256xf32>
    %get3A_620 = vector.shape_cast %get3A_619 : vector<1x14x1x1x256xf32> to vector<14x256xf32>
    %get3A_621 = arith.constant 1 : index
    %get3A_622 = arith.constant 0 : index
    %get3A_623 = arith.constant 2 : index
    %get3A_624 = arith.constant 5 : index
    %get3A_625 = arith.constant 0 : index
    %get3A_626 = vector.load %arg1[%get3A_621, %get3A_622, %get3A_623, %get3A_624, %get3A_625] : memref<2x14x3x85x256xf32, #tpu.memory_space<vmem>>, vector<1x14x1x80x256xf32>
    %get3A_627 = vector.shape_cast %get3A_626 : vector<1x14x1x80x256xf32> to vector<14x80x256xf32>
    %sub3A_628 = arith.subf %get3A_627, %convert_element_type3A_493 : vector<14x80x256xf32>
    %mul3A_629 = arith.mulf %sub3A_628, %sub3A_628 : vector<14x80x256xf32>
    %reduce_sum3A_630 = arith.constant dense<0.000000e+00> : vector<14x256xf32>
    %reduce_sum3A_631 = vector.multi_reduction <add>, %mul3A_629, %reduce_sum3A_630 [1] : vector<14x80x256xf32> to vector<14x256xf32>
    %mul3A_632 = arith.constant 5.000000e-01 : f32
    %mul3A_633 = vector.broadcast %mul3A_632 : f32 to vector<14x256xf32>
    %mul3A_634 = arith.mulf %select_n3A_476, %mul3A_633 : vector<14x256xf32>
    %sub3A_635 = arith.subf %select_n3A_466, %mul3A_634 : vector<14x256xf32>
    %mul3A_636 = arith.constant 5.000000e-01 : f32
    %mul3A_637 = vector.broadcast %mul3A_636 : f32 to vector<14x256xf32>
    %mul3A_638 = arith.mulf %select_n3A_476, %mul3A_637 : vector<14x256xf32>
    %add3A_639 = arith.addf %select_n3A_466, %mul3A_638 : vector<14x256xf32>
    %mul3A_640 = arith.constant 5.000000e-01 : f32
    %mul3A_641 = vector.broadcast %mul3A_640 : f32 to vector<14x256xf32>
    %mul3A_642 = arith.mulf %select_n3A_481, %mul3A_641 : vector<14x256xf32>
    %sub3A_643 = arith.subf %select_n3A_471, %mul3A_642 : vector<14x256xf32>
    %mul3A_644 = arith.constant 5.000000e-01 : f32
    %mul3A_645 = vector.broadcast %mul3A_644 : f32 to vector<14x256xf32>
    %mul3A_646 = arith.mulf %select_n3A_481, %mul3A_645 : vector<14x256xf32>
    %add3A_647 = arith.addf %select_n3A_471, %mul3A_646 : vector<14x256xf32>
    %sub3A_648 = arith.subf %add3A_639, %sub3A_635 : vector<14x256xf32>
    %max3A_649 = arith.constant 0.000000e+00 : f32
    %max3A_650 = vector.broadcast %max3A_649 : f32 to vector<14x256xf32>
    %max3A_651 = arith.maximumf %sub3A_648, %max3A_650 : vector<14x256xf32>
    %sub3A_652 = arith.subf %add3A_647, %sub3A_643 : vector<14x256xf32>
    %max3A_653 = arith.constant 0.000000e+00 : f32
    %max3A_654 = vector.broadcast %max3A_653 : f32 to vector<14x256xf32>
    %max3A_655 = arith.maximumf %sub3A_652, %max3A_654 : vector<14x256xf32>
    %mul3A_656 = arith.mulf %max3A_651, %max3A_655 : vector<14x256xf32>
    %mul3A_657 = arith.constant 5.000000e-01 : f32
    %mul3A_658 = vector.broadcast %mul3A_657 : f32 to vector<14x256xf32>
    %mul3A_659 = arith.mulf %get3A_514, %mul3A_658 : vector<14x256xf32>
    %sub3A_660 = arith.subf %get3A_500, %mul3A_659 : vector<14x256xf32>
    %mul3A_661 = arith.constant 5.000000e-01 : f32
    %mul3A_662 = vector.broadcast %mul3A_661 : f32 to vector<14x256xf32>
    %mul3A_663 = arith.mulf %get3A_514, %mul3A_662 : vector<14x256xf32>
    %add3A_664 = arith.addf %get3A_500, %mul3A_663 : vector<14x256xf32>
    %mul3A_665 = arith.constant 5.000000e-01 : f32
    %mul3A_666 = vector.broadcast %mul3A_665 : f32 to vector<14x256xf32>
    %mul3A_667 = arith.mulf %get3A_521, %mul3A_666 : vector<14x256xf32>
    %sub3A_668 = arith.subf %get3A_507, %mul3A_667 : vector<14x256xf32>
    %mul3A_669 = arith.constant 5.000000e-01 : f32
    %mul3A_670 = vector.broadcast %mul3A_669 : f32 to vector<14x256xf32>
    %mul3A_671 = arith.mulf %get3A_521, %mul3A_670 : vector<14x256xf32>
    %add3A_672 = arith.addf %get3A_507, %mul3A_671 : vector<14x256xf32>
    %min3A_673 = arith.minimumf %add3A_664, %add3A_639 : vector<14x256xf32>
    %max3A_674 = arith.maximumf %sub3A_660, %sub3A_635 : vector<14x256xf32>
    %sub3A_675 = arith.subf %min3A_673, %max3A_674 : vector<14x256xf32>
    %max3A_676 = arith.constant 0.000000e+00 : f32
    %max3A_677 = vector.broadcast %max3A_676 : f32 to vector<14x256xf32>
    %max3A_678 = arith.maximumf %sub3A_675, %max3A_677 : vector<14x256xf32>
    %min3A_679 = arith.minimumf %add3A_672, %add3A_647 : vector<14x256xf32>
    %max3A_680 = arith.maximumf %sub3A_668, %sub3A_643 : vector<14x256xf32>
    %sub3A_681 = arith.subf %min3A_679, %max3A_680 : vector<14x256xf32>
    %max3A_682 = arith.constant 0.000000e+00 : f32
    %max3A_683 = vector.broadcast %max3A_682 : f32 to vector<14x256xf32>
    %max3A_684 = arith.maximumf %sub3A_681, %max3A_683 : vector<14x256xf32>
    %mul3A_685 = arith.mulf %max3A_678, %max3A_684 : vector<14x256xf32>
    %sub3A_686 = arith.subf %add3A_664, %sub3A_660 : vector<14x256xf32>
    %max3A_687 = arith.constant 0.000000e+00 : f32
    %max3A_688 = vector.broadcast %max3A_687 : f32 to vector<14x256xf32>
    %max3A_689 = arith.maximumf %sub3A_686, %max3A_688 : vector<14x256xf32>
    %sub3A_690 = arith.subf %add3A_672, %sub3A_668 : vector<14x256xf32>
    %max3A_691 = arith.constant 0.000000e+00 : f32
    %max3A_692 = vector.broadcast %max3A_691 : f32 to vector<14x256xf32>
    %max3A_693 = arith.maximumf %sub3A_690, %max3A_692 : vector<14x256xf32>
    %mul3A_694 = arith.mulf %max3A_689, %max3A_693 : vector<14x256xf32>
    %add3A_695 = arith.addf %mul3A_694, %mul3A_656 : vector<14x256xf32>
    %sub3A_696 = arith.subf %add3A_695, %mul3A_685 : vector<14x256xf32>
    %add3A_697 = arith.constant 9.99999997E-7 : f32
    %add3A_698 = vector.broadcast %add3A_697 : f32 to vector<14x256xf32>
    %add3A_699 = arith.addf %sub3A_696, %add3A_698 : vector<14x256xf32>
    %div3A_700 = arith.divf %mul3A_685, %add3A_699 : vector<14x256xf32>
    %mul3A_701 = arith.constant 5.000000e-01 : f32
    %mul3A_702 = vector.broadcast %mul3A_701 : f32 to vector<14x256xf32>
    %mul3A_703 = arith.mulf %get3A_560, %mul3A_702 : vector<14x256xf32>
    %sub3A_704 = arith.subf %get3A_546, %mul3A_703 : vector<14x256xf32>
    %mul3A_705 = arith.constant 5.000000e-01 : f32
    %mul3A_706 = vector.broadcast %mul3A_705 : f32 to vector<14x256xf32>
    %mul3A_707 = arith.mulf %get3A_560, %mul3A_706 : vector<14x256xf32>
    %add3A_708 = arith.addf %get3A_546, %mul3A_707 : vector<14x256xf32>
    %mul3A_709 = arith.constant 5.000000e-01 : f32
    %mul3A_710 = vector.broadcast %mul3A_709 : f32 to vector<14x256xf32>
    %mul3A_711 = arith.mulf %get3A_567, %mul3A_710 : vector<14x256xf32>
    %sub3A_712 = arith.subf %get3A_553, %mul3A_711 : vector<14x256xf32>
    %mul3A_713 = arith.constant 5.000000e-01 : f32
    %mul3A_714 = vector.broadcast %mul3A_713 : f32 to vector<14x256xf32>
    %mul3A_715 = arith.mulf %get3A_567, %mul3A_714 : vector<14x256xf32>
    %add3A_716 = arith.addf %get3A_553, %mul3A_715 : vector<14x256xf32>
    %min3A_717 = arith.minimumf %add3A_708, %add3A_639 : vector<14x256xf32>
    %max3A_718 = arith.maximumf %sub3A_704, %sub3A_635 : vector<14x256xf32>
    %sub3A_719 = arith.subf %min3A_717, %max3A_718 : vector<14x256xf32>
    %max3A_720 = arith.constant 0.000000e+00 : f32
    %max3A_721 = vector.broadcast %max3A_720 : f32 to vector<14x256xf32>
    %max3A_722 = arith.maximumf %sub3A_719, %max3A_721 : vector<14x256xf32>
    %min3A_723 = arith.minimumf %add3A_716, %add3A_647 : vector<14x256xf32>
    %max3A_724 = arith.maximumf %sub3A_712, %sub3A_643 : vector<14x256xf32>
    %sub3A_725 = arith.subf %min3A_723, %max3A_724 : vector<14x256xf32>
    %max3A_726 = arith.constant 0.000000e+00 : f32
    %max3A_727 = vector.broadcast %max3A_726 : f32 to vector<14x256xf32>
    %max3A_728 = arith.maximumf %sub3A_725, %max3A_727 : vector<14x256xf32>
    %mul3A_729 = arith.mulf %max3A_722, %max3A_728 : vector<14x256xf32>
    %sub3A_730 = arith.subf %add3A_708, %sub3A_704 : vector<14x256xf32>
    %max3A_731 = arith.constant 0.000000e+00 : f32
    %max3A_732 = vector.broadcast %max3A_731 : f32 to vector<14x256xf32>
    %max3A_733 = arith.maximumf %sub3A_730, %max3A_732 : vector<14x256xf32>
    %sub3A_734 = arith.subf %add3A_716, %sub3A_712 : vector<14x256xf32>
    %max3A_735 = arith.constant 0.000000e+00 : f32
    %max3A_736 = vector.broadcast %max3A_735 : f32 to vector<14x256xf32>
    %max3A_737 = arith.maximumf %sub3A_734, %max3A_736 : vector<14x256xf32>
    %mul3A_738 = arith.mulf %max3A_733, %max3A_737 : vector<14x256xf32>
    %add3A_739 = arith.addf %mul3A_738, %mul3A_656 : vector<14x256xf32>
    %sub3A_740 = arith.subf %add3A_739, %mul3A_729 : vector<14x256xf32>
    %add3A_741 = arith.constant 9.99999997E-7 : f32
    %add3A_742 = vector.broadcast %add3A_741 : f32 to vector<14x256xf32>
    %add3A_743 = arith.addf %sub3A_740, %add3A_742 : vector<14x256xf32>
    %div3A_744 = arith.divf %mul3A_729, %add3A_743 : vector<14x256xf32>
    %mul3A_745 = arith.constant 5.000000e-01 : f32
    %mul3A_746 = vector.broadcast %mul3A_745 : f32 to vector<14x256xf32>
    %mul3A_747 = arith.mulf %get3A_606, %mul3A_746 : vector<14x256xf32>
    %sub3A_748 = arith.subf %get3A_592, %mul3A_747 : vector<14x256xf32>
    %mul3A_749 = arith.constant 5.000000e-01 : f32
    %mul3A_750 = vector.broadcast %mul3A_749 : f32 to vector<14x256xf32>
    %mul3A_751 = arith.mulf %get3A_606, %mul3A_750 : vector<14x256xf32>
    %add3A_752 = arith.addf %get3A_592, %mul3A_751 : vector<14x256xf32>
    %mul3A_753 = arith.constant 5.000000e-01 : f32
    %mul3A_754 = vector.broadcast %mul3A_753 : f32 to vector<14x256xf32>
    %mul3A_755 = arith.mulf %get3A_613, %mul3A_754 : vector<14x256xf32>
    %sub3A_756 = arith.subf %get3A_599, %mul3A_755 : vector<14x256xf32>
    %mul3A_757 = arith.constant 5.000000e-01 : f32
    %mul3A_758 = vector.broadcast %mul3A_757 : f32 to vector<14x256xf32>
    %mul3A_759 = arith.mulf %get3A_613, %mul3A_758 : vector<14x256xf32>
    %add3A_760 = arith.addf %get3A_599, %mul3A_759 : vector<14x256xf32>
    %min3A_761 = arith.minimumf %add3A_752, %add3A_639 : vector<14x256xf32>
    %max3A_762 = arith.maximumf %sub3A_748, %sub3A_635 : vector<14x256xf32>
    %sub3A_763 = arith.subf %min3A_761, %max3A_762 : vector<14x256xf32>
    %max3A_764 = arith.constant 0.000000e+00 : f32
    %max3A_765 = vector.broadcast %max3A_764 : f32 to vector<14x256xf32>
    %max3A_766 = arith.maximumf %sub3A_763, %max3A_765 : vector<14x256xf32>
    %min3A_767 = arith.minimumf %add3A_760, %add3A_647 : vector<14x256xf32>
    %max3A_768 = arith.maximumf %sub3A_756, %sub3A_643 : vector<14x256xf32>
    %sub3A_769 = arith.subf %min3A_767, %max3A_768 : vector<14x256xf32>
    %max3A_770 = arith.constant 0.000000e+00 : f32
    %max3A_771 = vector.broadcast %max3A_770 : f32 to vector<14x256xf32>
    %max3A_772 = arith.maximumf %sub3A_769, %max3A_771 : vector<14x256xf32>
    %mul3A_773 = arith.mulf %max3A_766, %max3A_772 : vector<14x256xf32>
    %sub3A_774 = arith.subf %add3A_752, %sub3A_748 : vector<14x256xf32>
    %max3A_775 = arith.constant 0.000000e+00 : f32
    %max3A_776 = vector.broadcast %max3A_775 : f32 to vector<14x256xf32>
    %max3A_777 = arith.maximumf %sub3A_774, %max3A_776 : vector<14x256xf32>
    %sub3A_778 = arith.subf %add3A_760, %sub3A_756 : vector<14x256xf32>
    %max3A_779 = arith.constant 0.000000e+00 : f32
    %max3A_780 = vector.broadcast %max3A_779 : f32 to vector<14x256xf32>
    %max3A_781 = arith.maximumf %sub3A_778, %max3A_780 : vector<14x256xf32>
    %mul3A_782 = arith.mulf %max3A_777, %max3A_781 : vector<14x256xf32>
    %add3A_783 = arith.addf %mul3A_782, %mul3A_656 : vector<14x256xf32>
    %sub3A_784 = arith.subf %add3A_783, %mul3A_773 : vector<14x256xf32>
    %add3A_785 = arith.constant 9.99999997E-7 : f32
    %add3A_786 = vector.broadcast %add3A_785 : f32 to vector<14x256xf32>
    %add3A_787 = arith.addf %sub3A_784, %add3A_786 : vector<14x256xf32>
    %div3A_788 = arith.divf %mul3A_773, %add3A_787 : vector<14x256xf32>
    %ge3A_789 = arith.cmpf oge, %div3A_700, %div3A_744 : vector<14x256xf32>
    %ge3A_790 = arith.cmpf oge, %div3A_700, %div3A_788 : vector<14x256xf32>
    %and3A_791 = arith.andi %ge3A_789, %ge3A_790 : vector<14x256xi1>
    %not3A_792 = arith.constant dense<true> : vector<14x256xi1>
    %not3A_793 = arith.xori %and3A_791, %not3A_792 : vector<14x256xi1>
    %ge3A_794 = arith.cmpf oge, %div3A_744, %div3A_788 : vector<14x256xf32>
    %and3A_795 = arith.andi %not3A_793, %ge3A_794 : vector<14x256xi1>
    %select_n3A_796 = arith.select %and3A_795, %get3A_546, %get3A_592 : vector<14x256xi1>, vector<14x256xf32>
    %select_n3A_797 = arith.select %and3A_791, %get3A_500, %select_n3A_796 : vector<14x256xi1>, vector<14x256xf32>
    %select_n3A_798 = arith.select %and3A_795, %get3A_553, %get3A_599 : vector<14x256xi1>, vector<14x256xf32>
    %select_n3A_799 = arith.select %and3A_791, %get3A_507, %select_n3A_798 : vector<14x256xi1>, vector<14x256xf32>
    %select_n3A_800 = arith.select %and3A_795, %get3A_560, %get3A_606 : vector<14x256xi1>, vector<14x256xf32>
    %select_n3A_801 = arith.select %and3A_791, %get3A_514, %select_n3A_800 : vector<14x256xi1>, vector<14x256xf32>
    %select_n3A_802 = arith.select %and3A_795, %get3A_567, %get3A_613 : vector<14x256xi1>, vector<14x256xf32>
    %select_n3A_803 = arith.select %and3A_791, %get3A_521, %select_n3A_802 : vector<14x256xi1>, vector<14x256xf32>
    %select_n3A_804 = arith.select %and3A_795, %get3A_574, %get3A_620 : vector<14x256xi1>, vector<14x256xf32>
    %select_n3A_805 = arith.select %and3A_791, %get3A_528, %select_n3A_804 : vector<14x256xi1>, vector<14x256xf32>
    %select_n3A_806 = arith.select %and3A_795, %reduce_sum3A_585, %reduce_sum3A_631 : vector<14x256xi1>, vector<14x256xf32>
    %select_n3A_807 = arith.select %and3A_791, %reduce_sum3A_539, %select_n3A_806 : vector<14x256xi1>, vector<14x256xf32>
    %mul3A_808 = arith.mulf %get3A_528, %get3A_528 : vector<14x256xf32>
    %mul3A_809 = arith.mulf %get3A_574, %get3A_574 : vector<14x256xf32>
    %add3A_810 = arith.addf %mul3A_808, %mul3A_809 : vector<14x256xf32>
    %mul3A_811 = arith.mulf %get3A_620, %get3A_620 : vector<14x256xf32>
    %add3A_812 = arith.addf %add3A_810, %mul3A_811 : vector<14x256xf32>
    %sub3A_813 = arith.subf %select_n3A_797, %select_n3A_466 : vector<14x256xf32>
    %integer_pow3A_814 = arith.mulf %sub3A_813, %sub3A_813 : vector<14x256xf32>
    %sub3A_815 = arith.subf %select_n3A_799, %select_n3A_471 : vector<14x256xf32>
    %integer_pow3A_816 = arith.mulf %sub3A_815, %sub3A_815 : vector<14x256xf32>
    %add3A_817 = arith.addf %integer_pow3A_814, %integer_pow3A_816 : vector<14x256xf32>
    %max3A_818 = arith.constant 9.99999997E-7 : f32
    %max3A_819 = vector.broadcast %max3A_818 : f32 to vector<14x256xf32>
    %max3A_820 = arith.maximumf %select_n3A_801, %max3A_819 : vector<14x256xf32>
    %sqrt3A_821 = math.sqrt %max3A_820 : vector<14x256xf32>
    %max3A_822 = arith.constant 9.99999997E-7 : f32
    %max3A_823 = vector.broadcast %max3A_822 : f32 to vector<14x256xf32>
    %max3A_824 = arith.maximumf %select_n3A_476, %max3A_823 : vector<14x256xf32>
    %sqrt3A_825 = math.sqrt %max3A_824 : vector<14x256xf32>
    %sub3A_826 = arith.subf %sqrt3A_821, %sqrt3A_825 : vector<14x256xf32>
    %integer_pow3A_827 = arith.mulf %sub3A_826, %sub3A_826 : vector<14x256xf32>
    %max3A_828 = arith.constant 9.99999997E-7 : f32
    %max3A_829 = vector.broadcast %max3A_828 : f32 to vector<14x256xf32>
    %max3A_830 = arith.maximumf %select_n3A_803, %max3A_829 : vector<14x256xf32>
    %sqrt3A_831 = math.sqrt %max3A_830 : vector<14x256xf32>
    %max3A_832 = arith.constant 9.99999997E-7 : f32
    %max3A_833 = vector.broadcast %max3A_832 : f32 to vector<14x256xf32>
    %max3A_834 = arith.maximumf %select_n3A_481, %max3A_833 : vector<14x256xf32>
    %sqrt3A_835 = math.sqrt %max3A_834 : vector<14x256xf32>
    %sub3A_836 = arith.subf %sqrt3A_831, %sqrt3A_835 : vector<14x256xf32>
    %integer_pow3A_837 = arith.mulf %sub3A_836, %sub3A_836 : vector<14x256xf32>
    %add3A_838 = arith.addf %integer_pow3A_827, %integer_pow3A_837 : vector<14x256xf32>
    %sub3A_839 = arith.constant 1.000000e+00 : f32
    %sub3A_840 = vector.broadcast %sub3A_839 : f32 to vector<14x256xf32>
    %sub3A_841 = arith.subf %select_n3A_805, %sub3A_840 : vector<14x256xf32>
    %integer_pow3A_842 = arith.mulf %sub3A_841, %sub3A_841 : vector<14x256xf32>
    %get3A_843 = arith.constant 0 : index
    %get3A_844 = arith.constant 0 : index
    %get3A_845 = arith.constant 0 : index
    %get3A_846 = vector.load %arg4[%get3A_843, %get3A_844, %get3A_845] : memref<8x16x256xf32, #tpu.memory_space<vmem>>, vector<1x14x256xf32>
    %get3A_847 = vector.shape_cast %get3A_846 : vector<1x14x256xf32> to vector<14x256xf32>
    %mul3A_848 = arith.mulf %select_n3A_461, %add3A_817 : vector<14x256xf32>
    %add3A_849 = arith.addf %get3A_847, %mul3A_848 : vector<14x256xf32>
    %swap3A_850 = arith.constant 0 : index
    %swap3A_851 = arith.constant 0 : index
    %swap3A_852 = arith.constant 0 : index
    %swap3A_853 = vector.load %arg4[%swap3A_850, %swap3A_851, %swap3A_852] : memref<8x16x256xf32, #tpu.memory_space<vmem>>, vector<1x14x256xf32>
    %swap3A_854 = vector.shape_cast %swap3A_853 : vector<1x14x256xf32> to vector<14x256xf32>
    %swap3A_855 = vector.shape_cast %add3A_849 : vector<14x256xf32> to vector<1x14x256xf32>
    tpu.vector_store %arg4[%swap3A_850, %swap3A_851, %swap3A_852], %swap3A_855 {strides = array<i32>} : memref<8x16x256xf32, #tpu.memory_space<vmem>>, vector<1x14x256xf32>,
    %get3A_856 = arith.constant 1 : index
    %get3A_857 = arith.constant 0 : index
    %get3A_858 = arith.constant 0 : index
    %get3A_859 = vector.load %arg4[%get3A_856, %get3A_857, %get3A_858] : memref<8x16x256xf32, #tpu.memory_space<vmem>>, vector<1x14x256xf32>
    %get3A_860 = vector.shape_cast %get3A_859 : vector<1x14x256xf32> to vector<14x256xf32>
    %mul3A_861 = arith.mulf %select_n3A_461, %add3A_838 : vector<14x256xf32>
    %add3A_862 = arith.addf %get3A_860, %mul3A_861 : vector<14x256xf32>
    %swap3A_863 = arith.constant 1 : index
    %swap3A_864 = arith.constant 0 : index
    %swap3A_865 = arith.constant 0 : index
    %swap3A_866 = vector.load %arg4[%swap3A_863, %swap3A_864, %swap3A_865] : memref<8x16x256xf32, #tpu.memory_space<vmem>>, vector<1x14x256xf32>
    %swap3A_867 = vector.shape_cast %swap3A_866 : vector<1x14x256xf32> to vector<14x256xf32>
    %swap3A_868 = vector.shape_cast %add3A_862 : vector<14x256xf32> to vector<1x14x256xf32>
    tpu.vector_store %arg4[%swap3A_863, %swap3A_864, %swap3A_865], %swap3A_868 {strides = array<i32>} : memref<8x16x256xf32, #tpu.memory_space<vmem>>, vector<1x14x256xf32>,
    %get3A_869 = arith.constant 2 : index
    %get3A_870 = arith.constant 0 : index
    %get3A_871 = arith.constant 0 : index
    %get3A_872 = vector.load %arg4[%get3A_869, %get3A_870, %get3A_871] : memref<8x16x256xf32, #tpu.memory_space<vmem>>, vector<1x14x256xf32>
    %get3A_873 = vector.shape_cast %get3A_872 : vector<1x14x256xf32> to vector<14x256xf32>
    %mul3A_874 = arith.mulf %select_n3A_461, %integer_pow3A_842 : vector<14x256xf32>
    %add3A_875 = arith.addf %get3A_873, %mul3A_874 : vector<14x256xf32>
    %swap3A_876 = arith.constant 2 : index
    %swap3A_877 = arith.constant 0 : index
    %swap3A_878 = arith.constant 0 : index
    %swap3A_879 = vector.load %arg4[%swap3A_876, %swap3A_877, %swap3A_878] : memref<8x16x256xf32, #tpu.memory_space<vmem>>, vector<1x14x256xf32>
    %swap3A_880 = vector.shape_cast %swap3A_879 : vector<1x14x256xf32> to vector<14x256xf32>
    %swap3A_881 = vector.shape_cast %add3A_875 : vector<14x256xf32> to vector<1x14x256xf32>
    tpu.vector_store %arg4[%swap3A_876, %swap3A_877, %swap3A_878], %swap3A_881 {strides = array<i32>} : memref<8x16x256xf32, #tpu.memory_space<vmem>>, vector<1x14x256xf32>,
    %get3A_882 = arith.constant 3 : index
    %get3A_883 = arith.constant 0 : index
    %get3A_884 = arith.constant 0 : index
    %get3A_885 = vector.load %arg4[%get3A_882, %get3A_883, %get3A_884] : memref<8x16x256xf32, #tpu.memory_space<vmem>>, vector<1x14x256xf32>
    %get3A_886 = vector.shape_cast %get3A_885 : vector<1x14x256xf32> to vector<14x256xf32>
    %sub3A_887 = arith.constant 1.000000e+00 : f32
    %sub3A_888 = vector.broadcast %sub3A_887 : f32 to vector<14x256xf32>
    %sub3A_889 = arith.subf %sub3A_888, %select_n3A_461 : vector<14x256xf32>
    %mul3A_890 = arith.mulf %sub3A_889, %add3A_812 : vector<14x256xf32>
    %add3A_891 = arith.addf %get3A_886, %mul3A_890 : vector<14x256xf32>
    %swap3A_892 = arith.constant 3 : index
    %swap3A_893 = arith.constant 0 : index
    %swap3A_894 = arith.constant 0 : index
    %swap3A_895 = vector.load %arg4[%swap3A_892, %swap3A_893, %swap3A_894] : memref<8x16x256xf32, #tpu.memory_space<vmem>>, vector<1x14x256xf32>
    %swap3A_896 = vector.shape_cast %swap3A_895 : vector<1x14x256xf32> to vector<14x256xf32>
    %swap3A_897 = vector.shape_cast %add3A_891 : vector<14x256xf32> to vector<1x14x256xf32>
    tpu.vector_store %arg4[%swap3A_892, %swap3A_893, %swap3A_894], %swap3A_897 {strides = array<i32>} : memref<8x16x256xf32, #tpu.memory_space<vmem>>, vector<1x14x256xf32>,
    %get3A_898 = arith.constant 4 : index
    %get3A_899 = arith.constant 0 : index
    %get3A_900 = arith.constant 0 : index
    %get3A_901 = vector.load %arg4[%get3A_898, %get3A_899, %get3A_900] : memref<8x16x256xf32, #tpu.memory_space<vmem>>, vector<1x14x256xf32>
    %get3A_902 = vector.shape_cast %get3A_901 : vector<1x14x256xf32> to vector<14x256xf32>
    %mul3A_903 = arith.mulf %select_n3A_461, %select_n3A_807 : vector<14x256xf32>
    %add3A_904 = arith.addf %get3A_902, %mul3A_903 : vector<14x256xf32>
    %swap3A_905 = arith.constant 4 : index
    %swap3A_906 = arith.constant 0 : index
    %swap3A_907 = arith.constant 0 : index
    %swap3A_908 = vector.load %arg4[%swap3A_905, %swap3A_906, %swap3A_907] : memref<8x16x256xf32, #tpu.memory_space<vmem>>, vector<1x14x256xf32>
    %swap3A_909 = vector.shape_cast %swap3A_908 : vector<1x14x256xf32> to vector<14x256xf32>
    %swap3A_910 = vector.shape_cast %add3A_904 : vector<14x256xf32> to vector<1x14x256xf32>
    tpu.vector_store %arg4[%swap3A_905, %swap3A_906, %swap3A_907], %swap3A_910 {strides = array<i32>} : memref<8x16x256xf32, #tpu.memory_space<vmem>>, vector<1x14x256xf32>,
    %eq3A_911 = arith.constant 6 : i32
    %eq3A_912 = arith.cmpi eq, %arg0, %eq3A_911 : i32
    %convert_element_type3A_913 = arith.extui %eq3A_912 : i1 to i32
    %cond3A_914 = arith.constant 0 : i32
    %cond3A_915 = arith.cmpi ne, %convert_element_type3A_913, %cond3A_914 : i32
    scf.if %cond3A_915 {
      %get3A_916 = arith.constant 0 : index
      %get3A_917 = arith.constant 0 : index
      %get3A_918 = arith.constant 0 : index
      %get3A_919 = vector.load %arg4[%get3A_916, %get3A_917, %get3A_918] : memref<8x16x256xf32, #tpu.memory_space<vmem>>, vector<1x16x256xf32>
      %get3A_920 = vector.shape_cast %get3A_919 : vector<1x16x256xf32> to vector<16x256xf32>
      %reduce_sum3A_921 = vector.shape_cast %get3A_920 : vector<16x256xf32> to vector<1x16x256xf32>
      %reduce_sum3A_922 = arith.constant dense<0.000000e+00> : vector<1xf32>
      %reduce_sum3A_923 = vector.multi_reduction <add>, %reduce_sum3A_921, %reduce_sum3A_922 [1, 2] : vector<1x16x256xf32> to vector<1xf32>
      %reduce_sum3A_924 = vector.shape_cast %reduce_sum3A_923 : vector<1xf32> to vector<1x1x1xf32>
      %reduce_sum3A_925 = vector.extract %reduce_sum3A_924[0, 0, 0] : f32 from vector<1x1x1xf32>
      %mul3A_926 = arith.constant 0.01953125 : f32
      %mul3A_927 = arith.mulf %reduce_sum3A_925, %mul3A_926 : f32
      %get3A_928 = arith.constant 1 : index
      %get3A_929 = arith.constant 0 : index
      %get3A_930 = arith.constant 0 : index
      %get3A_931 = vector.load %arg4[%get3A_928, %get3A_929, %get3A_930] : memref<8x16x256xf32, #tpu.memory_space<vmem>>, vector<1x16x256xf32>
      %get3A_932 = vector.shape_cast %get3A_931 : vector<1x16x256xf32> to vector<16x256xf32>
      %reduce_sum3A_933 = vector.shape_cast %get3A_932 : vector<16x256xf32> to vector<1x16x256xf32>
      %reduce_sum3A_934 = arith.constant dense<0.000000e+00> : vector<1xf32>
      %reduce_sum3A_935 = vector.multi_reduction <add>, %reduce_sum3A_933, %reduce_sum3A_934 [1, 2] : vector<1x16x256xf32> to vector<1xf32>
      %reduce_sum3A_936 = vector.shape_cast %reduce_sum3A_935 : vector<1xf32> to vector<1x1x1xf32>
      %reduce_sum3A_937 = vector.extract %reduce_sum3A_936[0, 0, 0] : f32 from vector<1x1x1xf32>
      %mul3A_938 = arith.constant 0.01953125 : f32
      %mul3A_939 = arith.mulf %reduce_sum3A_937, %mul3A_938 : f32
      %get3A_940 = arith.constant 2 : index
      %get3A_941 = arith.constant 0 : index
      %get3A_942 = arith.constant 0 : index
      %get3A_943 = vector.load %arg4[%get3A_940, %get3A_941, %get3A_942] : memref<8x16x256xf32, #tpu.memory_space<vmem>>, vector<1x16x256xf32>
      %get3A_944 = vector.shape_cast %get3A_943 : vector<1x16x256xf32> to vector<16x256xf32>
      %reduce_sum3A_945 = vector.shape_cast %get3A_944 : vector<16x256xf32> to vector<1x16x256xf32>
      %reduce_sum3A_946 = arith.constant dense<0.000000e+00> : vector<1xf32>
      %reduce_sum3A_947 = vector.multi_reduction <add>, %reduce_sum3A_945, %reduce_sum3A_946 [1, 2] : vector<1x16x256xf32> to vector<1xf32>
      %reduce_sum3A_948 = vector.shape_cast %reduce_sum3A_947 : vector<1xf32> to vector<1x1x1xf32>
      %reduce_sum3A_949 = vector.extract %reduce_sum3A_948[0, 0, 0] : f32 from vector<1x1x1xf32>
      %mul3A_950 = arith.constant 3.906250e-03 : f32
      %mul3A_951 = arith.mulf %reduce_sum3A_949, %mul3A_950 : f32
      %get3A_952 = arith.constant 3 : index
      %get3A_953 = arith.constant 0 : index
      %get3A_954 = arith.constant 0 : index
      %get3A_955 = vector.load %arg4[%get3A_952, %get3A_953, %get3A_954] : memref<8x16x256xf32, #tpu.memory_space<vmem>>, vector<1x16x256xf32>
      %get3A_956 = vector.shape_cast %get3A_955 : vector<1x16x256xf32> to vector<16x256xf32>
      %reduce_sum3A_957 = vector.shape_cast %get3A_956 : vector<16x256xf32> to vector<1x16x256xf32>
      %reduce_sum3A_958 = arith.constant dense<0.000000e+00> : vector<1xf32>
      %reduce_sum3A_959 = vector.multi_reduction <add>, %reduce_sum3A_957, %reduce_sum3A_958 [1, 2] : vector<1x16x256xf32> to vector<1xf32>
      %reduce_sum3A_960 = vector.shape_cast %reduce_sum3A_959 : vector<1xf32> to vector<1x1x1xf32>
      %reduce_sum3A_961 = vector.extract %reduce_sum3A_960[0, 0, 0] : f32 from vector<1x1x1xf32>
      %mul3A_962 = arith.constant 0.001953125 : f32
      %mul3A_963 = arith.mulf %reduce_sum3A_961, %mul3A_962 : f32
      %get3A_964 = arith.constant 4 : index
      %get3A_965 = arith.constant 0 : index
      %get3A_966 = arith.constant 0 : index
      %get3A_967 = vector.load %arg4[%get3A_964, %get3A_965, %get3A_966] : memref<8x16x256xf32, #tpu.memory_space<vmem>>, vector<1x16x256xf32>
      %get3A_968 = vector.shape_cast %get3A_967 : vector<1x16x256xf32> to vector<16x256xf32>
      %reduce_sum3A_969 = vector.shape_cast %get3A_968 : vector<16x256xf32> to vector<1x16x256xf32>
      %reduce_sum3A_970 = arith.constant dense<0.000000e+00> : vector<1xf32>
      %reduce_sum3A_971 = vector.multi_reduction <add>, %reduce_sum3A_969, %reduce_sum3A_970 [1, 2] : vector<1x16x256xf32> to vector<1xf32>
      %reduce_sum3A_972 = vector.shape_cast %reduce_sum3A_971 : vector<1xf32> to vector<1x1x1xf32>
      %reduce_sum3A_973 = vector.extract %reduce_sum3A_972[0, 0, 0] : f32 from vector<1x1x1xf32>
      %mul3A_974 = arith.constant 3.906250e-03 : f32
      %mul3A_975 = arith.mulf %reduce_sum3A_973, %mul3A_974 : f32
      %add3A_976 = arith.addf %mul3A_927, %mul3A_939 : f32
      %add3A_977 = arith.addf %add3A_976, %mul3A_951 : f32
      %add3A_978 = arith.addf %add3A_977, %mul3A_963 : f32
      %add3A_979 = arith.addf %add3A_978, %mul3A_975 : f32
      %iota3A_980 = tpu.iota {dimensions = array<i32: 0>} : vector<8x128xi32>
      %eq3A_981 = arith.constant 0 : i32
      %eq3A_982 = vector.broadcast %eq3A_981 : i32 to vector<8x128xi32>
      %eq3A_983 = arith.cmpi eq, %iota3A_980, %eq3A_982 : vector<8x128xi32>
      %eq3A_984 = arith.constant 1 : i32
      %eq3A_985 = vector.broadcast %eq3A_984 : i32 to vector<8x128xi32>
      %eq3A_986 = arith.cmpi eq, %iota3A_980, %eq3A_985 : vector<8x128xi32>
      %eq3A_987 = arith.constant 2 : i32
      %eq3A_988 = vector.broadcast %eq3A_987 : i32 to vector<8x128xi32>
      %eq3A_989 = arith.cmpi eq, %iota3A_980, %eq3A_988 : vector<8x128xi32>
      %eq3A_990 = arith.constant 3 : i32
      %eq3A_991 = vector.broadcast %eq3A_990 : i32 to vector<8x128xi32>
      %eq3A_992 = arith.cmpi eq, %iota3A_980, %eq3A_991 : vector<8x128xi32>
      %eq3A_993 = arith.constant 4 : i32
      %eq3A_994 = vector.broadcast %eq3A_993 : i32 to vector<8x128xi32>
      %eq3A_995 = arith.cmpi eq, %iota3A_980, %eq3A_994 : vector<8x128xi32>
      %broadcast_in_dim3A_996 = vector.broadcast %mul3A_975 : f32 to vector<8x128xf32>
      %broadcast_in_dim3A_997 = vector.broadcast %add3A_979 : f32 to vector<8x128xf32>
      %select_n3A_998 = arith.select %eq3A_995, %broadcast_in_dim3A_996, %broadcast_in_dim3A_997 : vector<8x128xi1>, vector<8x128xf32>
      %broadcast_in_dim3A_999 = vector.broadcast %mul3A_963 : f32 to vector<8x128xf32>
      %select_n3A_1000 = arith.select %eq3A_992, %broadcast_in_dim3A_999, %select_n3A_998 : vector<8x128xi1>, vector<8x128xf32>
      %broadcast_in_dim3A_1001 = vector.broadcast %mul3A_951 : f32 to vector<8x128xf32>
      %select_n3A_1002 = arith.select %eq3A_989, %broadcast_in_dim3A_1001, %select_n3A_1000 : vector<8x128xi1>, vector<8x128xf32>
      %broadcast_in_dim3A_1003 = vector.broadcast %mul3A_939 : f32 to vector<8x128xf32>
      %select_n3A_1004 = arith.select %eq3A_986, %broadcast_in_dim3A_1003, %select_n3A_1002 : vector<8x128xi1>, vector<8x128xf32>
      %broadcast_in_dim3A_1005 = vector.broadcast %mul3A_927 : f32 to vector<8x128xf32>
      %select_n3A_1006 = arith.select %eq3A_983, %broadcast_in_dim3A_1005, %select_n3A_1004 : vector<8x128xi1>, vector<8x128xf32>
      %swap3A_1007 = arith.constant 0 : index
      %swap3A_1008 = arith.constant 0 : index
      %swap3A_1009 = vector.load %arg3[%swap3A_1007, %swap3A_1008] : memref<8x128xf32, #tpu.memory_space<vmem>>, vector<8x128xf32>
      tpu.vector_store %arg3[%swap3A_1007, %swap3A_1008], %select_n3A_1006 {strides = array<i32>} : memref<8x128xf32, #tpu.memory_space<vmem>>, vector<8x128xf32>,
    } else {
    }
    return
  }
  func.func @transform_0(%arg0: i32) -> (i32, i32, i32, i32, i32) {
    %c0_i32 = arith.constant 0 : i32
    %c0_i32_0 = arith.constant 0 : i32
    %c0_i32_1 = arith.constant 0 : i32
    %c0_i32_2 = arith.constant 0 : i32
    %c0_i32_3 = arith.constant 0 : i32
    return %arg0, %c0_i32, %c0_i32_0, %c0_i32_1, %c0_i32_2 : i32, i32, i32, i32, i32
  }
  func.func @transform_1(%arg0: i32) -> (i32, i32, i32, i32) {
    %c0_i32 = arith.constant 0 : i32
    %c0_i32_0 = arith.constant 0 : i32
    %c0_i32_1 = arith.constant 0 : i32
    %c0_i32_2 = arith.constant 0 : i32
    return %c0_i32, %arg0, %c0_i32_0, %c0_i32_1 : i32, i32, i32, i32
  }
  func.func @transform_2(%arg0: i32) -> (i32, i32) {
    %c0_i32 = arith.constant 0 : i32
    %c0_i32_0 = arith.constant 0 : i32
    %c0_i32_1 = arith.constant 0 : i32
    return %c0_i32, %c0_i32_0 : i32, i32
  }
}

</mosaic_0001>

<sc_bundles>
// kernel: kernel.4.cloned.1.call-start
scs
__scs_entry_jumppad:
0x0: {  	(pc) =	sbr.rel $0x88, $3  }
0x1: {  	(tag) =	ssettag $0x0;
	lr =	simm.s32 $0x1  }
0x2: {  	[smem:$0x3F9E] =	sst lr;
	_ =	strace $0xD0000000  }
0x3: {  	_ = 	snop  }
0x4: {  	_ = 	snop  }
0x5: {  	_ = 	snop  }
0x6: {  	_ = 	snop  }
0x7: {  	_ = 	snop  }
__scs_overlays_trampoline_lowered:
0x8: {  	[smem:$0x3FAD] =	sst s0  }
0x9: {  	[smem:$0x3FAE] =	sst s1  }
0xa: {  	[smem:$0x3FAF] =	sst s2  }
0xb: {  	[smem:$0x3FB0] =	sst s3  }
0xc: {  	[smem:$0x3FB1] =	sst s4  }
0xd: {  	[smem:$0x3FB2] =	sst s5  }
0xe: {  	[smem:$0x3FB3] =	sst s6  }
0xf: {  	[smem:$0x3FB4] =	sst s7  }
0x10: {  	[smem:$0x3FB5] =	sst s8  }
0x11: {  	[smem:$0x3FB6] =	sst s9;
	s0 =	simm.s32 @!p0 $0x0  }
0x12: {  	s1 =	sld [smem:$0x3F9C];
	s0 =	simm.s32 @p0 $0x1  }
0x13: {  	[smem:$0x3FB7] =	sst s0;
	s0 =	simm.s32 @!p1 $0x0  }
0x14: {  	s2 =	sld [smem:$0x3F9B];
	s0 =	simm.s32 @p1 $0x1  }
0x15: {  	[smem:$0x3FB8] =	sst s0;
	s0 =	simm.s32 @!p2 $0x0  }
0x16: {  	s3 =	sld [smem:$0x3FDB];
	s0 =	simm.s32 @p2 $0x1  }
0x17: {  	s4 =	simm.s32 $0x1BF5;
	[smem:$0x3FBA] =	sst s0  }
0x18: {  	s0 =	sld [smem:$0x3F9D];
	_ =	swait.ge [sflag:s4], $0x0  }
0x19: {  	s7 =	sld [smem:$0x3F9E]  }
0x1a: {  	s8 =	sadd.s32 $0xFFFFE003, lr  }
0x1b: {  	s9 =	sadd.s32 $0xFFFFFEF7, lr;
	s5 =	simm.s32 $0xFFFFFFFF;
	p2 =	slt.u32 s8, $0xFFFFF086  }
0x1c: {  	p1 =	slt.u32 s9, $0xF7A;
	s5 =	simm.s32 @!p2 $0x0  }
0x1d: {  	s5 =	simm.s32 @p1 $0x1;
	p0 =	seq.s32 s7, s2  }
0x1e: {  	s7 =	smul.u32 @!p0 $0xF7A, s2;
	p2 =	seq.s32 @!p0 s5, $0x0  }
0x1f: {  	s9 =	smul.u32 $0xF7A, s1;
	s8 =	simm.s32 @!p0 $0x1BF5;
	p2 =	por !p2, p0  }
0x20: {  	[sflag:s8] =	ssyncset.s32 @!p0 $0xFFFFF086;
	s6 =	sadd.s32 @!p0 s3, s7;
	s7 =	simm.s32 @!p0 $0x108  }
0x21: {  	s3 =	sadd.s32 s3, s9;
	s6 =	sadd.s32 @!p0 $0x88, s6;
	s7 =	simm.s32 @p2 $0x1082  }
0x22: {  	[simem:s7], [sflag:s8] =	dma.local @!p0 [hbm:s6], $0xF7A  }
0x23: {  	s9 =	sor.u32 $0xD0000000, s2;
	s6 =	simm.s32 $0x108;
	_ =	swait.ge @!p0 [sflag:s8], $0x0  }
0x24: {  	s3 =	sadd.s32 $0x88, s3;
	s6 =	simm.s32 @!p1 $0x1082;
	[sflag:s4] =	ssyncset.s32 $0xFFFFF086  }
0x25: {  	[simem:s6], [sflag:s4] =	dma.local [hbm:s3], $0xF7A  }
0x26: {  	[smem:$0x3F9E] =	sst s1;
	(tag) =	ssettag s2;
	_ =	strace s9  }
0x27: {  	s1 =	sld [smem:$0x3FAE]  }
0x28: {  	s2 =	sld [smem:$0x3FAF]  }
0x29: {  	s4 =	sld [smem:$0x3FB1]  }
0x2a: {  	p0 =	seq.s32 s5, $0x0;
	s5 =	sld [smem:$0x3FB2]  }
0x2b: {  	s6 =	sld [smem:$0x3FB3]  }
0x2c: {  	s7 =	sld [smem:$0x3FB4]  }
0x2d: {  	s3 =	simm.s32 $0x108;
	s8 =	sld [smem:$0x3FB5]  }
0x2e: {  	s3 =	simm.s32 @!p0 $0x1082;
	s9 =	sld [smem:$0x3FB6]  }
0x2f: {  	lr =	sadd.s32 s0, s3;
	s0 =	sld [smem:$0x3FAD]  }
0x30: {  	s3 =	sld [smem:$0x3FB0]  }
0x31: {  	[smem:$0x3FB9] =	sst s10  }
0x32: {  	s10 =	sld [smem:$0x3FB7];
	_ =	sdelay $0x3  }
0x33: {  	p0 =	seq.s32 s10, $0x1;
	s10 =	sld [smem:$0x3FB9];
	_ =	sdelay $0x3  }
0x34: {  	[smem:$0x3FB9] =	sst s10  }
0x35: {  	s10 =	sld [smem:$0x3FB8];
	_ =	sdelay $0x3  }
0x36: {  	p1 =	seq.s32 s10, $0x1;
	s10 =	sld [smem:$0x3FB9];
	_ =	sdelay $0x3  }
0x37: {  	[smem:$0x3FB9] =	sst s10  }
0x38: {  	s10 =	sld [smem:$0x3FBA]  }
0x39: {  	_ = 	snop;
	(pc) =	sbr.ind lr, $3  }
0x3a: {  	_ = 	snop  }
0x3b: {  	_ = 	snop  }
0x3c: {  	p2 =	seq.s32 s10, $0x1;
	s10 =	sld [smem:$0x3FB9]  }
0x3d: {  	_ =	shalt  }
0x3e: {  	_ =	shalt  }
0x3f: {  	_ =	shalt  }
0x40: {  	_ =	shalt  }
0x41: {  	_ =	shalt  }
0x42: {  	_ =	shalt  }
0x43: {  	_ =	shalt  }
0x44: {  	_ =	shalt  }
0x45: {  	_ =	shalt  }
0x46: {  	_ =	shalt  }
0x47: {  	_ =	shalt  }
0x48: {  	_ =	shalt  }
0x49: {  	_ =	shalt  }
0x4a: {  	_ =	shalt  }
0x4b: {  	_ =	shalt  }
0x4c: {  	_ =	shalt  }
0x4d: {  	_ =	shalt  }
0x4e: {  	_ =	shalt  }
0x4f: {  	_ =	shalt  }
0x50: {  	_ =	shalt  }
0x51: {  	_ =	shalt  }
0x52: {  	_ =	shalt  }
0x53: {  	_ =	shalt  }
0x54: {  	_ =	shalt  }
0x55: {  	_ =	shalt  }
0x56: {  	_ =	shalt  }
0x57: {  	_ =	shalt  }
0x58: {  	_ =	shalt  }
0x59: {  	_ =	shalt  }
0x5a: {  	_ =	shalt  }
0x5b: {  	_ =	shalt  }
0x5c: {  	_ =	shalt  }
0x5d: {  	_ =	shalt  }
0x5e: {  	_ =	shalt  }
0x5f: {  	_ =	shalt  }
0x60: {  	_ =	shalt  }
0x61: {  	_ =	shalt  }
0x62: {  	_ =	shalt  }
0x63: {  	_ =	shalt  }
0x64: {  	_ =	shalt  }
0x65: {  	_ =	shalt  }
0x66: {  	_ =	shalt  }
0x67: {  	_ =	shalt  }
0x68: {  	_ =	shalt  }
0x69: {  	_ =	shalt  }
0x6a: {  	_ =	shalt  }
0x6b: {  	_ =	shalt  }
0x6c: {  	_ =	shalt  }
0x6d: {  	_ =	shalt  }
0x6e: {  	_ =	shalt  }
0x6f: {  	_ =	shalt  }
0x70: {  	_ =	shalt  }
0x71: {  	_ =	shalt  }
0x72: {  	_ =	shalt  }
0x73: {  	_ =	shalt  }
0x74: {  	_ =	shalt  }
0x75: {  	_ =	shalt  }
0x76: {  	_ =	shalt  }
0x77: {  	_ =	shalt  }
0x78: {  	_ =	shalt  }
0x79: {  	_ =	shalt  }
0x7a: {  	_ =	shalt  }
0x7b: {  	_ =	shalt  }
0x7c: {  	_ =	shalt  }
0x7d: {  	_ =	shalt  }
0x7e: {  	_ =	shalt  }
0x7f: {  	_ =	shalt  }
0x80: {  	_ =	shalt  }
0x81: {  	_ =	shalt  }
0x82: {  	_ =	shalt  }
0x83: {  	_ =	shalt  }
0x84: {  	_ =	shalt  }
0x85: {  	_ =	shalt  }
0x86: {  	_ =	shalt  }
0x87: {  	_ =	shalt  }
.Lfunc_end0:
.L_simem_size_0:
called_computation_lowered:
.L_overlay_start_0:
0x88: {  	s2 =	sld [smem:$0x3FD9]  }
0x89: {  	s3 =	sld [smem:$0x3FFE];
	_ =	sdelay $0x1  }
0x8a: {  	s1 =	srdreg.scid  }
0x8b: {  	s0 =	sand.u32 $0x1, s1  }
0x8c: {  	s17 =	sshll.u32 s0, $0xA;
	s2 =	sadd.s32 s3, s2  }
0x8d: {  	s2 =	sadd.s32 s2, s17  }
0x8e: {  	[smem:$0x3FC5] =	sst s2  }
0x8f: {  	_ = 	snop  }
0x90: {  	s2 =	sld [smem:$0x3FC7];
	(tm) =	ssettm $0x1  }
0x91: {  	s18 =	sld [smem:$0x3FFB];
	_ =	sdelay $0x3  }
0x92: {  	_ =	strace s18  }
0x93: {  	s3 =	sld [smem:$0x3FFC];
	_ =	sdelay $0x3  }
0x94: {  	_ =	strace s3  }
0x95: {  	s3 =	sld [smem:$0x3FFD];
	_ =	sdelay $0x3  }
0x96: {  	_ =	strace s3  }
0x97: {  	_ =	strace $0x8FFFFFFF  }
0x98: {  	s19 =	sld [smem:$0x3FDB];
	_ =	sdelay $0x1  }
0x99: {  	s4 =	simm.s32 $_scs_section_size  }
0x9a: {  	s5 =	simm.s32 $_size__tile_overlayer_lowered;
	s6 =	simm.s32 $_tile_overlayer_lowered  }
0x9b: {  	s22 =	simm.s32 $0x1BFF;
	s21 =	sshll.u32 s6, $0x1;
	s3 =	sadd.s32 s4, s19  }
0x9c: {  	s7 =	simm.s32 $0x0;
	s20 =	sshll.u32 s5, $0x1;
	s5 =	sadd.s32 s21, s3  }
0x9d: {  	[timem:s7], [sflag:s22] =	dma.local [hbm:s5], s20  }
0x9e: {  	_ =	swait.ge [sflag:s22], s20  }
0x9f: {  	s4 =	ssub.s32 $0x0, s20;
	[sflag:s22] =	ssyncset.done $0x0  }
0xa0: {  	[sflag:s22] =	ssyncadd.s32 s4;
	_ =	sdelay $0x1  }
0xa1: {  	s23 =	simm.s32 $0x1B8B  }
0xa2: {  	_ =	swait.ge [sflag:s23], $0x1  }
0xa3: {  	[sflag:s23] =	ssyncset.done $0x0  }
0xa4: {  	s25 =	simm.s32 $0x1B8E;
	s24 =	sld [smem:$0x3FFE];
	[sflag:s23] =	ssyncadd.s32 $0xFFFFFFFF  }
0xa5: {  	s26 =	simm.s32 $execute0_lowered;
	[smem:$0x3FD2] =	sst s25  }
0xa6: {  	s5 =	sshll.u32 s26, $0x1;
	_ =	strace $0x80000046;
	[dreg:$0x1] =	wrdreg $0xFFFFFFFF  }
0xa7: {  	s28 =	simm.s32 $_size_execute0_lowered;
	s3 =	sadd.s32 s3, s5;
	[dreg:$0x0] =	wrdreg $0x0  }
0xa8: {  	s5 =	sshll.u32 s28, $0x1;
	[dreg:$0x2] =	wrdreg s3  }
0xa9: {  	[dreg:$0x3] =	wrdreg s5  }
0xaa: {  	[dreg:$0x4] =	wrdreg $0xC0  }
0xab: {  	_ =	task [dreg:s7], $0x5FFFF  }
0xac: {  	[dreg:$0x1] =	wrdreg $0xFFFFFFFF  }
0xad: {  	[dreg:$0x0] =	wrdreg $0x60  }
0xae: {  	[dreg:$0x2] =	wrdreg s24  }
0xaf: {  	[dreg:$0x3] =	wrdreg s2  }
0xb0: {  	[dreg:$0x4] =	wrdreg $0x9  }
0xb1: {  	_ =	task.clear_ibuf [dreg:s7], $0x5FFFF;
	_ =	strace $0x90000046  }
0xb2: {  	s29 =	simm.s32 $0x9;
	_ =	strace $0x80000048  }
0xb3: {  	_ =	swait.ge [sflag:s29], $0x1  }
0xb4: {  	[sflag:s29] =	ssyncadd.s32 $0xFFFFFFFF  }
0xb5: {  	_ =	strace $0x90000048  }
0xb6: {  	_ =	sfence  }
0xb7: {  	s30 =	sld [smem:$0x0];
	_ =	sdelay $0x2  }
0xb8: {  	s31 =	sshll.u32 s1, $0xD;
	s1 =	sshrl.u32 s1, $0x2  }
0xb9: {  	s3 =	sand.u32 $0x4000, s31;
	s1 =	sadd.s32 s1, s30  }
0xba: {  	s0 =	sor.u32 s3, s0;
	s1 =	sshll.u32 s1, $0x11  }
0xbb: {  	s0 =	sor.u32 s1, s0  }
0xbc: {  	s0 =	sadd.s32 $0x8F2B, s0  }
0xbd: {  	[sflag:s0] =	ssyncadd.remote.s32 $0x1  }
0xbe: {  	_ =	sfence.sel $0xFFFF  }
0xbf: {  	[dreg:$0x0] =	wrdreg $0xFFFFFFFF;
	(pc) =	sbr.abs _section_cstart, $3  }
0xc0: {  	[dreg:$0x1] =	wrdreg $0xFFFFFFFF  }
0xc1: {  	_ =	task.clear_ibuf [dreg:s7], $0x2FFFF;
	_ =	strace $0x9FFFFFFF  }
0xc2: {  	(tm) =	ssettm $0x7FFFFFFF  }
0xc3: {  	_ =	shalt  }
tec
execute0_lowered:
.L_overlay_start_1:
0x0: {  	(tag) =	ssettag $0x1  }
0x1: {  	s1 =	stileid.u32  }
0x2: {  	p0 =	sgt.u32 s1, $0x5  }
.Ltmp0:
0x3: {  	_ = 	snop;
	(pc) =	sbr.rel @p0 .LBB2_7-.Ltmp0, $4  }
0x4: {  	s14 =	rddreg [dreg:$0x0]  }
0x5: {  	s13 =	rddreg [dreg:$0x1];
	s2 =	simm.s32 $0x0  }
0x6: {  	[smem:$0x7FF] =	sst s2  }
0x7: {  	s0 =	rddreg [dreg:$0x2];
	_ =	strace $0x80000047  }
0x8: {  	s3 =	srdreg.scid;
	s7 =	sadd.s32 $0x1000, s14  }
0x9: {  	s4 =	sshll.u32 s1, $0x5;
	p0 =	seq.s32 s1, $0x5;
	s19 =	simm.s32 $0x24  }
0xa: {  	s5 =	sshll.u32 s1, $0xD;
	s20 =	simm.s32 $0x2;
	s21 =	simm.s32 $0x5000  }
0xb: {  	s9 =	sand.u32 $0x1, s3;
	s16 =	ssub.s32 $0x0, s4;
	s19 =	simm.s32 @!p0 $0x20  }
0xc: {  	s3 =	sshll.u32 s9, $0xA;
	s15 =	sshll.u32 s9, $0x7;
	s17 =	ssub.s32 $0x2, s9  }
0xd: {  	v0 =	vmov s16;
	s16 =	simm.s32 $0x400;
	v1 =	vmov s19;
	s19 =	simm.s32 $0x1;
	s6 =	sor.u32 s3, s5  }
0xe: {  	s12 =	sadd.s32 s15, s7;
	s18 =	sshrl.u32 s17, $0x1;
	s13 =	sadd.s32 s13, s15  }
0xf: {  	s14 =	sadd.s32 s14, s15;
	s3 =	sshrl.u32 s6, $0x3;
	s30 =	sadd.s32 $0xE000, s6  }
0x10: {  	s5 =	sadd.s32 $0x1C000, s6;
	s8 =	sadd.s32 $0x2A000, s6;
	s10 =	sadd.s32 $0x38000, s6  }
0x11: {  	s9 =	sadd.s32 $0x3000, s12;
	s11 =	sadd.s32 $0x6800, s12;
	s17 =	ssub.s32 s17, s18  }
0x12: {  	s18 =	simm.s32 $0x4000;
	s3 =	sadd.s32 s7, s3;
	s4 =	sshrl.u32 s30, $0x3  }
0x13: {  	s5 =	sshrl.u32 s5, $0x3;
	s8 =	sshrl.u32 s8, $0x3;
	s31 =	sshrl.u32 s10, $0x3  }
0x14: {  	s10 =	sadd.s32 $0x4C00, s12;
	s15 =	smax.u32 s17, $0x1;
	s17 =	simm.s32 $0x800  }
0x15: {  	s4 =	sadd.s32 s7, s4;
	s5 =	sadd.s32 s7, s5;
	s6 =	sadd.s32 s7, s8  }
0x16: {  	v2 =	vimm.f32 $0.0e+00;
	v3 =	vlaneseq.u32;
	s7 =	sadd.s32 s7, s31;
	s8 =	sadd.s32 $0x1400, s12;
	s12 =	sadd.s32 $0x8400, s12  }
.LBB2_2:
0x17: {  	s22 =	simm.s32 $0x0  }
0x18: {  	[tilespmem:s22], [sflag:$0x1] =	stream.strided.gather [hbm4b:s14+s16], $0x4000, s17, s16, $0x38;
	[tilespmem:$0xB400] =	vst v63  }
0x19: {  	s23 =	simm.s32 $0x200;
	s22 =	simm.s32 $0x0  }
0x1a: {  	[tilespmem:s18], [sflag:$0x2] =	stream.strided.gather [hbm4b:s13+s16], $0x1000, s17, s16, $0x38;
	[tilespmem:$0xB400] =	vst v63  }
.LBB2_3:
0x1b: {  	p1 =	sne.s32 s23, $0x4600;
	[tilespmem:s22+$0xA070] =	vst v2  }
0x1c: {  	[tilespmem:s22+$0xA000] =	vst v2  }
0x1d: {  	[tilespmem:s22+$0xA010] =	vst v2  }
.Ltmp1:
0x1e: {  	[tilespmem:s22+$0xA020] =	vst v2;
	(pc) =	sbr.rel @p1 .LBB2_3-.Ltmp1, $4  }
0x1f: {  	[tilespmem:s22+$0xA030] =	vst v2  }
0x20: {  	[tilespmem:s22+$0xA040] =	vst v2  }
0x21: {  	[tilespmem:s22+$0xA050] =	vst v2  }
0x22: {  	[tilespmem:s22+$0xA060] =	vst v2;
	s22 =	sshra.s32 s23, $0x2;
	s23 =	sadd.s32 $0x200, s23  }
0x23: {  	[tilespmem:s22+$0xA070] =	vst v2  }
0x24: {  	[tilespmem:s22+$0xA000] =	vst v2  }
0x25: {  	[tilespmem:s22+$0xA010] =	vst v2  }
0x26: {  	[tilespmem:s22+$0xA020] =	vst v2  }
0x27: {  	[tilespmem:s22+$0xA030] =	vst v2  }
0x28: {  	[tilespmem:s22+$0xA040] =	vst v2  }
0x29: {  	[tilespmem:s22+$0xA050] =	vst v2  }
0x2a: {  	[tilespmem:s22+$0xA060] =	vst v2  }
0x2b: {  	_ =	swait.ge [sflag:s19], $0x4000  }
0x2c: {  	[sflag:s19] =	ssyncset.done $0x0  }
0x2d: {  	[sflag:s19] =	ssyncadd.s32 $0xFFFFC000  }
0x2e: {  	_ =	swait.ge [sflag:s20], $0x1000  }
0x2f: {  	s22 =	simm.s32 $0x0;
	[sflag:s20] =	ssyncset.done $0x0  }
0x30: {  	s23 =	simm.s32 $0x2000;
	s24 =	simm.s32 $0x4800;
	[sflag:s20] =	ssyncadd.s32 $0xFFFFF000  }
.LBB2_5:
0x31: {  	v5 =	vld [tilespmem:s23+$0xFFFFE000]  }
0x32: {  	v6 =	vld [tilespmem:s23+$0xFFFFE080]  }
0x33: {  	v7 =	vld [tilespmem:s23+$0xFFFFE180]  }
0x34: {  	v8 =	vld [tilespmem:s23+$0xFFFFE100];
	_ =	sdelay $0x3  }
0x35: {  	v4 =	vadd.f32 v7, v6  }
0x36: {  	v9 =	vadd.f32 v8, v5  }
0x37: {  	v4 =	vmul.f32 $5.000000000e-01, v4  }
0x38: {  	v9 =	vmul.f32 $5.000000000e-01, v9  }
0x39: {  	v10 =	vmul.f32 $1.400000000e+01, v4  }
0x3a: {  	v9 =	vmul.f32 $1.400000000e+01, v9  }
0x3b: {  	v4 =	vtrunc.f32 v10  }
0x3c: {  	v11 =	vtrunc.f32 v9;
	v4 =	vcvt.f32.s32 v4  }
0x3d: {  	v11 =	vcvt.f32.s32 v11  }
0x3e: {  	vm0 =	vgt.s32 v4, $0x0  }
0x3f: {  	vm1 =	vgt.s32 v11, $0x0;
	v4 =	vnsel vm0, $0x0, v4  }
0x40: {  	v11 =	vnsel vm1, $0x0, v11;
	v12 =	vmin.u32 v4, $0xD  }
0x41: {  	v11 =	vmin.u32 v11, $0xD;
	v4 =	vmul.u32 $0xE, v12  }
0x42: {  	v13 =	vor.u32 v0, v11  }
0x43: {  	v13 =	vadd.s32 v4, v13  }
0x44: {  	vm6 =	vgt.s32 v13, $0x0  }
0x45: {  	v4 =	vnsel vm6, $0x0, v13  }
0x46: {  	v14 =	vmin.u32 v4, $0x23  }
0x47: {  	v4 =	vor.u32 s22, v3;
	v14 =	vshll.u32 v14, $0x7  }
0x48: {  	v15 =	vadd.s32 v4, v14  }
0x49: {  	v16 =	vadd.s32 $0x5000, v15;
	_ =	sdelay $0x4  }
0x4a: {  	v17 =	vld.idx.msk [tilespmem:v16+s21+$0x0], $0xffff;
	_ =	sdelay $0x3  }
0x4b: {  	vm7 =	vgt.s32 v13, $0xFFFFFFFF;
	vm8 =	vlt.s32 v13, v1  }
0x4c: {  	vm0 =	vmand vm7, vm8;
	vm9 =	veq.f32 v17, $0.0e+00  }
0x4d: {  	vm0 =	vmand vm9, vm0  }
0x4e: {  	v43 =	vld [tilespmem:s24+$0xFFFFF800];
	v14 =	vor.u32 v4, v14  }
0x4f: {  	v11 =	vcvt.s32.f32 v11;
	v44 =	vadd.s32 $0x1400, v15  }
0x50: {  	v12 =	vcvt.s32.f32 v12;
	v18 =	vadd.s32 $0x2800, v15  }
0x51: {  	v9 =	vsub.f32 v9, v11;
	v45 =	vadd.s32 $0x3C00, v15  }
0x52: {  	v10 =	vsub.f32 v10, v12  }
0x53: {  	v5 =	vsub.f32 v8, v5;
	v46 =	vcvt.s32.f32 v43;
	[tilespmem:v14+s21+$0x0] =	vst.idx.msk vm0, v9  }
0x54: {  	v6 =	vsub.f32 v7, v6;
	[tilespmem:v44+s21+$0x0] =	vst.idx.msk vm0, v10  }
0x55: {  	[tilespmem:v18+s21+$0x0] =	vst.idx.msk vm0, v5;
	v5 =	vadd.f32 $1.000000000e+00, v46  }
0x56: {  	[tilespmem:v45+s21+$0x0] =	vst.idx.msk vm0, v6  }
0x57: {  	[tilespmem:v16+s21+$0x0] =	vst.idx.msk vm0, v5  }
0x58: {  	v5 =	vld [tilespmem:s23+$0xFFFFE200]  }
0x59: {  	v6 =	vld [tilespmem:s23+$0xFFFFE280]  }
0x5a: {  	v47 =	vld [tilespmem:s23+$0xFFFFE380]  }
0x5b: {  	v48 =	vld [tilespmem:s23+$0xFFFFE300];
	_ =	sdelay $0x3  }
0x5c: {  	v49 =	vadd.f32 v47, v6  }
0x5d: {  	v50 =	vadd.f32 v48, v5  }
0x5e: {  	v9 =	vmul.f32 $5.000000000e-01, v49  }
0x5f: {  	v10 =	vmul.f32 $5.000000000e-01, v50  }
0x60: {  	v9 =	vmul.f32 $1.400000000e+01, v9  }
0x61: {  	v10 =	vmul.f32 $1.400000000e+01, v10  }
0x62: {  	v51 =	vtrunc.f32 v9  }
0x63: {  	v52 =	vtrunc.f32 v10;
	v11 =	vcvt.f32.s32 v51  }
0x64: {  	v12 =	vcvt.f32.s32 v52  }
0x65: {  	vm10 =	vgt.s32 v11, $0x0  }
0x66: {  	vm11 =	vgt.s32 v12, $0x0;
	v11 =	vnsel vm10, $0x0, v11  }
0x67: {  	v12 =	vnsel vm11, $0x0, v12;
	v11 =	vmin.u32 v11, $0xD  }
0x68: {  	v12 =	vmin.u32 v12, $0xD;
	v53 =	vmul.u32 $0xE, v11  }
0x69: {  	v54 =	vor.u32 v0, v12  }
0x6a: {  	v13 =	vadd.s32 v53, v54  }
0x6b: {  	vm12 =	vgt.s32 v13, $0x0  }
0x6c: {  	v14 =	vnsel vm12, $0x0, v13  }
0x6d: {  	v14 =	vmin.u32 v14, $0x23  }
0x6e: {  	v14 =	vshll.u32 v14, $0x7  }
0x6f: {  	v55 =	vadd.s32 v4, v14  }
0x70: {  	v56 =	vadd.s32 $0x5000, v55;
	_ =	sdelay $0x4  }
0x71: {  	v17 =	vld.idx.msk [tilespmem:v56+s21+$0x0], $0xffff;
	_ =	sdelay $0x3  }
0x72: {  	vm13 =	vgt.s32 v13, $0xFFFFFFFF;
	vm14 =	vlt.s32 v13, v1  }
0x73: {  	vm0 =	vmand vm13, vm14;
	vm15 =	veq.f32 v17, $0.0e+00  }
0x74: {  	vm0 =	vmand vm15, vm0  }
0x75: {  	v57 =	vld [tilespmem:s24+$0xFFFFF880];
	v14 =	vor.u32 v4, v14  }
0x76: {  	v12 =	vcvt.s32.f32 v12;
	v58 =	vadd.s32 $0x1400, v55  }
0x77: {  	v11 =	vcvt.s32.f32 v11;
	v59 =	vadd.s32 $0x2800, v55  }
0x78: {  	v10 =	vsub.f32 v10, v12;
	v60 =	vadd.s32 $0x3C00, v55  }
0x79: {  	v9 =	vsub.f32 v9, v11  }
0x7a: {  	v5 =	vsub.f32 v48, v5;
	v61 =	vcvt.s32.f32 v57;
	[tilespmem:v14+s21+$0x0] =	vst.idx.msk vm0, v10  }
0x7b: {  	v6 =	vsub.f32 v47, v6;
	[tilespmem:v58+s21+$0x0] =	vst.idx.msk vm0, v9  }
0x7c: {  	[tilespmem:v59+s21+$0x0] =	vst.idx.msk vm0, v5;
	v5 =	vadd.f32 $1.000000000e+00, v61  }
0x7d: {  	[tilespmem:v60+s21+$0x0] =	vst.idx.msk vm0, v6  }
0x7e: {  	[tilespmem:v56+s21+$0x0] =	vst.idx.msk vm0, v5  }
0x7f: {  	v5 =	vld [tilespmem:s23+$0xFFFFE400]  }
0x80: {  	v6 =	vld [tilespmem:s23+$0xFFFFE480]  }
0x81: {  	v62 =	vld [tilespmem:s23+$0xFFFFE580]  }
0x82: {  	v63 =	vld [tilespmem:s23+$0xFFFFE500];
	_ =	sdelay $0x3  }
0x83: {  	v19 =	vadd.f32 v62, v6  }
0x84: {  	v20 =	vadd.f32 v63, v5  }
0x85: {  	v9 =	vmul.f32 $5.000000000e-01, v19  }
0x86: {  	v10 =	vmul.f32 $5.000000000e-01, v20  }
0x87: {  	v9 =	vmul.f32 $1.400000000e+01, v9  }
0x88: {  	v10 =	vmul.f32 $1.400000000e+01, v10  }
0x89: {  	v21 =	vtrunc.f32 v9  }
0x8a: {  	v22 =	vtrunc.f32 v10;
	v11 =	vcvt.f32.s32 v21  }
0x8b: {  	v12 =	vcvt.f32.s32 v22  }
0x8c: {  	vm4 =	vgt.s32 v11, $0x0  }
0x8d: {  	vm5 =	vgt.s32 v12, $0x0;
	v11 =	vnsel vm4, $0x0, v11  }
0x8e: {  	v12 =	vnsel vm5, $0x0, v12;
	v11 =	vmin.u32 v11, $0xD  }
0x8f: {  	v12 =	vmin.u32 v12, $0xD;
	v23 =	vmul.u32 $0xE, v11  }
0x90: {  	v24 =	vor.u32 v0, v12  }
0x91: {  	v13 =	vadd.s32 v23, v24  }
0x92: {  	vm6 =	vgt.s32 v13, $0x0  }
0x93: {  	v14 =	vnsel vm6, $0x0, v13  }
0x94: {  	v14 =	vmin.u32 v14, $0x23  }
0x95: {  	v14 =	vshll.u32 v14, $0x7  }
0x96: {  	v25 =	vadd.s32 v4, v14  }
0x97: {  	v26 =	vadd.s32 $0x5000, v25;
	_ =	sdelay $0x4  }
0x98: {  	v17 =	vld.idx.msk [tilespmem:v26+s21+$0x0], $0xffff;
	_ =	sdelay $0x3  }
0x99: {  	vm7 =	vgt.s32 v13, $0xFFFFFFFF;
	vm8 =	vlt.s32 v13, v1  }
0x9a: {  	vm0 =	vmand vm7, vm8;
	vm9 =	veq.f32 v17, $0.0e+00  }
0x9b: {  	vm0 =	vmand vm9, vm0  }
0x9c: {  	v27 =	vld [tilespmem:s24+$0xFFFFF900];
	v14 =	vor.u32 v4, v14  }
0x9d: {  	v12 =	vcvt.s32.f32 v12;
	v28 =	vadd.s32 $0x1400, v25  }
0x9e: {  	v11 =	vcvt.s32.f32 v11;
	v29 =	vadd.s32 $0x2800, v25  }
0x9f: {  	v10 =	vsub.f32 v10, v12;
	v30 =	vadd.s32 $0x3C00, v25  }
0xa0: {  	v9 =	vsub.f32 v9, v11  }
0xa1: {  	v5 =	vsub.f32 v63, v5;
	v31 =	vcvt.s32.f32 v27;
	[tilespmem:v14+s21+$0x0] =	vst.idx.msk vm0, v10  }
0xa2: {  	v6 =	vsub.f32 v62, v6;
	[tilespmem:v28+s21+$0x0] =	vst.idx.msk vm0, v9  }
0xa3: {  	[tilespmem:v29+s21+$0x0] =	vst.idx.msk vm0, v5;
	v5 =	vadd.f32 $1.000000000e+00, v31  }
0xa4: {  	[tilespmem:v30+s21+$0x0] =	vst.idx.msk vm0, v6  }
0xa5: {  	[tilespmem:v26+s21+$0x0] =	vst.idx.msk vm0, v5  }
0xa6: {  	v5 =	vld [tilespmem:s23+$0xFFFFE600]  }
0xa7: {  	v6 =	vld [tilespmem:s23+$0xFFFFE680]  }
0xa8: {  	v32 =	vld [tilespmem:s23+$0xFFFFE780]  }
0xa9: {  	v33 =	vld [tilespmem:s23+$0xFFFFE700];
	_ =	sdelay $0x3  }
0xaa: {  	v34 =	vadd.f32 v32, v6  }
0xab: {  	v35 =	vadd.f32 v33, v5  }
0xac: {  	v9 =	vmul.f32 $5.000000000e-01, v34  }
0xad: {  	v10 =	vmul.f32 $5.000000000e-01, v35  }
0xae: {  	v9 =	vmul.f32 $1.400000000e+01, v9  }
0xaf: {  	v10 =	vmul.f32 $1.400000000e+01, v10  }
0xb0: {  	v36 =	vtrunc.f32 v9  }
0xb1: {  	v37 =	vtrunc.f32 v10;
	v11 =	vcvt.f32.s32 v36  }
0xb2: {  	v12 =	vcvt.f32.s32 v37  }
0xb3: {  	vm10 =	vgt.s32 v11, $0x0  }
0xb4: {  	vm11 =	vgt.s32 v12, $0x0;
	v11 =	vnsel vm10, $0x0, v11  }
0xb5: {  	v12 =	vnsel vm11, $0x0, v12;
	v11 =	vmin.u32 v11, $0xD  }
0xb6: {  	v12 =	vmin.u32 v12, $0xD;
	v38 =	vmul.u32 $0xE, v11  }
0xb7: {  	v39 =	vor.u32 v0, v12  }
0xb8: {  	v13 =	vadd.s32 v38, v39  }
0xb9: {  	vm12 =	vgt.s32 v13, $0x0  }
0xba: {  	v14 =	vnsel vm12, $0x0, v13  }
0xbb: {  	v14 =	vmin.u32 v14, $0x23  }
0xbc: {  	v14 =	vshll.u32 v14, $0x7  }
0xbd: {  	v40 =	vadd.s32 v4, v14  }
0xbe: {  	v41 =	vadd.s32 $0x5000, v40;
	_ =	sdelay $0x4  }
0xbf: {  	v17 =	vld.idx.msk [tilespmem:v41+s21+$0x0], $0xffff;
	_ =	sdelay $0x3  }
0xc0: {  	vm13 =	vgt.s32 v13, $0xFFFFFFFF;
	vm14 =	vlt.s32 v13, v1  }
0xc1: {  	vm0 =	vmand vm13, vm14;
	vm15 =	veq.f32 v17, $0.0e+00  }
0xc2: {  	vm0 =	vmand vm15, vm0  }
0xc3: {  	v42 =	vld [tilespmem:s24+$0xFFFFF980];
	v14 =	vor.u32 v4, v14  }
0xc4: {  	v12 =	vcvt.s32.f32 v12;
	v43 =	vadd.s32 $0x1400, v40  }
0xc5: {  	v11 =	vcvt.s32.f32 v11;
	v44 =	vadd.s32 $0x2800, v40  }
0xc6: {  	v10 =	vsub.f32 v10, v12;
	v45 =	vadd.s32 $0x3C00, v40  }
0xc7: {  	v9 =	vsub.f32 v9, v11  }
0xc8: {  	v5 =	vsub.f32 v33, v5;
	v46 =	vcvt.s32.f32 v42;
	[tilespmem:v14+s21+$0x0] =	vst.idx.msk vm0, v10  }
0xc9: {  	v6 =	vsub.f32 v32, v6;
	[tilespmem:v43+s21+$0x0] =	vst.idx.msk vm0, v9  }
0xca: {  	[tilespmem:v44+s21+$0x0] =	vst.idx.msk vm0, v5;
	v5 =	vadd.f32 $1.000000000e+00, v46  }
0xcb: {  	[tilespmem:v45+s21+$0x0] =	vst.idx.msk vm0, v6  }
0xcc: {  	[tilespmem:v41+s21+$0x0] =	vst.idx.msk vm0, v5  }
0xcd: {  	v5 =	vld [tilespmem:s23+$0xFFFFE800]  }
0xce: {  	v6 =	vld [tilespmem:s23+$0xFFFFE880]  }
0xcf: {  	v47 =	vld [tilespmem:s23+$0xFFFFE980]  }
0xd0: {  	v48 =	vld [tilespmem:s23+$0xFFFFE900];
	_ =	sdelay $0x3  }
0xd1: {  	v49 =	vadd.f32 v47, v6  }
0xd2: {  	v50 =	vadd.f32 v48, v5  }
0xd3: {  	v9 =	vmul.f32 $5.000000000e-01, v49  }
0xd4: {  	v10 =	vmul.f32 $5.000000000e-01, v50  }
0xd5: {  	v9 =	vmul.f32 $1.400000000e+01, v9  }
0xd6: {  	v10 =	vmul.f32 $1.400000000e+01, v10  }
0xd7: {  	v51 =	vtrunc.f32 v9  }
0xd8: {  	v52 =	vtrunc.f32 v10;
	v11 =	vcvt.f32.s32 v51  }
0xd9: {  	v12 =	vcvt.f32.s32 v52  }
0xda: {  	vm4 =	vgt.s32 v11, $0x0  }
0xdb: {  	vm5 =	vgt.s32 v12, $0x0;
	v11 =	vnsel vm4, $0x0, v11  }
0xdc: {  	v12 =	vnsel vm5, $0x0, v12;
	v11 =	vmin.u32 v11, $0xD  }
0xdd: {  	v12 =	vmin.u32 v12, $0xD;
	v53 =	vmul.u32 $0xE, v11  }
0xde: {  	v54 =	vor.u32 v0, v12  }
0xdf: {  	v13 =	vadd.s32 v53, v54  }
0xe0: {  	vm6 =	vgt.s32 v13, $0x0  }
0xe1: {  	v14 =	vnsel vm6, $0x0, v13  }
0xe2: {  	v14 =	vmin.u32 v14, $0x23  }
0xe3: {  	v14 =	vshll.u32 v14, $0x7  }
0xe4: {  	v55 =	vadd.s32 v4, v14  }
0xe5: {  	v56 =	vadd.s32 $0x5000, v55;
	_ =	sdelay $0x4  }
0xe6: {  	v17 =	vld.idx.msk [tilespmem:v56+s21+$0x0], $0xffff;
	_ =	sdelay $0x3  }
0xe7: {  	vm7 =	vgt.s32 v13, $0xFFFFFFFF;
	vm8 =	vlt.s32 v13, v1  }
0xe8: {  	vm0 =	vmand vm7, vm8;
	vm9 =	veq.f32 v17, $0.0e+00  }
0xe9: {  	vm0 =	vmand vm9, vm0  }
0xea: {  	v57 =	vld [tilespmem:s24+$0xFFFFFA00];
	v14 =	vor.u32 v4, v14  }
0xeb: {  	v12 =	vcvt.s32.f32 v12;
	v58 =	vadd.s32 $0x1400, v55  }
0xec: {  	v11 =	vcvt.s32.f32 v11;
	v59 =	vadd.s32 $0x2800, v55  }
0xed: {  	v10 =	vsub.f32 v10, v12;
	v60 =	vadd.s32 $0x3C00, v55  }
0xee: {  	v9 =	vsub.f32 v9, v11  }
0xef: {  	v5 =	vsub.f32 v48, v5;
	v61 =	vcvt.s32.f32 v57;
	[tilespmem:v14+s21+$0x0] =	vst.idx.msk vm0, v10  }
0xf0: {  	v6 =	vsub.f32 v47, v6;
	[tilespmem:v58+s21+$0x0] =	vst.idx.msk vm0, v9  }
0xf1: {  	[tilespmem:v59+s21+$0x0] =	vst.idx.msk vm0, v5;
	v5 =	vadd.f32 $1.000000000e+00, v61  }
0xf2: {  	[tilespmem:v60+s21+$0x0] =	vst.idx.msk vm0, v6  }
0xf3: {  	[tilespmem:v56+s21+$0x0] =	vst.idx.msk vm0, v5  }
0xf4: {  	v5 =	vld [tilespmem:s23+$0xFFFFEA00]  }
0xf5: {  	v6 =	vld [tilespmem:s23+$0xFFFFEA80]  }
0xf6: {  	v62 =	vld [tilespmem:s23+$0xFFFFEB80]  }
0xf7: {  	v63 =	vld [tilespmem:s23+$0xFFFFEB00];
	_ =	sdelay $0x3  }
0xf8: {  	v19 =	vadd.f32 v62, v6  }
0xf9: {  	v20 =	vadd.f32 v63, v5  }
0xfa: {  	v9 =	vmul.f32 $5.000000000e-01, v19  }
0xfb: {  	v10 =	vmul.f32 $5.000000000e-01, v20  }
0xfc: {  	v9 =	vmul.f32 $1.400000000e+01, v9  }
0xfd: {  	v10 =	vmul.f32 $1.400000000e+01, v10  }
0xfe: {  	v21 =	vtrunc.f32 v9  }
0xff: {  	v22 =	vtrunc.f32 v10;
	v11 =	vcvt.f32.s32 v21  }
0x100: {  	v12 =	vcvt.f32.s32 v22  }
0x101: {  	vm10 =	vgt.s32 v11, $0x0  }
0x102: {  	vm11 =	vgt.s32 v12, $0x0;
	v11 =	vnsel vm10, $0x0, v11  }
0x103: {  	v12 =	vnsel vm11, $0x0, v12;
	v11 =	vmin.u32 v11, $0xD  }
0x104: {  	v12 =	vmin.u32 v12, $0xD;
	v23 =	vmul.u32 $0xE, v11  }
0x105: {  	v24 =	vor.u32 v0, v12  }
0x106: {  	v13 =	vadd.s32 v23, v24  }
0x107: {  	vm12 =	vgt.s32 v13, $0x0  }
0x108: {  	v14 =	vnsel vm12, $0x0, v13  }
0x109: {  	v14 =	vmin.u32 v14, $0x23  }
0x10a: {  	v14 =	vshll.u32 v14, $0x7  }
0x10b: {  	v25 =	vadd.s32 v4, v14  }
0x10c: {  	v26 =	vadd.s32 $0x5000, v25;
	_ =	sdelay $0x4  }
0x10d: {  	v17 =	vld.idx.msk [tilespmem:v26+s21+$0x0], $0xffff;
	_ =	sdelay $0x3  }
0x10e: {  	vm13 =	vgt.s32 v13, $0xFFFFFFFF;
	vm14 =	vlt.s32 v13, v1  }
0x10f: {  	vm0 =	vmand vm13, vm14;
	vm15 =	veq.f32 v17, $0.0e+00  }
0x110: {  	vm0 =	vmand vm15, vm0  }
0x111: {  	v27 =	vld [tilespmem:s24+$0xFFFFFA80];
	v14 =	vor.u32 v4, v14  }
0x112: {  	v12 =	vcvt.s32.f32 v12;
	v28 =	vadd.s32 $0x1400, v25  }
0x113: {  	v11 =	vcvt.s32.f32 v11;
	v29 =	vadd.s32 $0x2800, v25  }
0x114: {  	v10 =	vsub.f32 v10, v12;
	v30 =	vadd.s32 $0x3C00, v25  }
0x115: {  	v9 =	vsub.f32 v9, v11  }
0x116: {  	v5 =	vsub.f32 v63, v5;
	v31 =	vcvt.s32.f32 v27;
	[tilespmem:v14+s21+$0x0] =	vst.idx.msk vm0, v10  }
0x117: {  	v6 =	vsub.f32 v62, v6;
	[tilespmem:v28+s21+$0x0] =	vst.idx.msk vm0, v9  }
0x118: {  	[tilespmem:v29+s21+$0x0] =	vst.idx.msk vm0, v5;
	v5 =	vadd.f32 $1.000000000e+00, v31  }
0x119: {  	[tilespmem:v30+s21+$0x0] =	vst.idx.msk vm0, v6  }
0x11a: {  	[tilespmem:v26+s21+$0x0] =	vst.idx.msk vm0, v5  }
0x11b: {  	v5 =	vld [tilespmem:s23+$0xFFFFEC00]  }
0x11c: {  	v6 =	vld [tilespmem:s23+$0xFFFFEC80]  }
0x11d: {  	v32 =	vld [tilespmem:s23+$0xFFFFED80]  }
0x11e: {  	v33 =	vld [tilespmem:s23+$0xFFFFED00];
	_ =	sdelay $0x3  }
0x11f: {  	v34 =	vadd.f32 v32, v6  }
0x120: {  	v35 =	vadd.f32 v33, v5  }
0x121: {  	v9 =	vmul.f32 $5.000000000e-01, v34  }
0x122: {  	v10 =	vmul.f32 $5.000000000e-01, v35  }
0x123: {  	v9 =	vmul.f32 $1.400000000e+01, v9  }
0x124: {  	v10 =	vmul.f32 $1.400000000e+01, v10  }
0x125: {  	v36 =	vtrunc.f32 v9  }
0x126: {  	v37 =	vtrunc.f32 v10;
	v11 =	vcvt.f32.s32 v36  }
0x127: {  	v12 =	vcvt.f32.s32 v37  }
0x128: {  	vm4 =	vgt.s32 v11, $0x0  }
0x129: {  	vm5 =	vgt.s32 v12, $0x0;
	v11 =	vnsel vm4, $0x0, v11  }
0x12a: {  	v12 =	vnsel vm5, $0x0, v12;
	v11 =	vmin.u32 v11, $0xD  }
0x12b: {  	v12 =	vmin.u32 v12, $0xD;
	v38 =	vmul.u32 $0xE, v11  }
0x12c: {  	v39 =	vor.u32 v0, v12  }
0x12d: {  	v13 =	vadd.s32 v38, v39  }
0x12e: {  	vm6 =	vgt.s32 v13, $0x0  }
0x12f: {  	v14 =	vnsel vm6, $0x0, v13  }
0x130: {  	v14 =	vmin.u32 v14, $0x23  }
0x131: {  	v14 =	vshll.u32 v14, $0x7  }
0x132: {  	v40 =	vadd.s32 v4, v14  }
0x133: {  	v41 =	vadd.s32 $0x5000, v40;
	_ =	sdelay $0x4  }
0x134: {  	v17 =	vld.idx.msk [tilespmem:v41+s21+$0x0], $0xffff;
	_ =	sdelay $0x3  }
0x135: {  	vm7 =	vgt.s32 v13, $0xFFFFFFFF;
	vm8 =	vlt.s32 v13, v1  }
0x136: {  	vm0 =	vmand vm7, vm8;
	vm9 =	veq.f32 v17, $0.0e+00  }
0x137: {  	vm0 =	vmand vm9, vm0  }
0x138: {  	v42 =	vld [tilespmem:s24+$0xFFFFFB00];
	v14 =	vor.u32 v4, v14  }
0x139: {  	v12 =	vcvt.s32.f32 v12;
	v43 =	vadd.s32 $0x1400, v40  }
0x13a: {  	v11 =	vcvt.s32.f32 v11;
	v44 =	vadd.s32 $0x2800, v40  }
0x13b: {  	v10 =	vsub.f32 v10, v12;
	v45 =	vadd.s32 $0x3C00, v40  }
0x13c: {  	v9 =	vsub.f32 v9, v11  }
0x13d: {  	v5 =	vsub.f32 v33, v5;
	v46 =	vcvt.s32.f32 v42;
	[tilespmem:v14+s21+$0x0] =	vst.idx.msk vm0, v10  }
0x13e: {  	v6 =	vsub.f32 v32, v6;
	[tilespmem:v43+s21+$0x0] =	vst.idx.msk vm0, v9  }
0x13f: {  	[tilespmem:v44+s21+$0x0] =	vst.idx.msk vm0, v5;
	v5 =	vadd.f32 $1.000000000e+00, v46  }
0x140: {  	[tilespmem:v45+s21+$0x0] =	vst.idx.msk vm0, v6  }
0x141: {  	[tilespmem:v41+s21+$0x0] =	vst.idx.msk vm0, v5  }
0x142: {  	v5 =	vld [tilespmem:s23+$0xFFFFEE00]  }
0x143: {  	v6 =	vld [tilespmem:s23+$0xFFFFEE80]  }
0x144: {  	v47 =	vld [tilespmem:s23+$0xFFFFEF80]  }
0x145: {  	v48 =	vld [tilespmem:s23+$0xFFFFEF00];
	_ =	sdelay $0x3  }
0x146: {  	v49 =	vadd.f32 v47, v6  }
0x147: {  	v50 =	vadd.f32 v48, v5  }
0x148: {  	v9 =	vmul.f32 $5.000000000e-01, v49  }
0x149: {  	v10 =	vmul.f32 $5.000000000e-01, v50  }
0x14a: {  	v9 =	vmul.f32 $1.400000000e+01, v9  }
0x14b: {  	v10 =	vmul.f32 $1.400000000e+01, v10  }
0x14c: {  	v51 =	vtrunc.f32 v9  }
0x14d: {  	v52 =	vtrunc.f32 v10;
	v11 =	vcvt.f32.s32 v51  }
0x14e: {  	v12 =	vcvt.f32.s32 v52  }
0x14f: {  	vm10 =	vgt.s32 v11, $0x0  }
0x150: {  	vm11 =	vgt.s32 v12, $0x0;
	v11 =	vnsel vm10, $0x0, v11  }
0x151: {  	v12 =	vnsel vm11, $0x0, v12;
	v11 =	vmin.u32 v11, $0xD  }
0x152: {  	v12 =	vmin.u32 v12, $0xD;
	v53 =	vmul.u32 $0xE, v11  }
0x153: {  	v54 =	vor.u32 v0, v12  }
0x154: {  	v13 =	vadd.s32 v53, v54  }
0x155: {  	vm12 =	vgt.s32 v13, $0x0  }
0x156: {  	v14 =	vnsel vm12, $0x0, v13  }
0x157: {  	v14 =	vmin.u32 v14, $0x23  }
0x158: {  	v14 =	vshll.u32 v14, $0x7  }
0x159: {  	v55 =	vadd.s32 v4, v14  }
0x15a: {  	v56 =	vadd.s32 $0x5000, v55;
	_ =	sdelay $0x4  }
0x15b: {  	v17 =	vld.idx.msk [tilespmem:v56+s21+$0x0], $0xffff;
	_ =	sdelay $0x3  }
0x15c: {  	vm13 =	vgt.s32 v13, $0xFFFFFFFF;
	vm14 =	vlt.s32 v13, v1  }
0x15d: {  	vm0 =	vmand vm13, vm14;
	vm15 =	veq.f32 v17, $0.0e+00  }
0x15e: {  	vm0 =	vmand vm15, vm0  }
0x15f: {  	v57 =	vld [tilespmem:s24+$0xFFFFFB80];
	v14 =	vor.u32 v4, v14  }
0x160: {  	v12 =	vcvt.s32.f32 v12;
	v58 =	vadd.s32 $0x1400, v55  }
0x161: {  	v11 =	vcvt.s32.f32 v11;
	v59 =	vadd.s32 $0x2800, v55  }
0x162: {  	v10 =	vsub.f32 v10, v12;
	v60 =	vadd.s32 $0x3C00, v55  }
0x163: {  	v9 =	vsub.f32 v9, v11  }
0x164: {  	v5 =	vsub.f32 v48, v5;
	v61 =	vcvt.s32.f32 v57;
	[tilespmem:v14+s21+$0x0] =	vst.idx.msk vm0, v10  }
0x165: {  	v6 =	vsub.f32 v47, v6;
	[tilespmem:v58+s21+$0x0] =	vst.idx.msk vm0, v9  }
0x166: {  	[tilespmem:v59+s21+$0x0] =	vst.idx.msk vm0, v5;
	v5 =	vadd.f32 $1.000000000e+00, v61  }
0x167: {  	[tilespmem:v60+s21+$0x0] =	vst.idx.msk vm0, v6  }
0x168: {  	[tilespmem:v56+s21+$0x0] =	vst.idx.msk vm0, v5  }
0x169: {  	v5 =	vld [tilespmem:s23+$0xFFFFF000]  }
0x16a: {  	v6 =	vld [tilespmem:s23+$0xFFFFF080]  }
0x16b: {  	v62 =	vld [tilespmem:s23+$0xFFFFF180]  }
0x16c: {  	v63 =	vld [tilespmem:s23+$0xFFFFF100];
	_ =	sdelay $0x3  }
0x16d: {  	v19 =	vadd.f32 v62, v6  }
0x16e: {  	v20 =	vadd.f32 v63, v5  }
0x16f: {  	v9 =	vmul.f32 $5.000000000e-01, v19  }
0x170: {  	v10 =	vmul.f32 $5.000000000e-01, v20  }
0x171: {  	v9 =	vmul.f32 $1.400000000e+01, v9  }
0x172: {  	v10 =	vmul.f32 $1.400000000e+01, v10  }
0x173: {  	v21 =	vtrunc.f32 v9  }
0x174: {  	v22 =	vtrunc.f32 v10;
	v11 =	vcvt.f32.s32 v21  }
0x175: {  	v12 =	vcvt.f32.s32 v22  }
0x176: {  	vm4 =	vgt.s32 v11, $0x0  }
0x177: {  	vm5 =	vgt.s32 v12, $0x0;
	v11 =	vnsel vm4, $0x0, v11  }
0x178: {  	v12 =	vnsel vm5, $0x0, v12;
	v11 =	vmin.u32 v11, $0xD  }
0x179: {  	v12 =	vmin.u32 v12, $0xD;
	v23 =	vmul.u32 $0xE, v11  }
0x17a: {  	v24 =	vor.u32 v0, v12  }
0x17b: {  	v13 =	vadd.s32 v23, v24  }
0x17c: {  	vm6 =	vgt.s32 v13, $0x0  }
0x17d: {  	v14 =	vnsel vm6, $0x0, v13  }
0x17e: {  	v14 =	vmin.u32 v14, $0x23  }
0x17f: {  	v14 =	vshll.u32 v14, $0x7  }
0x180: {  	v25 =	vadd.s32 v4, v14  }
0x181: {  	v26 =	vadd.s32 $0x5000, v25;
	_ =	sdelay $0x4  }
0x182: {  	v17 =	vld.idx.msk [tilespmem:v26+s21+$0x0], $0xffff;
	_ =	sdelay $0x3  }
0x183: {  	vm7 =	vgt.s32 v13, $0xFFFFFFFF;
	vm8 =	vlt.s32 v13, v1  }
0x184: {  	vm0 =	vmand vm7, vm8;
	vm9 =	veq.f32 v17, $0.0e+00  }
0x185: {  	vm0 =	vmand vm9, vm0  }
0x186: {  	v27 =	vld [tilespmem:s24+$0xFFFFFC00];
	v14 =	vor.u32 v4, v14  }
0x187: {  	v12 =	vcvt.s32.f32 v12;
	v28 =	vadd.s32 $0x1400, v25  }
0x188: {  	v11 =	vcvt.s32.f32 v11;
	v29 =	vadd.s32 $0x2800, v25  }
0x189: {  	v10 =	vsub.f32 v10, v12;
	v30 =	vadd.s32 $0x3C00, v25  }
0x18a: {  	v9 =	vsub.f32 v9, v11  }
0x18b: {  	v5 =	vsub.f32 v63, v5;
	v31 =	vcvt.s32.f32 v27;
	[tilespmem:v14+s21+$0x0] =	vst.idx.msk vm0, v10  }
0x18c: {  	v6 =	vsub.f32 v62, v6;
	[tilespmem:v28+s21+$0x0] =	vst.idx.msk vm0, v9  }
0x18d: {  	[tilespmem:v29+s21+$0x0] =	vst.idx.msk vm0, v5;
	v5 =	vadd.f32 $1.000000000e+00, v31  }
0x18e: {  	[tilespmem:v30+s21+$0x0] =	vst.idx.msk vm0, v6  }
0x18f: {  	[tilespmem:v26+s21+$0x0] =	vst.idx.msk vm0, v5  }
0x190: {  	v5 =	vld [tilespmem:s23+$0xFFFFF200]  }
0x191: {  	v6 =	vld [tilespmem:s23+$0xFFFFF280]  }
0x192: {  	v32 =	vld [tilespmem:s23+$0xFFFFF380]  }
0x193: {  	v33 =	vld [tilespmem:s23+$0xFFFFF300];
	_ =	sdelay $0x3  }
0x194: {  	v34 =	vadd.f32 v32, v6  }
0x195: {  	v35 =	vadd.f32 v33, v5  }
0x196: {  	v9 =	vmul.f32 $5.000000000e-01, v34  }
0x197: {  	v10 =	vmul.f32 $5.000000000e-01, v35  }
0x198: {  	v9 =	vmul.f32 $1.400000000e+01, v9  }
0x199: {  	v10 =	vmul.f32 $1.400000000e+01, v10  }
0x19a: {  	v36 =	vtrunc.f32 v9  }
0x19b: {  	v37 =	vtrunc.f32 v10;
	v11 =	vcvt.f32.s32 v36  }
0x19c: {  	v12 =	vcvt.f32.s32 v37  }
0x19d: {  	vm10 =	vgt.s32 v11, $0x0  }
0x19e: {  	vm11 =	vgt.s32 v12, $0x0;
	v11 =	vnsel vm10, $0x0, v11  }
0x19f: {  	v12 =	vnsel vm11, $0x0, v12;
	v11 =	vmin.u32 v11, $0xD  }
0x1a0: {  	v12 =	vmin.u32 v12, $0xD;
	v38 =	vmul.u32 $0xE, v11  }
0x1a1: {  	v39 =	vor.u32 v0, v12  }
0x1a2: {  	v13 =	vadd.s32 v38, v39  }
0x1a3: {  	vm12 =	vgt.s32 v13, $0x0  }
0x1a4: {  	v14 =	vnsel vm12, $0x0, v13  }
0x1a5: {  	v14 =	vmin.u32 v14, $0x23  }
0x1a6: {  	v14 =	vshll.u32 v14, $0x7  }
0x1a7: {  	v40 =	vadd.s32 v4, v14  }
0x1a8: {  	v41 =	vadd.s32 $0x5000, v40;
	_ =	sdelay $0x4  }
0x1a9: {  	v17 =	vld.idx.msk [tilespmem:v41+s21+$0x0], $0xffff;
	_ =	sdelay $0x3  }
0x1aa: {  	vm13 =	vgt.s32 v13, $0xFFFFFFFF;
	vm14 =	vlt.s32 v13, v1  }
0x1ab: {  	vm0 =	vmand vm13, vm14;
	vm15 =	veq.f32 v17, $0.0e+00  }
0x1ac: {  	vm0 =	vmand vm15, vm0  }
0x1ad: {  	v42 =	vld [tilespmem:s24+$0xFFFFFC80];
	v14 =	vor.u32 v4, v14  }
0x1ae: {  	v12 =	vcvt.s32.f32 v12;
	v43 =	vadd.s32 $0x1400, v40  }
0x1af: {  	v11 =	vcvt.s32.f32 v11;
	v44 =	vadd.s32 $0x2800, v40  }
0x1b0: {  	v10 =	vsub.f32 v10, v12;
	v45 =	vadd.s32 $0x3C00, v40  }
0x1b1: {  	v9 =	vsub.f32 v9, v11  }
0x1b2: {  	v5 =	vsub.f32 v33, v5;
	v46 =	vcvt.s32.f32 v42;
	[tilespmem:v14+s21+$0x0] =	vst.idx.msk vm0, v10  }
0x1b3: {  	v6 =	vsub.f32 v32, v6;
	[tilespmem:v43+s21+$0x0] =	vst.idx.msk vm0, v9  }
0x1b4: {  	[tilespmem:v44+s21+$0x0] =	vst.idx.msk vm0, v5;
	v5 =	vadd.f32 $1.000000000e+00, v46  }
0x1b5: {  	[tilespmem:v45+s21+$0x0] =	vst.idx.msk vm0, v6  }
0x1b6: {  	[tilespmem:v41+s21+$0x0] =	vst.idx.msk vm0, v5  }
0x1b7: {  	v5 =	vld [tilespmem:s23+$0xFFFFF400]  }
0x1b8: {  	v6 =	vld [tilespmem:s23+$0xFFFFF480]  }
0x1b9: {  	v47 =	vld [tilespmem:s23+$0xFFFFF580]  }
0x1ba: {  	v48 =	vld [tilespmem:s23+$0xFFFFF500];
	_ =	sdelay $0x3  }
0x1bb: {  	v49 =	vadd.f32 v47, v6  }
0x1bc: {  	v50 =	vadd.f32 v48, v5  }
0x1bd: {  	v9 =	vmul.f32 $5.000000000e-01, v49  }
0x1be: {  	v10 =	vmul.f32 $5.000000000e-01, v50  }
0x1bf: {  	v9 =	vmul.f32 $1.400000000e+01, v9  }
0x1c0: {  	v10 =	vmul.f32 $1.400000000e+01, v10  }
0x1c1: {  	v51 =	vtrunc.f32 v9  }
0x1c2: {  	v52 =	vtrunc.f32 v10;
	v11 =	vcvt.f32.s32 v51  }
0x1c3: {  	v12 =	vcvt.f32.s32 v52  }
0x1c4: {  	vm4 =	vgt.s32 v11, $0x0  }
0x1c5: {  	vm5 =	vgt.s32 v12, $0x0;
	v11 =	vnsel vm4, $0x0, v11  }
0x1c6: {  	v12 =	vnsel vm5, $0x0, v12;
	v11 =	vmin.u32 v11, $0xD  }
0x1c7: {  	v12 =	vmin.u32 v12, $0xD;
	v53 =	vmul.u32 $0xE, v11  }
0x1c8: {  	v54 =	vor.u32 v0, v12  }
0x1c9: {  	v13 =	vadd.s32 v53, v54  }
0x1ca: {  	vm6 =	vgt.s32 v13, $0x0  }
0x1cb: {  	v14 =	vnsel vm6, $0x0, v13  }
0x1cc: {  	v14 =	vmin.u32 v14, $0x23  }
0x1cd: {  	v14 =	vshll.u32 v14, $0x7  }
0x1ce: {  	v55 =	vadd.s32 v4, v14  }
0x1cf: {  	v56 =	vadd.s32 $0x5000, v55;
	_ =	sdelay $0x4  }
0x1d0: {  	v17 =	vld.idx.msk [tilespmem:v56+s21+$0x0], $0xffff;
	_ =	sdelay $0x3  }
0x1d1: {  	vm7 =	vgt.s32 v13, $0xFFFFFFFF;
	vm8 =	vlt.s32 v13, v1  }
0x1d2: {  	vm0 =	vmand vm7, vm8;
	vm9 =	veq.f32 v17, $0.0e+00  }
0x1d3: {  	vm0 =	vmand vm9, vm0  }
0x1d4: {  	v57 =	vld [tilespmem:s24+$0xFFFFFD00];
	v14 =	vor.u32 v4, v14  }
0x1d5: {  	v12 =	vcvt.s32.f32 v12;
	v58 =	vadd.s32 $0x1400, v55  }
0x1d6: {  	v11 =	vcvt.s32.f32 v11;
	v59 =	vadd.s32 $0x2800, v55  }
0x1d7: {  	v10 =	vsub.f32 v10, v12;
	v60 =	vadd.s32 $0x3C00, v55  }
0x1d8: {  	v9 =	vsub.f32 v9, v11  }
0x1d9: {  	v5 =	vsub.f32 v48, v5;
	v61 =	vcvt.s32.f32 v57;
	[tilespmem:v14+s21+$0x0] =	vst.idx.msk vm0, v10  }
0x1da: {  	v6 =	vsub.f32 v47, v6;
	[tilespmem:v58+s21+$0x0] =	vst.idx.msk vm0, v9  }
0x1db: {  	[tilespmem:v59+s21+$0x0] =	vst.idx.msk vm0, v5;
	v5 =	vadd.f32 $1.000000000e+00, v61  }
0x1dc: {  	[tilespmem:v60+s21+$0x0] =	vst.idx.msk vm0, v6  }
0x1dd: {  	[tilespmem:v56+s21+$0x0] =	vst.idx.msk vm0, v5  }
0x1de: {  	v5 =	vld [tilespmem:s23+$0xFFFFF600]  }
0x1df: {  	v6 =	vld [tilespmem:s23+$0xFFFFF680]  }
0x1e0: {  	v62 =	vld [tilespmem:s23+$0xFFFFF780]  }
0x1e1: {  	v63 =	vld [tilespmem:s23+$0xFFFFF700];
	_ =	sdelay $0x3  }
0x1e2: {  	v19 =	vadd.f32 v62, v6  }
0x1e3: {  	v20 =	vadd.f32 v63, v5  }
0x1e4: {  	v9 =	vmul.f32 $5.000000000e-01, v19  }
0x1e5: {  	v10 =	vmul.f32 $5.000000000e-01, v20  }
0x1e6: {  	v9 =	vmul.f32 $1.400000000e+01, v9  }
0x1e7: {  	v10 =	vmul.f32 $1.400000000e+01, v10  }
0x1e8: {  	v21 =	vtrunc.f32 v9  }
0x1e9: {  	v22 =	vtrunc.f32 v10;
	v11 =	vcvt.f32.s32 v21  }
0x1ea: {  	v12 =	vcvt.f32.s32 v22  }
0x1eb: {  	vm10 =	vgt.s32 v11, $0x0  }
0x1ec: {  	vm11 =	vgt.s32 v12, $0x0;
	v11 =	vnsel vm10, $0x0, v11  }
0x1ed: {  	v12 =	vnsel vm11, $0x0, v12;
	v11 =	vmin.u32 v11, $0xD  }
0x1ee: {  	v12 =	vmin.u32 v12, $0xD;
	v23 =	vmul.u32 $0xE, v11  }
0x1ef: {  	v24 =	vor.u32 v0, v12  }
0x1f0: {  	v13 =	vadd.s32 v23, v24  }
0x1f1: {  	vm12 =	vgt.s32 v13, $0x0  }
0x1f2: {  	v14 =	vnsel vm12, $0x0, v13  }
0x1f3: {  	v14 =	vmin.u32 v14, $0x23  }
0x1f4: {  	v14 =	vshll.u32 v14, $0x7  }
0x1f5: {  	v25 =	vadd.s32 v4, v14  }
0x1f6: {  	v26 =	vadd.s32 $0x5000, v25;
	_ =	sdelay $0x4  }
0x1f7: {  	v17 =	vld.idx.msk [tilespmem:v26+s21+$0x0], $0xffff;
	_ =	sdelay $0x3  }
0x1f8: {  	vm13 =	vgt.s32 v13, $0xFFFFFFFF;
	vm14 =	vlt.s32 v13, v1  }
0x1f9: {  	vm0 =	vmand vm13, vm14;
	vm15 =	veq.f32 v17, $0.0e+00  }
0x1fa: {  	vm0 =	vmand vm15, vm0  }
0x1fb: {  	v27 =	vld [tilespmem:s24+$0xFFFFFD80];
	v14 =	vor.u32 v4, v14  }
0x1fc: {  	v12 =	vcvt.s32.f32 v12;
	v28 =	vadd.s32 $0x1400, v25  }
0x1fd: {  	v11 =	vcvt.s32.f32 v11;
	v29 =	vadd.s32 $0x2800, v25  }
0x1fe: {  	v10 =	vsub.f32 v10, v12;
	v30 =	vadd.s32 $0x3C00, v25  }
0x1ff: {  	v9 =	vsub.f32 v9, v11  }
0x200: {  	v5 =	vsub.f32 v63, v5;
	v31 =	vcvt.s32.f32 v27;
	[tilespmem:v14+s21+$0x0] =	vst.idx.msk vm0, v10  }
0x201: {  	v6 =	vsub.f32 v62, v6;
	[tilespmem:v28+s21+$0x0] =	vst.idx.msk vm0, v9  }
0x202: {  	[tilespmem:v29+s21+$0x0] =	vst.idx.msk vm0, v5;
	v5 =	vadd.f32 $1.000000000e+00, v31  }
0x203: {  	[tilespmem:v30+s21+$0x0] =	vst.idx.msk vm0, v6  }
0x204: {  	[tilespmem:v26+s21+$0x0] =	vst.idx.msk vm0, v5  }
0x205: {  	v5 =	vld [tilespmem:s23+$0xFFFFF800]  }
0x206: {  	v6 =	vld [tilespmem:s23+$0xFFFFF880]  }
0x207: {  	v32 =	vld [tilespmem:s23+$0xFFFFF980]  }
0x208: {  	v33 =	vld [tilespmem:s23+$0xFFFFF900];
	_ =	sdelay $0x3  }
0x209: {  	v34 =	vadd.f32 v32, v6  }
0x20a: {  	v35 =	vadd.f32 v33, v5  }
0x20b: {  	v9 =	vmul.f32 $5.000000000e-01, v34  }
0x20c: {  	v10 =	vmul.f32 $5.000000000e-01, v35  }
0x20d: {  	v9 =	vmul.f32 $1.400000000e+01, v9  }
0x20e: {  	v10 =	vmul.f32 $1.400000000e+01, v10  }
0x20f: {  	v36 =	vtrunc.f32 v9  }
0x210: {  	v37 =	vtrunc.f32 v10;
	v11 =	vcvt.f32.s32 v36  }
0x211: {  	v12 =	vcvt.f32.s32 v37  }
0x212: {  	vm4 =	vgt.s32 v11, $0x0  }
0x213: {  	vm5 =	vgt.s32 v12, $0x0;
	v11 =	vnsel vm4, $0x0, v11  }
0x214: {  	v12 =	vnsel vm5, $0x0, v12;
	v11 =	vmin.u32 v11, $0xD  }
0x215: {  	v12 =	vmin.u32 v12, $0xD;
	v38 =	vmul.u32 $0xE, v11  }
0x216: {  	v39 =	vor.u32 v0, v12  }
0x217: {  	v13 =	vadd.s32 v38, v39  }
0x218: {  	vm6 =	vgt.s32 v13, $0x0  }
0x219: {  	v14 =	vnsel vm6, $0x0, v13  }
0x21a: {  	v14 =	vmin.u32 v14, $0x23  }
0x21b: {  	v14 =	vshll.u32 v14, $0x7  }
0x21c: {  	v40 =	vadd.s32 v4, v14  }
0x21d: {  	v41 =	vadd.s32 $0x5000, v40;
	_ =	sdelay $0x4  }
0x21e: {  	v17 =	vld.idx.msk [tilespmem:v41+s21+$0x0], $0xffff;
	_ =	sdelay $0x3  }
0x21f: {  	vm7 =	vgt.s32 v13, $0xFFFFFFFF;
	vm8 =	vlt.s32 v13, v1  }
0x220: {  	vm0 =	vmand vm7, vm8;
	vm9 =	veq.f32 v17, $0.0e+00  }
0x221: {  	vm0 =	vmand vm9, vm0  }
0x222: {  	v42 =	vld [tilespmem:s24+$0xFFFFFE00];
	v14 =	vor.u32 v4, v14  }
0x223: {  	v12 =	vcvt.s32.f32 v12;
	v43 =	vadd.s32 $0x1400, v40  }
0x224: {  	v11 =	vcvt.s32.f32 v11;
	v44 =	vadd.s32 $0x2800, v40  }
0x225: {  	v10 =	vsub.f32 v10, v12;
	v45 =	vadd.s32 $0x3C00, v40  }
0x226: {  	v9 =	vsub.f32 v9, v11  }
0x227: {  	v5 =	vsub.f32 v33, v5;
	v46 =	vcvt.s32.f32 v42;
	[tilespmem:v14+s21+$0x0] =	vst.idx.msk vm0, v10  }
0x228: {  	v6 =	vsub.f32 v32, v6;
	[tilespmem:v43+s21+$0x0] =	vst.idx.msk vm0, v9  }
0x229: {  	[tilespmem:v44+s21+$0x0] =	vst.idx.msk vm0, v5;
	v5 =	vadd.f32 $1.000000000e+00, v46  }
0x22a: {  	[tilespmem:v45+s21+$0x0] =	vst.idx.msk vm0, v6  }
0x22b: {  	[tilespmem:v41+s21+$0x0] =	vst.idx.msk vm0, v5  }
0x22c: {  	v5 =	vld [tilespmem:s23+$0xFFFFFA00]  }
0x22d: {  	v6 =	vld [tilespmem:s23+$0xFFFFFA80]  }
0x22e: {  	v47 =	vld [tilespmem:s23+$0xFFFFFB80]  }
0x22f: {  	v48 =	vld [tilespmem:s23+$0xFFFFFB00];
	_ =	sdelay $0x3  }
0x230: {  	v49 =	vadd.f32 v47, v6  }
0x231: {  	v50 =	vadd.f32 v48, v5  }
0x232: {  	v9 =	vmul.f32 $5.000000000e-01, v49  }
0x233: {  	v10 =	vmul.f32 $5.000000000e-01, v50  }
0x234: {  	v9 =	vmul.f32 $1.400000000e+01, v9  }
0x235: {  	v10 =	vmul.f32 $1.400000000e+01, v10  }
0x236: {  	v51 =	vtrunc.f32 v9  }
0x237: {  	v52 =	vtrunc.f32 v10;
	v11 =	vcvt.f32.s32 v51  }
0x238: {  	v12 =	vcvt.f32.s32 v52  }
0x239: {  	vm10 =	vgt.s32 v11, $0x0  }
0x23a: {  	vm11 =	vgt.s32 v12, $0x0;
	v11 =	vnsel vm10, $0x0, v11  }
0x23b: {  	v12 =	vnsel vm11, $0x0, v12;
	v11 =	vmin.u32 v11, $0xD  }
0x23c: {  	v12 =	vmin.u32 v12, $0xD;
	v53 =	vmul.u32 $0xE, v11  }
0x23d: {  	v54 =	vor.u32 v0, v12  }
0x23e: {  	v13 =	vadd.s32 v53, v54  }
0x23f: {  	vm12 =	vgt.s32 v13, $0x0  }
0x240: {  	v14 =	vnsel vm12, $0x0, v13  }
0x241: {  	v14 =	vmin.u32 v14, $0x23  }
0x242: {  	v14 =	vshll.u32 v14, $0x7  }
0x243: {  	v55 =	vadd.s32 v4, v14  }
0x244: {  	v56 =	vadd.s32 $0x5000, v55;
	_ =	sdelay $0x4  }
0x245: {  	v17 =	vld.idx.msk [tilespmem:v56+s21+$0x0], $0xffff;
	_ =	sdelay $0x3  }
0x246: {  	vm13 =	vgt.s32 v13, $0xFFFFFFFF;
	vm14 =	vlt.s32 v13, v1  }
0x247: {  	vm0 =	vmand vm13, vm14;
	vm15 =	veq.f32 v17, $0.0e+00  }
0x248: {  	vm0 =	vmand vm15, vm0  }
0x249: {  	v57 =	vld [tilespmem:s24+$0xFFFFFE80];
	v14 =	vor.u32 v4, v14  }
0x24a: {  	v12 =	vcvt.s32.f32 v12;
	v58 =	vadd.s32 $0x1400, v55  }
0x24b: {  	v11 =	vcvt.s32.f32 v11;
	v59 =	vadd.s32 $0x2800, v55  }
0x24c: {  	v10 =	vsub.f32 v10, v12;
	v60 =	vadd.s32 $0x3C00, v55  }
0x24d: {  	v9 =	vsub.f32 v9, v11  }
0x24e: {  	v5 =	vsub.f32 v48, v5;
	v61 =	vcvt.s32.f32 v57;
	[tilespmem:v14+s21+$0x0] =	vst.idx.msk vm0, v10  }
0x24f: {  	v6 =	vsub.f32 v47, v6;
	[tilespmem:v58+s21+$0x0] =	vst.idx.msk vm0, v9  }
0x250: {  	[tilespmem:v59+s21+$0x0] =	vst.idx.msk vm0, v5;
	v5 =	vadd.f32 $1.000000000e+00, v61  }
0x251: {  	[tilespmem:v60+s21+$0x0] =	vst.idx.msk vm0, v6  }
0x252: {  	[tilespmem:v56+s21+$0x0] =	vst.idx.msk vm0, v5  }
0x253: {  	v5 =	vld [tilespmem:s23+$0xFFFFFC00]  }
0x254: {  	v6 =	vld [tilespmem:s23+$0xFFFFFC80]  }
0x255: {  	v62 =	vld [tilespmem:s23+$0xFFFFFD80]  }
0x256: {  	v63 =	vld [tilespmem:s23+$0xFFFFFD00];
	_ =	sdelay $0x3  }
0x257: {  	v19 =	vadd.f32 v62, v6  }
0x258: {  	v20 =	vadd.f32 v63, v5  }
0x259: {  	v9 =	vmul.f32 $5.000000000e-01, v19  }
0x25a: {  	v10 =	vmul.f32 $5.000000000e-01, v20  }
0x25b: {  	v9 =	vmul.f32 $1.400000000e+01, v9  }
0x25c: {  	v10 =	vmul.f32 $1.400000000e+01, v10  }
0x25d: {  	v21 =	vtrunc.f32 v9  }
0x25e: {  	v22 =	vtrunc.f32 v10;
	v11 =	vcvt.f32.s32 v21  }
0x25f: {  	v12 =	vcvt.f32.s32 v22  }
0x260: {  	vm4 =	vgt.s32 v11, $0x0  }
0x261: {  	vm5 =	vgt.s32 v12, $0x0;
	v11 =	vnsel vm4, $0x0, v11  }
0x262: {  	v12 =	vnsel vm5, $0x0, v12;
	v11 =	vmin.u32 v11, $0xD  }
0x263: {  	v12 =	vmin.u32 v12, $0xD;
	v23 =	vmul.u32 $0xE, v11  }
0x264: {  	v24 =	vor.u32 v0, v12  }
0x265: {  	v13 =	vadd.s32 v23, v24  }
0x266: {  	vm6 =	vgt.s32 v13, $0x0  }
0x267: {  	v14 =	vnsel vm6, $0x0, v13  }
0x268: {  	v14 =	vmin.u32 v14, $0x23  }
0x269: {  	v14 =	vshll.u32 v14, $0x7  }
0x26a: {  	v25 =	vadd.s32 v4, v14  }
0x26b: {  	v26 =	vadd.s32 $0x5000, v25;
	_ =	sdelay $0x4  }
0x26c: {  	v17 =	vld.idx.msk [tilespmem:v26+s21+$0x0], $0xffff;
	_ =	sdelay $0x3  }
0x26d: {  	vm7 =	vgt.s32 v13, $0xFFFFFFFF;
	vm8 =	vlt.s32 v13, v1  }
0x26e: {  	vm0 =	vmand vm7, vm8;
	vm9 =	veq.f32 v17, $0.0e+00  }
0x26f: {  	vm0 =	vmand vm9, vm0  }
0x270: {  	v27 =	vld [tilespmem:s24+$0xFFFFFF00];
	v14 =	vor.u32 v4, v14  }
0x271: {  	v12 =	vcvt.s32.f32 v12;
	v28 =	vadd.s32 $0x1400, v25  }
0x272: {  	v11 =	vcvt.s32.f32 v11;
	v29 =	vadd.s32 $0x2800, v25  }
0x273: {  	v10 =	vsub.f32 v10, v12;
	v30 =	vadd.s32 $0x3C00, v25  }
0x274: {  	v9 =	vsub.f32 v9, v11  }
0x275: {  	v5 =	vsub.f32 v63, v5;
	v31 =	vcvt.s32.f32 v27;
	[tilespmem:v14+s21+$0x0] =	vst.idx.msk vm0, v10  }
0x276: {  	v6 =	vsub.f32 v62, v6;
	[tilespmem:v28+s21+$0x0] =	vst.idx.msk vm0, v9  }
0x277: {  	[tilespmem:v29+s21+$0x0] =	vst.idx.msk vm0, v5;
	v5 =	vadd.f32 $1.000000000e+00, v31  }
0x278: {  	[tilespmem:v30+s21+$0x0] =	vst.idx.msk vm0, v6  }
0x279: {  	[tilespmem:v26+s21+$0x0] =	vst.idx.msk vm0, v5  }
0x27a: {  	v5 =	vld [tilespmem:s23+$0xFFFFFE00]  }
0x27b: {  	v6 =	vld [tilespmem:s23+$0xFFFFFE80]  }
0x27c: {  	v32 =	vld [tilespmem:s23+$0xFFFFFF80]  }
0x27d: {  	v33 =	vld [tilespmem:s23+$0xFFFFFF00];
	_ =	sdelay $0x3  }
0x27e: {  	v34 =	vadd.f32 v32, v6  }
0x27f: {  	v35 =	vadd.f32 v33, v5  }
0x280: {  	v9 =	vmul.f32 $5.000000000e-01, v34  }
0x281: {  	v10 =	vmul.f32 $5.000000000e-01, v35  }
0x282: {  	v9 =	vmul.f32 $1.400000000e+01, v9  }
0x283: {  	v10 =	vmul.f32 $1.400000000e+01, v10  }
0x284: {  	v36 =	vtrunc.f32 v9  }
0x285: {  	v37 =	vtrunc.f32 v10;
	v11 =	vcvt.f32.s32 v36  }
0x286: {  	v12 =	vcvt.f32.s32 v37  }
0x287: {  	vm10 =	vgt.s32 v11, $0x0  }
0x288: {  	vm11 =	vgt.s32 v12, $0x0;
	v11 =	vnsel vm10, $0x0, v11  }
0x289: {  	v12 =	vnsel vm11, $0x0, v12;
	v11 =	vmin.u32 v11, $0xD  }
0x28a: {  	v12 =	vmin.u32 v12, $0xD;
	v38 =	vmul.u32 $0xE, v11  }
0x28b: {  	v39 =	vor.u32 v0, v12  }
0x28c: {  	v13 =	vadd.s32 v38, v39  }
0x28d: {  	vm12 =	vgt.s32 v13, $0x0  }
0x28e: {  	v14 =	vnsel vm12, $0x0, v13  }
0x28f: {  	v14 =	vmin.u32 v14, $0x23  }
0x290: {  	v14 =	vshll.u32 v14, $0x7  }
0x291: {  	v40 =	vadd.s32 v4, v14  }
0x292: {  	v41 =	vadd.s32 $0x5000, v40;
	_ =	sdelay $0x4  }
0x293: {  	v17 =	vld.idx.msk [tilespmem:v41+s21+$0x0], $0xffff;
	_ =	sdelay $0x3  }
0x294: {  	vm13 =	vgt.s32 v13, $0xFFFFFFFF;
	vm14 =	vlt.s32 v13, v1  }
0x295: {  	vm0 =	vmand vm13, vm14;
	vm15 =	veq.f32 v17, $0.0e+00  }
0x296: {  	vm0 =	vmand vm15, vm0  }
0x297: {  	v42 =	vld [tilespmem:s24+$0xFFFFFF80];
	v14 =	vor.u32 v4, v14  }
0x298: {  	v12 =	vcvt.s32.f32 v12;
	v43 =	vadd.s32 $0x1400, v40  }
0x299: {  	v11 =	vcvt.s32.f32 v11;
	v44 =	vadd.s32 $0x2800, v40  }
0x29a: {  	v10 =	vsub.f32 v10, v12;
	v45 =	vadd.s32 $0x3C00, v40  }
0x29b: {  	v9 =	vsub.f32 v9, v11  }
0x29c: {  	v5 =	vsub.f32 v33, v5;
	v46 =	vcvt.s32.f32 v42;
	[tilespmem:v14+s21+$0x0] =	vst.idx.msk vm0, v10  }
0x29d: {  	v6 =	vsub.f32 v32, v6;
	[tilespmem:v43+s21+$0x0] =	vst.idx.msk vm0, v9  }
0x29e: {  	[tilespmem:v44+s21+$0x0] =	vst.idx.msk vm0, v5;
	v5 =	vadd.f32 $1.000000000e+00, v46  }
0x29f: {  	[tilespmem:v45+s21+$0x0] =	vst.idx.msk vm0, v6  }
0x2a0: {  	[tilespmem:v41+s21+$0x0] =	vst.idx.msk vm0, v5  }
0x2a1: {  	v5 =	vld [tilespmem:s23+$0x0]  }
0x2a2: {  	v6 =	vld [tilespmem:s23+$0x80]  }
0x2a3: {  	v47 =	vld [tilespmem:s23+$0x180]  }
0x2a4: {  	v48 =	vld [tilespmem:s23+$0x100];
	_ =	sdelay $0x3  }
0x2a5: {  	v49 =	vadd.f32 v47, v6  }
0x2a6: {  	v50 =	vadd.f32 v48, v5  }
0x2a7: {  	v9 =	vmul.f32 $5.000000000e-01, v49  }
0x2a8: {  	v10 =	vmul.f32 $5.000000000e-01, v50  }
0x2a9: {  	v9 =	vmul.f32 $1.400000000e+01, v9  }
0x2aa: {  	v10 =	vmul.f32 $1.400000000e+01, v10  }
0x2ab: {  	v51 =	vtrunc.f32 v9  }
0x2ac: {  	v52 =	vtrunc.f32 v10;
	v11 =	vcvt.f32.s32 v51  }
0x2ad: {  	v12 =	vcvt.f32.s32 v52  }
0x2ae: {  	vm4 =	vgt.s32 v11, $0x0  }
0x2af: {  	vm5 =	vgt.s32 v12, $0x0;
	v11 =	vnsel vm4, $0x0, v11  }
0x2b0: {  	v12 =	vnsel vm5, $0x0, v12;
	v11 =	vmin.u32 v11, $0xD  }
0x2b1: {  	v12 =	vmin.u32 v12, $0xD;
	v53 =	vmul.u32 $0xE, v11  }
0x2b2: {  	v54 =	vor.u32 v0, v12  }
0x2b3: {  	v13 =	vadd.s32 v53, v54  }
0x2b4: {  	vm6 =	vgt.s32 v13, $0x0  }
0x2b5: {  	v14 =	vnsel vm6, $0x0, v13  }
0x2b6: {  	v14 =	vmin.u32 v14, $0x23  }
0x2b7: {  	v14 =	vshll.u32 v14, $0x7  }
0x2b8: {  	v55 =	vadd.s32 v4, v14  }
0x2b9: {  	v56 =	vadd.s32 $0x5000, v55;
	_ =	sdelay $0x4  }
0x2ba: {  	v17 =	vld.idx.msk [tilespmem:v56+s21+$0x0], $0xffff;
	_ =	sdelay $0x3  }
0x2bb: {  	vm7 =	vgt.s32 v13, $0xFFFFFFFF;
	vm8 =	vlt.s32 v13, v1  }
0x2bc: {  	vm0 =	vmand vm7, vm8;
	vm9 =	veq.f32 v17, $0.0e+00  }
0x2bd: {  	vm0 =	vmand vm9, vm0  }
0x2be: {  	v57 =	vld [tilespmem:s24+$0x0];
	v14 =	vor.u32 v4, v14  }
0x2bf: {  	v12 =	vcvt.s32.f32 v12;
	v58 =	vadd.s32 $0x1400, v55  }
0x2c0: {  	v11 =	vcvt.s32.f32 v11;
	v59 =	vadd.s32 $0x2800, v55  }
0x2c1: {  	v10 =	vsub.f32 v10, v12;
	v60 =	vadd.s32 $0x3C00, v55  }
0x2c2: {  	v9 =	vsub.f32 v9, v11  }
0x2c3: {  	v5 =	vsub.f32 v48, v5;
	v61 =	vcvt.s32.f32 v57;
	[tilespmem:v14+s21+$0x0] =	vst.idx.msk vm0, v10  }
0x2c4: {  	v6 =	vsub.f32 v47, v6;
	[tilespmem:v58+s21+$0x0] =	vst.idx.msk vm0, v9  }
0x2c5: {  	[tilespmem:v59+s21+$0x0] =	vst.idx.msk vm0, v5;
	v5 =	vadd.f32 $1.000000000e+00, v61  }
0x2c6: {  	[tilespmem:v60+s21+$0x0] =	vst.idx.msk vm0, v6  }
0x2c7: {  	[tilespmem:v56+s21+$0x0] =	vst.idx.msk vm0, v5  }
0x2c8: {  	v5 =	vld [tilespmem:s23+$0x200]  }
0x2c9: {  	v6 =	vld [tilespmem:s23+$0x280]  }
0x2ca: {  	v62 =	vld [tilespmem:s23+$0x380]  }
0x2cb: {  	v63 =	vld [tilespmem:s23+$0x300];
	_ =	sdelay $0x3  }
0x2cc: {  	v19 =	vadd.f32 v62, v6  }
0x2cd: {  	v20 =	vadd.f32 v63, v5  }
0x2ce: {  	v9 =	vmul.f32 $5.000000000e-01, v19  }
0x2cf: {  	v10 =	vmul.f32 $5.000000000e-01, v20  }
0x2d0: {  	v9 =	vmul.f32 $1.400000000e+01, v9  }
0x2d1: {  	v10 =	vmul.f32 $1.400000000e+01, v10  }
0x2d2: {  	v21 =	vtrunc.f32 v9  }
0x2d3: {  	v22 =	vtrunc.f32 v10;
	v11 =	vcvt.f32.s32 v21  }
0x2d4: {  	v12 =	vcvt.f32.s32 v22  }
0x2d5: {  	vm10 =	vgt.s32 v11, $0x0  }
0x2d6: {  	vm11 =	vgt.s32 v12, $0x0;
	v11 =	vnsel vm10, $0x0, v11  }
0x2d7: {  	v12 =	vnsel vm11, $0x0, v12;
	v11 =	vmin.u32 v11, $0xD  }
0x2d8: {  	v12 =	vmin.u32 v12, $0xD;
	v23 =	vmul.u32 $0xE, v11  }
0x2d9: {  	v24 =	vor.u32 v0, v12  }
0x2da: {  	v13 =	vadd.s32 v23, v24  }
0x2db: {  	vm12 =	vgt.s32 v13, $0x0  }
0x2dc: {  	v14 =	vnsel vm12, $0x0, v13  }
0x2dd: {  	v14 =	vmin.u32 v14, $0x23  }
0x2de: {  	v14 =	vshll.u32 v14, $0x7  }
0x2df: {  	v25 =	vadd.s32 v4, v14  }
0x2e0: {  	v26 =	vadd.s32 $0x5000, v25;
	_ =	sdelay $0x4  }
0x2e1: {  	v17 =	vld.idx.msk [tilespmem:v26+s21+$0x0], $0xffff;
	_ =	sdelay $0x3  }
0x2e2: {  	vm13 =	vgt.s32 v13, $0xFFFFFFFF;
	vm14 =	vlt.s32 v13, v1  }
0x2e3: {  	vm0 =	vmand vm13, vm14;
	vm15 =	veq.f32 v17, $0.0e+00  }
0x2e4: {  	vm0 =	vmand vm15, vm0  }
0x2e5: {  	v27 =	vld [tilespmem:s24+$0x80];
	v14 =	vor.u32 v4, v14  }
0x2e6: {  	v12 =	vcvt.s32.f32 v12;
	v28 =	vadd.s32 $0x1400, v25  }
0x2e7: {  	v11 =	vcvt.s32.f32 v11;
	v29 =	vadd.s32 $0x2800, v25  }
0x2e8: {  	v10 =	vsub.f32 v10, v12;
	v30 =	vadd.s32 $0x3C00, v25  }
0x2e9: {  	v9 =	vsub.f32 v9, v11  }
0x2ea: {  	v5 =	vsub.f32 v63, v5;
	v31 =	vcvt.s32.f32 v27;
	[tilespmem:v14+s21+$0x0] =	vst.idx.msk vm0, v10  }
0x2eb: {  	v6 =	vsub.f32 v62, v6;
	[tilespmem:v28+s21+$0x0] =	vst.idx.msk vm0, v9  }
0x2ec: {  	[tilespmem:v29+s21+$0x0] =	vst.idx.msk vm0, v5;
	v5 =	vadd.f32 $1.000000000e+00, v31  }
0x2ed: {  	[tilespmem:v30+s21+$0x0] =	vst.idx.msk vm0, v6  }
0x2ee: {  	[tilespmem:v26+s21+$0x0] =	vst.idx.msk vm0, v5  }
0x2ef: {  	v5 =	vld [tilespmem:s23+$0x400]  }
0x2f0: {  	v6 =	vld [tilespmem:s23+$0x480]  }
0x2f1: {  	v32 =	vld [tilespmem:s23+$0x580]  }
0x2f2: {  	v33 =	vld [tilespmem:s23+$0x500];
	_ =	sdelay $0x3  }
0x2f3: {  	v34 =	vadd.f32 v32, v6  }
0x2f4: {  	v35 =	vadd.f32 v33, v5  }
0x2f5: {  	v9 =	vmul.f32 $5.000000000e-01, v34  }
0x2f6: {  	v10 =	vmul.f32 $5.000000000e-01, v35  }
0x2f7: {  	v9 =	vmul.f32 $1.400000000e+01, v9  }
0x2f8: {  	v10 =	vmul.f32 $1.400000000e+01, v10  }
0x2f9: {  	v36 =	vtrunc.f32 v9  }
0x2fa: {  	v37 =	vtrunc.f32 v10;
	v11 =	vcvt.f32.s32 v36  }
0x2fb: {  	v12 =	vcvt.f32.s32 v37  }
0x2fc: {  	vm4 =	vgt.s32 v11, $0x0  }
0x2fd: {  	vm5 =	vgt.s32 v12, $0x0;
	v11 =	vnsel vm4, $0x0, v11  }
0x2fe: {  	v12 =	vnsel vm5, $0x0, v12;
	v11 =	vmin.u32 v11, $0xD  }
0x2ff: {  	v12 =	vmin.u32 v12, $0xD;
	v38 =	vmul.u32 $0xE, v11  }
0x300: {  	v39 =	vor.u32 v0, v12  }
0x301: {  	v13 =	vadd.s32 v38, v39  }
0x302: {  	vm6 =	vgt.s32 v13, $0x0  }
0x303: {  	v14 =	vnsel vm6, $0x0, v13  }
0x304: {  	v14 =	vmin.u32 v14, $0x23  }
0x305: {  	v14 =	vshll.u32 v14, $0x7  }
0x306: {  	v40 =	vadd.s32 v4, v14  }
0x307: {  	v41 =	vadd.s32 $0x5000, v40;
	_ =	sdelay $0x4  }
0x308: {  	v17 =	vld.idx.msk [tilespmem:v41+s21+$0x0], $0xffff;
	_ =	sdelay $0x3  }
0x309: {  	vm7 =	vgt.s32 v13, $0xFFFFFFFF;
	vm8 =	vlt.s32 v13, v1  }
0x30a: {  	vm0 =	vmand vm7, vm8;
	vm9 =	veq.f32 v17, $0.0e+00  }
0x30b: {  	vm0 =	vmand vm9, vm0  }
0x30c: {  	v42 =	vld [tilespmem:s24+$0x100];
	v14 =	vor.u32 v4, v14  }
0x30d: {  	v12 =	vcvt.s32.f32 v12;
	v43 =	vadd.s32 $0x1400, v40  }
0x30e: {  	v11 =	vcvt.s32.f32 v11;
	v44 =	vadd.s32 $0x2800, v40  }
0x30f: {  	v10 =	vsub.f32 v10, v12;
	v45 =	vadd.s32 $0x3C00, v40  }
0x310: {  	v9 =	vsub.f32 v9, v11  }
0x311: {  	v5 =	vsub.f32 v33, v5;
	v46 =	vcvt.s32.f32 v42;
	[tilespmem:v14+s21+$0x0] =	vst.idx.msk vm0, v10  }
0x312: {  	v6 =	vsub.f32 v32, v6;
	[tilespmem:v43+s21+$0x0] =	vst.idx.msk vm0, v9  }
0x313: {  	[tilespmem:v44+s21+$0x0] =	vst.idx.msk vm0, v5;
	v5 =	vadd.f32 $1.000000000e+00, v46  }
0x314: {  	[tilespmem:v45+s21+$0x0] =	vst.idx.msk vm0, v6  }
0x315: {  	[tilespmem:v41+s21+$0x0] =	vst.idx.msk vm0, v5  }
0x316: {  	v5 =	vld [tilespmem:s23+$0x600]  }
0x317: {  	v6 =	vld [tilespmem:s23+$0x680]  }
0x318: {  	v47 =	vld [tilespmem:s23+$0x780]  }
0x319: {  	v48 =	vld [tilespmem:s23+$0x700];
	_ =	sdelay $0x3  }
0x31a: {  	v49 =	vadd.f32 v47, v6  }
0x31b: {  	v50 =	vadd.f32 v48, v5  }
0x31c: {  	v9 =	vmul.f32 $5.000000000e-01, v49  }
0x31d: {  	v10 =	vmul.f32 $5.000000000e-01, v50  }
0x31e: {  	v9 =	vmul.f32 $1.400000000e+01, v9  }
0x31f: {  	v10 =	vmul.f32 $1.400000000e+01, v10  }
0x320: {  	v51 =	vtrunc.f32 v9  }
0x321: {  	v52 =	vtrunc.f32 v10;
	v11 =	vcvt.f32.s32 v51  }
0x322: {  	v12 =	vcvt.f32.s32 v52  }
0x323: {  	vm10 =	vgt.s32 v11, $0x0  }
0x324: {  	vm11 =	vgt.s32 v12, $0x0;
	v11 =	vnsel vm10, $0x0, v11  }
0x325: {  	v12 =	vnsel vm11, $0x0, v12;
	v11 =	vmin.u32 v11, $0xD  }
0x326: {  	v12 =	vmin.u32 v12, $0xD;
	v53 =	vmul.u32 $0xE, v11  }
0x327: {  	v54 =	vor.u32 v0, v12  }
0x328: {  	v13 =	vadd.s32 v53, v54  }
0x329: {  	vm12 =	vgt.s32 v13, $0x0  }
0x32a: {  	v14 =	vnsel vm12, $0x0, v13  }
0x32b: {  	v14 =	vmin.u32 v14, $0x23  }
0x32c: {  	v14 =	vshll.u32 v14, $0x7  }
0x32d: {  	v55 =	vadd.s32 v4, v14  }
0x32e: {  	v56 =	vadd.s32 $0x5000, v55;
	_ =	sdelay $0x4  }
0x32f: {  	v17 =	vld.idx.msk [tilespmem:v56+s21+$0x0], $0xffff;
	_ =	sdelay $0x3  }
0x330: {  	vm13 =	vgt.s32 v13, $0xFFFFFFFF;
	vm14 =	vlt.s32 v13, v1  }
0x331: {  	vm0 =	vmand vm13, vm14;
	vm15 =	veq.f32 v17, $0.0e+00  }
0x332: {  	vm0 =	vmand vm15, vm0  }
0x333: {  	v57 =	vld [tilespmem:s24+$0x180];
	v14 =	vor.u32 v4, v14  }
0x334: {  	v12 =	vcvt.s32.f32 v12;
	v58 =	vadd.s32 $0x1400, v55  }
0x335: {  	v11 =	vcvt.s32.f32 v11;
	v59 =	vadd.s32 $0x2800, v55  }
0x336: {  	v10 =	vsub.f32 v10, v12;
	v60 =	vadd.s32 $0x3C00, v55  }
0x337: {  	v9 =	vsub.f32 v9, v11  }
0x338: {  	v5 =	vsub.f32 v48, v5;
	v61 =	vcvt.s32.f32 v57;
	[tilespmem:v14+s21+$0x0] =	vst.idx.msk vm0, v10  }
0x339: {  	v6 =	vsub.f32 v47, v6;
	[tilespmem:v58+s21+$0x0] =	vst.idx.msk vm0, v9  }
0x33a: {  	[tilespmem:v59+s21+$0x0] =	vst.idx.msk vm0, v5;
	v5 =	vadd.f32 $1.000000000e+00, v61  }
0x33b: {  	[tilespmem:v60+s21+$0x0] =	vst.idx.msk vm0, v6  }
0x33c: {  	[tilespmem:v56+s21+$0x0] =	vst.idx.msk vm0, v5  }
0x33d: {  	v5 =	vld [tilespmem:s23+$0x800]  }
0x33e: {  	v6 =	vld [tilespmem:s23+$0x880]  }
0x33f: {  	v62 =	vld [tilespmem:s23+$0x980]  }
0x340: {  	v63 =	vld [tilespmem:s23+$0x900];
	_ =	sdelay $0x3  }
0x341: {  	v19 =	vadd.f32 v62, v6  }
0x342: {  	v20 =	vadd.f32 v63, v5  }
0x343: {  	v9 =	vmul.f32 $5.000000000e-01, v19  }
0x344: {  	v10 =	vmul.f32 $5.000000000e-01, v20  }
0x345: {  	v9 =	vmul.f32 $1.400000000e+01, v9  }
0x346: {  	v10 =	vmul.f32 $1.400000000e+01, v10  }
0x347: {  	v21 =	vtrunc.f32 v9  }
0x348: {  	v22 =	vtrunc.f32 v10;
	v11 =	vcvt.f32.s32 v21  }
0x349: {  	v12 =	vcvt.f32.s32 v22  }
0x34a: {  	vm4 =	vgt.s32 v11, $0x0  }
0x34b: {  	vm5 =	vgt.s32 v12, $0x0;
	v11 =	vnsel vm4, $0x0, v11  }
0x34c: {  	v12 =	vnsel vm5, $0x0, v12;
	v11 =	vmin.u32 v11, $0xD  }
0x34d: {  	v12 =	vmin.u32 v12, $0xD;
	v23 =	vmul.u32 $0xE, v11  }
0x34e: {  	v24 =	vor.u32 v0, v12  }
0x34f: {  	v13 =	vadd.s32 v23, v24  }
0x350: {  	vm6 =	vgt.s32 v13, $0x0  }
0x351: {  	v14 =	vnsel vm6, $0x0, v13  }
0x352: {  	v14 =	vmin.u32 v14, $0x23  }
0x353: {  	v14 =	vshll.u32 v14, $0x7  }
0x354: {  	v25 =	vadd.s32 v4, v14  }
0x355: {  	v26 =	vadd.s32 $0x5000, v25;
	_ =	sdelay $0x4  }
0x356: {  	v17 =	vld.idx.msk [tilespmem:v26+s21+$0x0], $0xffff;
	_ =	sdelay $0x3  }
0x357: {  	vm7 =	vgt.s32 v13, $0xFFFFFFFF;
	vm8 =	vlt.s32 v13, v1  }
0x358: {  	vm0 =	vmand vm7, vm8;
	vm9 =	veq.f32 v17, $0.0e+00  }
0x359: {  	vm0 =	vmand vm9, vm0  }
0x35a: {  	v27 =	vld [tilespmem:s24+$0x200];
	v14 =	vor.u32 v4, v14  }
0x35b: {  	v12 =	vcvt.s32.f32 v12;
	v28 =	vadd.s32 $0x1400, v25  }
0x35c: {  	v11 =	vcvt.s32.f32 v11;
	v29 =	vadd.s32 $0x2800, v25  }
0x35d: {  	v10 =	vsub.f32 v10, v12;
	v30 =	vadd.s32 $0x3C00, v25  }
0x35e: {  	v9 =	vsub.f32 v9, v11  }
0x35f: {  	v5 =	vsub.f32 v63, v5;
	v31 =	vcvt.s32.f32 v27;
	[tilespmem:v14+s21+$0x0] =	vst.idx.msk vm0, v10  }
0x360: {  	v6 =	vsub.f32 v62, v6;
	[tilespmem:v28+s21+$0x0] =	vst.idx.msk vm0, v9  }
0x361: {  	[tilespmem:v29+s21+$0x0] =	vst.idx.msk vm0, v5;
	v5 =	vadd.f32 $1.000000000e+00, v31  }
0x362: {  	[tilespmem:v30+s21+$0x0] =	vst.idx.msk vm0, v6  }
0x363: {  	[tilespmem:v26+s21+$0x0] =	vst.idx.msk vm0, v5  }
0x364: {  	v5 =	vld [tilespmem:s23+$0xA00]  }
0x365: {  	v6 =	vld [tilespmem:s23+$0xA80]  }
0x366: {  	v32 =	vld [tilespmem:s23+$0xB80]  }
0x367: {  	v33 =	vld [tilespmem:s23+$0xB00];
	_ =	sdelay $0x3  }
0x368: {  	v34 =	vadd.f32 v32, v6  }
0x369: {  	v35 =	vadd.f32 v33, v5  }
0x36a: {  	v9 =	vmul.f32 $5.000000000e-01, v34  }
0x36b: {  	v10 =	vmul.f32 $5.000000000e-01, v35  }
0x36c: {  	v9 =	vmul.f32 $1.400000000e+01, v9  }
0x36d: {  	v10 =	vmul.f32 $1.400000000e+01, v10  }
0x36e: {  	v36 =	vtrunc.f32 v9  }
0x36f: {  	v37 =	vtrunc.f32 v10;
	v11 =	vcvt.f32.s32 v36  }
0x370: {  	v12 =	vcvt.f32.s32 v37  }
0x371: {  	vm10 =	vgt.s32 v11, $0x0  }
0x372: {  	vm11 =	vgt.s32 v12, $0x0;
	v11 =	vnsel vm10, $0x0, v11  }
0x373: {  	v12 =	vnsel vm11, $0x0, v12;
	v11 =	vmin.u32 v11, $0xD  }
0x374: {  	v12 =	vmin.u32 v12, $0xD;
	v38 =	vmul.u32 $0xE, v11  }
0x375: {  	v39 =	vor.u32 v0, v12  }
0x376: {  	v13 =	vadd.s32 v38, v39  }
0x377: {  	vm12 =	vgt.s32 v13, $0x0  }
0x378: {  	v14 =	vnsel vm12, $0x0, v13  }
0x379: {  	v14 =	vmin.u32 v14, $0x23  }
0x37a: {  	v14 =	vshll.u32 v14, $0x7  }
0x37b: {  	v40 =	vadd.s32 v4, v14  }
0x37c: {  	v41 =	vadd.s32 $0x5000, v40;
	_ =	sdelay $0x4  }
0x37d: {  	v17 =	vld.idx.msk [tilespmem:v41+s21+$0x0], $0xffff;
	_ =	sdelay $0x3  }
0x37e: {  	vm13 =	vgt.s32 v13, $0xFFFFFFFF;
	vm14 =	vlt.s32 v13, v1  }
0x37f: {  	vm0 =	vmand vm13, vm14;
	vm15 =	veq.f32 v17, $0.0e+00  }
0x380: {  	vm0 =	vmand vm15, vm0  }
0x381: {  	v42 =	vld [tilespmem:s24+$0x280];
	v14 =	vor.u32 v4, v14  }
0x382: {  	v12 =	vcvt.s32.f32 v12;
	v43 =	vadd.s32 $0x1400, v40  }
0x383: {  	v11 =	vcvt.s32.f32 v11;
	v44 =	vadd.s32 $0x2800, v40  }
0x384: {  	v10 =	vsub.f32 v10, v12;
	v45 =	vadd.s32 $0x3C00, v40  }
0x385: {  	v9 =	vsub.f32 v9, v11  }
0x386: {  	v5 =	vsub.f32 v33, v5;
	v46 =	vcvt.s32.f32 v42;
	[tilespmem:v14+s21+$0x0] =	vst.idx.msk vm0, v10  }
0x387: {  	v6 =	vsub.f32 v32, v6;
	[tilespmem:v43+s21+$0x0] =	vst.idx.msk vm0, v9  }
0x388: {  	[tilespmem:v44+s21+$0x0] =	vst.idx.msk vm0, v5;
	v5 =	vadd.f32 $1.000000000e+00, v46  }
0x389: {  	[tilespmem:v45+s21+$0x0] =	vst.idx.msk vm0, v6  }
0x38a: {  	[tilespmem:v41+s21+$0x0] =	vst.idx.msk vm0, v5  }
0x38b: {  	v5 =	vld [tilespmem:s23+$0xC00]  }
0x38c: {  	v6 =	vld [tilespmem:s23+$0xC80]  }
0x38d: {  	v47 =	vld [tilespmem:s23+$0xD80]  }
0x38e: {  	v48 =	vld [tilespmem:s23+$0xD00];
	_ =	sdelay $0x3  }
0x38f: {  	v49 =	vadd.f32 v47, v6  }
0x390: {  	v50 =	vadd.f32 v48, v5  }
0x391: {  	v9 =	vmul.f32 $5.000000000e-01, v49  }
0x392: {  	v10 =	vmul.f32 $5.000000000e-01, v50  }
0x393: {  	v9 =	vmul.f32 $1.400000000e+01, v9  }
0x394: {  	v10 =	vmul.f32 $1.400000000e+01, v10  }
0x395: {  	v51 =	vtrunc.f32 v9  }
0x396: {  	v52 =	vtrunc.f32 v10;
	v11 =	vcvt.f32.s32 v51  }
0x397: {  	v12 =	vcvt.f32.s32 v52  }
0x398: {  	vm4 =	vgt.s32 v11, $0x0  }
0x399: {  	vm5 =	vgt.s32 v12, $0x0;
	v11 =	vnsel vm4, $0x0, v11  }
0x39a: {  	v12 =	vnsel vm5, $0x0, v12;
	v11 =	vmin.u32 v11, $0xD  }
0x39b: {  	v12 =	vmin.u32 v12, $0xD;
	v53 =	vmul.u32 $0xE, v11  }
0x39c: {  	v54 =	vor.u32 v0, v12  }
0x39d: {  	v13 =	vadd.s32 v53, v54  }
0x39e: {  	vm6 =	vgt.s32 v13, $0x0  }
0x39f: {  	v14 =	vnsel vm6, $0x0, v13  }
0x3a0: {  	v14 =	vmin.u32 v14, $0x23  }
0x3a1: {  	v14 =	vshll.u32 v14, $0x7  }
0x3a2: {  	v55 =	vadd.s32 v4, v14  }
0x3a3: {  	v56 =	vadd.s32 $0x5000, v55;
	_ =	sdelay $0x4  }
0x3a4: {  	v17 =	vld.idx.msk [tilespmem:v56+s21+$0x0], $0xffff;
	_ =	sdelay $0x3  }
0x3a5: {  	vm7 =	vgt.s32 v13, $0xFFFFFFFF;
	vm8 =	vlt.s32 v13, v1  }
0x3a6: {  	vm0 =	vmand vm7, vm8;
	vm9 =	veq.f32 v17, $0.0e+00  }
0x3a7: {  	vm0 =	vmand vm9, vm0  }
0x3a8: {  	v57 =	vld [tilespmem:s24+$0x300];
	v14 =	vor.u32 v4, v14  }
0x3a9: {  	v12 =	vcvt.s32.f32 v12;
	v58 =	vadd.s32 $0x1400, v55  }
0x3aa: {  	v11 =	vcvt.s32.f32 v11;
	v59 =	vadd.s32 $0x2800, v55  }
0x3ab: {  	v10 =	vsub.f32 v10, v12;
	v60 =	vadd.s32 $0x3C00, v55  }
0x3ac: {  	v9 =	vsub.f32 v9, v11  }
0x3ad: {  	v5 =	vsub.f32 v48, v5;
	v61 =	vcvt.s32.f32 v57;
	[tilespmem:v14+s21+$0x0] =	vst.idx.msk vm0, v10  }
0x3ae: {  	v6 =	vsub.f32 v47, v6;
	[tilespmem:v58+s21+$0x0] =	vst.idx.msk vm0, v9  }
0x3af: {  	[tilespmem:v59+s21+$0x0] =	vst.idx.msk vm0, v5;
	v5 =	vadd.f32 $1.000000000e+00, v61  }
0x3b0: {  	[tilespmem:v60+s21+$0x0] =	vst.idx.msk vm0, v6  }
0x3b1: {  	[tilespmem:v56+s21+$0x0] =	vst.idx.msk vm0, v5  }
0x3b2: {  	v5 =	vld [tilespmem:s23+$0xE00]  }
0x3b3: {  	v6 =	vld [tilespmem:s23+$0xE80]  }
0x3b4: {  	v62 =	vld [tilespmem:s23+$0xF80]  }
0x3b5: {  	v63 =	vld [tilespmem:s23+$0xF00];
	_ =	sdelay $0x3  }
0x3b6: {  	v19 =	vadd.f32 v62, v6  }
0x3b7: {  	v20 =	vadd.f32 v63, v5  }
0x3b8: {  	v9 =	vmul.f32 $5.000000000e-01, v19  }
0x3b9: {  	v10 =	vmul.f32 $5.000000000e-01, v20  }
0x3ba: {  	v9 =	vmul.f32 $1.400000000e+01, v9  }
0x3bb: {  	v10 =	vmul.f32 $1.400000000e+01, v10  }
0x3bc: {  	v21 =	vtrunc.f32 v9  }
0x3bd: {  	v22 =	vtrunc.f32 v10;
	v11 =	vcvt.f32.s32 v21  }
0x3be: {  	v12 =	vcvt.f32.s32 v22  }
0x3bf: {  	vm10 =	vgt.s32 v11, $0x0  }
0x3c0: {  	vm11 =	vgt.s32 v12, $0x0;
	v11 =	vnsel vm10, $0x0, v11  }
0x3c1: {  	v12 =	vnsel vm11, $0x0, v12;
	v11 =	vmin.u32 v11, $0xD  }
0x3c2: {  	v12 =	vmin.u32 v12, $0xD;
	v23 =	vmul.u32 $0xE, v11  }
0x3c3: {  	v24 =	vor.u32 v0, v12  }
0x3c4: {  	v13 =	vadd.s32 v23, v24  }
0x3c5: {  	vm12 =	vgt.s32 v13, $0x0  }
0x3c6: {  	v14 =	vnsel vm12, $0x0, v13  }
0x3c7: {  	v14 =	vmin.u32 v14, $0x23  }
0x3c8: {  	v14 =	vshll.u32 v14, $0x7  }
0x3c9: {  	v25 =	vadd.s32 v4, v14  }
0x3ca: {  	v26 =	vadd.s32 $0x5000, v25;
	_ =	sdelay $0x4  }
0x3cb: {  	v17 =	vld.idx.msk [tilespmem:v26+s21+$0x0], $0xffff;
	_ =	sdelay $0x3  }
0x3cc: {  	vm13 =	vgt.s32 v13, $0xFFFFFFFF;
	vm14 =	vlt.s32 v13, v1  }
0x3cd: {  	vm0 =	vmand vm13, vm14;
	vm15 =	veq.f32 v17, $0.0e+00  }
0x3ce: {  	vm0 =	vmand vm15, vm0  }
0x3cf: {  	v27 =	vld [tilespmem:s24+$0x380];
	v14 =	vor.u32 v4, v14  }
0x3d0: {  	v12 =	vcvt.s32.f32 v12;
	v28 =	vadd.s32 $0x1400, v25  }
0x3d1: {  	v11 =	vcvt.s32.f32 v11;
	v29 =	vadd.s32 $0x2800, v25  }
0x3d2: {  	v10 =	vsub.f32 v10, v12;
	v30 =	vadd.s32 $0x3C00, v25  }
0x3d3: {  	v9 =	vsub.f32 v9, v11  }
0x3d4: {  	v5 =	vsub.f32 v63, v5;
	v31 =	vcvt.s32.f32 v27;
	[tilespmem:v14+s21+$0x0] =	vst.idx.msk vm0, v10  }
0x3d5: {  	v6 =	vsub.f32 v62, v6;
	[tilespmem:v28+s21+$0x0] =	vst.idx.msk vm0, v9  }
0x3d6: {  	[tilespmem:v29+s21+$0x0] =	vst.idx.msk vm0, v5;
	v5 =	vadd.f32 $1.000000000e+00, v31  }
0x3d7: {  	[tilespmem:v30+s21+$0x0] =	vst.idx.msk vm0, v6  }
0x3d8: {  	[tilespmem:v26+s21+$0x0] =	vst.idx.msk vm0, v5  }
0x3d9: {  	v5 =	vld [tilespmem:s23+$0x1000]  }
0x3da: {  	v6 =	vld [tilespmem:s23+$0x1080]  }
0x3db: {  	v32 =	vld [tilespmem:s23+$0x1180]  }
0x3dc: {  	v33 =	vld [tilespmem:s23+$0x1100];
	_ =	sdelay $0x3  }
0x3dd: {  	v34 =	vadd.f32 v32, v6  }
0x3de: {  	v35 =	vadd.f32 v33, v5  }
0x3df: {  	v9 =	vmul.f32 $5.000000000e-01, v34  }
0x3e0: {  	v10 =	vmul.f32 $5.000000000e-01, v35  }
0x3e1: {  	v9 =	vmul.f32 $1.400000000e+01, v9  }
0x3e2: {  	v10 =	vmul.f32 $1.400000000e+01, v10  }
0x3e3: {  	v36 =	vtrunc.f32 v9  }
0x3e4: {  	v37 =	vtrunc.f32 v10;
	v11 =	vcvt.f32.s32 v36  }
0x3e5: {  	v12 =	vcvt.f32.s32 v37  }
0x3e6: {  	vm4 =	vgt.s32 v11, $0x0  }
0x3e7: {  	vm5 =	vgt.s32 v12, $0x0;
	v11 =	vnsel vm4, $0x0, v11  }
0x3e8: {  	v12 =	vnsel vm5, $0x0, v12;
	v11 =	vmin.u32 v11, $0xD  }
0x3e9: {  	v12 =	vmin.u32 v12, $0xD;
	v38 =	vmul.u32 $0xE, v11  }
0x3ea: {  	v39 =	vor.u32 v0, v12  }
0x3eb: {  	v13 =	vadd.s32 v38, v39  }
0x3ec: {  	vm6 =	vgt.s32 v13, $0x0  }
0x3ed: {  	v14 =	vnsel vm6, $0x0, v13  }
0x3ee: {  	v14 =	vmin.u32 v14, $0x23  }
0x3ef: {  	v14 =	vshll.u32 v14, $0x7  }
0x3f0: {  	v40 =	vadd.s32 v4, v14  }
0x3f1: {  	v41 =	vadd.s32 $0x5000, v40;
	_ =	sdelay $0x4  }
0x3f2: {  	v17 =	vld.idx.msk [tilespmem:v41+s21+$0x0], $0xffff;
	_ =	sdelay $0x3  }
0x3f3: {  	vm7 =	vgt.s32 v13, $0xFFFFFFFF;
	vm8 =	vlt.s32 v13, v1  }
0x3f4: {  	vm0 =	vmand vm7, vm8;
	vm9 =	veq.f32 v17, $0.0e+00  }
0x3f5: {  	vm0 =	vmand vm9, vm0  }
0x3f6: {  	v42 =	vld [tilespmem:s24+$0x400];
	v14 =	vor.u32 v4, v14  }
0x3f7: {  	v12 =	vcvt.s32.f32 v12;
	v43 =	vadd.s32 $0x1400, v40  }
0x3f8: {  	v11 =	vcvt.s32.f32 v11;
	v44 =	vadd.s32 $0x2800, v40  }
0x3f9: {  	v10 =	vsub.f32 v10, v12;
	v45 =	vadd.s32 $0x3C00, v40  }
0x3fa: {  	v9 =	vsub.f32 v9, v11  }
0x3fb: {  	v5 =	vsub.f32 v33, v5;
	v46 =	vcvt.s32.f32 v42;
	[tilespmem:v14+s21+$0x0] =	vst.idx.msk vm0, v10  }
0x3fc: {  	v6 =	vsub.f32 v32, v6;
	[tilespmem:v43+s21+$0x0] =	vst.idx.msk vm0, v9  }
0x3fd: {  	[tilespmem:v44+s21+$0x0] =	vst.idx.msk vm0, v5;
	v5 =	vadd.f32 $1.000000000e+00, v46  }
0x3fe: {  	[tilespmem:v45+s21+$0x0] =	vst.idx.msk vm0, v6  }
0x3ff: {  	[tilespmem:v41+s21+$0x0] =	vst.idx.msk vm0, v5  }
0x400: {  	v5 =	vld [tilespmem:s23+$0x1200]  }
0x401: {  	v6 =	vld [tilespmem:s23+$0x1280]  }
0x402: {  	v47 =	vld [tilespmem:s23+$0x1380]  }
0x403: {  	v48 =	vld [tilespmem:s23+$0x1300];
	_ =	sdelay $0x3  }
0x404: {  	v49 =	vadd.f32 v47, v6  }
0x405: {  	v50 =	vadd.f32 v48, v5  }
0x406: {  	v9 =	vmul.f32 $5.000000000e-01, v49  }
0x407: {  	v10 =	vmul.f32 $5.000000000e-01, v50  }
0x408: {  	v9 =	vmul.f32 $1.400000000e+01, v9  }
0x409: {  	v10 =	vmul.f32 $1.400000000e+01, v10  }
0x40a: {  	v51 =	vtrunc.f32 v9  }
0x40b: {  	v52 =	vtrunc.f32 v10;
	v11 =	vcvt.f32.s32 v51  }
0x40c: {  	v12 =	vcvt.f32.s32 v52  }
0x40d: {  	vm10 =	vgt.s32 v11, $0x0  }
0x40e: {  	vm11 =	vgt.s32 v12, $0x0;
	v11 =	vnsel vm10, $0x0, v11  }
0x40f: {  	v12 =	vnsel vm11, $0x0, v12;
	v11 =	vmin.u32 v11, $0xD  }
0x410: {  	v12 =	vmin.u32 v12, $0xD;
	v53 =	vmul.u32 $0xE, v11  }
0x411: {  	v54 =	vor.u32 v0, v12  }
0x412: {  	v13 =	vadd.s32 v53, v54  }
0x413: {  	vm12 =	vgt.s32 v13, $0x0  }
0x414: {  	v14 =	vnsel vm12, $0x0, v13  }
0x415: {  	v14 =	vmin.u32 v14, $0x23  }
0x416: {  	v14 =	vshll.u32 v14, $0x7  }
0x417: {  	v55 =	vadd.s32 v4, v14  }
0x418: {  	v56 =	vadd.s32 $0x5000, v55;
	_ =	sdelay $0x4  }
0x419: {  	v17 =	vld.idx.msk [tilespmem:v56+s21+$0x0], $0xffff;
	_ =	sdelay $0x3  }
0x41a: {  	vm13 =	vgt.s32 v13, $0xFFFFFFFF;
	vm14 =	vlt.s32 v13, v1  }
0x41b: {  	vm0 =	vmand vm13, vm14;
	vm15 =	veq.f32 v17, $0.0e+00  }
0x41c: {  	vm0 =	vmand vm15, vm0  }
0x41d: {  	v57 =	vld [tilespmem:s24+$0x480];
	v14 =	vor.u32 v4, v14  }
0x41e: {  	v12 =	vcvt.s32.f32 v12;
	v58 =	vadd.s32 $0x1400, v55  }
0x41f: {  	v11 =	vcvt.s32.f32 v11;
	v59 =	vadd.s32 $0x2800, v55  }
0x420: {  	v10 =	vsub.f32 v10, v12;
	v60 =	vadd.s32 $0x3C00, v55  }
0x421: {  	v9 =	vsub.f32 v9, v11  }
0x422: {  	v5 =	vsub.f32 v48, v5;
	v61 =	vcvt.s32.f32 v57;
	[tilespmem:v14+s21+$0x0] =	vst.idx.msk vm0, v10  }
0x423: {  	v6 =	vsub.f32 v47, v6;
	[tilespmem:v58+s21+$0x0] =	vst.idx.msk vm0, v9  }
0x424: {  	[tilespmem:v59+s21+$0x0] =	vst.idx.msk vm0, v5;
	v5 =	vadd.f32 $1.000000000e+00, v61  }
0x425: {  	[tilespmem:v60+s21+$0x0] =	vst.idx.msk vm0, v6  }
0x426: {  	[tilespmem:v56+s21+$0x0] =	vst.idx.msk vm0, v5  }
0x427: {  	v5 =	vld [tilespmem:s23+$0x1400]  }
0x428: {  	v6 =	vld [tilespmem:s23+$0x1480]  }
0x429: {  	v62 =	vld [tilespmem:s23+$0x1580]  }
0x42a: {  	v63 =	vld [tilespmem:s23+$0x1500];
	_ =	sdelay $0x3  }
0x42b: {  	v20 =	vadd.f32 v62, v6  }
0x42c: {  	v21 =	vadd.f32 v63, v5  }
0x42d: {  	v9 =	vmul.f32 $5.000000000e-01, v20  }
0x42e: {  	v10 =	vmul.f32 $5.000000000e-01, v21  }
0x42f: {  	v9 =	vmul.f32 $1.400000000e+01, v9  }
0x430: {  	v10 =	vmul.f32 $1.400000000e+01, v10  }
0x431: {  	v22 =	vtrunc.f32 v9  }
0x432: {  	v23 =	vtrunc.f32 v10;
	v11 =	vcvt.f32.s32 v22  }
0x433: {  	v12 =	vcvt.f32.s32 v23  }
0x434: {  	vm4 =	vgt.s32 v11, $0x0  }
0x435: {  	vm5 =	vgt.s32 v12, $0x0;
	v11 =	vnsel vm4, $0x0, v11  }
0x436: {  	v12 =	vnsel vm5, $0x0, v12;
	v11 =	vmin.u32 v11, $0xD  }
0x437: {  	v12 =	vmin.u32 v12, $0xD;
	v24 =	vmul.u32 $0xE, v11  }
0x438: {  	v25 =	vor.u32 v0, v12  }
0x439: {  	v13 =	vadd.s32 v24, v25  }
0x43a: {  	vm6 =	vgt.s32 v13, $0x0  }
0x43b: {  	v14 =	vnsel vm6, $0x0, v13  }
0x43c: {  	v14 =	vmin.u32 v14, $0x23  }
0x43d: {  	v14 =	vshll.u32 v14, $0x7  }
0x43e: {  	v26 =	vadd.s32 v4, v14  }
0x43f: {  	v27 =	vadd.s32 $0x5000, v26;
	_ =	sdelay $0x4  }
0x440: {  	v17 =	vld.idx.msk [tilespmem:v27+s21+$0x0], $0xffff;
	_ =	sdelay $0x3  }
0x441: {  	vm7 =	vgt.s32 v13, $0xFFFFFFFF;
	vm8 =	vlt.s32 v13, v1  }
0x442: {  	vm0 =	vmand vm7, vm8;
	vm9 =	veq.f32 v17, $0.0e+00  }
0x443: {  	vm0 =	vmand vm9, vm0  }
0x444: {  	v28 =	vld [tilespmem:s24+$0x500];
	v14 =	vor.u32 v4, v14  }
0x445: {  	v12 =	vcvt.s32.f32 v12;
	v29 =	vadd.s32 $0x1400, v26  }
0x446: {  	v11 =	vcvt.s32.f32 v11;
	v30 =	vadd.s32 $0x2800, v26  }
0x447: {  	v10 =	vsub.f32 v10, v12;
	v31 =	vadd.s32 $0x3C00, v26  }
0x448: {  	v9 =	vsub.f32 v9, v11  }
0x449: {  	v5 =	vsub.f32 v63, v5;
	v32 =	vcvt.s32.f32 v28;
	[tilespmem:v14+s21+$0x0] =	vst.idx.msk vm0, v10  }
0x44a: {  	v6 =	vsub.f32 v62, v6;
	[tilespmem:v29+s21+$0x0] =	vst.idx.msk vm0, v9  }
0x44b: {  	[tilespmem:v30+s21+$0x0] =	vst.idx.msk vm0, v5;
	v5 =	vadd.f32 $1.000000000e+00, v32  }
0x44c: {  	[tilespmem:v31+s21+$0x0] =	vst.idx.msk vm0, v6  }
0x44d: {  	[tilespmem:v27+s21+$0x0] =	vst.idx.msk vm0, v5  }
0x44e: {  	v5 =	vld [tilespmem:s23+$0x1600]  }
0x44f: {  	v6 =	vld [tilespmem:s23+$0x1680]  }
0x450: {  	v33 =	vld [tilespmem:s23+$0x1780]  }
0x451: {  	v34 =	vld [tilespmem:s23+$0x1700];
	_ =	sdelay $0x3  }
0x452: {  	v35 =	vadd.f32 v33, v6  }
0x453: {  	v36 =	vadd.f32 v34, v5  }
0x454: {  	v9 =	vmul.f32 $5.000000000e-01, v35  }
0x455: {  	v10 =	vmul.f32 $5.000000000e-01, v36  }
0x456: {  	v9 =	vmul.f32 $1.400000000e+01, v9  }
0x457: {  	v10 =	vmul.f32 $1.400000000e+01, v10  }
0x458: {  	v37 =	vtrunc.f32 v9  }
0x459: {  	v38 =	vtrunc.f32 v10;
	v11 =	vcvt.f32.s32 v37  }
0x45a: {  	v12 =	vcvt.f32.s32 v38  }
0x45b: {  	vm10 =	vgt.s32 v11, $0x0  }
0x45c: {  	vm11 =	vgt.s32 v12, $0x0;
	v11 =	vnsel vm10, $0x0, v11  }
0x45d: {  	v12 =	vnsel vm11, $0x0, v12;
	v11 =	vmin.u32 v11, $0xD  }
0x45e: {  	v12 =	vmin.u32 v12, $0xD;
	v39 =	vmul.u32 $0xE, v11  }
0x45f: {  	v40 =	vor.u32 v0, v12  }
0x460: {  	v13 =	vadd.s32 v39, v40  }
0x461: {  	vm12 =	vgt.s32 v13, $0x0  }
0x462: {  	v14 =	vnsel vm12, $0x0, v13  }
0x463: {  	v14 =	vmin.u32 v14, $0x23  }
0x464: {  	v14 =	vshll.u32 v14, $0x7  }
0x465: {  	v41 =	vadd.s32 v4, v14  }
0x466: {  	v42 =	vadd.s32 $0x5000, v41;
	_ =	sdelay $0x4  }
0x467: {  	v17 =	vld.idx.msk [tilespmem:v42+s21+$0x0], $0xffff;
	_ =	sdelay $0x3  }
0x468: {  	vm13 =	vgt.s32 v13, $0xFFFFFFFF;
	vm14 =	vlt.s32 v13, v1  }
0x469: {  	vm0 =	vmand vm13, vm14;
	vm15 =	veq.f32 v17, $0.0e+00  }
0x46a: {  	vm0 =	vmand vm15, vm0  }
0x46b: {  	v43 =	vld [tilespmem:s24+$0x580];
	v14 =	vor.u32 v4, v14  }
0x46c: {  	v12 =	vcvt.s32.f32 v12;
	v44 =	vadd.s32 $0x1400, v41  }
0x46d: {  	v11 =	vcvt.s32.f32 v11;
	v45 =	vadd.s32 $0x2800, v41  }
0x46e: {  	v10 =	vsub.f32 v10, v12;
	v46 =	vadd.s32 $0x3C00, v41  }
0x46f: {  	v9 =	vsub.f32 v9, v11  }
0x470: {  	v5 =	vsub.f32 v34, v5;
	v47 =	vcvt.s32.f32 v43;
	[tilespmem:v14+s21+$0x0] =	vst.idx.msk vm0, v10  }
0x471: {  	v6 =	vsub.f32 v33, v6;
	[tilespmem:v44+s21+$0x0] =	vst.idx.msk vm0, v9  }
0x472: {  	[tilespmem:v45+s21+$0x0] =	vst.idx.msk vm0, v5;
	v5 =	vadd.f32 $1.000000000e+00, v47  }
0x473: {  	[tilespmem:v46+s21+$0x0] =	vst.idx.msk vm0, v6  }
0x474: {  	[tilespmem:v42+s21+$0x0] =	vst.idx.msk vm0, v5  }
0x475: {  	v5 =	vld [tilespmem:s23+$0x1800]  }
0x476: {  	v6 =	vld [tilespmem:s23+$0x1880]  }
0x477: {  	v48 =	vld [tilespmem:s23+$0x1980]  }
0x478: {  	v49 =	vld [tilespmem:s23+$0x1900];
	_ =	sdelay $0x3  }
0x479: {  	v50 =	vadd.f32 v48, v6  }
0x47a: {  	v51 =	vadd.f32 v49, v5  }
0x47b: {  	v9 =	vmul.f32 $5.000000000e-01, v50  }
0x47c: {  	v10 =	vmul.f32 $5.000000000e-01, v51  }
0x47d: {  	v9 =	vmul.f32 $1.400000000e+01, v9  }
0x47e: {  	v10 =	vmul.f32 $1.400000000e+01, v10  }
0x47f: {  	v52 =	vtrunc.f32 v9  }
0x480: {  	v53 =	vtrunc.f32 v10;
	v11 =	vcvt.f32.s32 v52  }
0x481: {  	v12 =	vcvt.f32.s32 v53  }
0x482: {  	vm4 =	vgt.s32 v11, $0x0  }
0x483: {  	vm5 =	vgt.s32 v12, $0x0;
	v11 =	vnsel vm4, $0x0, v11  }
0x484: {  	v12 =	vnsel vm5, $0x0, v12;
	v11 =	vmin.u32 v11, $0xD  }
0x485: {  	v12 =	vmin.u32 v12, $0xD;
	v54 =	vmul.u32 $0xE, v11  }
0x486: {  	v55 =	vor.u32 v0, v12  }
0x487: {  	v13 =	vadd.s32 v54, v55  }
0x488: {  	vm6 =	vgt.s32 v13, $0x0  }
0x489: {  	v14 =	vnsel vm6, $0x0, v13  }
0x48a: {  	v14 =	vmin.u32 v14, $0x23  }
0x48b: {  	v14 =	vshll.u32 v14, $0x7  }
0x48c: {  	v56 =	vadd.s32 v4, v14  }
0x48d: {  	v57 =	vadd.s32 $0x5000, v56;
	_ =	sdelay $0x4  }
0x48e: {  	v17 =	vld.idx.msk [tilespmem:v57+s21+$0x0], $0xffff;
	_ =	sdelay $0x3  }
0x48f: {  	vm7 =	vgt.s32 v13, $0xFFFFFFFF;
	vm8 =	vlt.s32 v13, v1  }
0x490: {  	vm0 =	vmand vm7, vm8;
	vm9 =	veq.f32 v17, $0.0e+00  }
0x491: {  	vm0 =	vmand vm9, vm0  }
0x492: {  	v58 =	vld [tilespmem:s24+$0x600];
	v14 =	vor.u32 v4, v14  }
0x493: {  	v12 =	vcvt.s32.f32 v12;
	v59 =	vadd.s32 $0x1400, v56  }
0x494: {  	v11 =	vcvt.s32.f32 v11;
	v60 =	vadd.s32 $0x2800, v56  }
0x495: {  	v10 =	vsub.f32 v10, v12;
	v61 =	vadd.s32 $0x3C00, v56  }
0x496: {  	v9 =	vsub.f32 v9, v11  }
0x497: {  	v5 =	vsub.f32 v49, v5;
	v62 =	vcvt.s32.f32 v58;
	[tilespmem:v14+s21+$0x0] =	vst.idx.msk vm0, v10  }
0x498: {  	v6 =	vsub.f32 v48, v6;
	[tilespmem:v59+s21+$0x0] =	vst.idx.msk vm0, v9  }
0x499: {  	[tilespmem:v60+s21+$0x0] =	vst.idx.msk vm0, v5;
	v5 =	vadd.f32 $1.000000000e+00, v62  }
0x49a: {  	[tilespmem:v61+s21+$0x0] =	vst.idx.msk vm0, v6  }
0x49b: {  	[tilespmem:v57+s21+$0x0] =	vst.idx.msk vm0, v5  }
0x49c: {  	v5 =	vld [tilespmem:s23+$0x1A00]  }
0x49d: {  	v6 =	vld [tilespmem:s23+$0x1A80]  }
0x49e: {  	v63 =	vld [tilespmem:s23+$0x1B80]  }
0x49f: {  	v21 =	vld [tilespmem:s23+$0x1B00];
	_ =	sdelay $0x3  }
0x4a0: {  	v22 =	vadd.f32 v63, v6  }
0x4a1: {  	v23 =	vadd.f32 v21, v5  }
0x4a2: {  	v9 =	vmul.f32 $5.000000000e-01, v22  }
0x4a3: {  	v10 =	vmul.f32 $5.000000000e-01, v23  }
0x4a4: {  	v9 =	vmul.f32 $1.400000000e+01, v9  }
0x4a5: {  	v10 =	vmul.f32 $1.400000000e+01, v10  }
0x4a6: {  	v24 =	vtrunc.f32 v9  }
0x4a7: {  	v25 =	vtrunc.f32 v10;
	v11 =	vcvt.f32.s32 v24  }
0x4a8: {  	v12 =	vcvt.f32.s32 v25  }
0x4a9: {  	vm10 =	vgt.s32 v11, $0x0  }
0x4aa: {  	vm11 =	vgt.s32 v12, $0x0;
	v11 =	vnsel vm10, $0x0, v11  }
0x4ab: {  	v12 =	vnsel vm11, $0x0, v12;
	v11 =	vmin.u32 v11, $0xD  }
0x4ac: {  	v12 =	vmin.u32 v12, $0xD;
	v26 =	vmul.u32 $0xE, v11  }
0x4ad: {  	v27 =	vor.u32 v0, v12  }
0x4ae: {  	v13 =	vadd.s32 v26, v27  }
0x4af: {  	vm12 =	vgt.s32 v13, $0x0  }
0x4b0: {  	v14 =	vnsel vm12, $0x0, v13  }
0x4b1: {  	v14 =	vmin.u32 v14, $0x23  }
0x4b2: {  	v14 =	vshll.u32 v14, $0x7  }
0x4b3: {  	v28 =	vadd.s32 v4, v14  }
0x4b4: {  	v29 =	vadd.s32 $0x5000, v28;
	_ =	sdelay $0x4  }
0x4b5: {  	v17 =	vld.idx.msk [tilespmem:v29+s21+$0x0], $0xffff;
	_ =	sdelay $0x3  }
0x4b6: {  	vm13 =	vgt.s32 v13, $0xFFFFFFFF;
	vm14 =	vlt.s32 v13, v1  }
0x4b7: {  	vm0 =	vmand vm13, vm14;
	vm15 =	veq.f32 v17, $0.0e+00  }
0x4b8: {  	vm0 =	vmand vm15, vm0  }
0x4b9: {  	v30 =	vld [tilespmem:s24+$0x680];
	v14 =	vor.u32 v4, v14  }
0x4ba: {  	v12 =	vcvt.s32.f32 v12;
	v31 =	vadd.s32 $0x1400, v28  }
0x4bb: {  	v11 =	vcvt.s32.f32 v11;
	v32 =	vadd.s32 $0x2800, v28  }
0x4bc: {  	v10 =	vsub.f32 v10, v12;
	v33 =	vadd.s32 $0x3C00, v28  }
0x4bd: {  	v9 =	vsub.f32 v9, v11  }
0x4be: {  	v5 =	vsub.f32 v21, v5;
	v34 =	vcvt.s32.f32 v30;
	[tilespmem:v14+s21+$0x0] =	vst.idx.msk vm0, v10  }
0x4bf: {  	v6 =	vsub.f32 v63, v6;
	[tilespmem:v31+s21+$0x0] =	vst.idx.msk vm0, v9  }
0x4c0: {  	[tilespmem:v32+s21+$0x0] =	vst.idx.msk vm0, v5;
	v5 =	vadd.f32 $1.000000000e+00, v34  }
0x4c1: {  	[tilespmem:v33+s21+$0x0] =	vst.idx.msk vm0, v6  }
0x4c2: {  	[tilespmem:v29+s21+$0x0] =	vst.idx.msk vm0, v5  }
0x4c3: {  	v5 =	vld [tilespmem:s23+$0x1C00]  }
0x4c4: {  	v6 =	vld [tilespmem:s23+$0x1C80]  }
0x4c5: {  	v35 =	vld [tilespmem:s23+$0x1D80]  }
0x4c6: {  	v36 =	vld [tilespmem:s23+$0x1D00];
	_ =	sdelay $0x3  }
0x4c7: {  	v37 =	vadd.f32 v35, v6  }
0x4c8: {  	v38 =	vadd.f32 v36, v5  }
0x4c9: {  	v9 =	vmul.f32 $5.000000000e-01, v37  }
0x4ca: {  	v10 =	vmul.f32 $5.000000000e-01, v38  }
0x4cb: {  	v9 =	vmul.f32 $1.400000000e+01, v9  }
0x4cc: {  	v10 =	vmul.f32 $1.400000000e+01, v10  }
0x4cd: {  	v39 =	vtrunc.f32 v9  }
0x4ce: {  	v40 =	vtrunc.f32 v10;
	v11 =	vcvt.f32.s32 v39  }
0x4cf: {  	v12 =	vcvt.f32.s32 v40  }
0x4d0: {  	vm4 =	vgt.s32 v11, $0x0  }
0x4d1: {  	vm5 =	vgt.s32 v12, $0x0;
	v11 =	vnsel vm4, $0x0, v11  }
0x4d2: {  	v12 =	vnsel vm5, $0x0, v12;
	v11 =	vmin.u32 v11, $0xD  }
0x4d3: {  	v12 =	vmin.u32 v12, $0xD;
	v41 =	vmul.u32 $0xE, v11  }
0x4d4: {  	v42 =	vor.u32 v0, v12  }
0x4d5: {  	v13 =	vadd.s32 v41, v42  }
0x4d6: {  	vm6 =	vgt.s32 v13, $0x0  }
0x4d7: {  	v14 =	vnsel vm6, $0x0, v13  }
0x4d8: {  	v14 =	vmin.u32 v14, $0x23  }
0x4d9: {  	v14 =	vshll.u32 v14, $0x7  }
0x4da: {  	v43 =	vadd.s32 v4, v14  }
0x4db: {  	v44 =	vadd.s32 $0x5000, v43;
	_ =	sdelay $0x4  }
0x4dc: {  	v17 =	vld.idx.msk [tilespmem:v44+s21+$0x0], $0xffff;
	_ =	sdelay $0x3  }
0x4dd: {  	vm7 =	vgt.s32 v13, $0xFFFFFFFF;
	vm8 =	vlt.s32 v13, v1  }
0x4de: {  	vm0 =	vmand vm7, vm8;
	vm9 =	veq.f32 v17, $0.0e+00  }
0x4df: {  	vm0 =	vmand vm9, vm0  }
0x4e0: {  	v45 =	vld [tilespmem:s24+$0x700];
	v14 =	vor.u32 v4, v14  }
0x4e1: {  	v12 =	vcvt.s32.f32 v12;
	v46 =	vadd.s32 $0x1400, v43  }
0x4e2: {  	v11 =	vcvt.s32.f32 v11;
	v47 =	vadd.s32 $0x2800, v43  }
0x4e3: {  	v10 =	vsub.f32 v10, v12;
	v48 =	vadd.s32 $0x3C00, v43  }
0x4e4: {  	v9 =	vsub.f32 v9, v11  }
0x4e5: {  	v5 =	vsub.f32 v36, v5;
	v49 =	vcvt.s32.f32 v45;
	[tilespmem:v14+s21+$0x0] =	vst.idx.msk vm0, v10  }
0x4e6: {  	v6 =	vsub.f32 v35, v6;
	[tilespmem:v46+s21+$0x0] =	vst.idx.msk vm0, v9  }
0x4e7: {  	[tilespmem:v47+s21+$0x0] =	vst.idx.msk vm0, v5;
	v5 =	vadd.f32 $1.000000000e+00, v49  }
0x4e8: {  	[tilespmem:v48+s21+$0x0] =	vst.idx.msk vm0, v6  }
0x4e9: {  	[tilespmem:v44+s21+$0x0] =	vst.idx.msk vm0, v5  }
0x4ea: {  	v5 =	vld [tilespmem:s23+$0x1E00]  }
0x4eb: {  	v6 =	vld [tilespmem:s23+$0x1E80]  }
0x4ec: {  	v50 =	vld [tilespmem:s23+$0x1F80]  }
0x4ed: {  	v51 =	vld [tilespmem:s23+$0x1F00];
	_ =	sdelay $0x3  }
0x4ee: {  	v52 =	vadd.f32 v50, v6  }
0x4ef: {  	v53 =	vadd.f32 v51, v5  }
0x4f0: {  	v9 =	vmul.f32 $5.000000000e-01, v52  }
0x4f1: {  	v10 =	vmul.f32 $5.000000000e-01, v53  }
0x4f2: {  	v9 =	vmul.f32 $1.400000000e+01, v9  }
0x4f3: {  	v10 =	vmul.f32 $1.400000000e+01, v10  }
0x4f4: {  	v54 =	vtrunc.f32 v9  }
0x4f5: {  	v55 =	vtrunc.f32 v10;
	v11 =	vcvt.f32.s32 v54  }
0x4f6: {  	v12 =	vcvt.f32.s32 v55  }
0x4f7: {  	vm10 =	vgt.s32 v11, $0x0  }
0x4f8: {  	vm11 =	vgt.s32 v12, $0x0;
	v11 =	vnsel vm10, $0x0, v11  }
0x4f9: {  	v12 =	vnsel vm11, $0x0, v12;
	v11 =	vmin.u32 v11, $0xD  }
0x4fa: {  	v12 =	vmin.u32 v12, $0xD;
	v56 =	vmul.u32 $0xE, v11  }
0x4fb: {  	v57 =	vor.u32 v0, v12  }
0x4fc: {  	v13 =	vadd.s32 v56, v57  }
0x4fd: {  	vm12 =	vgt.s32 v13, $0x0  }
0x4fe: {  	v14 =	vnsel vm12, $0x0, v13  }
0x4ff: {  	v14 =	vmin.u32 v14, $0x23  }
0x500: {  	v14 =	vshll.u32 v14, $0x7  }
0x501: {  	v58 =	vadd.s32 v4, v14  }
0x502: {  	v59 =	vadd.s32 $0x5000, v58;
	_ =	sdelay $0x4  }
0x503: {  	v17 =	vld.idx.msk [tilespmem:v59+s21+$0x0], $0xffff;
	_ =	sdelay $0x3  }
0x504: {  	vm13 =	vgt.s32 v13, $0xFFFFFFFF;
	vm14 =	vlt.s32 v13, v1  }
0x505: {  	vm0 =	vmand vm13, vm14;
	vm15 =	veq.f32 v17, $0.0e+00  }
0x506: {  	vm0 =	vmand vm15, vm0  }
0x507: {  	v60 =	vld [tilespmem:s24+$0x780];
	v4 =	vor.u32 v4, v14  }
0x508: {  	v12 =	vcvt.s32.f32 v12;
	v61 =	vadd.s32 $0x1400, v58  }
0x509: {  	v11 =	vcvt.s32.f32 v11;
	v62 =	vadd.s32 $0x2800, v58  }
0x50a: {  	v10 =	vsub.f32 v10, v12;
	v63 =	vadd.s32 $0x3C00, v58  }
0x50b: {  	p1 =	sne.s32 s22, $0x70;
	v9 =	vsub.f32 v9, v11  }
.Ltmp2:
0x50c: {  	[tilespmem:v4+s21+$0x0] =	vst.idx.msk vm0, v10;
	v4 =	vsub.f32 v51, v5;
	v5 =	vcvt.s32.f32 v60;
	(pc) =	sbr.rel @p1 .LBB2_5-.Ltmp2, $4  }
0x50d: {  	v6 =	vsub.f32 v50, v6;
	[tilespmem:v61+s21+$0x0] =	vst.idx.msk vm0, v9  }
0x50e: {  	[tilespmem:v62+s21+$0x0] =	vst.idx.msk vm0, v4;
	v4 =	vadd.f32 $1.000000000e+00, v5  }
0x50f: {  	[tilespmem:v63+s21+$0x0] =	vst.idx.msk vm0, v6  }
0x510: {  	s22 =	sadd.s32 $0x10, s22;
	s23 =	sadd.s32 $0x10, s23;
	s24 =	sadd.s32 $0x10, s24;
	[tilespmem:v59+s21+$0x0] =	vst.idx.msk vm0, v4  }
0x511: {  	s22 =	simm.s32 @p0 $0x400;
	s23 =	simm.s32 @p0 $0x800;
	s24 =	simm.s32 @p0 $0x5000  }
0x512: {  	[hbm4b:s8+s22] =	stream.strided.scatter @p0 [tilespmem:s24], [sflag:$0x3], $0x1400, s23, s22, $0x38;
	[tilespmem:$0xB400] =	vst v63  }
0x513: {  	s24 =	simm.s32 @p0 $0x3  }
0x514: {  	_ =	swait.ge @p0 [sflag:s24], $0x1400  }
0x515: {  	[sflag:s24] =	ssyncset.done @p0 $0x0  }
0x516: {  	s25 =	simm.s32 @p0 $0x6400;
	[sflag:s24] =	ssyncadd.s32 @p0 $0xFFFFEC00  }
0x517: {  	[hbm4b:s9+s22] =	stream.strided.scatter @p0 [tilespmem:s25], [sflag:$0x3], $0x1400, s23, s22, $0x38;
	[tilespmem:$0xB400] =	vst v63  }
0x518: {  	_ =	swait.ge @p0 [sflag:s24], $0x1400  }
0x519: {  	[sflag:s24] =	ssyncset.done @p0 $0x0  }
0x51a: {  	s25 =	simm.s32 @p0 $0x7800;
	[sflag:s24] =	ssyncadd.s32 @p0 $0xFFFFEC00  }
0x51b: {  	[hbm4b:s10+s22] =	stream.strided.scatter @p0 [tilespmem:s25], [sflag:$0x3], $0x1400, s23, s22, $0x38;
	[tilespmem:$0xB400] =	vst v63  }
0x51c: {  	_ =	swait.ge @p0 [sflag:s24], $0x1400  }
0x51d: {  	[sflag:s24] =	ssyncset.done @p0 $0x0  }
0x51e: {  	s25 =	simm.s32 @p0 $0x8C00;
	[sflag:s24] =	ssyncadd.s32 @p0 $0xFFFFEC00  }
0x51f: {  	[hbm4b:s11+s22] =	stream.strided.scatter @p0 [tilespmem:s25], [sflag:$0x3], $0x1400, s23, s22, $0x38;
	[tilespmem:$0xB400] =	vst v63  }
0x520: {  	_ =	swait.ge @p0 [sflag:s24], $0x1400  }
0x521: {  	[sflag:s24] =	ssyncset.done @p0 $0x0  }
0x522: {  	s25 =	simm.s32 @p0 $0xA000;
	[sflag:s24] =	ssyncadd.s32 @p0 $0xFFFFEC00  }
0x523: {  	[hbm4b:s12+s22] =	stream.strided.scatter @p0 [tilespmem:s25], [sflag:$0x3], $0x1400, s23, s22, $0x38;
	[tilespmem:$0xB400] =	vst v63  }
0x524: {  	_ =	swait.ge @p0 [sflag:s24], $0x1400  }
0x525: {  	s22 =	simm.s32 @!p0 $0x400;
	[sflag:s24] =	ssyncset.done @p0 $0x0  }
0x526: {  	s23 =	simm.s32 @!p0 $0x800;
	[sflag:s24] =	ssyncadd.s32 @p0 $0xFFFFEC00;
	s24 =	simm.s32 @!p0 $0x5000  }
0x527: {  	[hbm4b:s3+s22] =	stream.strided.scatter @!p0 [tilespmem:s24], [sflag:$0x3], $0x1000, s23, s22, $0x38;
	[tilespmem:$0xB400] =	vst v63  }
0x528: {  	s24 =	simm.s32 @!p0 $0x3  }
0x529: {  	_ =	swait.ge @!p0 [sflag:s24], $0x1000  }
0x52a: {  	[sflag:s24] =	ssyncset.done @!p0 $0x0  }
0x52b: {  	s25 =	simm.s32 @!p0 $0x6400;
	[sflag:s24] =	ssyncadd.s32 @!p0 $0xFFFFF000  }
0x52c: {  	[hbm4b:s4+s22] =	stream.strided.scatter @!p0 [tilespmem:s25], [sflag:$0x3], $0x1000, s23, s22, $0x38;
	[tilespmem:$0xB400] =	vst v63  }
0x52d: {  	_ =	swait.ge @!p0 [sflag:s24], $0x1000  }
0x52e: {  	[sflag:s24] =	ssyncset.done @!p0 $0x0  }
0x52f: {  	s25 =	simm.s32 @!p0 $0x7800;
	[sflag:s24] =	ssyncadd.s32 @!p0 $0xFFFFF000  }
0x530: {  	[hbm4b:s5+s22] =	stream.strided.scatter @!p0 [tilespmem:s25], [sflag:$0x3], $0x1000, s23, s22, $0x38;
	[tilespmem:$0xB400] =	vst v63  }
0x531: {  	_ =	swait.ge @!p0 [sflag:s24], $0x1000  }
0x532: {  	[sflag:s24] =	ssyncset.done @!p0 $0x0  }
0x533: {  	s25 =	simm.s32 @!p0 $0x8C00;
	[sflag:s24] =	ssyncadd.s32 @!p0 $0xFFFFF000  }
0x534: {  	[hbm4b:s6+s22] =	stream.strided.scatter @!p0 [tilespmem:s25], [sflag:$0x3], $0x1000, s23, s22, $0x38;
	[tilespmem:$0xB400] =	vst v63  }
0x535: {  	s2 =	sadd.s32 $0x1, s2;
	_ =	swait.ge @!p0 [sflag:s24], $0x1000  }
0x536: {  	p1 =	sne.s32 s2, s15;
	[sflag:s24] =	ssyncset.done @!p0 $0x0  }
.Ltmp3:
0x537: {  	s25 =	simm.s32 @!p0 $0xA000;
	[sflag:s24] =	ssyncadd.s32 @!p0 $0xFFFFF000;
	(pc) =	sbr.rel @p1 .LBB2_2-.Ltmp3, $4  }
0x538: {  	[hbm4b:s7+s22] =	stream.strided.scatter @!p0 [tilespmem:s25], [sflag:$0x3], $0x1000, s23, s22, $0x38;
	[tilespmem:$0xB400] =	vst v63  }
0x539: {  	_ =	swait.ge @!p0 [sflag:s24], $0x1000  }
0x53a: {  	[sflag:s24] =	ssyncset.done @!p0 $0x0  }
0x53b: {  	[sflag:s24] =	ssyncadd.s32 @!p0 $0xFFFFF000  }
.LBB2_7:
0x53c: {  	_ =	sfence.sel $0x180000  }
0x53d: {  	[bflag:$0x0] =	sbarrier.arrive $0xFFFF  }
0x53e: {  	p0 =	sne.s32 s1, $0x0;
	_ =	strace $0x90000047  }
0x53f: {  	s0 =	sadd.s32 @!p0 $0x100000, s0;
	[bflag:$0x2] =	sbarrier.arrive $0xFFFF  }
0x540: {  	[sflag:s0] =	ssyncadd.tile.s32 @!p0 $0x1;
	_ =	shalt  }
.Lfunc_end2:
_tile_overlayer_lowered:
.L_overlay_start_2:
0x541: {  	(tag) =	ssettag $0x2  }
0x542: {  	s0 =	rddreg [dreg:$0x0];
	s2 =	stileid.u32  }
0x543: {  	s1 =	rddreg [dreg:$0x1];
	p0 =	sne.s32 s2, $0x0  }
0x544: {  	s3 =	rddreg [dreg:$0x2];
	[bflag:$0x3] =	sbarrier.arrive $0xFFFF;
	s2 =	simm.s32 @!p0 $0x1C03  }
0x545: {  	[timem:s3], [sflag:s2] =	dma.local @!p0 [hbm:s0], s1  }
0x546: {  	s0 =	simm.s32 @!p0 $0x3  }
0x547: {  	_ =	swait.ge @!p0 [sflag:s0], s1  }
0x548: {  	s1 =	ssub.s32 @!p0 $0x0, s1;
	[sflag:s0] =	ssyncset.done @!p0 $0x0  }
0x549: {  	[sflag:s0] =	ssyncadd.s32 @!p0 s1  }
0x54a: {  	[bflag:$0x3] =	sbarrier.arrive $0xFFFF  }
0x54b: {  	_ =	shalt  }

</sc_bundles>
